<compile_context>
chip_gen: v7x
topology: tpu7x:2x2x1
jax: 0.10.2.dev20260603
libtpu: 0.0.44.dev20260713+nightly
codegen_flags: <defaults>
</compile_context>

<pallas_src>
import functools

import jax
import jax.numpy as jnp
from jax import lax
from jax.experimental import pallas as pl
from jax.experimental.pallas import tpu as pltpu
from jax.experimental.pallas import tpu_sc as plsc

_EPS = 1e-5
_SLOPE = 0.1
_PREC = lax.Precision.HIGHEST
_INTERPRET = False



def _kron(w, g):
    return jnp.kron(jnp.eye(g, dtype=w.dtype), w)


def _tile(vec, g):
    t = jnp.tile(vec, g)
    return jnp.broadcast_to(t, (8, t.shape[0]))


def _fold_stats(acc_sum, acc_sq, d, count, g):
    s = acc_sum[0].reshape(g, d).sum(axis=0)
    q = acc_sq[0].reshape(g, d).sum(axis=0)
    m = s / count
    v = q / count - m * m
    return m, v


def _bn_fold(m, v, g, b):
    s = g / jnp.sqrt(v + _EPS)
    t = b - m * s
    return s, t


def _lrelu(z):
    return jnp.where(z > 0, z, _SLOPE * z)


def _dot(a, b):
    return jnp.dot(a.astype(jnp.bfloat16), b.astype(jnp.bfloat16),
                   preferred_element_type=jnp.float32)


def _blk(x):
    for cand in (2000, 1000, 500, 250, 200, 100):
        if x % cand == 0 and cand % 8 == 0:
            return cand
    return x


def _bsum(v, l):
    return jnp.broadcast_to(jnp.sum(v, 0, keepdims=True), (8, l))


def _cspec(r, c):
    return pl.BlockSpec((r, c), lambda i: (0, 0))



def _stats_pass(a8):
    x, l = a8.shape
    eb = _blk(x)

    def body(a_ref, s_ref, q_ref):
        @pl.when(pl.program_id(0) == 0)
        def _():
            s_ref[...] = jnp.zeros_like(s_ref)
            q_ref[...] = jnp.zeros_like(q_ref)
        a = a_ref[...]
        s_ref[...] += _bsum(a, l)
        q_ref[...] += _bsum(a * a, l)

    return pl.pallas_call(
        body,
        grid=(x // eb,),
        in_specs=[pl.BlockSpec((eb, l), lambda i: (i, 0))],
        out_specs=[_cspec(8, l)] * 2,
        out_shape=[jax.ShapeDtypeStruct((8, l), jnp.float32)] * 2,
        interpret=_INTERPRET,
    )(a8)


def _prep_pass(x4, s_t, t_t, degr4, degc4):
    n4, l = x4.shape
    nb = _blk(n4)

    def body(x_ref, s_ref, t_ref, dr_ref, dc_ref, xh_ref,
             xs_ref, xq_ref, rs_ref, rq_ref, cs_ref, cq_ref):
        @pl.when(pl.program_id(0) == 0)
        def _():
            for ref in (xs_ref, xq_ref, rs_ref, rq_ref, cs_ref, cq_ref):
                ref[...] = jnp.zeros_like(ref)
        xh = x_ref[...] * s_ref[0:1] + t_ref[0:1]
        xh_ref[...] = xh
        xh2 = xh * xh
        for ref, val in ((xs_ref, xh), (xq_ref, xh2),
                         (rs_ref, dr_ref[...] * xh), (rq_ref, dr_ref[...] * xh2),
                         (cs_ref, dc_ref[...] * xh), (cq_ref, dc_ref[...] * xh2)):
            ref[...] += _bsum(val, l)

    return pl.pallas_call(
        body,
        grid=(n4 // nb,),
        in_specs=[pl.BlockSpec((nb, l), lambda i: (i, 0)),
                  _cspec(8, l), _cspec(8, l),
                  pl.BlockSpec((nb, l), lambda i: (i, 0)),
                  pl.BlockSpec((nb, l), lambda i: (i, 0))],
        out_specs=[pl.BlockSpec((nb, l), lambda i: (i, 0))] + [_cspec(8, l)] * 6,
        out_shape=[jax.ShapeDtypeStruct((n4, l), jnp.float32)]
        + [jax.ShapeDtypeStruct((8, l), jnp.float32)] * 6,
        interpret=_INTERPRET,
    )(x4, s_t, t_t, degr4, degc4)


def _tables_pass(xh4, sa_t, ta_t, sb_t, tb_t, sw_t, tw_t, w1a_k, w1b_k,
                 v1a_k):
    n4, l = xh4.shape
    nb = _blk(n4)

    def body(x_ref, sa_ref, ta_ref, sb_ref, tb_ref, sw_ref, tw_ref,
             wa_ref, wb_ref, va_ref, u_ref, v_ref, w_ref):
        xh = x_ref[...]
        u_ref[...] = _dot(xh * sa_ref[0:1] + ta_ref[0:1], wa_ref[...])
        v_ref[...] = _dot(xh * sb_ref[0:1] + tb_ref[0:1], wb_ref[...])
        w_ref[...] = _dot(xh * sw_ref[0:1] + tw_ref[0:1], va_ref[...])

    return pl.pallas_call(
        body,
        grid=(n4 // nb,),
        in_specs=[pl.BlockSpec((nb, l), lambda i: (i, 0)),
                  _cspec(8, l), _cspec(8, l), _cspec(8, l),
                  _cspec(8, l), _cspec(8, l), _cspec(8, l),
                  _cspec(l, 64), _cspec(l, 64), _cspec(l, 128)],
        out_specs=[pl.BlockSpec((nb, 64), lambda i: (i, 0)),
                   pl.BlockSpec((nb, 64), lambda i: (i, 0)),
                   pl.BlockSpec((nb, 128), lambda i: (i, 0))],
        out_shape=[jax.ShapeDtypeStruct((n4, 64), jnp.float32),
                   jax.ShapeDtypeStruct((n4, 64), jnp.float32),
                   jax.ShapeDtypeStruct((n4, 128), jnp.float32)],
        interpret=_INTERPRET,
    )(xh4, sa_t, ta_t, sb_t, tb_t, sw_t, tw_t, w1a_k, w1b_k, v1a_k)


def _p1_pass(e8, g18, sc_t, tc_t, w1c_k, b1_t):
    x, _ = e8.shape
    eb = _blk(x)

    def body(e_ref, g_ref, sc_ref, tc_ref, w_ref, b_ref, s_ref, q_ref):
        @pl.when(pl.program_id(0) == 0)
        def _():
            s_ref[...] = jnp.zeros_like(s_ref)
            q_ref[...] = jnp.zeros_like(q_ref)
        z = g_ref[...] + _dot(e_ref[...] * sc_ref[0:1] + tc_ref[0:1],
                              w_ref[...]) + b_ref[0:1]
        h = _lrelu(z)
        s_ref[...] += _bsum(h, 128)
        q_ref[...] += _bsum(h * h, 128)

    return pl.pallas_call(
        body,
        grid=(x // eb,),
        in_specs=[pl.BlockSpec((eb, 128), lambda i: (i, 0)),
                  pl.BlockSpec((eb, 128), lambda i: (i, 0)),
                  _cspec(8, 128), _cspec(8, 128), _cspec(128, 128),
                  _cspec(8, 128)],
        out_specs=[_cspec(8, 128)] * 2,
        out_shape=[jax.ShapeDtypeStruct((8, 128), jnp.float32)] * 2,
        interpret=_INTERPRET,
    )(e8, g18, sc_t, tc_t, w1c_k, b1_t)


def _p2_pass(e8, g18, sc_t, tc_t, w1c_k, b1_t, s1_t, t1_t, w2_k, b2_t):
    x, _ = e8.shape
    eb = _blk(x)

    def body(e_ref, g_ref, sc_ref, tc_ref, w1_ref, b1_ref, s1_ref, t1_ref,
             w2_ref, b2_ref, s_ref, m_ref):
        @pl.when(pl.program_id(0) == 0)
        def _():
            s_ref[...] = jnp.zeros_like(s_ref)
            m_ref[...] = jnp.zeros_like(m_ref)
        z1 = g_ref[...] + _dot(e_ref[...] * sc_ref[0:1] + tc_ref[0:1],
                               w1_ref[...]) + b1_ref[0:1]
        h1 = _lrelu(z1)
        h2 = _lrelu(_dot(h1 * s1_ref[0:1] + t1_ref[0:1], w2_ref[...])
                    + b2_ref[0:1])
        s_ref[...] += _bsum(h2, 128)
        m_ref[...] += lax.dot_general(h2, h2, (((0,), (0,)), ((), ())),
                                      precision=_PREC,
                                      preferred_element_type=jnp.float32)

    return pl.pallas_call(
        body,
        grid=(x // eb,),
        in_specs=[pl.BlockSpec((eb, 128), lambda i: (i, 0)),
                  pl.BlockSpec((eb, 128), lambda i: (i, 0)),
                  _cspec(8, 128), _cspec(8, 128), _cspec(128, 128),
                  _cspec(8, 128), _cspec(8, 128), _cspec(8, 128),
                  _cspec(128, 128), _cspec(8, 128)],
        out_specs=[_cspec(8, 128), _cspec(128, 128)],
        out_shape=[jax.ShapeDtypeStruct((8, 128), jnp.float32),
                   jax.ShapeDtypeStruct((128, 128), jnp.float32)],
        interpret=_INTERPRET,
    )(e8, g18, sc_t, tc_t, w1c_k, b1_t, s1_t, t1_t, w2_k, b2_t)


def _p3_pass(e8, g18, wr8, sc_t, tc_t, w1c_k, b1_t, s1_t, t1_t, w2_k, b2_t,
             s2_t, t2_t, w3_k, b3_t, se_t, te_t, v1b_k, bn1_t,
             ep_w=None, ep_c=None):
    x, _ = e8.shape
    eb = _blk(x)
    with_ep = ep_w is not None

    def body(*refs):
        if with_ep:
            (e_ref, g_ref, wr_ref, sc_ref, tc_ref, w1_ref, b1_ref, s1_ref,
             t1_ref, w2_ref, b2_ref, s2_ref, t2_ref, w3_ref, b3_ref, se_ref,
             te_ref, vb_ref, bn_ref, epw_ref, epc_ref,
             en_ref, n1_ref, s_ref, q_ref, ep_ref) = refs
        else:
            (e_ref, g_ref, wr_ref, sc_ref, tc_ref, w1_ref, b1_ref, s1_ref,
             t1_ref, w2_ref, b2_ref, s2_ref, t2_ref, w3_ref, b3_ref, se_ref,
             te_ref, vb_ref, bn_ref,
             en_ref, n1_ref, s_ref, q_ref) = refs

        @pl.when(pl.program_id(0) == 0)
        def _():
            s_ref[...] = jnp.zeros_like(s_ref)
            q_ref[...] = jnp.zeros_like(q_ref)

        z1 = g_ref[...] + _dot(e_ref[...] * sc_ref[0:1] + tc_ref[0:1],
                               w1_ref[...]) + b1_ref[0:1]
        h1 = _lrelu(z1)
        h2 = _lrelu(_dot(h1 * s1_ref[0:1] + t1_ref[0:1], w2_ref[...])
                    + b2_ref[0:1])
        en = _dot(h2 * s2_ref[0:1] + t2_ref[0:1], w3_ref[...]) + b3_ref[0:1]
        en_ref[...] = en
        n1 = _lrelu(wr_ref[...] + _dot(en * se_ref[0:1] + te_ref[0:1],
                                       vb_ref[...]) + bn_ref[0:1])
        n1_ref[...] = n1
        s_ref[...] += _bsum(n1, 256)
        q_ref[...] += _bsum(n1 * n1, 256)
        if with_ep:
            ep_ref[...] = _dot(en, epw_ref[...]) + epc_ref[0:1]

    b128 = pl.BlockSpec((eb, 128), lambda i: (i, 0))
    b256 = pl.BlockSpec((eb, 256), lambda i: (i, 0))
    in_specs = [b128, b128, b256, _cspec(8, 128), _cspec(8, 128),
                _cspec(128, 128), _cspec(8, 128), _cspec(8, 128),
                _cspec(8, 128), _cspec(128, 128), _cspec(8, 128),
                _cspec(8, 128), _cspec(8, 128), _cspec(128, 128),
                _cspec(8, 128), _cspec(8, 128), _cspec(8, 128),
                _cspec(128, 256), _cspec(8, 256)]
    args = [e8, g18, wr8, sc_t, tc_t, w1c_k, b1_t, s1_t, t1_t, w2_k, b2_t,
            s2_t, t2_t, w3_k, b3_t, se_t, te_t, v1b_k, bn1_t]
    out_specs = [b128, b256, _cspec(8, 256), _cspec(8, 256)]
    out_shape = [jax.ShapeDtypeStruct((x, 128), jnp.float32),
                 jax.ShapeDtypeStruct((x, 256), jnp.float32),
                 jax.ShapeDtypeStruct((8, 256), jnp.float32),
                 jax.ShapeDtypeStruct((8, 256), jnp.float32)]
    if with_ep:
        in_specs += [_cspec(128, 16), _cspec(8, 16)]
        args += [ep_w, ep_c]
        out_specs.append(pl.BlockSpec((eb, 16), lambda i: (i, 0)))
        out_shape.append(jax.ShapeDtypeStruct((x, 16), jnp.float32))

    return pl.pallas_call(
        body, grid=(x // eb,), in_specs=in_specs, out_specs=out_specs,
        out_shape=out_shape, interpret=_INTERPRET,
    )(*args)


def _p4_pass(n18, s3_t, t3_t, v2_k, b4_t):
    x, _ = n18.shape
    eb = _blk(x)

    def body(n_ref, s_in_ref, t_in_ref, w_ref, b_ref, s_ref, q_ref):
        @pl.when(pl.program_id(0) == 0)
        def _():
            s_ref[...] = jnp.zeros_like(s_ref)
            q_ref[...] = jnp.zeros_like(q_ref)
        n2 = _lrelu(_dot(n_ref[...] * s_in_ref[0:1] + t_in_ref[0:1],
                         w_ref[...]) + b_ref[0:1])
        s_ref[...] += _bsum(n2, 256)
        q_ref[...] += _bsum(n2 * n2, 256)

    return pl.pallas_call(
        body,
        grid=(x // eb,),
        in_specs=[pl.BlockSpec((eb, 256), lambda i: (i, 0)),
                  _cspec(8, 256), _cspec(8, 256), _cspec(256, 256),
                  _cspec(8, 256)],
        out_specs=[_cspec(8, 256)] * 2,
        out_shape=[jax.ShapeDtypeStruct((8, 256), jnp.float32)] * 2,
        interpret=_INTERPRET,
    )(n18, s3_t, t3_t, v2_k, b4_t)


def _p5_pass(n18, s3_t, t3_t, v2_k, b4_t, s4_t, t4_t, v3lo_k, b5lo_t,
             v3hi_k, b5hi_t):
    x, _ = n18.shape
    eb = _blk(x)

    def body(n_ref, s3_ref, t3_ref, w2_ref, b4_ref, s4_ref, t4_ref,
             wlo_ref, blo_ref, whi_ref, bhi_ref, o_ref):
        n2 = _lrelu(_dot(n_ref[...] * s3_ref[0:1] + t3_ref[0:1], w2_ref[...])
                    + b4_ref[0:1])
        n2s = n2 * s4_ref[0:1] + t4_ref[0:1]
        o_ref[0] = _dot(n2s, wlo_ref[...]) + blo_ref[0:1]
        o_ref[1] = _dot(n2s, whi_ref[...]) + bhi_ref[0:1]

    return pl.pallas_call(
        body,
        grid=(x // eb,),
        in_specs=[pl.BlockSpec((eb, 256), lambda i: (i, 0)),
                  _cspec(8, 256), _cspec(8, 256), _cspec(256, 256),
                  _cspec(8, 256), _cspec(8, 256), _cspec(8, 256),
                  _cspec(256, 128), _cspec(8, 128),
                  _cspec(256, 128), _cspec(8, 128)],
        out_specs=pl.BlockSpec((2, eb, 128), lambda i: (0, i, 0)),
        out_shape=jax.ShapeDtypeStruct((2, x, 128), jnp.float32),
        interpret=_INTERPRET,
    )(n18, s3_t, t3_t, v2_k, b4_t, s4_t, t4_t, v3lo_k, b5lo_t, v3hi_k, b5hi_t)


def _nk1_pass(lo4, hi4, cnt16_t):
    n4, _ = lo4.shape
    nb = _blk(n4)

    def body(lo_ref, hi_ref, cnt_ref, alo_ref, ahi_ref,
             ls_ref, lq_ref, hs_ref, hq_ref):
        @pl.when(pl.program_id(0) == 0)
        def _():
            for ref in (ls_ref, lq_ref, hs_ref, hq_ref):
                ref[...] = jnp.zeros_like(ref)
        c = jnp.maximum(cnt_ref[...], 1.0)
        alo = lo_ref[...] / c
        ahi = hi_ref[...] / c
        alo_ref[...] = alo
        ahi_ref[...] = ahi
        for ref, val in ((ls_ref, alo), (lq_ref, alo * alo),
                         (hs_ref, ahi), (hq_ref, ahi * ahi)):
            ref[...] += _bsum(val, 64)

    bs = pl.BlockSpec((nb, 64), lambda i: (i, 0))
    return pl.pallas_call(
        body,
        grid=(n4 // nb,),
        in_specs=[bs, bs, bs],
        out_specs=[bs, bs] + [_cspec(8, 64)] * 4,
        out_shape=[jax.ShapeDtypeStruct((n4, 64), jnp.float32)] * 2
        + [jax.ShapeDtypeStruct((8, 64), jnp.float32)] * 4,
        interpret=_INTERPRET,
    )(lo4, hi4, cnt16_t)


def _nk2_pass(xh4, alo4, ahi4, sx_t, tx_t, a_k, slo_t, tlo_t, blo_k,
              shi_t, thi_t, bhi_k, b_t):
    n4, l = xh4.shape
    nb = _blk(n4)

    def body(x_ref, lo_ref, hi_ref, sx_ref, tx_ref, a_ref, slo_ref, tlo_ref,
             blo_ref, shi_ref, thi_ref, bhi_ref, b_ref, h_ref, s_ref, q_ref):
        @pl.when(pl.program_id(0) == 0)
        def _():
            s_ref[...] = jnp.zeros_like(s_ref)
            q_ref[...] = jnp.zeros_like(q_ref)
        z = (_dot(x_ref[...] * sx_ref[0:1] + tx_ref[0:1], a_ref[...])
             + _dot(lo_ref[...] * slo_ref[0:1] + tlo_ref[0:1], blo_ref[...])
             + _dot(hi_ref[...] * shi_ref[0:1] + thi_ref[0:1], bhi_ref[...])
             + b_ref[0:1])
        h = _lrelu(z)
        h_ref[...] = h
        s_ref[...] += _bsum(h, 128)
        q_ref[...] += _bsum(h * h, 128)

    return pl.pallas_call(
        body,
        grid=(n4 // nb,),
        in_specs=[pl.BlockSpec((nb, l), lambda i: (i, 0)),
                  pl.BlockSpec((nb, 64), lambda i: (i, 0)),
                  pl.BlockSpec((nb, 64), lambda i: (i, 0)),
                  _cspec(8, l), _cspec(8, l), _cspec(l, 128),
                  _cspec(8, 64), _cspec(8, 64), _cspec(64, 128),
                  _cspec(8, 64), _cspec(8, 64), _cspec(64, 128),
                  _cspec(8, 128)],
        out_specs=[pl.BlockSpec((nb, 128), lambda i: (i, 0))]
        + [_cspec(8, 128)] * 2,
        out_shape=[jax.ShapeDtypeStruct((n4, 128), jnp.float32)]
        + [jax.ShapeDtypeStruct((8, 128), jnp.float32)] * 2,
        interpret=_INTERPRET,
    )(xh4, alo4, ahi4, sx_t, tx_t, a_k, slo_t, tlo_t, blo_k, shi_t, thi_t,
      bhi_k, b_t)


def _nk3_pass(h14, s_t, t_t, w_k, b_t):
    n4, _ = h14.shape
    nb = _blk(n4)

    def body(h_ref, s_in_ref, t_in_ref, w_ref, b_ref, o_ref, s_ref, q_ref):
        @pl.when(pl.program_id(0) == 0)
        def _():
            s_ref[...] = jnp.zeros_like(s_ref)
            q_ref[...] = jnp.zeros_like(q_ref)
        h = _lrelu(_dot(h_ref[...] * s_in_ref[0:1] + t_in_ref[0:1],
                        w_ref[...]) + b_ref[0:1])
        o_ref[...] = h
        s_ref[...] += _bsum(h, 128)
        q_ref[...] += _bsum(h * h, 128)

    return pl.pallas_call(
        body,
        grid=(n4 // nb,),
        in_specs=[pl.BlockSpec((nb, 128), lambda i: (i, 0)),
                  _cspec(8, 128), _cspec(8, 128), _cspec(128, 128),
                  _cspec(8, 128)],
        out_specs=[pl.BlockSpec((nb, 128), lambda i: (i, 0))]
        + [_cspec(8, 128)] * 2,
        out_shape=[jax.ShapeDtypeStruct((n4, 128), jnp.float32)]
        + [jax.ShapeDtypeStruct((8, 128), jnp.float32)] * 2,
        interpret=_INTERPRET,
    )(h14, s_t, t_t, w_k, b_t)


def _nk4_pass(h24, s_t, t_t, w_k, b_t, np_w=None, np_c=None):
    n4, _ = h24.shape
    nb = _blk(n4)
    with_np = np_w is not None

    def body(*refs):
        if with_np:
            (h_ref, s_in_ref, t_in_ref, w_ref, b_ref, pw_ref, pc_ref,
             o_ref, s_ref, q_ref, np_ref) = refs
        else:
            h_ref, s_in_ref, t_in_ref, w_ref, b_ref, o_ref, s_ref, q_ref = refs

        @pl.when(pl.program_id(0) == 0)
        def _():
            s_ref[...] = jnp.zeros_like(s_ref)
            q_ref[...] = jnp.zeros_like(q_ref)
        o = _dot(h_ref[...] * s_in_ref[0:1] + t_in_ref[0:1],
                 w_ref[...]) + b_ref[0:1]
        o_ref[...] = o
        s_ref[...] += _bsum(o, 128)
        q_ref[...] += _bsum(o * o, 128)
        if with_np:
            np_ref[...] = _dot(o, pw_ref[...]) + pc_ref[0:1]

    in_specs = [pl.BlockSpec((nb, 128), lambda i: (i, 0)),
                _cspec(8, 128), _cspec(8, 128), _cspec(128, 128),
                _cspec(8, 128)]
    args = [h24, s_t, t_t, w_k, b_t]
    out_specs = [pl.BlockSpec((nb, 128), lambda i: (i, 0))] + [_cspec(8, 128)] * 2
    out_shape = [jax.ShapeDtypeStruct((n4, 128), jnp.float32)] \
        + [jax.ShapeDtypeStruct((8, 128), jnp.float32)] * 2
    if with_np:
        in_specs += [_cspec(128, 8), _cspec(8, 8)]
        args += [np_w, np_c]
        out_specs.append(pl.BlockSpec((nb, 8), lambda i: (i, 0)))
        out_shape.append(jax.ShapeDtypeStruct((n4, 8), jnp.float32))

    return pl.pallas_call(
        body, grid=(n4 // nb,), in_specs=in_specs, out_specs=out_specs,
        out_shape=out_shape, interpret=_INTERPRET,
    )(*args)



def _sc_chunk(n):
    for cand in (128, 120, 112, 104, 96, 88, 80, 72, 64, 56, 48, 40, 32, 24, 16, 8):
        if n % cand == 0:
            return cand
    return n


def _sc_degrees(edge_idx, n_nodes):
    e = edge_idx.shape[1]
    ew = e // 16
    k = _sc_chunk(ew)
    npad = ((n_nodes + 127) // 128) * 128
    nt = npad // 16
    mesh = plsc.VectorSubcoreMesh(core_axis_name="c", subcore_axis_name="s")
    ones_host = jnp.ones((k, 16), jnp.float32)
    zeros_host = jnp.zeros((nt, 16), jnp.float32)

    @functools.partial(
        pl.kernel, mesh=mesh,
        out_type=jax.ShapeDtypeStruct((2, npad, 16), jnp.float32),
        scratch_types=[pltpu.VMEM((k,), jnp.int32),
                       pltpu.VMEM((k, 16), jnp.float32),
                       pltpu.VMEM_SHARED((npad, 16), jnp.float32)],
        compiler_params=pltpu.CompilerParams(use_tc_tiling_on_sc=False),
    )
    def kern(idx_hbm, ones_hbm, zeros_hbm, deg_hbm, idx_v, ones_v, acc_sh):
        c = lax.axis_index("c")
        s = lax.axis_index("s")
        pltpu.sync_copy(ones_hbm, ones_v)
        pltpu.sync_copy(zeros_hbm, acc_sh.at[pl.ds(s * nt, nt)])
        plsc.subcore_barrier()

        def step(g, _):
            base = s * ew + g * k
            pltpu.sync_copy(idx_hbm.at[c, pl.ds(base, k)], idx_v)
            pltpu.sync_copy(ones_v, acc_sh.at[idx_v], add=True)
            return 0

        lax.fori_loop(0, ew // k, step, 0)
        plsc.subcore_barrier()
        pltpu.sync_copy(acc_sh.at[pl.ds(s * nt, nt)],
                        deg_hbm.at[c, pl.ds(s * nt, nt)])

    deg = kern(edge_idx, ones_host, zeros_host)
    return deg[0, :n_nodes], deg[1, :n_nodes]


def _sc_gather(u, v, w, row, col):
    e = row.shape[0]
    ew = e // 32
    k = _sc_chunk(ew)
    mesh = plsc.VectorSubcoreMesh(core_axis_name="c", subcore_axis_name="s")

    @functools.partial(
        pl.kernel, mesh=mesh,
        out_type=(jax.ShapeDtypeStruct((e, 16), jnp.float32),
                  jax.ShapeDtypeStruct((e, 32), jnp.float32)),
        scratch_types=[pltpu.VMEM((k,), jnp.int32),
                       pltpu.VMEM((k,), jnp.int32),
                       pltpu.VMEM((k, 16), jnp.float32),
                       pltpu.VMEM((k, 16), jnp.float32),
                       pltpu.VMEM((k, 32), jnp.float32),
                       pltpu.SemaphoreType.DMA,
                       pltpu.SemaphoreType.DMA,
                       pltpu.SemaphoreType.DMA],
        compiler_params=pltpu.CompilerParams(use_tc_tiling_on_sc=False),
    )
    def kern(u_hbm, v_hbm, w_hbm, row_hbm, col_hbm, g1_hbm, wr_hbm,
             idxr_v, idxc_v, bufu, bufv, bufw, semu, semv, semw):
        c = lax.axis_index("c")
        s = lax.axis_index("s")
        wid = s * 2 + c

        def step(g, _):
            base = wid * ew + g * k
            pltpu.sync_copy(row_hbm.at[pl.ds(base, k)], idxr_v)
            pltpu.sync_copy(col_hbm.at[pl.ds(base, k)], idxc_v)
            cpu_ = pltpu.async_copy(u_hbm.at[idxr_v], bufu, semu)
            cpv_ = pltpu.async_copy(v_hbm.at[idxc_v], bufv, semv)
            cpw_ = pltpu.async_copy(w_hbm.at[idxr_v], bufw, semw)
            cpu_.wait()
            cpv_.wait()

            def add_row(r, _):
                bufu[r, :] = bufu[r, :] + bufv[r, :]
                return 0

            lax.fori_loop(0, k, add_row, 0)
            pltpu.sync_copy(bufu, g1_hbm.at[pl.ds(base, k)])
            cpw_.wait()
            pltpu.sync_copy(bufw, wr_hbm.at[pl.ds(base, k)])
            return 0

        lax.fori_loop(0, ew // k, step, 0)

    return kern(u, v, w, row, col)


def _sc_scatter(lohi, col, n_nodes):
    e = col.shape[0]
    ew = e // 16
    k = _sc_chunk(ew)
    npad = ((n_nodes + 127) // 128) * 128
    nt = npad // 16
    mesh = plsc.VectorSubcoreMesh(core_axis_name="c", subcore_axis_name="s")
    zeros_host = jnp.zeros((nt, 16), jnp.float32)

    @functools.partial(
        pl.kernel, mesh=mesh,
        out_type=jax.ShapeDtypeStruct((2, npad, 16), jnp.float32),
        scratch_types=[pltpu.VMEM((k,), jnp.int32),
                       pltpu.VMEM((k, 16), jnp.float32),
                       pltpu.VMEM_SHARED((npad, 16), jnp.float32)],
        compiler_params=pltpu.CompilerParams(use_tc_tiling_on_sc=False),
    )
    def kern(lohi_hbm, col_hbm, zeros_hbm, s_hbm, idx_v, buf, acc_sh):
        c = lax.axis_index("c")
        s = lax.axis_index("s")
        pltpu.sync_copy(zeros_hbm, acc_sh.at[pl.ds(s * nt, nt)])
        plsc.subcore_barrier()

        def step(g, _):
            base = s * ew + g * k
            pltpu.sync_copy(col_hbm.at[pl.ds(base, k)], idx_v)
            pltpu.sync_copy(lohi_hbm.at[c, pl.ds(base, k)], buf)
            pltpu.sync_copy(buf, acc_sh.at[idx_v], add=True)
            return 0

        lax.fori_loop(0, ew // k, step, 0)
        plsc.subcore_barrier()
        pltpu.sync_copy(acc_sh.at[pl.ds(s * nt, nt)],
                        s_hbm.at[c, pl.ds(s * nt, nt)])

    out = kern(lohi, col, zeros_host)
    return out[0, :n_nodes], out[1, :n_nodes]



def _sc_gather_x(x32, row, col):
    e = row.shape[0]
    ew = e // 32
    k = _sc_chunk(ew)
    mesh = plsc.VectorSubcoreMesh(core_axis_name="c", subcore_axis_name="s")

    @functools.partial(
        pl.kernel, mesh=mesh,
        out_type=(jax.ShapeDtypeStruct((e, 32), jnp.float32),
                  jax.ShapeDtypeStruct((e, 32), jnp.float32)),
        scratch_types=[pltpu.VMEM((k,), jnp.int32),
                       pltpu.VMEM((k,), jnp.int32),
                       pltpu.VMEM((k, 32), jnp.float32),
                       pltpu.VMEM((k, 32), jnp.float32),
                       pltpu.SemaphoreType.DMA,
                       pltpu.SemaphoreType.DMA],
        compiler_params=pltpu.CompilerParams(use_tc_tiling_on_sc=False),
    )
    def kern(x_hbm, row_hbm, col_hbm, xr_hbm, xc_hbm,
             idxr_v, idxc_v, bufr, bufc, semr, semc):
        c = lax.axis_index("c")
        s = lax.axis_index("s")
        wid = s * 2 + c

        def step(g, _):
            base = wid * ew + g * k
            pltpu.sync_copy(row_hbm.at[pl.ds(base, k)], idxr_v)
            pltpu.sync_copy(col_hbm.at[pl.ds(base, k)], idxc_v)
            cpr = pltpu.async_copy(x_hbm.at[idxr_v], bufr, semr)
            cpc = pltpu.async_copy(x_hbm.at[idxc_v], bufc, semc)
            cpr.wait()
            pltpu.sync_copy(bufr, xr_hbm.at[pl.ds(base, k)])
            cpc.wait()
            pltpu.sync_copy(bufc, xc_hbm.at[pl.ds(base, k)])
            return 0

        lax.fori_loop(0, ew // k, step, 0)

    return kern(x32, row, col)



def _bn_ref(x, g, b):
    m = jnp.mean(x, axis=0)
    v = jnp.var(x, axis=0)
    return (x - m) / jnp.sqrt(v + 1e-5) * g + b


def _mlp_ref(x, p):
    x = _bn_ref(x, p[0], p[1]); x = x @ p[2] + p[3]; x = _lrelu(x)
    x = _bn_ref(x, p[4], p[5]); x = x @ p[6] + p[7]; x = _lrelu(x)
    x = _bn_ref(x, p[8], p[9]); x = x @ p[10] + p[11]
    return x


def _pred_pass(x, w, b):
    n, d = x.shape
    blk = _blk(n)

    def body(x_ref, w_ref, b_ref, o_ref):
        o_ref[...] = x_ref[...] @ w_ref[...] + b_ref[...]

    return pl.pallas_call(
        body,
        out_shape=jax.ShapeDtypeStruct((n, w.shape[1]), x.dtype),
        grid=(n // blk,),
        in_specs=[pl.BlockSpec((blk, d), lambda i: (i, 0)),
                  pl.BlockSpec((d, w.shape[1]), lambda i: (0, 0)),
                  pl.BlockSpec((w.shape[1],), lambda i: (0,))],
        out_specs=pl.BlockSpec((blk, w.shape[1]), lambda i: (i, 0)),
        interpret=_INTERPRET,
    )(x, w, b)


def kernel(node_features, edge_indices, edge_features, xbatch, params):
    n, _ = node_features.shape
    e_cnt, _ = edge_features.shape
    row = edge_indices[0].astype(jnp.int32)
    col = edge_indices[1].astype(jnp.int32)

    x = node_features.astype(jnp.float32)
    e = edge_features.astype(jnp.float32)

    _degr16, degc16 = _sc_degrees(jnp.stack([row, col]), n)
    cnt = degc16[:, 0:1]

    for i in range(3):
        g, b = params['bn_node'][i]
        x = _bn_ref(x, g, b)
        lp = params['layers'][i]
        d = x.shape[1]
        x32 = x if d == 32 else jnp.pad(x, ((0, 0), (0, 32 - d)))
        xr32, xc32 = _sc_gather_x(x32, row, col)
        xr, xc = xr32[:, :d], xc32[:, :d]
        e = _mlp_ref(jnp.concatenate([xr, xc, e], axis=1), lp['edge'])
        out = _mlp_ref(jnp.concatenate([xr, e], axis=1), lp['node1'])
        slo, shi = _sc_scatter(jnp.stack([out[:, :16], out[:, 16:]]), col, n)
        s = jnp.concatenate([slo, shi], axis=1)
        agg = s / jnp.maximum(cnt, 1.0)
        x = _mlp_ref(jnp.concatenate([x, agg], axis=1), lp['node2'])

    node_pred = _pred_pass(x, params['node_pred'][0], params['node_pred'][1])
    edge_pred = _pred_pass(e, params['edge_pred'][0], params['edge_pred'][1])
    return node_pred, edge_pred, x

# --- scband reference (transcript-rebuilt; emitter-appended) ---
"""Pipeline reference for scband-meta-layer-model-70884140253680 (READ-ONLY COPY).

The authoritative reference and input builder live on the scoring server;
editing this copy changes nothing except your own understanding.
"""

import jax, jax.numpy as jnp
import numpy as np

N = 100000
E = 1600000
NODE_IN = 16
EDGE_IN = 16
NODE_OUT = 32
EDGE_OUT = 16
NUM_MP = 3


def _make_mlp(key, d_in, d_out):
    ks = jax.random.split(key, 3)
    dims = [(d_in, d_out), (d_out, d_out), (d_out, d_out)]
    p = []
    for k, (a, b) in zip(ks, dims):
        p.append(jnp.ones((a,), jnp.float32))
        p.append(jnp.zeros((a,), jnp.float32))
        p.append(jax.random.normal(k, (a, b), jnp.float32) / np.sqrt(a))
        p.append(jnp.zeros((b,), jnp.float32))
    return p


def _make_params(key):
    keys = jax.random.split(key, 20)
    ki = iter(keys)
    node_in = NODE_IN
    edge_in = EDGE_IN
    bn_node = []
    layers = []
    for i in range(NUM_MP):
        bn_node.append((jnp.ones((node_in,), jnp.float32), jnp.zeros((node_in,), jnp.float32)))
        layers.append({
            'edge': _make_mlp(next(ki), 2 * node_in + edge_in, EDGE_OUT),
            'node1': _make_mlp(next(ki), node_in + EDGE_OUT, NODE_OUT),
            'node2': _make_mlp(next(ki), node_in + NODE_OUT, NODE_OUT),
        })
        node_in = NODE_OUT
        edge_in = EDGE_OUT
    k1, k2 = jax.random.split(next(ki))
    node_pred = (jax.random.normal(k1, (NODE_OUT, 2), jnp.float32) / np.sqrt(NODE_OUT), jnp.zeros((2,), jnp.float32))
    edge_pred = (jax.random.normal(k2, (EDGE_OUT, 2), jnp.float32) / np.sqrt(EDGE_OUT), jnp.zeros((2,), jnp.float32))
    return {'bn_node': bn_node, 'layers': layers, 'node_pred': node_pred, 'edge_pred': edge_pred}


def _bn(x, g, b):
    m = jnp.mean(x, axis=0)
    v = jnp.var(x, axis=0)
    return (x - m) / jnp.sqrt(v + 1e-5) * g + b


def _lrelu(x):
    return jnp.where(x > 0, x, 0.1 * x)


def _run_mlp(x, p):
    x = _bn(x, p[0], p[1]); x = x @ p[2] + p[3]; x = _lrelu(x)
    x = _bn(x, p[4], p[5]); x = x @ p[6] + p[7]; x = _lrelu(x)
    x = _bn(x, p[8], p[9]); x = x @ p[10] + p[11]
    return x


def _forward(node_features, edge_features, params, edge_indices):
    x = node_features.reshape(-1, NODE_IN)
    e = edge_features.reshape(-1, EDGE_IN)
    row = edge_indices[0]
    col = edge_indices[1]
    for i in range(NUM_MP):
        g, b = params['bn_node'][i]
        x = _bn(x, g, b)
        lp = params['layers'][i]
        # EdgeLayer: edge_mlp(cat([src, dest, edge_attr]))
        e = _run_mlp(jnp.concatenate([x[row], x[col], e], axis=1), lp['edge'])
        # NodeLayer: mlp1 on cat([x[row], e]), scatter-mean over col, mlp2 on cat([x, agg])
        out = _run_mlp(jnp.concatenate([x[row], e], axis=1), lp['node1'])
        s = jax.ops.segment_sum(out, col, num_segments=x.shape[0])
        cnt = jax.ops.segment_sum(jnp.ones((col.shape[0], 1), jnp.float32), col, num_segments=x.shape[0])
        agg = s / jnp.maximum(cnt, 1.0)
        x = _run_mlp(jnp.concatenate([x, agg], axis=1), lp['node2'])
    node_pred = x @ params['node_pred'][0] + params['node_pred'][1]
    edge_pred = e @ params['edge_pred'][0] + params['edge_pred'][1]
    return node_pred, edge_pred, x


def setup_inputs(seed: int = 0):
    key = jax.random.key(seed)
    k1, k2, k3, k4 = jax.random.split(key, 4)
    return {
        'node_features': jax.random.normal(k1, (N, NODE_IN), jnp.float32),
        'edge_indices': jax.random.randint(k2, (2, E), 0, N),
        'edge_features': jax.random.normal(k3, (E, EDGE_IN), jnp.float32),
        'xbatch': jnp.zeros((N,), jnp.int32),
        'params': _make_params(k4),
    }


def reference(node_features, edge_indices, edge_features, xbatch, params):
    # xbatch is unused (attention disabled, no global features), matching torch forward
    return _forward(node_features, edge_features, params, edge_indices)

if __name__ == "__main__":
    import jax
    _d = setup_inputs()
    print(jax.jit(kernel)(*tuple(_d.values())))

</pallas_src>

<mosaic_0001>
#map = affine_map<(d0, d1) -> (0, 0)>
#map1 = affine_map<(d0, d1) -> (0)>
module attributes {stable_mosaic.version = 14 : i64} {
  func.func @kern(%arg0: i32, %arg1: i32, %arg2: memref<100000x32xf32, #tpu.memory_space<hbm>>, %arg3: memref<1600000xi32, #tpu.memory_space<hbm>>, %arg4: memref<1600000xi32, #tpu.memory_space<hbm>>, %arg5: memref<1600000x32xf32, #tpu.memory_space<hbm>>, %arg6: memref<1600000x32xf32, #tpu.memory_space<hbm>>, %arg7: memref<80xi32, #tpu.memory_space<vmem>>, %arg8: memref<80xi32, #tpu.memory_space<vmem>>, %arg9: memref<80x32xf32, #tpu.memory_space<vmem>>, %arg10: memref<80x32xf32, #tpu.memory_space<vmem>>, %arg11: memref<!tpu.dma_semaphore, #tpu.memory_space<semaphore_mem>>, %arg12: memref<!tpu.dma_semaphore, #tpu.memory_space<semaphore_mem>>) attributes {dimension_semantics = [#tpu.dimension_semantics<core_parallel>, #tpu.dimension_semantics<subcore_parallel>], iteration_bounds = array<i64: 2, 16>, scalar_prefetch = 0 : i64, scratch_operands = 6 : i64, tpu.core_type = #tpu.core_type<sc_vector_subcore>, window_params = [{transform_indices = #map}, {transform_indices = #map1}, {transform_indices = #map1}, {transform_indices = #map}, {transform_indices = #map}]} {
    %mul3A = arith.constant 2 : i32
    %mul3A_0 = arith.muli %arg1, %mul3A : i32
    %add3A = arith.addi %mul3A_0, %arg0 : i32
    %scan3A = arith.constant 0 : i32
    %scan3A_1 = arith.constant 0 : i32
    %scan3A_2 = arith.constant 625 : i32
    %scan3A_3 = arith.addi %scan3A_1, %scan3A_2 : i32
    %scan3A_4 = arith.constant 1 : i32
    %scan3A_5 = scf.for %scan3A_7 = %scan3A_1 to %scan3A_3 step %scan3A_4 iter_args(%scan3A_8 = %scan3A) -> (i32)  : i32 {
      %mul3A_9 = arith.constant 50000 : i32
      %mul3A_10 = arith.muli %add3A, %mul3A_9 : i32
      %mul3A_11 = arith.constant 80 : i32
      %mul3A_12 = arith.muli %scan3A_7, %mul3A_11 : i32
      %add3A_13 = arith.addi %mul3A_10, %mul3A_12 : i32
      "tpu.region"() ({
        %run_scoped3A = tpu.sem_alloc : memref<!tpu.dma_semaphore, #tpu.memory_space<semaphore_mem>>
        %dma_start3A_25 = tpu.memref_slice %arg3[%add3A_13] : memref<1600000xi32, #tpu.memory_space<hbm>> -> memref<80xi32, #tpu.memory_space<hbm>>
        %dma_start3A_26 = tpu.memref_slice %arg3[%add3A_13] : memref<1600000xi32, #tpu.memory_space<hbm>> -> memref<80xi32, #tpu.memory_space<hbm>>
        tpu.enqueue_dma source(%dma_start3A_26 : memref<80xi32, #tpu.memory_space<hbm>>) target(%arg7 : memref<80xi32, #tpu.memory_space<vmem>>) target_semaphore(%run_scoped3A : memref<!tpu.dma_semaphore, #tpu.memory_space<semaphore_mem>>)
        %dma_wait3A_27 = tpu.memref_slice %arg3[%add3A_13] : memref<1600000xi32, #tpu.memory_space<hbm>> -> memref<80xi32, #tpu.memory_space<hbm>>
        %dma_wait3A_28 = tpu.memref_slice %arg3[%add3A_13] : memref<1600000xi32, #tpu.memory_space<hbm>> -> memref<80xi32, #tpu.memory_space<hbm>>
        tpu.wait_dma2 semaphore(%run_scoped3A : memref<!tpu.dma_semaphore, #tpu.memory_space<semaphore_mem>>) src(%dma_wait3A_28 : memref<80xi32, #tpu.memory_space<hbm>>) dst(%arg7 : memref<80xi32, #tpu.memory_space<vmem>>)
        tpu.yield
      }) : () -> ()
      "tpu.region"() ({
        %run_scoped3A = tpu.sem_alloc : memref<!tpu.dma_semaphore, #tpu.memory_space<semaphore_mem>>
        %dma_start3A_25 = tpu.memref_slice %arg4[%add3A_13] : memref<1600000xi32, #tpu.memory_space<hbm>> -> memref<80xi32, #tpu.memory_space<hbm>>
        %dma_start3A_26 = tpu.memref_slice %arg4[%add3A_13] : memref<1600000xi32, #tpu.memory_space<hbm>> -> memref<80xi32, #tpu.memory_space<hbm>>
        tpu.enqueue_dma source(%dma_start3A_26 : memref<80xi32, #tpu.memory_space<hbm>>) target(%arg8 : memref<80xi32, #tpu.memory_space<vmem>>) target_semaphore(%run_scoped3A : memref<!tpu.dma_semaphore, #tpu.memory_space<semaphore_mem>>)
        %dma_wait3A_27 = tpu.memref_slice %arg4[%add3A_13] : memref<1600000xi32, #tpu.memory_space<hbm>> -> memref<80xi32, #tpu.memory_space<hbm>>
        %dma_wait3A_28 = tpu.memref_slice %arg4[%add3A_13] : memref<1600000xi32, #tpu.memory_space<hbm>> -> memref<80xi32, #tpu.memory_space<hbm>>
        tpu.wait_dma2 semaphore(%run_scoped3A : memref<!tpu.dma_semaphore, #tpu.memory_space<semaphore_mem>>) src(%dma_wait3A_28 : memref<80xi32, #tpu.memory_space<hbm>>) dst(%arg8 : memref<80xi32, #tpu.memory_space<vmem>>)
        tpu.yield
      }) : () -> ()
      %dma_start3A = arith.constant 0 : i32
      %dma_start3A_14 = arith.constant 0 : i32
      %dma_start3A_15 = tpu.memref_slice %arg2[%dma_start3A, %dma_start3A_14] : memref<100000x32xf32, #tpu.memory_space<hbm>> -> memref<100000x32xf32, #tpu.memory_space<hbm>>
      tpu.enqueue_indirect_dma source(%dma_start3A_15 : memref<100000x32xf32, #tpu.memory_space<hbm>>) target(%arg9 : memref<80x32xf32, #tpu.memory_space<vmem>>) offsets(%arg7 : memref<80xi32, #tpu.memory_space<vmem>>) semaphore(%arg11 : memref<!tpu.dma_semaphore, #tpu.memory_space<semaphore_mem>>)
      %dma_start3A_16 = arith.constant 0 : i32
      %dma_start3A_17 = arith.constant 0 : i32
      %dma_start3A_18 = tpu.memref_slice %arg2[%dma_start3A_16, %dma_start3A_17] : memref<100000x32xf32, #tpu.memory_space<hbm>> -> memref<100000x32xf32, #tpu.memory_space<hbm>>
      tpu.enqueue_indirect_dma source(%dma_start3A_18 : memref<100000x32xf32, #tpu.memory_space<hbm>>) target(%arg10 : memref<80x32xf32, #tpu.memory_space<vmem>>) offsets(%arg8 : memref<80xi32, #tpu.memory_space<vmem>>) semaphore(%arg12 : memref<!tpu.dma_semaphore, #tpu.memory_space<semaphore_mem>>)
      %dma_wait3A = arith.constant 0 : i32
      %dma_wait3A_19 = arith.constant 0 : i32
      %dma_wait3A_20 = tpu.memref_slice %arg2[%dma_wait3A, %dma_wait3A_19] : memref<100000x32xf32, #tpu.memory_space<hbm>> -> memref<100000x32xf32, #tpu.memory_space<hbm>>
      tpu.wait_indirect_dma semaphore(%arg11 : memref<!tpu.dma_semaphore, #tpu.memory_space<semaphore_mem>>) src(%dma_wait3A_20 : memref<100000x32xf32, #tpu.memory_space<hbm>>) dst(%arg9 : memref<80x32xf32, #tpu.memory_space<vmem>>)
      "tpu.region"() ({
        %run_scoped3A = tpu.sem_alloc : memref<!tpu.dma_semaphore, #tpu.memory_space<semaphore_mem>>
        %dma_start3A_25 = arith.constant 0 : i32
        %dma_start3A_26 = tpu.memref_slice %arg5[%add3A_13, %dma_start3A_25] : memref<1600000x32xf32, #tpu.memory_space<hbm>> -> memref<80x32xf32, #tpu.memory_space<hbm>>
        %dma_start3A_27 = arith.constant 0 : i32
        %dma_start3A_28 = tpu.memref_slice %arg5[%add3A_13, %dma_start3A_27] : memref<1600000x32xf32, #tpu.memory_space<hbm>> -> memref<80x32xf32, #tpu.memory_space<hbm>>
        tpu.enqueue_dma source(%arg9 : memref<80x32xf32, #tpu.memory_space<vmem>>) target(%dma_start3A_28 : memref<80x32xf32, #tpu.memory_space<hbm>>) target_semaphore(%run_scoped3A : memref<!tpu.dma_semaphore, #tpu.memory_space<semaphore_mem>>)
        %dma_wait3A_29 = arith.constant 0 : i32
        %dma_wait3A_30 = tpu.memref_slice %arg5[%add3A_13, %dma_wait3A_29] : memref<1600000x32xf32, #tpu.memory_space<hbm>> -> memref<80x32xf32, #tpu.memory_space<hbm>>
        %dma_wait3A_31 = arith.constant 0 : i32
        %dma_wait3A_32 = tpu.memref_slice %arg5[%add3A_13, %dma_wait3A_31] : memref<1600000x32xf32, #tpu.memory_space<hbm>> -> memref<80x32xf32, #tpu.memory_space<hbm>>
        tpu.wait_dma2 semaphore(%run_scoped3A : memref<!tpu.dma_semaphore, #tpu.memory_space<semaphore_mem>>) src(%arg9 : memref<80x32xf32, #tpu.memory_space<vmem>>) dst(%dma_wait3A_32 : memref<80x32xf32, #tpu.memory_space<hbm>>)
        tpu.yield
      }) : () -> ()
      %dma_wait3A_21 = arith.constant 0 : i32
      %dma_wait3A_22 = arith.constant 0 : i32
      %dma_wait3A_23 = tpu.memref_slice %arg2[%dma_wait3A_21, %dma_wait3A_22] : memref<100000x32xf32, #tpu.memory_space<hbm>> -> memref<100000x32xf32, #tpu.memory_space<hbm>>
      tpu.wait_indirect_dma semaphore(%arg12 : memref<!tpu.dma_semaphore, #tpu.memory_space<semaphore_mem>>) src(%dma_wait3A_23 : memref<100000x32xf32, #tpu.memory_space<hbm>>) dst(%arg10 : memref<80x32xf32, #tpu.memory_space<vmem>>)
      "tpu.region"() ({
        %run_scoped3A = tpu.sem_alloc : memref<!tpu.dma_semaphore, #tpu.memory_space<semaphore_mem>>
        %dma_start3A_25 = arith.constant 0 : i32
        %dma_start3A_26 = tpu.memref_slice %arg6[%add3A_13, %dma_start3A_25] : memref<1600000x32xf32, #tpu.memory_space<hbm>> -> memref<80x32xf32, #tpu.memory_space<hbm>>
        %dma_start3A_27 = arith.constant 0 : i32
        %dma_start3A_28 = tpu.memref_slice %arg6[%add3A_13, %dma_start3A_27] : memref<1600000x32xf32, #tpu.memory_space<hbm>> -> memref<80x32xf32, #tpu.memory_space<hbm>>
        tpu.enqueue_dma source(%arg10 : memref<80x32xf32, #tpu.memory_space<vmem>>) target(%dma_start3A_28 : memref<80x32xf32, #tpu.memory_space<hbm>>) target_semaphore(%run_scoped3A : memref<!tpu.dma_semaphore, #tpu.memory_space<semaphore_mem>>)
        %dma_wait3A_29 = arith.constant 0 : i32
        %dma_wait3A_30 = tpu.memref_slice %arg6[%add3A_13, %dma_wait3A_29] : memref<1600000x32xf32, #tpu.memory_space<hbm>> -> memref<80x32xf32, #tpu.memory_space<hbm>>
        %dma_wait3A_31 = arith.constant 0 : i32
        %dma_wait3A_32 = tpu.memref_slice %arg6[%add3A_13, %dma_wait3A_31] : memref<1600000x32xf32, #tpu.memory_space<hbm>> -> memref<80x32xf32, #tpu.memory_space<hbm>>
        tpu.wait_dma2 semaphore(%run_scoped3A : memref<!tpu.dma_semaphore, #tpu.memory_space<semaphore_mem>>) src(%arg10 : memref<80x32xf32, #tpu.memory_space<vmem>>) dst(%dma_wait3A_32 : memref<80x32xf32, #tpu.memory_space<hbm>>)
        tpu.yield
      }) : () -> ()
      %scan3A_24 = arith.constant 0 : i32
      scf.yield %scan3A_24 : i32
    }
    %scan3A_6 = arith.constant 625 : i32
    return
  }
}

#map = affine_map<(d0, d1) -> (0, 0)>
#map1 = affine_map<(d0, d1) -> (0, 0, 0)>
module attributes {stable_mosaic.version = 14 : i64} {
  func.func @kern(%arg0: i32, %arg1: i32, %arg2: memref<2x1600000xi32, #tpu.memory_space<hbm>>, %arg3: memref<80x16xf32, #tpu.memory_space<hbm>>, %arg4: memref<6256x16xf32, #tpu.memory_space<hbm>>, %arg5: memref<2x100096x16xf32, #tpu.memory_space<hbm>>, %arg6: memref<80xi32, #tpu.memory_space<vmem>>, %arg7: memref<80x16xf32, #tpu.memory_space<vmem>>, %arg8: memref<100096x16xf32, #tpu.memory_space<vmem_shared>>) attributes {dimension_semantics = [#tpu.dimension_semantics<core_parallel>, #tpu.dimension_semantics<subcore_parallel>], iteration_bounds = array<i64: 2, 16>, scalar_prefetch = 0 : i64, scratch_operands = 3 : i64, tpu.core_type = #tpu.core_type<sc_vector_subcore>, window_params = [{transform_indices = #map}, {transform_indices = #map}, {transform_indices = #map}, {transform_indices = #map1}]} {
    "tpu.region"() ({
      %run_scoped3A = tpu.sem_alloc : memref<!tpu.dma_semaphore, #tpu.memory_space<semaphore_mem>>
      tpu.enqueue_dma source(%arg3 : memref<80x16xf32, #tpu.memory_space<hbm>>) target(%arg7 : memref<80x16xf32, #tpu.memory_space<vmem>>) target_semaphore(%run_scoped3A : memref<!tpu.dma_semaphore, #tpu.memory_space<semaphore_mem>>)
      tpu.wait_dma2 semaphore(%run_scoped3A : memref<!tpu.dma_semaphore, #tpu.memory_space<semaphore_mem>>) src(%arg3 : memref<80x16xf32, #tpu.memory_space<hbm>>) dst(%arg7 : memref<80x16xf32, #tpu.memory_space<vmem>>)
      tpu.yield
    }) : () -> ()
    %mul3A = arith.constant 6256 : i32
    %mul3A_0 = arith.muli %arg1, %mul3A : i32
    "tpu.region"() ({
      %run_scoped3A = tpu.sem_alloc : memref<!tpu.dma_semaphore, #tpu.memory_space<semaphore_mem>>
      %dma_start3A = arith.constant 0 : i32
      %dma_start3A_12 = tpu.memref_slice %arg8[%mul3A_0, %dma_start3A] : memref<100096x16xf32, #tpu.memory_space<vmem_shared>> -> memref<6256x16xf32, #tpu.memory_space<vmem_shared>>
      tpu.enqueue_dma source(%arg4 : memref<6256x16xf32, #tpu.memory_space<hbm>>) target(%dma_start3A_12 : memref<6256x16xf32, #tpu.memory_space<vmem_shared>>) target_semaphore(%run_scoped3A : memref<!tpu.dma_semaphore, #tpu.memory_space<semaphore_mem>>)
      %dma_wait3A = arith.constant 0 : i32
      %dma_wait3A_13 = tpu.memref_slice %arg8[%mul3A_0, %dma_wait3A] : memref<100096x16xf32, #tpu.memory_space<vmem_shared>> -> memref<6256x16xf32, #tpu.memory_space<vmem_shared>>
      tpu.wait_dma2 semaphore(%run_scoped3A : memref<!tpu.dma_semaphore, #tpu.memory_space<semaphore_mem>>) src(%arg4 : memref<6256x16xf32, #tpu.memory_space<hbm>>) dst(%dma_wait3A_13 : memref<6256x16xf32, #tpu.memory_space<vmem_shared>>)
      tpu.yield
    }) : () -> ()
    %barrier3A = arith.constant 0 : index
    tpu.barrier barrier_id(%barrier3A)
    %scan3A = arith.constant 0 : i32
    %scan3A_1 = arith.constant 0 : i32
    %scan3A_2 = arith.constant 1250 : i32
    %scan3A_3 = arith.addi %scan3A_1, %scan3A_2 : i32
    %scan3A_4 = arith.constant 1 : i32
    %scan3A_5 = scf.for %scan3A_12 = %scan3A_1 to %scan3A_3 step %scan3A_4 iter_args(%scan3A_13 = %scan3A) -> (i32)  : i32 {
      %mul3A_14 = arith.constant 100000 : i32
      %mul3A_15 = arith.muli %arg1, %mul3A_14 : i32
      %mul3A_16 = arith.constant 80 : i32
      %mul3A_17 = arith.muli %scan3A_12, %mul3A_16 : i32
      %add3A = arith.addi %mul3A_15, %mul3A_17 : i32
      "tpu.region"() ({
        %run_scoped3A = tpu.sem_alloc : memref<!tpu.dma_semaphore, #tpu.memory_space<semaphore_mem>>
        %dma_start3A = tpu.memref_slice %arg2[%arg0, %add3A] : memref<2x1600000xi32, #tpu.memory_space<hbm>> -> memref<1x80xi32, #tpu.memory_space<hbm>>
        %dma_start3A_19 = tpu.memref_squeeze %dma_start3A : memref<1x80xi32, #tpu.memory_space<hbm>> -> memref<80xi32, #tpu.memory_space<hbm>>
        %dma_start3A_20 = tpu.memref_slice %arg2[%arg0, %add3A] : memref<2x1600000xi32, #tpu.memory_space<hbm>> -> memref<1x80xi32, #tpu.memory_space<hbm>>
        %dma_start3A_21 = tpu.memref_squeeze %dma_start3A_20 : memref<1x80xi32, #tpu.memory_space<hbm>> -> memref<80xi32, #tpu.memory_space<hbm>>
        tpu.enqueue_dma source(%dma_start3A_21 : memref<80xi32, #tpu.memory_space<hbm>>) target(%arg6 : memref<80xi32, #tpu.memory_space<vmem>>) target_semaphore(%run_scoped3A : memref<!tpu.dma_semaphore, #tpu.memory_space<semaphore_mem>>)
        %dma_wait3A = tpu.memref_slice %arg2[%arg0, %add3A] : memref<2x1600000xi32, #tpu.memory_space<hbm>> -> memref<1x80xi32, #tpu.memory_space<hbm>>
        %dma_wait3A_22 = tpu.memref_squeeze %dma_wait3A : memref<1x80xi32, #tpu.memory_space<hbm>> -> memref<80xi32, #tpu.memory_space<hbm>>
        %dma_wait3A_23 = tpu.memref_slice %arg2[%arg0, %add3A] : memref<2x1600000xi32, #tpu.memory_space<hbm>> -> memref<1x80xi32, #tpu.memory_space<hbm>>
        %dma_wait3A_24 = tpu.memref_squeeze %dma_wait3A_23 : memref<1x80xi32, #tpu.memory_space<hbm>> -> memref<80xi32, #tpu.memory_space<hbm>>
        tpu.wait_dma2 semaphore(%run_scoped3A : memref<!tpu.dma_semaphore, #tpu.memory_space<semaphore_mem>>) src(%dma_wait3A_24 : memref<80xi32, #tpu.memory_space<hbm>>) dst(%arg6 : memref<80xi32, #tpu.memory_space<vmem>>)
        tpu.yield
      }) : () -> ()
      "tpu.region"() ({
        %run_scoped3A = tpu.sem_alloc : memref<!tpu.dma_semaphore, #tpu.memory_space<semaphore_mem>>
        %dma_start3A = arith.constant 0 : i32
        %dma_start3A_19 = arith.constant 0 : i32
        %dma_start3A_20 = tpu.memref_slice %arg8[%dma_start3A, %dma_start3A_19] : memref<100096x16xf32, #tpu.memory_space<vmem_shared>> -> memref<100096x16xf32, #tpu.memory_space<vmem_shared>>
        tpu.enqueue_indirect_dma source(%arg7 : memref<80x16xf32, #tpu.memory_space<vmem>>) target(%dma_start3A_20 : memref<100096x16xf32, #tpu.memory_space<vmem_shared>>) offsets(%arg6 : memref<80xi32, #tpu.memory_space<vmem>>) semaphore(%run_scoped3A : memref<!tpu.dma_semaphore, #tpu.memory_space<semaphore_mem>>) {add = true}
        %dma_wait3A = arith.constant 0 : i32
        %dma_wait3A_21 = arith.constant 0 : i32
        %dma_wait3A_22 = tpu.memref_slice %arg8[%dma_wait3A, %dma_wait3A_21] : memref<100096x16xf32, #tpu.memory_space<vmem_shared>> -> memref<100096x16xf32, #tpu.memory_space<vmem_shared>>
        tpu.wait_indirect_dma semaphore(%run_scoped3A : memref<!tpu.dma_semaphore, #tpu.memory_space<semaphore_mem>>) src(%arg7 : memref<80x16xf32, #tpu.memory_space<vmem>>) dst(%dma_wait3A_22 : memref<100096x16xf32, #tpu.memory_space<vmem_shared>>)
        tpu.yield
      }) : () -> ()
      %scan3A_18 = arith.constant 0 : i32
      scf.yield %scan3A_18 : i32
    }
    %scan3A_6 = arith.constant 1250 : i32
    %barrier3A_7 = arith.constant 0 : index
    tpu.barrier barrier_id(%barrier3A_7)
    %mul3A_8 = arith.constant 6256 : i32
    %mul3A_9 = arith.muli %arg1, %mul3A_8 : i32
    %mul3A_10 = arith.constant 6256 : i32
    %mul3A_11 = arith.muli %arg1, %mul3A_10 : i32
    "tpu.region"() ({
      %run_scoped3A = tpu.sem_alloc : memref<!tpu.dma_semaphore, #tpu.memory_space<semaphore_mem>>
      %dma_start3A = arith.constant 0 : i32
      %dma_start3A_12 = tpu.memref_slice %arg5[%arg0, %mul3A_11, %dma_start3A] : memref<2x100096x16xf32, #tpu.memory_space<hbm>> -> memref<1x6256x16xf32, #tpu.memory_space<hbm>>
      %dma_start3A_13 = tpu.memref_squeeze %dma_start3A_12 : memref<1x6256x16xf32, #tpu.memory_space<hbm>> -> memref<6256x16xf32, #tpu.memory_space<hbm>>
      %dma_start3A_14 = arith.constant 0 : i32
      %dma_start3A_15 = tpu.memref_slice %arg8[%mul3A_9, %dma_start3A_14] : memref<100096x16xf32, #tpu.memory_space<vmem_shared>> -> memref<6256x16xf32, #tpu.memory_space<vmem_shared>>
      tpu.enqueue_dma source(%dma_start3A_15 : memref<6256x16xf32, #tpu.memory_space<vmem_shared>>) target(%dma_start3A_13 : memref<6256x16xf32, #tpu.memory_space<hbm>>) target_semaphore(%run_scoped3A : memref<!tpu.dma_semaphore, #tpu.memory_space<semaphore_mem>>)
      %dma_wait3A = arith.constant 0 : i32
      %dma_wait3A_16 = tpu.memref_slice %arg5[%arg0, %mul3A_11, %dma_wait3A] : memref<2x100096x16xf32, #tpu.memory_space<hbm>> -> memref<1x6256x16xf32, #tpu.memory_space<hbm>>
      %dma_wait3A_17 = tpu.memref_squeeze %dma_wait3A_16 : memref<1x6256x16xf32, #tpu.memory_space<hbm>> -> memref<6256x16xf32, #tpu.memory_space<hbm>>
      %dma_wait3A_18 = arith.constant 0 : i32
      %dma_wait3A_19 = tpu.memref_slice %arg8[%mul3A_9, %dma_wait3A_18] : memref<100096x16xf32, #tpu.memory_space<vmem_shared>> -> memref<6256x16xf32, #tpu.memory_space<vmem_shared>>
      tpu.wait_dma2 semaphore(%run_scoped3A : memref<!tpu.dma_semaphore, #tpu.memory_space<semaphore_mem>>) src(%dma_wait3A_19 : memref<6256x16xf32, #tpu.memory_space<vmem_shared>>) dst(%dma_wait3A_17 : memref<6256x16xf32, #tpu.memory_space<hbm>>)
      tpu.yield
    }) : () -> ()
    return
  }
}

#map = affine_map<(d0, d1) -> (0, 0, 0)>
#map1 = affine_map<(d0, d1) -> (0)>
#map2 = affine_map<(d0, d1) -> (0, 0)>
module attributes {stable_mosaic.version = 14 : i64} {
  func.func @kern(%arg0: i32, %arg1: i32, %arg2: memref<2x1600000x16xf32, #tpu.memory_space<hbm>>, %arg3: memref<1600000xi32, #tpu.memory_space<hbm>>, %arg4: memref<6256x16xf32, #tpu.memory_space<hbm>>, %arg5: memref<2x100096x16xf32, #tpu.memory_space<hbm>>, %arg6: memref<80xi32, #tpu.memory_space<vmem>>, %arg7: memref<80x16xf32, #tpu.memory_space<vmem>>, %arg8: memref<100096x16xf32, #tpu.memory_space<vmem_shared>>) attributes {dimension_semantics = [#tpu.dimension_semantics<core_parallel>, #tpu.dimension_semantics<subcore_parallel>], iteration_bounds = array<i64: 2, 16>, scalar_prefetch = 0 : i64, scratch_operands = 3 : i64, tpu.core_type = #tpu.core_type<sc_vector_subcore>, window_params = [{transform_indices = #map}, {transform_indices = #map1}, {transform_indices = #map2}, {transform_indices = #map}]} {
    %mul3A = arith.constant 6256 : i32
    %mul3A_0 = arith.muli %arg1, %mul3A : i32
    "tpu.region"() ({
      %run_scoped3A = tpu.sem_alloc : memref<!tpu.dma_semaphore, #tpu.memory_space<semaphore_mem>>
      %dma_start3A = arith.constant 0 : i32
      %dma_start3A_12 = tpu.memref_slice %arg8[%mul3A_0, %dma_start3A] : memref<100096x16xf32, #tpu.memory_space<vmem_shared>> -> memref<6256x16xf32, #tpu.memory_space<vmem_shared>>
      tpu.enqueue_dma source(%arg4 : memref<6256x16xf32, #tpu.memory_space<hbm>>) target(%dma_start3A_12 : memref<6256x16xf32, #tpu.memory_space<vmem_shared>>) target_semaphore(%run_scoped3A : memref<!tpu.dma_semaphore, #tpu.memory_space<semaphore_mem>>)
      %dma_wait3A = arith.constant 0 : i32
      %dma_wait3A_13 = tpu.memref_slice %arg8[%mul3A_0, %dma_wait3A] : memref<100096x16xf32, #tpu.memory_space<vmem_shared>> -> memref<6256x16xf32, #tpu.memory_space<vmem_shared>>
      tpu.wait_dma2 semaphore(%run_scoped3A : memref<!tpu.dma_semaphore, #tpu.memory_space<semaphore_mem>>) src(%arg4 : memref<6256x16xf32, #tpu.memory_space<hbm>>) dst(%dma_wait3A_13 : memref<6256x16xf32, #tpu.memory_space<vmem_shared>>)
      tpu.yield
    }) : () -> ()
    %barrier3A = arith.constant 0 : index
    tpu.barrier barrier_id(%barrier3A)
    %scan3A = arith.constant 0 : i32
    %scan3A_1 = arith.constant 0 : i32
    %scan3A_2 = arith.constant 1250 : i32
    %scan3A_3 = arith.addi %scan3A_1, %scan3A_2 : i32
    %scan3A_4 = arith.constant 1 : i32
    %scan3A_5 = scf.for %scan3A_12 = %scan3A_1 to %scan3A_3 step %scan3A_4 iter_args(%scan3A_13 = %scan3A) -> (i32)  : i32 {
      %mul3A_14 = arith.constant 100000 : i32
      %mul3A_15 = arith.muli %arg1, %mul3A_14 : i32
      %mul3A_16 = arith.constant 80 : i32
      %mul3A_17 = arith.muli %scan3A_12, %mul3A_16 : i32
      %add3A = arith.addi %mul3A_15, %mul3A_17 : i32
      "tpu.region"() ({
        %run_scoped3A = tpu.sem_alloc : memref<!tpu.dma_semaphore, #tpu.memory_space<semaphore_mem>>
        %dma_start3A = tpu.memref_slice %arg3[%add3A] : memref<1600000xi32, #tpu.memory_space<hbm>> -> memref<80xi32, #tpu.memory_space<hbm>>
        %dma_start3A_19 = tpu.memref_slice %arg3[%add3A] : memref<1600000xi32, #tpu.memory_space<hbm>> -> memref<80xi32, #tpu.memory_space<hbm>>
        tpu.enqueue_dma source(%dma_start3A_19 : memref<80xi32, #tpu.memory_space<hbm>>) target(%arg6 : memref<80xi32, #tpu.memory_space<vmem>>) target_semaphore(%run_scoped3A : memref<!tpu.dma_semaphore, #tpu.memory_space<semaphore_mem>>)
        %dma_wait3A = tpu.memref_slice %arg3[%add3A] : memref<1600000xi32, #tpu.memory_space<hbm>> -> memref<80xi32, #tpu.memory_space<hbm>>
        %dma_wait3A_20 = tpu.memref_slice %arg3[%add3A] : memref<1600000xi32, #tpu.memory_space<hbm>> -> memref<80xi32, #tpu.memory_space<hbm>>
        tpu.wait_dma2 semaphore(%run_scoped3A : memref<!tpu.dma_semaphore, #tpu.memory_space<semaphore_mem>>) src(%dma_wait3A_20 : memref<80xi32, #tpu.memory_space<hbm>>) dst(%arg6 : memref<80xi32, #tpu.memory_space<vmem>>)
        tpu.yield
      }) : () -> ()
      "tpu.region"() ({
        %run_scoped3A = tpu.sem_alloc : memref<!tpu.dma_semaphore, #tpu.memory_space<semaphore_mem>>
        %dma_start3A = arith.constant 0 : i32
        %dma_start3A_19 = tpu.memref_slice %arg2[%arg0, %add3A, %dma_start3A] : memref<2x1600000x16xf32, #tpu.memory_space<hbm>> -> memref<1x80x16xf32, #tpu.memory_space<hbm>>
        %dma_start3A_20 = tpu.memref_squeeze %dma_start3A_19 : memref<1x80x16xf32, #tpu.memory_space<hbm>> -> memref<80x16xf32, #tpu.memory_space<hbm>>
        %dma_start3A_21 = arith.constant 0 : i32
        %dma_start3A_22 = tpu.memref_slice %arg2[%arg0, %add3A, %dma_start3A_21] : memref<2x1600000x16xf32, #tpu.memory_space<hbm>> -> memref<1x80x16xf32, #tpu.memory_space<hbm>>
        %dma_start3A_23 = tpu.memref_squeeze %dma_start3A_22 : memref<1x80x16xf32, #tpu.memory_space<hbm>> -> memref<80x16xf32, #tpu.memory_space<hbm>>
        tpu.enqueue_dma source(%dma_start3A_23 : memref<80x16xf32, #tpu.memory_space<hbm>>) target(%arg7 : memref<80x16xf32, #tpu.memory_space<vmem>>) target_semaphore(%run_scoped3A : memref<!tpu.dma_semaphore, #tpu.memory_space<semaphore_mem>>)
        %dma_wait3A = arith.constant 0 : i32
        %dma_wait3A_24 = tpu.memref_slice %arg2[%arg0, %add3A, %dma_wait3A] : memref<2x1600000x16xf32, #tpu.memory_space<hbm>> -> memref<1x80x16xf32, #tpu.memory_space<hbm>>
        %dma_wait3A_25 = tpu.memref_squeeze %dma_wait3A_24 : memref<1x80x16xf32, #tpu.memory_space<hbm>> -> memref<80x16xf32, #tpu.memory_space<hbm>>
        %dma_wait3A_26 = arith.constant 0 : i32
        %dma_wait3A_27 = tpu.memref_slice %arg2[%arg0, %add3A, %dma_wait3A_26] : memref<2x1600000x16xf32, #tpu.memory_space<hbm>> -> memref<1x80x16xf32, #tpu.memory_space<hbm>>
        %dma_wait3A_28 = tpu.memref_squeeze %dma_wait3A_27 : memref<1x80x16xf32, #tpu.memory_space<hbm>> -> memref<80x16xf32, #tpu.memory_space<hbm>>
        tpu.wait_dma2 semaphore(%run_scoped3A : memref<!tpu.dma_semaphore, #tpu.memory_space<semaphore_mem>>) src(%dma_wait3A_28 : memref<80x16xf32, #tpu.memory_space<hbm>>) dst(%arg7 : memref<80x16xf32, #tpu.memory_space<vmem>>)
        tpu.yield
      }) : () -> ()
      "tpu.region"() ({
        %run_scoped3A = tpu.sem_alloc : memref<!tpu.dma_semaphore, #tpu.memory_space<semaphore_mem>>
        %dma_start3A = arith.constant 0 : i32
        %dma_start3A_19 = arith.constant 0 : i32
        %dma_start3A_20 = tpu.memref_slice %arg8[%dma_start3A, %dma_start3A_19] : memref<100096x16xf32, #tpu.memory_space<vmem_shared>> -> memref<100096x16xf32, #tpu.memory_space<vmem_shared>>
        tpu.enqueue_indirect_dma source(%arg7 : memref<80x16xf32, #tpu.memory_space<vmem>>) target(%dma_start3A_20 : memref<100096x16xf32, #tpu.memory_space<vmem_shared>>) offsets(%arg6 : memref<80xi32, #tpu.memory_space<vmem>>) semaphore(%run_scoped3A : memref<!tpu.dma_semaphore, #tpu.memory_space<semaphore_mem>>) {add = true}
        %dma_wait3A = arith.constant 0 : i32
        %dma_wait3A_21 = arith.constant 0 : i32
        %dma_wait3A_22 = tpu.memref_slice %arg8[%dma_wait3A, %dma_wait3A_21] : memref<100096x16xf32, #tpu.memory_space<vmem_shared>> -> memref<100096x16xf32, #tpu.memory_space<vmem_shared>>
        tpu.wait_indirect_dma semaphore(%run_scoped3A : memref<!tpu.dma_semaphore, #tpu.memory_space<semaphore_mem>>) src(%arg7 : memref<80x16xf32, #tpu.memory_space<vmem>>) dst(%dma_wait3A_22 : memref<100096x16xf32, #tpu.memory_space<vmem_shared>>)
        tpu.yield
      }) : () -> ()
      %scan3A_18 = arith.constant 0 : i32
      scf.yield %scan3A_18 : i32
    }
    %scan3A_6 = arith.constant 1250 : i32
    %barrier3A_7 = arith.constant 0 : index
    tpu.barrier barrier_id(%barrier3A_7)
    %mul3A_8 = arith.constant 6256 : i32
    %mul3A_9 = arith.muli %arg1, %mul3A_8 : i32
    %mul3A_10 = arith.constant 6256 : i32
    %mul3A_11 = arith.muli %arg1, %mul3A_10 : i32
    "tpu.region"() ({
      %run_scoped3A = tpu.sem_alloc : memref<!tpu.dma_semaphore, #tpu.memory_space<semaphore_mem>>
      %dma_start3A = arith.constant 0 : i32
      %dma_start3A_12 = tpu.memref_slice %arg5[%arg0, %mul3A_11, %dma_start3A] : memref<2x100096x16xf32, #tpu.memory_space<hbm>> -> memref<1x6256x16xf32, #tpu.memory_space<hbm>>
      %dma_start3A_13 = tpu.memref_squeeze %dma_start3A_12 : memref<1x6256x16xf32, #tpu.memory_space<hbm>> -> memref<6256x16xf32, #tpu.memory_space<hbm>>
      %dma_start3A_14 = arith.constant 0 : i32
      %dma_start3A_15 = tpu.memref_slice %arg8[%mul3A_9, %dma_start3A_14] : memref<100096x16xf32, #tpu.memory_space<vmem_shared>> -> memref<6256x16xf32, #tpu.memory_space<vmem_shared>>
      tpu.enqueue_dma source(%dma_start3A_15 : memref<6256x16xf32, #tpu.memory_space<vmem_shared>>) target(%dma_start3A_13 : memref<6256x16xf32, #tpu.memory_space<hbm>>) target_semaphore(%run_scoped3A : memref<!tpu.dma_semaphore, #tpu.memory_space<semaphore_mem>>)
      %dma_wait3A = arith.constant 0 : i32
      %dma_wait3A_16 = tpu.memref_slice %arg5[%arg0, %mul3A_11, %dma_wait3A] : memref<2x100096x16xf32, #tpu.memory_space<hbm>> -> memref<1x6256x16xf32, #tpu.memory_space<hbm>>
      %dma_wait3A_17 = tpu.memref_squeeze %dma_wait3A_16 : memref<1x6256x16xf32, #tpu.memory_space<hbm>> -> memref<6256x16xf32, #tpu.memory_space<hbm>>
      %dma_wait3A_18 = arith.constant 0 : i32
      %dma_wait3A_19 = tpu.memref_slice %arg8[%mul3A_9, %dma_wait3A_18] : memref<100096x16xf32, #tpu.memory_space<vmem_shared>> -> memref<6256x16xf32, #tpu.memory_space<vmem_shared>>
      tpu.wait_dma2 semaphore(%run_scoped3A : memref<!tpu.dma_semaphore, #tpu.memory_space<semaphore_mem>>) src(%dma_wait3A_19 : memref<6256x16xf32, #tpu.memory_space<vmem_shared>>) dst(%dma_wait3A_17 : memref<6256x16xf32, #tpu.memory_space<hbm>>)
      tpu.yield
    }) : () -> ()
    return
  }
}

#map = affine_map<(d0, d1) -> (0, 0)>
#map1 = affine_map<(d0, d1) -> (0)>
module attributes {stable_mosaic.version = 14 : i64} {
  func.func @kern(%arg0: i32, %arg1: i32, %arg2: memref<100000x32xf32, #tpu.memory_space<hbm>>, %arg3: memref<1600000xi32, #tpu.memory_space<hbm>>, %arg4: memref<1600000xi32, #tpu.memory_space<hbm>>, %arg5: memref<1600000x32xf32, #tpu.memory_space<hbm>>, %arg6: memref<1600000x32xf32, #tpu.memory_space<hbm>>, %arg7: memref<80xi32, #tpu.memory_space<vmem>>, %arg8: memref<80xi32, #tpu.memory_space<vmem>>, %arg9: memref<80x32xf32, #tpu.memory_space<vmem>>, %arg10: memref<80x32xf32, #tpu.memory_space<vmem>>, %arg11: memref<!tpu.dma_semaphore, #tpu.memory_space<semaphore_mem>>, %arg12: memref<!tpu.dma_semaphore, #tpu.memory_space<semaphore_mem>>) attributes {dimension_semantics = [#tpu.dimension_semantics<core_parallel>, #tpu.dimension_semantics<subcore_parallel>], iteration_bounds = array<i64: 2, 16>, scalar_prefetch = 0 : i64, scratch_operands = 6 : i64, tpu.core_type = #tpu.core_type<sc_vector_subcore>, window_params = [{transform_indices = #map}, {transform_indices = #map1}, {transform_indices = #map1}, {transform_indices = #map}, {transform_indices = #map}]} {
    %mul3A = arith.constant 2 : i32
    %mul3A_0 = arith.muli %arg1, %mul3A : i32
    %add3A = arith.addi %mul3A_0, %arg0 : i32
    %scan3A = arith.constant 0 : i32
    %scan3A_1 = arith.constant 0 : i32
    %scan3A_2 = arith.constant 625 : i32
    %scan3A_3 = arith.addi %scan3A_1, %scan3A_2 : i32
    %scan3A_4 = arith.constant 1 : i32
    %scan3A_5 = scf.for %scan3A_7 = %scan3A_1 to %scan3A_3 step %scan3A_4 iter_args(%scan3A_8 = %scan3A) -> (i32)  : i32 {
      %mul3A_9 = arith.constant 50000 : i32
      %mul3A_10 = arith.muli %add3A, %mul3A_9 : i32
      %mul3A_11 = arith.constant 80 : i32
      %mul3A_12 = arith.muli %scan3A_7, %mul3A_11 : i32
      %add3A_13 = arith.addi %mul3A_10, %mul3A_12 : i32
      "tpu.region"() ({
        %run_scoped3A = tpu.sem_alloc : memref<!tpu.dma_semaphore, #tpu.memory_space<semaphore_mem>>
        %dma_start3A_25 = tpu.memref_slice %arg3[%add3A_13] : memref<1600000xi32, #tpu.memory_space<hbm>> -> memref<80xi32, #tpu.memory_space<hbm>>
        %dma_start3A_26 = tpu.memref_slice %arg3[%add3A_13] : memref<1600000xi32, #tpu.memory_space<hbm>> -> memref<80xi32, #tpu.memory_space<hbm>>
        tpu.enqueue_dma source(%dma_start3A_26 : memref<80xi32, #tpu.memory_space<hbm>>) target(%arg7 : memref<80xi32, #tpu.memory_space<vmem>>) target_semaphore(%run_scoped3A : memref<!tpu.dma_semaphore, #tpu.memory_space<semaphore_mem>>)
        %dma_wait3A_27 = tpu.memref_slice %arg3[%add3A_13] : memref<1600000xi32, #tpu.memory_space<hbm>> -> memref<80xi32, #tpu.memory_space<hbm>>
        %dma_wait3A_28 = tpu.memref_slice %arg3[%add3A_13] : memref<1600000xi32, #tpu.memory_space<hbm>> -> memref<80xi32, #tpu.memory_space<hbm>>
        tpu.wait_dma2 semaphore(%run_scoped3A : memref<!tpu.dma_semaphore, #tpu.memory_space<semaphore_mem>>) src(%dma_wait3A_28 : memref<80xi32, #tpu.memory_space<hbm>>) dst(%arg7 : memref<80xi32, #tpu.memory_space<vmem>>)
        tpu.yield
      }) : () -> ()
      "tpu.region"() ({
        %run_scoped3A = tpu.sem_alloc : memref<!tpu.dma_semaphore, #tpu.memory_space<semaphore_mem>>
        %dma_start3A_25 = tpu.memref_slice %arg4[%add3A_13] : memref<1600000xi32, #tpu.memory_space<hbm>> -> memref<80xi32, #tpu.memory_space<hbm>>
        %dma_start3A_26 = tpu.memref_slice %arg4[%add3A_13] : memref<1600000xi32, #tpu.memory_space<hbm>> -> memref<80xi32, #tpu.memory_space<hbm>>
        tpu.enqueue_dma source(%dma_start3A_26 : memref<80xi32, #tpu.memory_space<hbm>>) target(%arg8 : memref<80xi32, #tpu.memory_space<vmem>>) target_semaphore(%run_scoped3A : memref<!tpu.dma_semaphore, #tpu.memory_space<semaphore_mem>>)
        %dma_wait3A_27 = tpu.memref_slice %arg4[%add3A_13] : memref<1600000xi32, #tpu.memory_space<hbm>> -> memref<80xi32, #tpu.memory_space<hbm>>
        %dma_wait3A_28 = tpu.memref_slice %arg4[%add3A_13] : memref<1600000xi32, #tpu.memory_space<hbm>> -> memref<80xi32, #tpu.memory_space<hbm>>
        tpu.wait_dma2 semaphore(%run_scoped3A : memref<!tpu.dma_semaphore, #tpu.memory_space<semaphore_mem>>) src(%dma_wait3A_28 : memref<80xi32, #tpu.memory_space<hbm>>) dst(%arg8 : memref<80xi32, #tpu.memory_space<vmem>>)
        tpu.yield
      }) : () -> ()
      %dma_start3A = arith.constant 0 : i32
      %dma_start3A_14 = arith.constant 0 : i32
      %dma_start3A_15 = tpu.memref_slice %arg2[%dma_start3A, %dma_start3A_14] : memref<100000x32xf32, #tpu.memory_space<hbm>> -> memref<100000x32xf32, #tpu.memory_space<hbm>>
      tpu.enqueue_indirect_dma source(%dma_start3A_15 : memref<100000x32xf32, #tpu.memory_space<hbm>>) target(%arg9 : memref<80x32xf32, #tpu.memory_space<vmem>>) offsets(%arg7 : memref<80xi32, #tpu.memory_space<vmem>>) semaphore(%arg11 : memref<!tpu.dma_semaphore, #tpu.memory_space<semaphore_mem>>)
      %dma_start3A_16 = arith.constant 0 : i32
      %dma_start3A_17 = arith.constant 0 : i32
      %dma_start3A_18 = tpu.memref_slice %arg2[%dma_start3A_16, %dma_start3A_17] : memref<100000x32xf32, #tpu.memory_space<hbm>> -> memref<100000x32xf32, #tpu.memory_space<hbm>>
      tpu.enqueue_indirect_dma source(%dma_start3A_18 : memref<100000x32xf32, #tpu.memory_space<hbm>>) target(%arg10 : memref<80x32xf32, #tpu.memory_space<vmem>>) offsets(%arg8 : memref<80xi32, #tpu.memory_space<vmem>>) semaphore(%arg12 : memref<!tpu.dma_semaphore, #tpu.memory_space<semaphore_mem>>)
      %dma_wait3A = arith.constant 0 : i32
      %dma_wait3A_19 = arith.constant 0 : i32
      %dma_wait3A_20 = tpu.memref_slice %arg2[%dma_wait3A, %dma_wait3A_19] : memref<100000x32xf32, #tpu.memory_space<hbm>> -> memref<100000x32xf32, #tpu.memory_space<hbm>>
      tpu.wait_indirect_dma semaphore(%arg11 : memref<!tpu.dma_semaphore, #tpu.memory_space<semaphore_mem>>) src(%dma_wait3A_20 : memref<100000x32xf32, #tpu.memory_space<hbm>>) dst(%arg9 : memref<80x32xf32, #tpu.memory_space<vmem>>)
      "tpu.region"() ({
        %run_scoped3A = tpu.sem_alloc : memref<!tpu.dma_semaphore, #tpu.memory_space<semaphore_mem>>
        %dma_start3A_25 = arith.constant 0 : i32
        %dma_start3A_26 = tpu.memref_slice %arg5[%add3A_13, %dma_start3A_25] : memref<1600000x32xf32, #tpu.memory_space<hbm>> -> memref<80x32xf32, #tpu.memory_space<hbm>>
        %dma_start3A_27 = arith.constant 0 : i32
        %dma_start3A_28 = tpu.memref_slice %arg5[%add3A_13, %dma_start3A_27] : memref<1600000x32xf32, #tpu.memory_space<hbm>> -> memref<80x32xf32, #tpu.memory_space<hbm>>
        tpu.enqueue_dma source(%arg9 : memref<80x32xf32, #tpu.memory_space<vmem>>) target(%dma_start3A_28 : memref<80x32xf32, #tpu.memory_space<hbm>>) target_semaphore(%run_scoped3A : memref<!tpu.dma_semaphore, #tpu.memory_space<semaphore_mem>>)
        %dma_wait3A_29 = arith.constant 0 : i32
        %dma_wait3A_30 = tpu.memref_slice %arg5[%add3A_13, %dma_wait3A_29] : memref<1600000x32xf32, #tpu.memory_space<hbm>> -> memref<80x32xf32, #tpu.memory_space<hbm>>
        %dma_wait3A_31 = arith.constant 0 : i32
        %dma_wait3A_32 = tpu.memref_slice %arg5[%add3A_13, %dma_wait3A_31] : memref<1600000x32xf32, #tpu.memory_space<hbm>> -> memref<80x32xf32, #tpu.memory_space<hbm>>
        tpu.wait_dma2 semaphore(%run_scoped3A : memref<!tpu.dma_semaphore, #tpu.memory_space<semaphore_mem>>) src(%arg9 : memref<80x32xf32, #tpu.memory_space<vmem>>) dst(%dma_wait3A_32 : memref<80x32xf32, #tpu.memory_space<hbm>>)
        tpu.yield
      }) : () -> ()
      %dma_wait3A_21 = arith.constant 0 : i32
      %dma_wait3A_22 = arith.constant 0 : i32
      %dma_wait3A_23 = tpu.memref_slice %arg2[%dma_wait3A_21, %dma_wait3A_22] : memref<100000x32xf32, #tpu.memory_space<hbm>> -> memref<100000x32xf32, #tpu.memory_space<hbm>>
      tpu.wait_indirect_dma semaphore(%arg12 : memref<!tpu.dma_semaphore, #tpu.memory_space<semaphore_mem>>) src(%dma_wait3A_23 : memref<100000x32xf32, #tpu.memory_space<hbm>>) dst(%arg10 : memref<80x32xf32, #tpu.memory_space<vmem>>)
      "tpu.region"() ({
        %run_scoped3A = tpu.sem_alloc : memref<!tpu.dma_semaphore, #tpu.memory_space<semaphore_mem>>
        %dma_start3A_25 = arith.constant 0 : i32
        %dma_start3A_26 = tpu.memref_slice %arg6[%add3A_13, %dma_start3A_25] : memref<1600000x32xf32, #tpu.memory_space<hbm>> -> memref<80x32xf32, #tpu.memory_space<hbm>>
        %dma_start3A_27 = arith.constant 0 : i32
        %dma_start3A_28 = tpu.memref_slice %arg6[%add3A_13, %dma_start3A_27] : memref<1600000x32xf32, #tpu.memory_space<hbm>> -> memref<80x32xf32, #tpu.memory_space<hbm>>
        tpu.enqueue_dma source(%arg10 : memref<80x32xf32, #tpu.memory_space<vmem>>) target(%dma_start3A_28 : memref<80x32xf32, #tpu.memory_space<hbm>>) target_semaphore(%run_scoped3A : memref<!tpu.dma_semaphore, #tpu.memory_space<semaphore_mem>>)
        %dma_wait3A_29 = arith.constant 0 : i32
        %dma_wait3A_30 = tpu.memref_slice %arg6[%add3A_13, %dma_wait3A_29] : memref<1600000x32xf32, #tpu.memory_space<hbm>> -> memref<80x32xf32, #tpu.memory_space<hbm>>
        %dma_wait3A_31 = arith.constant 0 : i32
        %dma_wait3A_32 = tpu.memref_slice %arg6[%add3A_13, %dma_wait3A_31] : memref<1600000x32xf32, #tpu.memory_space<hbm>> -> memref<80x32xf32, #tpu.memory_space<hbm>>
        tpu.wait_dma2 semaphore(%run_scoped3A : memref<!tpu.dma_semaphore, #tpu.memory_space<semaphore_mem>>) src(%arg10 : memref<80x32xf32, #tpu.memory_space<vmem>>) dst(%dma_wait3A_32 : memref<80x32xf32, #tpu.memory_space<hbm>>)
        tpu.yield
      }) : () -> ()
      %scan3A_24 = arith.constant 0 : i32
      scf.yield %scan3A_24 : i32
    }
    %scan3A_6 = arith.constant 625 : i32
    return
  }
}

#map = affine_map<(d0, d1) -> (0, 0)>
#map1 = affine_map<(d0, d1) -> (0)>
module attributes {stable_mosaic.version = 14 : i64} {
  func.func @kern(%arg0: i32, %arg1: i32, %arg2: memref<100000x32xf32, #tpu.memory_space<hbm>>, %arg3: memref<1600000xi32, #tpu.memory_space<hbm>>, %arg4: memref<1600000xi32, #tpu.memory_space<hbm>>, %arg5: memref<1600000x32xf32, #tpu.memory_space<hbm>>, %arg6: memref<1600000x32xf32, #tpu.memory_space<hbm>>, %arg7: memref<80xi32, #tpu.memory_space<vmem>>, %arg8: memref<80xi32, #tpu.memory_space<vmem>>, %arg9: memref<80x32xf32, #tpu.memory_space<vmem>>, %arg10: memref<80x32xf32, #tpu.memory_space<vmem>>, %arg11: memref<!tpu.dma_semaphore, #tpu.memory_space<semaphore_mem>>, %arg12: memref<!tpu.dma_semaphore, #tpu.memory_space<semaphore_mem>>) attributes {dimension_semantics = [#tpu.dimension_semantics<core_parallel>, #tpu.dimension_semantics<subcore_parallel>], iteration_bounds = array<i64: 2, 16>, scalar_prefetch = 0 : i64, scratch_operands = 6 : i64, tpu.core_type = #tpu.core_type<sc_vector_subcore>, window_params = [{transform_indices = #map}, {transform_indices = #map1}, {transform_indices = #map1}, {transform_indices = #map}, {transform_indices = #map}]} {
    %mul3A = arith.constant 2 : i32
    %mul3A_0 = arith.muli %arg1, %mul3A : i32
    %add3A = arith.addi %mul3A_0, %arg0 : i32
    %scan3A = arith.constant 0 : i32
    %scan3A_1 = arith.constant 0 : i32
    %scan3A_2 = arith.constant 625 : i32
    %scan3A_3 = arith.addi %scan3A_1, %scan3A_2 : i32
    %scan3A_4 = arith.constant 1 : i32
    %scan3A_5 = scf.for %scan3A_7 = %scan3A_1 to %scan3A_3 step %scan3A_4 iter_args(%scan3A_8 = %scan3A) -> (i32)  : i32 {
      %mul3A_9 = arith.constant 50000 : i32
      %mul3A_10 = arith.muli %add3A, %mul3A_9 : i32
      %mul3A_11 = arith.constant 80 : i32
      %mul3A_12 = arith.muli %scan3A_7, %mul3A_11 : i32
      %add3A_13 = arith.addi %mul3A_10, %mul3A_12 : i32
      "tpu.region"() ({
        %run_scoped3A = tpu.sem_alloc : memref<!tpu.dma_semaphore, #tpu.memory_space<semaphore_mem>>
        %dma_start3A_25 = tpu.memref_slice %arg3[%add3A_13] : memref<1600000xi32, #tpu.memory_space<hbm>> -> memref<80xi32, #tpu.memory_space<hbm>>
        %dma_start3A_26 = tpu.memref_slice %arg3[%add3A_13] : memref<1600000xi32, #tpu.memory_space<hbm>> -> memref<80xi32, #tpu.memory_space<hbm>>
        tpu.enqueue_dma source(%dma_start3A_26 : memref<80xi32, #tpu.memory_space<hbm>>) target(%arg7 : memref<80xi32, #tpu.memory_space<vmem>>) target_semaphore(%run_scoped3A : memref<!tpu.dma_semaphore, #tpu.memory_space<semaphore_mem>>)
        %dma_wait3A_27 = tpu.memref_slice %arg3[%add3A_13] : memref<1600000xi32, #tpu.memory_space<hbm>> -> memref<80xi32, #tpu.memory_space<hbm>>
        %dma_wait3A_28 = tpu.memref_slice %arg3[%add3A_13] : memref<1600000xi32, #tpu.memory_space<hbm>> -> memref<80xi32, #tpu.memory_space<hbm>>
        tpu.wait_dma2 semaphore(%run_scoped3A : memref<!tpu.dma_semaphore, #tpu.memory_space<semaphore_mem>>) src(%dma_wait3A_28 : memref<80xi32, #tpu.memory_space<hbm>>) dst(%arg7 : memref<80xi32, #tpu.memory_space<vmem>>)
        tpu.yield
      }) : () -> ()
      "tpu.region"() ({
        %run_scoped3A = tpu.sem_alloc : memref<!tpu.dma_semaphore, #tpu.memory_space<semaphore_mem>>
        %dma_start3A_25 = tpu.memref_slice %arg4[%add3A_13] : memref<1600000xi32, #tpu.memory_space<hbm>> -> memref<80xi32, #tpu.memory_space<hbm>>
        %dma_start3A_26 = tpu.memref_slice %arg4[%add3A_13] : memref<1600000xi32, #tpu.memory_space<hbm>> -> memref<80xi32, #tpu.memory_space<hbm>>
        tpu.enqueue_dma source(%dma_start3A_26 : memref<80xi32, #tpu.memory_space<hbm>>) target(%arg8 : memref<80xi32, #tpu.memory_space<vmem>>) target_semaphore(%run_scoped3A : memref<!tpu.dma_semaphore, #tpu.memory_space<semaphore_mem>>)
        %dma_wait3A_27 = tpu.memref_slice %arg4[%add3A_13] : memref<1600000xi32, #tpu.memory_space<hbm>> -> memref<80xi32, #tpu.memory_space<hbm>>
        %dma_wait3A_28 = tpu.memref_slice %arg4[%add3A_13] : memref<1600000xi32, #tpu.memory_space<hbm>> -> memref<80xi32, #tpu.memory_space<hbm>>
        tpu.wait_dma2 semaphore(%run_scoped3A : memref<!tpu.dma_semaphore, #tpu.memory_space<semaphore_mem>>) src(%dma_wait3A_28 : memref<80xi32, #tpu.memory_space<hbm>>) dst(%arg8 : memref<80xi32, #tpu.memory_space<vmem>>)
        tpu.yield
      }) : () -> ()
      %dma_start3A = arith.constant 0 : i32
      %dma_start3A_14 = arith.constant 0 : i32
      %dma_start3A_15 = tpu.memref_slice %arg2[%dma_start3A, %dma_start3A_14] : memref<100000x32xf32, #tpu.memory_space<hbm>> -> memref<100000x32xf32, #tpu.memory_space<hbm>>
      tpu.enqueue_indirect_dma source(%dma_start3A_15 : memref<100000x32xf32, #tpu.memory_space<hbm>>) target(%arg9 : memref<80x32xf32, #tpu.memory_space<vmem>>) offsets(%arg7 : memref<80xi32, #tpu.memory_space<vmem>>) semaphore(%arg11 : memref<!tpu.dma_semaphore, #tpu.memory_space<semaphore_mem>>)
      %dma_start3A_16 = arith.constant 0 : i32
      %dma_start3A_17 = arith.constant 0 : i32
      %dma_start3A_18 = tpu.memref_slice %arg2[%dma_start3A_16, %dma_start3A_17] : memref<100000x32xf32, #tpu.memory_space<hbm>> -> memref<100000x32xf32, #tpu.memory_space<hbm>>
      tpu.enqueue_indirect_dma source(%dma_start3A_18 : memref<100000x32xf32, #tpu.memory_space<hbm>>) target(%arg10 : memref<80x32xf32, #tpu.memory_space<vmem>>) offsets(%arg8 : memref<80xi32, #tpu.memory_space<vmem>>) semaphore(%arg12 : memref<!tpu.dma_semaphore, #tpu.memory_space<semaphore_mem>>)
      %dma_wait3A = arith.constant 0 : i32
      %dma_wait3A_19 = arith.constant 0 : i32
      %dma_wait3A_20 = tpu.memref_slice %arg2[%dma_wait3A, %dma_wait3A_19] : memref<100000x32xf32, #tpu.memory_space<hbm>> -> memref<100000x32xf32, #tpu.memory_space<hbm>>
      tpu.wait_indirect_dma semaphore(%arg11 : memref<!tpu.dma_semaphore, #tpu.memory_space<semaphore_mem>>) src(%dma_wait3A_20 : memref<100000x32xf32, #tpu.memory_space<hbm>>) dst(%arg9 : memref<80x32xf32, #tpu.memory_space<vmem>>)
      "tpu.region"() ({
        %run_scoped3A = tpu.sem_alloc : memref<!tpu.dma_semaphore, #tpu.memory_space<semaphore_mem>>
        %dma_start3A_25 = arith.constant 0 : i32
        %dma_start3A_26 = tpu.memref_slice %arg5[%add3A_13, %dma_start3A_25] : memref<1600000x32xf32, #tpu.memory_space<hbm>> -> memref<80x32xf32, #tpu.memory_space<hbm>>
        %dma_start3A_27 = arith.constant 0 : i32
        %dma_start3A_28 = tpu.memref_slice %arg5[%add3A_13, %dma_start3A_27] : memref<1600000x32xf32, #tpu.memory_space<hbm>> -> memref<80x32xf32, #tpu.memory_space<hbm>>
        tpu.enqueue_dma source(%arg9 : memref<80x32xf32, #tpu.memory_space<vmem>>) target(%dma_start3A_28 : memref<80x32xf32, #tpu.memory_space<hbm>>) target_semaphore(%run_scoped3A : memref<!tpu.dma_semaphore, #tpu.memory_space<semaphore_mem>>)
        %dma_wait3A_29 = arith.constant 0 : i32
        %dma_wait3A_30 = tpu.memref_slice %arg5[%add3A_13, %dma_wait3A_29] : memref<1600000x32xf32, #tpu.memory_space<hbm>> -> memref<80x32xf32, #tpu.memory_space<hbm>>
        %dma_wait3A_31 = arith.constant 0 : i32
        %dma_wait3A_32 = tpu.memref_slice %arg5[%add3A_13, %dma_wait3A_31] : memref<1600000x32xf32, #tpu.memory_space<hbm>> -> memref<80x32xf32, #tpu.memory_space<hbm>>
        tpu.wait_dma2 semaphore(%run_scoped3A : memref<!tpu.dma_semaphore, #tpu.memory_space<semaphore_mem>>) src(%arg9 : memref<80x32xf32, #tpu.memory_space<vmem>>) dst(%dma_wait3A_32 : memref<80x32xf32, #tpu.memory_space<hbm>>)
        tpu.yield
      }) : () -> ()
      %dma_wait3A_21 = arith.constant 0 : i32
      %dma_wait3A_22 = arith.constant 0 : i32
      %dma_wait3A_23 = tpu.memref_slice %arg2[%dma_wait3A_21, %dma_wait3A_22] : memref<100000x32xf32, #tpu.memory_space<hbm>> -> memref<100000x32xf32, #tpu.memory_space<hbm>>
      tpu.wait_indirect_dma semaphore(%arg12 : memref<!tpu.dma_semaphore, #tpu.memory_space<semaphore_mem>>) src(%dma_wait3A_23 : memref<100000x32xf32, #tpu.memory_space<hbm>>) dst(%arg10 : memref<80x32xf32, #tpu.memory_space<vmem>>)
      "tpu.region"() ({
        %run_scoped3A = tpu.sem_alloc : memref<!tpu.dma_semaphore, #tpu.memory_space<semaphore_mem>>
        %dma_start3A_25 = arith.constant 0 : i32
        %dma_start3A_26 = tpu.memref_slice %arg6[%add3A_13, %dma_start3A_25] : memref<1600000x32xf32, #tpu.memory_space<hbm>> -> memref<80x32xf32, #tpu.memory_space<hbm>>
        %dma_start3A_27 = arith.constant 0 : i32
        %dma_start3A_28 = tpu.memref_slice %arg6[%add3A_13, %dma_start3A_27] : memref<1600000x32xf32, #tpu.memory_space<hbm>> -> memref<80x32xf32, #tpu.memory_space<hbm>>
        tpu.enqueue_dma source(%arg10 : memref<80x32xf32, #tpu.memory_space<vmem>>) target(%dma_start3A_28 : memref<80x32xf32, #tpu.memory_space<hbm>>) target_semaphore(%run_scoped3A : memref<!tpu.dma_semaphore, #tpu.memory_space<semaphore_mem>>)
        %dma_wait3A_29 = arith.constant 0 : i32
        %dma_wait3A_30 = tpu.memref_slice %arg6[%add3A_13, %dma_wait3A_29] : memref<1600000x32xf32, #tpu.memory_space<hbm>> -> memref<80x32xf32, #tpu.memory_space<hbm>>
        %dma_wait3A_31 = arith.constant 0 : i32
        %dma_wait3A_32 = tpu.memref_slice %arg6[%add3A_13, %dma_wait3A_31] : memref<1600000x32xf32, #tpu.memory_space<hbm>> -> memref<80x32xf32, #tpu.memory_space<hbm>>
        tpu.wait_dma2 semaphore(%run_scoped3A : memref<!tpu.dma_semaphore, #tpu.memory_space<semaphore_mem>>) src(%arg10 : memref<80x32xf32, #tpu.memory_space<vmem>>) dst(%dma_wait3A_32 : memref<80x32xf32, #tpu.memory_space<hbm>>)
        tpu.yield
      }) : () -> ()
      %scan3A_24 = arith.constant 0 : i32
      scf.yield %scan3A_24 : i32
    }
    %scan3A_6 = arith.constant 625 : i32
    return
  }
}

#map = affine_map<(d0, d1) -> (0, 0, 0)>
#map1 = affine_map<(d0, d1) -> (0)>
#map2 = affine_map<(d0, d1) -> (0, 0)>
module attributes {stable_mosaic.version = 14 : i64} {
  func.func @kern(%arg0: i32, %arg1: i32, %arg2: memref<2x1600000x16xf32, #tpu.memory_space<hbm>>, %arg3: memref<1600000xi32, #tpu.memory_space<hbm>>, %arg4: memref<6256x16xf32, #tpu.memory_space<hbm>>, %arg5: memref<2x100096x16xf32, #tpu.memory_space<hbm>>, %arg6: memref<80xi32, #tpu.memory_space<vmem>>, %arg7: memref<80x16xf32, #tpu.memory_space<vmem>>, %arg8: memref<100096x16xf32, #tpu.memory_space<vmem_shared>>) attributes {dimension_semantics = [#tpu.dimension_semantics<core_parallel>, #tpu.dimension_semantics<subcore_parallel>], iteration_bounds = array<i64: 2, 16>, scalar_prefetch = 0 : i64, scratch_operands = 3 : i64, tpu.core_type = #tpu.core_type<sc_vector_subcore>, window_params = [{transform_indices = #map}, {transform_indices = #map1}, {transform_indices = #map2}, {transform_indices = #map}]} {
    %mul3A = arith.constant 6256 : i32
    %mul3A_0 = arith.muli %arg1, %mul3A : i32
    "tpu.region"() ({
      %run_scoped3A = tpu.sem_alloc : memref<!tpu.dma_semaphore, #tpu.memory_space<semaphore_mem>>
      %dma_start3A = arith.constant 0 : i32
      %dma_start3A_12 = tpu.memref_slice %arg8[%mul3A_0, %dma_start3A] : memref<100096x16xf32, #tpu.memory_space<vmem_shared>> -> memref<6256x16xf32, #tpu.memory_space<vmem_shared>>
      tpu.enqueue_dma source(%arg4 : memref<6256x16xf32, #tpu.memory_space<hbm>>) target(%dma_start3A_12 : memref<6256x16xf32, #tpu.memory_space<vmem_shared>>) target_semaphore(%run_scoped3A : memref<!tpu.dma_semaphore, #tpu.memory_space<semaphore_mem>>)
      %dma_wait3A = arith.constant 0 : i32
      %dma_wait3A_13 = tpu.memref_slice %arg8[%mul3A_0, %dma_wait3A] : memref<100096x16xf32, #tpu.memory_space<vmem_shared>> -> memref<6256x16xf32, #tpu.memory_space<vmem_shared>>
      tpu.wait_dma2 semaphore(%run_scoped3A : memref<!tpu.dma_semaphore, #tpu.memory_space<semaphore_mem>>) src(%arg4 : memref<6256x16xf32, #tpu.memory_space<hbm>>) dst(%dma_wait3A_13 : memref<6256x16xf32, #tpu.memory_space<vmem_shared>>)
      tpu.yield
    }) : () -> ()
    %barrier3A = arith.constant 0 : index
    tpu.barrier barrier_id(%barrier3A)
    %scan3A = arith.constant 0 : i32
    %scan3A_1 = arith.constant 0 : i32
    %scan3A_2 = arith.constant 1250 : i32
    %scan3A_3 = arith.addi %scan3A_1, %scan3A_2 : i32
    %scan3A_4 = arith.constant 1 : i32
    %scan3A_5 = scf.for %scan3A_12 = %scan3A_1 to %scan3A_3 step %scan3A_4 iter_args(%scan3A_13 = %scan3A) -> (i32)  : i32 {
      %mul3A_14 = arith.constant 100000 : i32
      %mul3A_15 = arith.muli %arg1, %mul3A_14 : i32
      %mul3A_16 = arith.constant 80 : i32
      %mul3A_17 = arith.muli %scan3A_12, %mul3A_16 : i32
      %add3A = arith.addi %mul3A_15, %mul3A_17 : i32
      "tpu.region"() ({
        %run_scoped3A = tpu.sem_alloc : memref<!tpu.dma_semaphore, #tpu.memory_space<semaphore_mem>>
        %dma_start3A = tpu.memref_slice %arg3[%add3A] : memref<1600000xi32, #tpu.memory_space<hbm>> -> memref<80xi32, #tpu.memory_space<hbm>>
        %dma_start3A_19 = tpu.memref_slice %arg3[%add3A] : memref<1600000xi32, #tpu.memory_space<hbm>> -> memref<80xi32, #tpu.memory_space<hbm>>
        tpu.enqueue_dma source(%dma_start3A_19 : memref<80xi32, #tpu.memory_space<hbm>>) target(%arg6 : memref<80xi32, #tpu.memory_space<vmem>>) target_semaphore(%run_scoped3A : memref<!tpu.dma_semaphore, #tpu.memory_space<semaphore_mem>>)
        %dma_wait3A = tpu.memref_slice %arg3[%add3A] : memref<1600000xi32, #tpu.memory_space<hbm>> -> memref<80xi32, #tpu.memory_space<hbm>>
        %dma_wait3A_20 = tpu.memref_slice %arg3[%add3A] : memref<1600000xi32, #tpu.memory_space<hbm>> -> memref<80xi32, #tpu.memory_space<hbm>>
        tpu.wait_dma2 semaphore(%run_scoped3A : memref<!tpu.dma_semaphore, #tpu.memory_space<semaphore_mem>>) src(%dma_wait3A_20 : memref<80xi32, #tpu.memory_space<hbm>>) dst(%arg6 : memref<80xi32, #tpu.memory_space<vmem>>)
        tpu.yield
      }) : () -> ()
      "tpu.region"() ({
        %run_scoped3A = tpu.sem_alloc : memref<!tpu.dma_semaphore, #tpu.memory_space<semaphore_mem>>
        %dma_start3A = arith.constant 0 : i32
        %dma_start3A_19 = tpu.memref_slice %arg2[%arg0, %add3A, %dma_start3A] : memref<2x1600000x16xf32, #tpu.memory_space<hbm>> -> memref<1x80x16xf32, #tpu.memory_space<hbm>>
        %dma_start3A_20 = tpu.memref_squeeze %dma_start3A_19 : memref<1x80x16xf32, #tpu.memory_space<hbm>> -> memref<80x16xf32, #tpu.memory_space<hbm>>
        %dma_start3A_21 = arith.constant 0 : i32
        %dma_start3A_22 = tpu.memref_slice %arg2[%arg0, %add3A, %dma_start3A_21] : memref<2x1600000x16xf32, #tpu.memory_space<hbm>> -> memref<1x80x16xf32, #tpu.memory_space<hbm>>
        %dma_start3A_23 = tpu.memref_squeeze %dma_start3A_22 : memref<1x80x16xf32, #tpu.memory_space<hbm>> -> memref<80x16xf32, #tpu.memory_space<hbm>>
        tpu.enqueue_dma source(%dma_start3A_23 : memref<80x16xf32, #tpu.memory_space<hbm>>) target(%arg7 : memref<80x16xf32, #tpu.memory_space<vmem>>) target_semaphore(%run_scoped3A : memref<!tpu.dma_semaphore, #tpu.memory_space<semaphore_mem>>)
        %dma_wait3A = arith.constant 0 : i32
        %dma_wait3A_24 = tpu.memref_slice %arg2[%arg0, %add3A, %dma_wait3A] : memref<2x1600000x16xf32, #tpu.memory_space<hbm>> -> memref<1x80x16xf32, #tpu.memory_space<hbm>>
        %dma_wait3A_25 = tpu.memref_squeeze %dma_wait3A_24 : memref<1x80x16xf32, #tpu.memory_space<hbm>> -> memref<80x16xf32, #tpu.memory_space<hbm>>
        %dma_wait3A_26 = arith.constant 0 : i32
        %dma_wait3A_27 = tpu.memref_slice %arg2[%arg0, %add3A, %dma_wait3A_26] : memref<2x1600000x16xf32, #tpu.memory_space<hbm>> -> memref<1x80x16xf32, #tpu.memory_space<hbm>>
        %dma_wait3A_28 = tpu.memref_squeeze %dma_wait3A_27 : memref<1x80x16xf32, #tpu.memory_space<hbm>> -> memref<80x16xf32, #tpu.memory_space<hbm>>
        tpu.wait_dma2 semaphore(%run_scoped3A : memref<!tpu.dma_semaphore, #tpu.memory_space<semaphore_mem>>) src(%dma_wait3A_28 : memref<80x16xf32, #tpu.memory_space<hbm>>) dst(%arg7 : memref<80x16xf32, #tpu.memory_space<vmem>>)
        tpu.yield
      }) : () -> ()
      "tpu.region"() ({
        %run_scoped3A = tpu.sem_alloc : memref<!tpu.dma_semaphore, #tpu.memory_space<semaphore_mem>>
        %dma_start3A = arith.constant 0 : i32
        %dma_start3A_19 = arith.constant 0 : i32
        %dma_start3A_20 = tpu.memref_slice %arg8[%dma_start3A, %dma_start3A_19] : memref<100096x16xf32, #tpu.memory_space<vmem_shared>> -> memref<100096x16xf32, #tpu.memory_space<vmem_shared>>
        tpu.enqueue_indirect_dma source(%arg7 : memref<80x16xf32, #tpu.memory_space<vmem>>) target(%dma_start3A_20 : memref<100096x16xf32, #tpu.memory_space<vmem_shared>>) offsets(%arg6 : memref<80xi32, #tpu.memory_space<vmem>>) semaphore(%run_scoped3A : memref<!tpu.dma_semaphore, #tpu.memory_space<semaphore_mem>>) {add = true}
        %dma_wait3A = arith.constant 0 : i32
        %dma_wait3A_21 = arith.constant 0 : i32
        %dma_wait3A_22 = tpu.memref_slice %arg8[%dma_wait3A, %dma_wait3A_21] : memref<100096x16xf32, #tpu.memory_space<vmem_shared>> -> memref<100096x16xf32, #tpu.memory_space<vmem_shared>>
        tpu.wait_indirect_dma semaphore(%run_scoped3A : memref<!tpu.dma_semaphore, #tpu.memory_space<semaphore_mem>>) src(%arg7 : memref<80x16xf32, #tpu.memory_space<vmem>>) dst(%dma_wait3A_22 : memref<100096x16xf32, #tpu.memory_space<vmem_shared>>)
        tpu.yield
      }) : () -> ()
      %scan3A_18 = arith.constant 0 : i32
      scf.yield %scan3A_18 : i32
    }
    %scan3A_6 = arith.constant 1250 : i32
    %barrier3A_7 = arith.constant 0 : index
    tpu.barrier barrier_id(%barrier3A_7)
    %mul3A_8 = arith.constant 6256 : i32
    %mul3A_9 = arith.muli %arg1, %mul3A_8 : i32
    %mul3A_10 = arith.constant 6256 : i32
    %mul3A_11 = arith.muli %arg1, %mul3A_10 : i32
    "tpu.region"() ({
      %run_scoped3A = tpu.sem_alloc : memref<!tpu.dma_semaphore, #tpu.memory_space<semaphore_mem>>
      %dma_start3A = arith.constant 0 : i32
      %dma_start3A_12 = tpu.memref_slice %arg5[%arg0, %mul3A_11, %dma_start3A] : memref<2x100096x16xf32, #tpu.memory_space<hbm>> -> memref<1x6256x16xf32, #tpu.memory_space<hbm>>
      %dma_start3A_13 = tpu.memref_squeeze %dma_start3A_12 : memref<1x6256x16xf32, #tpu.memory_space<hbm>> -> memref<6256x16xf32, #tpu.memory_space<hbm>>
      %dma_start3A_14 = arith.constant 0 : i32
      %dma_start3A_15 = tpu.memref_slice %arg8[%mul3A_9, %dma_start3A_14] : memref<100096x16xf32, #tpu.memory_space<vmem_shared>> -> memref<6256x16xf32, #tpu.memory_space<vmem_shared>>
      tpu.enqueue_dma source(%dma_start3A_15 : memref<6256x16xf32, #tpu.memory_space<vmem_shared>>) target(%dma_start3A_13 : memref<6256x16xf32, #tpu.memory_space<hbm>>) target_semaphore(%run_scoped3A : memref<!tpu.dma_semaphore, #tpu.memory_space<semaphore_mem>>)
      %dma_wait3A = arith.constant 0 : i32
      %dma_wait3A_16 = tpu.memref_slice %arg5[%arg0, %mul3A_11, %dma_wait3A] : memref<2x100096x16xf32, #tpu.memory_space<hbm>> -> memref<1x6256x16xf32, #tpu.memory_space<hbm>>
      %dma_wait3A_17 = tpu.memref_squeeze %dma_wait3A_16 : memref<1x6256x16xf32, #tpu.memory_space<hbm>> -> memref<6256x16xf32, #tpu.memory_space<hbm>>
      %dma_wait3A_18 = arith.constant 0 : i32
      %dma_wait3A_19 = tpu.memref_slice %arg8[%mul3A_9, %dma_wait3A_18] : memref<100096x16xf32, #tpu.memory_space<vmem_shared>> -> memref<6256x16xf32, #tpu.memory_space<vmem_shared>>
      tpu.wait_dma2 semaphore(%run_scoped3A : memref<!tpu.dma_semaphore, #tpu.memory_space<semaphore_mem>>) src(%dma_wait3A_19 : memref<6256x16xf32, #tpu.memory_space<vmem_shared>>) dst(%dma_wait3A_17 : memref<6256x16xf32, #tpu.memory_space<hbm>>)
      tpu.yield
    }) : () -> ()
    return
  }
}

#map = affine_map<(d0, d1) -> (0, 0, 0)>
#map1 = affine_map<(d0, d1) -> (0)>
#map2 = affine_map<(d0, d1) -> (0, 0)>
module attributes {stable_mosaic.version = 14 : i64} {
  func.func @kern(%arg0: i32, %arg1: i32, %arg2: memref<2x1600000x16xf32, #tpu.memory_space<hbm>>, %arg3: memref<1600000xi32, #tpu.memory_space<hbm>>, %arg4: memref<6256x16xf32, #tpu.memory_space<hbm>>, %arg5: memref<2x100096x16xf32, #tpu.memory_space<hbm>>, %arg6: memref<80xi32, #tpu.memory_space<vmem>>, %arg7: memref<80x16xf32, #tpu.memory_space<vmem>>, %arg8: memref<100096x16xf32, #tpu.memory_space<vmem_shared>>) attributes {dimension_semantics = [#tpu.dimension_semantics<core_parallel>, #tpu.dimension_semantics<subcore_parallel>], iteration_bounds = array<i64: 2, 16>, scalar_prefetch = 0 : i64, scratch_operands = 3 : i64, tpu.core_type = #tpu.core_type<sc_vector_subcore>, window_params = [{transform_indices = #map}, {transform_indices = #map1}, {transform_indices = #map2}, {transform_indices = #map}]} {
    %mul3A = arith.constant 6256 : i32
    %mul3A_0 = arith.muli %arg1, %mul3A : i32
    "tpu.region"() ({
      %run_scoped3A = tpu.sem_alloc : memref<!tpu.dma_semaphore, #tpu.memory_space<semaphore_mem>>
      %dma_start3A = arith.constant 0 : i32
      %dma_start3A_12 = tpu.memref_slice %arg8[%mul3A_0, %dma_start3A] : memref<100096x16xf32, #tpu.memory_space<vmem_shared>> -> memref<6256x16xf32, #tpu.memory_space<vmem_shared>>
      tpu.enqueue_dma source(%arg4 : memref<6256x16xf32, #tpu.memory_space<hbm>>) target(%dma_start3A_12 : memref<6256x16xf32, #tpu.memory_space<vmem_shared>>) target_semaphore(%run_scoped3A : memref<!tpu.dma_semaphore, #tpu.memory_space<semaphore_mem>>)
      %dma_wait3A = arith.constant 0 : i32
      %dma_wait3A_13 = tpu.memref_slice %arg8[%mul3A_0, %dma_wait3A] : memref<100096x16xf32, #tpu.memory_space<vmem_shared>> -> memref<6256x16xf32, #tpu.memory_space<vmem_shared>>
      tpu.wait_dma2 semaphore(%run_scoped3A : memref<!tpu.dma_semaphore, #tpu.memory_space<semaphore_mem>>) src(%arg4 : memref<6256x16xf32, #tpu.memory_space<hbm>>) dst(%dma_wait3A_13 : memref<6256x16xf32, #tpu.memory_space<vmem_shared>>)
      tpu.yield
    }) : () -> ()
    %barrier3A = arith.constant 0 : index
    tpu.barrier barrier_id(%barrier3A)
    %scan3A = arith.constant 0 : i32
    %scan3A_1 = arith.constant 0 : i32
    %scan3A_2 = arith.constant 1250 : i32
    %scan3A_3 = arith.addi %scan3A_1, %scan3A_2 : i32
    %scan3A_4 = arith.constant 1 : i32
    %scan3A_5 = scf.for %scan3A_12 = %scan3A_1 to %scan3A_3 step %scan3A_4 iter_args(%scan3A_13 = %scan3A) -> (i32)  : i32 {
      %mul3A_14 = arith.constant 100000 : i32
      %mul3A_15 = arith.muli %arg1, %mul3A_14 : i32
      %mul3A_16 = arith.constant 80 : i32
      %mul3A_17 = arith.muli %scan3A_12, %mul3A_16 : i32
      %add3A = arith.addi %mul3A_15, %mul3A_17 : i32
      "tpu.region"() ({
        %run_scoped3A = tpu.sem_alloc : memref<!tpu.dma_semaphore, #tpu.memory_space<semaphore_mem>>
        %dma_start3A = tpu.memref_slice %arg3[%add3A] : memref<1600000xi32, #tpu.memory_space<hbm>> -> memref<80xi32, #tpu.memory_space<hbm>>
        %dma_start3A_19 = tpu.memref_slice %arg3[%add3A] : memref<1600000xi32, #tpu.memory_space<hbm>> -> memref<80xi32, #tpu.memory_space<hbm>>
        tpu.enqueue_dma source(%dma_start3A_19 : memref<80xi32, #tpu.memory_space<hbm>>) target(%arg6 : memref<80xi32, #tpu.memory_space<vmem>>) target_semaphore(%run_scoped3A : memref<!tpu.dma_semaphore, #tpu.memory_space<semaphore_mem>>)
        %dma_wait3A = tpu.memref_slice %arg3[%add3A] : memref<1600000xi32, #tpu.memory_space<hbm>> -> memref<80xi32, #tpu.memory_space<hbm>>
        %dma_wait3A_20 = tpu.memref_slice %arg3[%add3A] : memref<1600000xi32, #tpu.memory_space<hbm>> -> memref<80xi32, #tpu.memory_space<hbm>>
        tpu.wait_dma2 semaphore(%run_scoped3A : memref<!tpu.dma_semaphore, #tpu.memory_space<semaphore_mem>>) src(%dma_wait3A_20 : memref<80xi32, #tpu.memory_space<hbm>>) dst(%arg6 : memref<80xi32, #tpu.memory_space<vmem>>)
        tpu.yield
      }) : () -> ()
      "tpu.region"() ({
        %run_scoped3A = tpu.sem_alloc : memref<!tpu.dma_semaphore, #tpu.memory_space<semaphore_mem>>
        %dma_start3A = arith.constant 0 : i32
        %dma_start3A_19 = tpu.memref_slice %arg2[%arg0, %add3A, %dma_start3A] : memref<2x1600000x16xf32, #tpu.memory_space<hbm>> -> memref<1x80x16xf32, #tpu.memory_space<hbm>>
        %dma_start3A_20 = tpu.memref_squeeze %dma_start3A_19 : memref<1x80x16xf32, #tpu.memory_space<hbm>> -> memref<80x16xf32, #tpu.memory_space<hbm>>
        %dma_start3A_21 = arith.constant 0 : i32
        %dma_start3A_22 = tpu.memref_slice %arg2[%arg0, %add3A, %dma_start3A_21] : memref<2x1600000x16xf32, #tpu.memory_space<hbm>> -> memref<1x80x16xf32, #tpu.memory_space<hbm>>
        %dma_start3A_23 = tpu.memref_squeeze %dma_start3A_22 : memref<1x80x16xf32, #tpu.memory_space<hbm>> -> memref<80x16xf32, #tpu.memory_space<hbm>>
        tpu.enqueue_dma source(%dma_start3A_23 : memref<80x16xf32, #tpu.memory_space<hbm>>) target(%arg7 : memref<80x16xf32, #tpu.memory_space<vmem>>) target_semaphore(%run_scoped3A : memref<!tpu.dma_semaphore, #tpu.memory_space<semaphore_mem>>)
        %dma_wait3A = arith.constant 0 : i32
        %dma_wait3A_24 = tpu.memref_slice %arg2[%arg0, %add3A, %dma_wait3A] : memref<2x1600000x16xf32, #tpu.memory_space<hbm>> -> memref<1x80x16xf32, #tpu.memory_space<hbm>>
        %dma_wait3A_25 = tpu.memref_squeeze %dma_wait3A_24 : memref<1x80x16xf32, #tpu.memory_space<hbm>> -> memref<80x16xf32, #tpu.memory_space<hbm>>
        %dma_wait3A_26 = arith.constant 0 : i32
        %dma_wait3A_27 = tpu.memref_slice %arg2[%arg0, %add3A, %dma_wait3A_26] : memref<2x1600000x16xf32, #tpu.memory_space<hbm>> -> memref<1x80x16xf32, #tpu.memory_space<hbm>>
        %dma_wait3A_28 = tpu.memref_squeeze %dma_wait3A_27 : memref<1x80x16xf32, #tpu.memory_space<hbm>> -> memref<80x16xf32, #tpu.memory_space<hbm>>
        tpu.wait_dma2 semaphore(%run_scoped3A : memref<!tpu.dma_semaphore, #tpu.memory_space<semaphore_mem>>) src(%dma_wait3A_28 : memref<80x16xf32, #tpu.memory_space<hbm>>) dst(%arg7 : memref<80x16xf32, #tpu.memory_space<vmem>>)
        tpu.yield
      }) : () -> ()
      "tpu.region"() ({
        %run_scoped3A = tpu.sem_alloc : memref<!tpu.dma_semaphore, #tpu.memory_space<semaphore_mem>>
        %dma_start3A = arith.constant 0 : i32
        %dma_start3A_19 = arith.constant 0 : i32
        %dma_start3A_20 = tpu.memref_slice %arg8[%dma_start3A, %dma_start3A_19] : memref<100096x16xf32, #tpu.memory_space<vmem_shared>> -> memref<100096x16xf32, #tpu.memory_space<vmem_shared>>
        tpu.enqueue_indirect_dma source(%arg7 : memref<80x16xf32, #tpu.memory_space<vmem>>) target(%dma_start3A_20 : memref<100096x16xf32, #tpu.memory_space<vmem_shared>>) offsets(%arg6 : memref<80xi32, #tpu.memory_space<vmem>>) semaphore(%run_scoped3A : memref<!tpu.dma_semaphore, #tpu.memory_space<semaphore_mem>>) {add = true}
        %dma_wait3A = arith.constant 0 : i32
        %dma_wait3A_21 = arith.constant 0 : i32
        %dma_wait3A_22 = tpu.memref_slice %arg8[%dma_wait3A, %dma_wait3A_21] : memref<100096x16xf32, #tpu.memory_space<vmem_shared>> -> memref<100096x16xf32, #tpu.memory_space<vmem_shared>>
        tpu.wait_indirect_dma semaphore(%run_scoped3A : memref<!tpu.dma_semaphore, #tpu.memory_space<semaphore_mem>>) src(%arg7 : memref<80x16xf32, #tpu.memory_space<vmem>>) dst(%dma_wait3A_22 : memref<100096x16xf32, #tpu.memory_space<vmem_shared>>)
        tpu.yield
      }) : () -> ()
      %scan3A_18 = arith.constant 0 : i32
      scf.yield %scan3A_18 : i32
    }
    %scan3A_6 = arith.constant 1250 : i32
    %barrier3A_7 = arith.constant 0 : index
    tpu.barrier barrier_id(%barrier3A_7)
    %mul3A_8 = arith.constant 6256 : i32
    %mul3A_9 = arith.muli %arg1, %mul3A_8 : i32
    %mul3A_10 = arith.constant 6256 : i32
    %mul3A_11 = arith.muli %arg1, %mul3A_10 : i32
    "tpu.region"() ({
      %run_scoped3A = tpu.sem_alloc : memref<!tpu.dma_semaphore, #tpu.memory_space<semaphore_mem>>
      %dma_start3A = arith.constant 0 : i32
      %dma_start3A_12 = tpu.memref_slice %arg5[%arg0, %mul3A_11, %dma_start3A] : memref<2x100096x16xf32, #tpu.memory_space<hbm>> -> memref<1x6256x16xf32, #tpu.memory_space<hbm>>
      %dma_start3A_13 = tpu.memref_squeeze %dma_start3A_12 : memref<1x6256x16xf32, #tpu.memory_space<hbm>> -> memref<6256x16xf32, #tpu.memory_space<hbm>>
      %dma_start3A_14 = arith.constant 0 : i32
      %dma_start3A_15 = tpu.memref_slice %arg8[%mul3A_9, %dma_start3A_14] : memref<100096x16xf32, #tpu.memory_space<vmem_shared>> -> memref<6256x16xf32, #tpu.memory_space<vmem_shared>>
      tpu.enqueue_dma source(%dma_start3A_15 : memref<6256x16xf32, #tpu.memory_space<vmem_shared>>) target(%dma_start3A_13 : memref<6256x16xf32, #tpu.memory_space<hbm>>) target_semaphore(%run_scoped3A : memref<!tpu.dma_semaphore, #tpu.memory_space<semaphore_mem>>)
      %dma_wait3A = arith.constant 0 : i32
      %dma_wait3A_16 = tpu.memref_slice %arg5[%arg0, %mul3A_11, %dma_wait3A] : memref<2x100096x16xf32, #tpu.memory_space<hbm>> -> memref<1x6256x16xf32, #tpu.memory_space<hbm>>
      %dma_wait3A_17 = tpu.memref_squeeze %dma_wait3A_16 : memref<1x6256x16xf32, #tpu.memory_space<hbm>> -> memref<6256x16xf32, #tpu.memory_space<hbm>>
      %dma_wait3A_18 = arith.constant 0 : i32
      %dma_wait3A_19 = tpu.memref_slice %arg8[%mul3A_9, %dma_wait3A_18] : memref<100096x16xf32, #tpu.memory_space<vmem_shared>> -> memref<6256x16xf32, #tpu.memory_space<vmem_shared>>
      tpu.wait_dma2 semaphore(%run_scoped3A : memref<!tpu.dma_semaphore, #tpu.memory_space<semaphore_mem>>) src(%dma_wait3A_19 : memref<6256x16xf32, #tpu.memory_space<vmem_shared>>) dst(%dma_wait3A_17 : memref<6256x16xf32, #tpu.memory_space<hbm>>)
      tpu.yield
    }) : () -> ()
    return
  }
}

module attributes {stable_mosaic.version = 14 : i64} {
  func.func @body(%arg0: i32, %arg1: memref<2000x16xf32, #tpu.memory_space<vmem>>, %arg2: memref<16x2xf32, #tpu.memory_space<vmem>>, %arg3: memref<2xf32, #tpu.memory_space<vmem>>, %arg4: memref<2000x2xf32, #tpu.memory_space<vmem>>) attributes {dimension_semantics = [#tpu.dimension_semantics<arbitrary>], iteration_bounds = array<i64: 800>, scalar_prefetch = 0 : i64, scratch_operands = 0 : i64, tpu.core_type = #tpu.core_type<tc>, window_params = [{transform_indices = @transform_0, window_bounds = array<i64: 2000, 16>}, {pipeline_mode = #tpu.pipeline_mode<synchronous>, transform_indices = @transform_1, window_bounds = array<i64: 16, 2>}, {pipeline_mode = #tpu.pipeline_mode<synchronous>, transform_indices = @transform_2, window_bounds = array<i64: 2>}, {transform_indices = @transform_3, window_bounds = array<i64: 2000, 2>}]} {
    %get3A = arith.constant 0 : index
    %get3A_0 = arith.constant 0 : index
    %get3A_1 = vector.load %arg1[%get3A, %get3A_0] : memref<2000x16xf32, #tpu.memory_space<vmem>>, vector<2000x16xf32>
    %get3A_2 = arith.constant 0 : index
    %get3A_3 = arith.constant 0 : index
    %get3A_4 = vector.load %arg2[%get3A_2, %get3A_3] : memref<16x2xf32, #tpu.memory_space<vmem>>, vector<16x2xf32>
    %dot_general3A = arith.constant dense<0.000000e+00> : vector<2000x2xf32>
    %dot_general3A_5 = tpu.matmul %get3A_1, %get3A_4, %dot_general3A {dimension_numbers = #tpu.dot_dimension_numbers<[1], [0], [0], [1], [0, 0, 1, 1], [], []>, transpose_lhs_hint = false} : vector<2000x16xf32>, vector<16x2xf32>, vector<2000x2xf32> -> vector<2000x2xf32>
    %get3A_6 = arith.constant 0 : index
    %get3A_7 = vector.load %arg3[%get3A_6] : memref<2xf32, #tpu.memory_space<vmem>>, vector<2xf32>
    %broadcast_in_dim3A = vector.shape_cast %get3A_7 : vector<2xf32> to vector<1x2xf32>
    %add3A = vector.broadcast %broadcast_in_dim3A : vector<1x2xf32> to vector<2000x2xf32>
    %add3A_8 = arith.addf %dot_general3A_5, %add3A : vector<2000x2xf32>
    %swap3A = arith.constant 0 : index
    %swap3A_9 = arith.constant 0 : index
    %swap3A_10 = vector.load %arg4[%swap3A, %swap3A_9] : memref<2000x2xf32, #tpu.memory_space<vmem>>, vector<2000x2xf32>
    tpu.vector_store %arg4[%swap3A, %swap3A_9], %add3A_8 {strides = array<i32>} : memref<2000x2xf32, #tpu.memory_space<vmem>>, vector<2000x2xf32>,
    return
  }
  func.func @transform_0(%arg0: i32) -> (i32, i32) {
    %c0_i32 = arith.constant 0 : i32
    %c0_i32_0 = arith.constant 0 : i32
    return %arg0, %c0_i32 : i32, i32
  }
  func.func @transform_1(%arg0: i32) -> (i32, i32) {
    %c0_i32 = arith.constant 0 : i32
    %c0_i32_0 = arith.constant 0 : i32
    %c0_i32_1 = arith.constant 0 : i32
    return %c0_i32, %c0_i32_0 : i32, i32
  }
  func.func @transform_2(%arg0: i32) -> i32 {
    %c0_i32 = arith.constant 0 : i32
    %c0_i32_0 = arith.constant 0 : i32
    return %c0_i32 : i32
  }
  func.func @transform_3(%arg0: i32) -> (i32, i32) {
    %c0_i32 = arith.constant 0 : i32
    %c0_i32_0 = arith.constant 0 : i32
    return %arg0, %c0_i32 : i32, i32
  }
}

module attributes {stable_mosaic.version = 14 : i64} {
  func.func @body(%arg0: i32, %arg1: memref<2000x32xf32, #tpu.memory_space<vmem>>, %arg2: memref<32x2xf32, #tpu.memory_space<vmem>>, %arg3: memref<2xf32, #tpu.memory_space<vmem>>, %arg4: memref<2000x2xf32, #tpu.memory_space<vmem>>) attributes {dimension_semantics = [#tpu.dimension_semantics<arbitrary>], iteration_bounds = array<i64: 50>, scalar_prefetch = 0 : i64, scratch_operands = 0 : i64, tpu.core_type = #tpu.core_type<tc>, window_params = [{transform_indices = @transform_0, window_bounds = array<i64: 2000, 32>}, {pipeline_mode = #tpu.pipeline_mode<synchronous>, transform_indices = @transform_1, window_bounds = array<i64: 32, 2>}, {pipeline_mode = #tpu.pipeline_mode<synchronous>, transform_indices = @transform_2, window_bounds = array<i64: 2>}, {transform_indices = @transform_3, window_bounds = array<i64: 2000, 2>}]} {
    %get3A = arith.constant 0 : index
    %get3A_0 = arith.constant 0 : index
    %get3A_1 = vector.load %arg1[%get3A, %get3A_0] : memref<2000x32xf32, #tpu.memory_space<vmem>>, vector<2000x32xf32>
    %get3A_2 = arith.constant 0 : index
    %get3A_3 = arith.constant 0 : index
    %get3A_4 = vector.load %arg2[%get3A_2, %get3A_3] : memref<32x2xf32, #tpu.memory_space<vmem>>, vector<32x2xf32>
    %dot_general3A = arith.constant dense<0.000000e+00> : vector<2000x2xf32>
    %dot_general3A_5 = tpu.matmul %get3A_1, %get3A_4, %dot_general3A {dimension_numbers = #tpu.dot_dimension_numbers<[1], [0], [0], [1], [0, 0, 1, 1], [], []>, transpose_lhs_hint = false} : vector<2000x32xf32>, vector<32x2xf32>, vector<2000x2xf32> -> vector<2000x2xf32>
    %get3A_6 = arith.constant 0 : index
    %get3A_7 = vector.load %arg3[%get3A_6] : memref<2xf32, #tpu.memory_space<vmem>>, vector<2xf32>
    %broadcast_in_dim3A = vector.shape_cast %get3A_7 : vector<2xf32> to vector<1x2xf32>
    %add3A = vector.broadcast %broadcast_in_dim3A : vector<1x2xf32> to vector<2000x2xf32>
    %add3A_8 = arith.addf %dot_general3A_5, %add3A : vector<2000x2xf32>
    %swap3A = arith.constant 0 : index
    %swap3A_9 = arith.constant 0 : index
    %swap3A_10 = vector.load %arg4[%swap3A, %swap3A_9] : memref<2000x2xf32, #tpu.memory_space<vmem>>, vector<2000x2xf32>
    tpu.vector_store %arg4[%swap3A, %swap3A_9], %add3A_8 {strides = array<i32>} : memref<2000x2xf32, #tpu.memory_space<vmem>>, vector<2000x2xf32>,
    return
  }
  func.func @transform_0(%arg0: i32) -> (i32, i32) {
    %c0_i32 = arith.constant 0 : i32
    %c0_i32_0 = arith.constant 0 : i32
    return %arg0, %c0_i32 : i32, i32
  }
  func.func @transform_1(%arg0: i32) -> (i32, i32) {
    %c0_i32 = arith.constant 0 : i32
    %c0_i32_0 = arith.constant 0 : i32
    %c0_i32_1 = arith.constant 0 : i32
    return %c0_i32, %c0_i32_0 : i32, i32
  }
  func.func @transform_2(%arg0: i32) -> i32 {
    %c0_i32 = arith.constant 0 : i32
    %c0_i32_0 = arith.constant 0 : i32
    return %c0_i32 : i32
  }
  func.func @transform_3(%arg0: i32) -> (i32, i32) {
    %c0_i32 = arith.constant 0 : i32
    %c0_i32_0 = arith.constant 0 : i32
    return %arg0, %c0_i32 : i32, i32
  }
}

</mosaic_0001>

<sc_bundles>
// kernel: kernel.11.cloned.1.call-start
scs
__scs_entry_jumppad:
0x0: {  	(pc) =	sbr.rel $0x88, $3  }
0x1: {  	(tag) =	ssettag $0x0;
	lr =	simm.s32 $0x1  }
0x2: {  	[smem:$0x3F28] =	sst lr;
	_ =	strace $0xD0000000  }
0x3: {  	_ = 	snop  }
0x4: {  	_ = 	snop  }
0x5: {  	_ = 	snop  }
0x6: {  	_ = 	snop  }
0x7: {  	_ = 	snop  }
__scs_overlays_trampoline_lowered:
0x8: {  	[smem:$0x3F37] =	sst s0  }
0x9: {  	[smem:$0x3F38] =	sst s1  }
0xa: {  	[smem:$0x3F39] =	sst s2  }
0xb: {  	[smem:$0x3F3A] =	sst s3  }
0xc: {  	[smem:$0x3F3B] =	sst s4  }
0xd: {  	[smem:$0x3F3C] =	sst s5  }
0xe: {  	[smem:$0x3F3D] =	sst s6  }
0xf: {  	[smem:$0x3F3E] =	sst s7  }
0x10: {  	[smem:$0x3F3F] =	sst s8  }
0x11: {  	[smem:$0x3F40] =	sst s9;
	s0 =	simm.s32 @!p0 $0x0  }
0x12: {  	s1 =	sld [smem:$0x3F26];
	s0 =	simm.s32 @p0 $0x1  }
0x13: {  	[smem:$0x3F41] =	sst s0;
	s0 =	simm.s32 @!p1 $0x0  }
0x14: {  	s2 =	sld [smem:$0x3F25];
	s0 =	simm.s32 @p1 $0x1  }
0x15: {  	[smem:$0x3F42] =	sst s0;
	s0 =	simm.s32 @!p2 $0x0  }
0x16: {  	s3 =	sld [smem:$0x3FDB];
	s0 =	simm.s32 @p2 $0x1  }
0x17: {  	s4 =	simm.s32 $0x1BF5;
	[smem:$0x3F44] =	sst s0  }
0x18: {  	s0 =	sld [smem:$0x3F27];
	_ =	swait.ge [sflag:s4], $0x0  }
0x19: {  	s7 =	sld [smem:$0x3F28]  }
0x1a: {  	s8 =	sadd.s32 $0xFFFFE003, lr  }
0x1b: {  	s9 =	sadd.s32 $0xFFFFFEF7, lr;
	s5 =	simm.s32 $0xFFFFFFFF;
	p2 =	slt.u32 s8, $0xFFFFF086  }
0x1c: {  	p1 =	slt.u32 s9, $0xF7A;
	s5 =	simm.s32 @!p2 $0x0  }
0x1d: {  	s5 =	simm.s32 @p1 $0x1;
	p0 =	seq.s32 s7, s2  }
0x1e: {  	s7 =	smul.u32 @!p0 $0xF7A, s2;
	p2 =	seq.s32 @!p0 s5, $0x0  }
0x1f: {  	s9 =	smul.u32 $0xF7A, s1;
	s8 =	simm.s32 @!p0 $0x1BF5;
	p2 =	por !p2, p0  }
0x20: {  	[sflag:s8] =	ssyncset.s32 @!p0 $0xFFFFF086;
	s6 =	sadd.s32 @!p0 s3, s7;
	s7 =	simm.s32 @!p0 $0x108  }
0x21: {  	s3 =	sadd.s32 s3, s9;
	s6 =	sadd.s32 @!p0 $0x88, s6;
	s7 =	simm.s32 @p2 $0x1082  }
0x22: {  	[simem:s7], [sflag:s8] =	dma.local @!p0 [hbm:s6], $0xF7A  }
0x23: {  	s9 =	sor.u32 $0xD0000000, s2;
	s6 =	simm.s32 $0x108;
	_ =	swait.ge @!p0 [sflag:s8], $0x0  }
0x24: {  	s3 =	sadd.s32 $0x88, s3;
	s6 =	simm.s32 @!p1 $0x1082;
	[sflag:s4] =	ssyncset.s32 $0xFFFFF086  }
0x25: {  	[simem:s6], [sflag:s4] =	dma.local [hbm:s3], $0xF7A  }
0x26: {  	[smem:$0x3F28] =	sst s1;
	(tag) =	ssettag s2;
	_ =	strace s9  }
0x27: {  	s1 =	sld [smem:$0x3F38]  }
0x28: {  	s2 =	sld [smem:$0x3F39]  }
0x29: {  	s4 =	sld [smem:$0x3F3B]  }
0x2a: {  	p0 =	seq.s32 s5, $0x0;
	s5 =	sld [smem:$0x3F3C]  }
0x2b: {  	s6 =	sld [smem:$0x3F3D]  }
0x2c: {  	s7 =	sld [smem:$0x3F3E]  }
0x2d: {  	s3 =	simm.s32 $0x108;
	s8 =	sld [smem:$0x3F3F]  }
0x2e: {  	s3 =	simm.s32 @!p0 $0x1082;
	s9 =	sld [smem:$0x3F40]  }
0x2f: {  	lr =	sadd.s32 s0, s3;
	s0 =	sld [smem:$0x3F37]  }
0x30: {  	s3 =	sld [smem:$0x3F3A]  }
0x31: {  	[smem:$0x3F43] =	sst s10  }
0x32: {  	s10 =	sld [smem:$0x3F41];
	_ =	sdelay $0x3  }
0x33: {  	p0 =	seq.s32 s10, $0x1;
	s10 =	sld [smem:$0x3F43];
	_ =	sdelay $0x3  }
0x34: {  	[smem:$0x3F43] =	sst s10  }
0x35: {  	s10 =	sld [smem:$0x3F42];
	_ =	sdelay $0x3  }
0x36: {  	p1 =	seq.s32 s10, $0x1;
	s10 =	sld [smem:$0x3F43];
	_ =	sdelay $0x3  }
0x37: {  	[smem:$0x3F43] =	sst s10  }
0x38: {  	s10 =	sld [smem:$0x3F44]  }
0x39: {  	_ = 	snop;
	(pc) =	sbr.ind lr, $3  }
0x3a: {  	_ = 	snop  }
0x3b: {  	_ = 	snop  }
0x3c: {  	p2 =	seq.s32 s10, $0x1;
	s10 =	sld [smem:$0x3F43]  }
0x3d: {  	_ =	shalt  }
0x3e: {  	_ =	shalt  }
0x3f: {  	_ =	shalt  }
0x40: {  	_ =	shalt  }
0x41: {  	_ =	shalt  }
0x42: {  	_ =	shalt  }
0x43: {  	_ =	shalt  }
0x44: {  	_ =	shalt  }
0x45: {  	_ =	shalt  }
0x46: {  	_ =	shalt  }
0x47: {  	_ =	shalt  }
0x48: {  	_ =	shalt  }
0x49: {  	_ =	shalt  }
0x4a: {  	_ =	shalt  }
0x4b: {  	_ =	shalt  }
0x4c: {  	_ =	shalt  }
0x4d: {  	_ =	shalt  }
0x4e: {  	_ =	shalt  }
0x4f: {  	_ =	shalt  }
0x50: {  	_ =	shalt  }
0x51: {  	_ =	shalt  }
0x52: {  	_ =	shalt  }
0x53: {  	_ =	shalt  }
0x54: {  	_ =	shalt  }
0x55: {  	_ =	shalt  }
0x56: {  	_ =	shalt  }
0x57: {  	_ =	shalt  }
0x58: {  	_ =	shalt  }
0x59: {  	_ =	shalt  }
0x5a: {  	_ =	shalt  }
0x5b: {  	_ =	shalt  }
0x5c: {  	_ =	shalt  }
0x5d: {  	_ =	shalt  }
0x5e: {  	_ =	shalt  }
0x5f: {  	_ =	shalt  }
0x60: {  	_ =	shalt  }
0x61: {  	_ =	shalt  }
0x62: {  	_ =	shalt  }
0x63: {  	_ =	shalt  }
0x64: {  	_ =	shalt  }
0x65: {  	_ =	shalt  }
0x66: {  	_ =	shalt  }
0x67: {  	_ =	shalt  }
0x68: {  	_ =	shalt  }
0x69: {  	_ =	shalt  }
0x6a: {  	_ =	shalt  }
0x6b: {  	_ =	shalt  }
0x6c: {  	_ =	shalt  }
0x6d: {  	_ =	shalt  }
0x6e: {  	_ =	shalt  }
0x6f: {  	_ =	shalt  }
0x70: {  	_ =	shalt  }
0x71: {  	_ =	shalt  }
0x72: {  	_ =	shalt  }
0x73: {  	_ =	shalt  }
0x74: {  	_ =	shalt  }
0x75: {  	_ =	shalt  }
0x76: {  	_ =	shalt  }
0x77: {  	_ =	shalt  }
0x78: {  	_ =	shalt  }
0x79: {  	_ =	shalt  }
0x7a: {  	_ =	shalt  }
0x7b: {  	_ =	shalt  }
0x7c: {  	_ =	shalt  }
0x7d: {  	_ =	shalt  }
0x7e: {  	_ =	shalt  }
0x7f: {  	_ =	shalt  }
0x80: {  	_ =	shalt  }
0x81: {  	_ =	shalt  }
0x82: {  	_ =	shalt  }
0x83: {  	_ =	shalt  }
0x84: {  	_ =	shalt  }
0x85: {  	_ =	shalt  }
0x86: {  	_ =	shalt  }
0x87: {  	_ =	shalt  }
.Lfunc_end0:
.L_simem_size_0:
called_computation.10_lowered:
.L_overlay_start_0:
0x88: {  	s2 =	sld [smem:$0x3FD9]  }
0x89: {  	s3 =	sld [smem:$0x3FFE];
	_ =	sdelay $0x1  }
0x8a: {  	s1 =	srdreg.scid  }
0x8b: {  	s0 =	sand.u32 $0x1, s1  }
0x8c: {  	s15 =	sshll.u32 s0, $0xA;
	s2 =	sadd.s32 s3, s2  }
0x8d: {  	s2 =	sadd.s32 s2, s15  }
0x8e: {  	[smem:$0x3F4F] =	sst s2  }
0x8f: {  	_ = 	snop  }
0x90: {  	s2 =	sld [smem:$0x3FD0];
	_ =	sdelay $0x2  }
0x91: {  	s4 =	simm.s32 $0xB;
	s16 =	simm.s32 $0x10  }
0x92: {  	[smem:s16], [sflag:s4] =	dma.local [hbm:s2], $0x1  }
0x93: {  	_ =	swait.eq [sflag:s4], $0x1  }
0x94: {  	[sflag:s4] =	ssyncset.done $0x0  }
0x95: {  	s17 =	sld [smem:$0x10];
	[sflag:s4] =	ssyncadd.s32 $0xFFFFFFFF  }
0x96: {  	s18 =	sld [smem:$0x11];
	(tm) =	ssettm $0x1  }
0x97: {  	s19 =	sld [smem:$0x3FFB];
	_ =	sdelay $0x3  }
0x98: {  	_ =	strace s19  }
0x99: {  	s2 =	sld [smem:$0x3FFC];
	_ =	sdelay $0x3  }
0x9a: {  	_ =	strace s2  }
0x9b: {  	s2 =	sld [smem:$0x3FFD];
	_ =	sdelay $0x3  }
0x9c: {  	_ =	strace s2  }
0x9d: {  	_ =	strace $0x8FFFFFFF  }
0x9e: {  	s20 =	sld [smem:$0x3FDB];
	_ =	sdelay $0x1  }
0x9f: {  	s5 =	simm.s32 $_scs_section_size  }
0xa0: {  	s6 =	simm.s32 $_size__tile_overlayer_lowered;
	s7 =	simm.s32 $_tile_overlayer_lowered  }
0xa1: {  	s8 =	simm.s32 $0x1BFF;
	s21 =	sshll.u32 s7, $0x1;
	s5 =	sadd.s32 s5, s20  }
0xa2: {  	s22 =	simm.s32 $0x0;
	s6 =	sshll.u32 s6, $0x1;
	s7 =	sadd.s32 s21, s5  }
0xa3: {  	[timem:s22], [sflag:s8] =	dma.local [hbm:s7], s6  }
0xa4: {  	_ =	swait.ge [sflag:s8], s6  }
0xa5: {  	s6 =	ssub.s32 $0x0, s6;
	[sflag:s8] =	ssyncset.done $0x0  }
0xa6: {  	[sflag:s8] =	ssyncadd.s32 s6;
	_ =	sdelay $0x1  }
0xa7: {  	s23 =	simm.s32 $0x1B8B  }
0xa8: {  	_ =	swait.ge [sflag:s23], $0x1  }
0xa9: {  	[sflag:s23] =	ssyncset.done $0x0  }
0xaa: {  	[sflag:s23] =	ssyncadd.s32 $0xFFFFFFFF  }
0xab: {  	s6 =	sld [smem:$0x0]  }
0xac: {  	s7 =	sand.u32 $0xFFFFFFFE, s1  }
0xad: {  	p0 =	sne.s32 s1, s7  }
0xae: {  	s7 =	sshll.u32 @p0 s7, $0xE  }
0xaf: {  	s7 =	sadd.s32 @p0 $0x11B8D, s7;
	s8 =	sshll.u32 @p0 s6, $0x11  }
0xb0: {  	s7 =	sor.u32 @p0 s8, s7  }
0xb1: {  	[sflag:s7] =	ssyncadd.remote.s32 @p0 $0x1;
	_ =	sdelay $0x1  }
0xb2: {  	s7 =	simm.s32 @p0 $0x1B8D  }
0xb3: {  	_ =	swait.eq @p0 [sflag:s7], $0x1  }
0xb4: {  	[sflag:s7] =	ssyncadd.s32 @p0 $0xFFFFFFFF  }
0xb5: {  	s8 =	sshll.u32 @!p0 s1, $0xE  }
0xb6: {  	s8 =	sor.u32 @!p0 $0x4000, s8;
	s7 =	simm.s32 @!p0 $0x1B8D  }
0xb7: {  	s6 =	sshll.u32 @!p0 s6, $0x11;
	s8 =	sadd.s32 @!p0 $0x11B8D, s8;
	_ =	swait.eq @!p0 [sflag:s7], $0x1  }
0xb8: {  	s6 =	sor.u32 @!p0 s6, s8;
	[sflag:s7] =	ssyncadd.s32 @!p0 $0xFFFFFFFF  }
0xb9: {  	s25 =	simm.s32 $0x1B8E;
	s24 =	sld [smem:$0x3FFE];
	[sflag:s6] =	ssyncadd.remote.s32 @!p0 $0x1  }
0xba: {  	s26 =	simm.s32 $execute0_lowered;
	[smem:$0x3FD2] =	sst s25  }
0xbb: {  	s7 =	sshll.u32 s26, $0x1;
	_ =	strace $0x80000055;
	[dreg:$0x1] =	wrdreg $0xFFFFFFFF  }
0xbc: {  	s28 =	simm.s32 $_size_execute0_lowered;
	s5 =	sadd.s32 s5, s7;
	[dreg:$0x0] =	wrdreg $0x0  }
0xbd: {  	s7 =	sshll.u32 s28, $0x1;
	[dreg:$0x2] =	wrdreg s5  }
0xbe: {  	[dreg:$0x3] =	wrdreg s7  }
0xbf: {  	[dreg:$0x4] =	wrdreg $0xC0  }
0xc0: {  	_ =	task [dreg:s22], $0x5FFFF  }
0xc1: {  	[dreg:$0x1] =	wrdreg $0xFFFFFFFF  }
0xc2: {  	[dreg:$0x0] =	wrdreg $0x60  }
0xc3: {  	[dreg:$0x2] =	wrdreg s18  }
0xc4: {  	[dreg:$0x3] =	wrdreg s24  }
0xc5: {  	[dreg:$0x4] =	wrdreg s17  }
0xc6: {  	[dreg:$0x5] =	wrdreg $0x5500  }
0xc7: {  	[dreg:$0x6] =	wrdreg $0x9  }
0xc8: {  	_ =	task.clear_ibuf [dreg:s22], $0x7FFFF;
	_ =	strace $0x90000055  }
0xc9: {  	s29 =	simm.s32 $0x9;
	_ =	strace $0x80000057  }
0xca: {  	_ =	swait.ge [sflag:s29], $0x1  }
0xcb: {  	[sflag:s29] =	ssyncadd.s32 $0xFFFFFFFF  }
0xcc: {  	_ =	strace $0x90000057  }
0xcd: {  	_ =	sfence  }
0xce: {  	s30 =	sld [smem:$0x0];
	_ =	sdelay $0x2  }
0xcf: {  	s31 =	sshll.u32 s1, $0xD;
	s1 =	sshrl.u32 s1, $0x2  }
0xd0: {  	s4 =	sand.u32 $0x4000, s31;
	s1 =	sadd.s32 s1, s30  }
0xd1: {  	s0 =	sor.u32 s4, s0;
	s1 =	sshll.u32 s1, $0x11  }
0xd2: {  	s0 =	sor.u32 s1, s0  }
0xd3: {  	s0 =	sadd.s32 $0x8F2B, s0  }
0xd4: {  	[sflag:s0] =	ssyncadd.remote.s32 $0x1  }
0xd5: {  	_ =	sfence.sel $0xFFFF  }
0xd6: {  	[dreg:$0x0] =	wrdreg $0xFFFFFFFF;
	(pc) =	sbr.abs _section_cstart, $3  }
0xd7: {  	[dreg:$0x1] =	wrdreg $0xFFFFFFFF  }
0xd8: {  	_ =	task.clear_ibuf [dreg:s22], $0x2FFFF;
	_ =	strace $0x9FFFFFFF  }
0xd9: {  	(tm) =	ssettm $0x7FFFFFFF  }
tec
execute0_lowered:
.L_overlay_start_1:
0x0: {  	(tag) =	ssettag $0x1  }
0x1: {  	s8 =	rddreg [dreg:$0x0]  }
0x2: {  	s6 =	rddreg [dreg:$0x1]  }
0x3: {  	s2 =	rddreg [dreg:$0x2]  }
0x4: {  	s1 =	srdreg.scid;
	s0 =	stileid.u32  }
0x5: {  	s3 =	rddreg [dreg:$0x3];
	s9 =	smul.u32 $0x18700, s0  }
0x6: {  	s4 =	simm.s32 $0x0;
	s7 =	sand.u32 $0x1, s1;
	s12 =	smul.u32 $0x186A0, s0  }
0x7: {  	s13 =	simm.s32 $0x0;
	s1 =	rddreg [dreg:$0x4];
	s5 =	smul.u32 $0x187000, s7  }
0x8: {  	[smem:$0x7FF] =	sst s4;
	s10 =	smul.u32 $0x186A00, s7;
	s7 =	ssub.s32 $0x2, s7  }
0x9: {  	s31 =	sshll.u32 s0, $0x6;
	_ =	strace $0x80000056;
	s28 =	sshrl.u32 s7, $0x1  }
0xa: {  	s29 =	sadd.s32 s9, s3;
	s11 =	sadd.s32 s9, s5;
	s5 =	sadd.s32 $0x1E9800, s6  }
0xb: {  	s10 =	sadd.s32 s12, s10;
	s7 =	ssub.s32 s7, s28;
	s9 =	simm.s32 $0x50  }
0xc: {  	s12 =	sshrl.u32 s29, $0x3;
	s11 =	sshrl.u32 s11, $0x3;
	s30 =	sshrl.u32 s10, $0x3  }
0xd: {  	s7 =	smax.u32 s7, $0x1;
	s10 =	simm.s32 $0x1;
	s6 =	sadd.s32 s11, s6  }
0xe: {  	s8 =	sadd.s32 s30, s8;
	s11 =	sor.u32 $0x1C01, s31;
	s6 =	sadd.s32 $0x1E9A00, s6  }
.LBB2_1:
0xf: {  	[tilespmem:s9], [sflag:$0x1] =	stream.linear.gather [hbm4b:s5+s4], $0x500, $0x38;
	[tilespmem:$0x18C50] =	vst v63  }
0x10: {  	_ =	swait.ge [sflag:s10], $0x500  }
0x11: {  	[sflag:s10] =	ssyncset.done $0x0  }
0x12: {  	[sflag:s10] =	ssyncadd.s32 $0xFFFFFB00  }
0x13: {  	[spmem:s12], [sflag:s11] =	dma.local [hbm:s2], $0x30E0  }
0x14: {  	_ =	swait.ge [sflag:s10], $0x30E0  }
0x15: {  	[sflag:s10] =	ssyncset.done $0x0  }
0x16: {  	[sflag:s10] =	ssyncadd.s32 $0xFFFFCF20  }
0x17: {  	s14 =	sadd.s32 $0x0, s8;
	[bflag:$0x0] =	sbarrier.arrive $0xFFFF  }
0x18: {  	[tilespmem:s4], [sflag:$0x1] =	stream.linear.gather [hbm4b:s14+s4], $0x50, $0x38;
	[tilespmem:$0x18C50] =	vst v63  }
0x19: {  	_ =	swait.ge [sflag:s10], $0x50  }
0x1a: {  	[sflag:s10] =	ssyncset.done $0x0  }
0x1b: {  	[sflag:s10] =	ssyncadd.s32 $0xFFFFFFB0  }
0x1c: {  	[spmem:s3] =	stream.indirect.scatter.add.f32 [tilespmem:s9], [sflag:$0x1], $0x10, s4, s9, $0xb8;
	[tilespmem:$0x18C50] =	vst v63  }
0x1d: {  	_ =	swait.ge [sflag:s10], $0x500  }
0x1e: {  	s15 =	simm.s32 $0x14;
	s14 =	simm.s32 $0xA;
	[sflag:s10] =	ssyncset.done $0x0  }
.LBB2_2:
0x1f: {  	s16 =	sadd.s32 s14, s8  }
0x20: {  	[sflag:s10] =	ssyncadd.s32 $0xFFFFFB00;
	s14 =	smov.u32 s15;
	s17 =	sadd.s32 $0xA, s15  }
0x21: {  	[tilespmem:s4], [sflag:$0x1] =	stream.linear.gather [hbm4b:s16+s4], $0x50, $0x38;
	[tilespmem:$0x18C50] =	vst v63  }
0x22: {  	p0 =	sne.s32 s15, $0x30CA;
	_ =	swait.ge [sflag:s10], $0x50  }
.Ltmp0:
0x23: {  	[sflag:s10] =	ssyncset.done $0x0;
	(pc) =	sbr.rel @p0 .LBB2_2-.Ltmp0, $4  }
0x24: {  	[sflag:s10] =	ssyncadd.s32 $0xFFFFFFB0  }
0x25: {  	[spmem:s3] =	stream.indirect.scatter.add.f32 [tilespmem:s9], [sflag:$0x1], $0x10, s4, s9, $0xb8;
	[tilespmem:$0x18C50] =	vst v63  }
0x26: {  	_ =	swait.ge [sflag:s10], $0x500  }
0x27: {  	s15 =	smov.u32 s17;
	[sflag:s10] =	ssyncset.done $0x0  }
0x28: {  	s14 =	sadd.s32 s14, s8;
	[sflag:s10] =	ssyncadd.s32 $0xFFFFFB00  }
0x29: {  	[tilespmem:s4], [sflag:$0x1] =	stream.linear.gather [hbm4b:s14+s4], $0x50, $0x38;
	[tilespmem:$0x18C50] =	vst v63  }
0x2a: {  	_ =	swait.ge [sflag:s10], $0x50  }
0x2b: {  	[sflag:s10] =	ssyncset.done $0x0  }
0x2c: {  	[sflag:s10] =	ssyncadd.s32 $0xFFFFFFB0  }
0x2d: {  	[spmem:s3] =	stream.indirect.scatter.add.f32 [tilespmem:s9], [sflag:$0x1], $0x10, s4, s9, $0xb8;
	[tilespmem:$0x18C50] =	vst v63  }
0x2e: {  	_ =	swait.ge [sflag:s10], $0x500  }
0x2f: {  	s13 =	sadd.s32 $0x1, s13;
	[sflag:s10] =	ssyncset.done $0x0  }
0x30: {  	p0 =	sne.s32 s13, s7;
	[sflag:s10] =	ssyncadd.s32 $0xFFFFFB00  }
.Ltmp1:
0x31: {  	[bflag:$0x0] =	sbarrier.arrive $0xFFFF;
	(pc) =	sbr.rel @p0 .LBB2_1-.Ltmp1, $4  }
0x32: {  	[hbm:s6], [sflag:s11] =	dma.local [spmem:s12], $0x30E0  }
0x33: {  	_ =	swait.ge [sflag:s10], $0x30E0  }
0x34: {  	[sflag:s10] =	ssyncset.done $0x0  }
0x35: {  	[sflag:s10] =	ssyncadd.s32 $0xFFFFCF20  }
0x36: {  	_ =	sfence.sel $0x180000  }
0x37: {  	[bflag:$0x0] =	sbarrier.arrive $0xFFFF  }
0x38: {  	p0 =	sne.s32 s0, $0x0;
	_ =	strace $0x90000056  }
0x39: {  	s0 =	sadd.s32 @!p0 $0x100000, s1;
	[bflag:$0x2] =	sbarrier.arrive $0xFFFF  }
0x3a: {  	[sflag:s0] =	ssyncadd.tile.s32 @!p0 $0x1;
	_ =	shalt  }
.Lfunc_end2:
_tile_overlayer_lowered:
.L_overlay_start_2:
0x3b: {  	(tag) =	ssettag $0x2  }
0x3c: {  	s0 =	rddreg [dreg:$0x0];
	s2 =	stileid.u32  }
0x3d: {  	s1 =	rddreg [dreg:$0x1];
	p0 =	sne.s32 s2, $0x0  }
0x3e: {  	s3 =	rddreg [dreg:$0x2];
	[bflag:$0x3] =	sbarrier.arrive $0xFFFF;
	s2 =	simm.s32 @!p0 $0x1C01  }
0x3f: {  	[timem:s3], [sflag:s2] =	dma.local @!p0 [hbm:s0], s1  }
0x40: {  	s0 =	simm.s32 @!p0 $0x1  }
0x41: {  	_ =	swait.ge @!p0 [sflag:s0], s1  }
0x42: {  	s1 =	ssub.s32 @!p0 $0x0, s1;
	[sflag:s0] =	ssyncset.done @!p0 $0x0  }
0x43: {  	[sflag:s0] =	ssyncadd.s32 @!p0 s1  }
0x44: {  	[bflag:$0x3] =	sbarrier.arrive $0xFFFF  }
0x45: {  	_ =	shalt  }

// kernel: kernel.14.cloned.1.call-start
scs
__scs_entry_jumppad:
0x0: {  	(pc) =	sbr.rel $0x88, $3  }
0x1: {  	(tag) =	ssettag $0x0;
	lr =	simm.s32 $0x1  }
0x2: {  	[smem:$0x3F28] =	sst lr;
	_ =	strace $0xD0000000  }
0x3: {  	_ = 	snop  }
0x4: {  	_ = 	snop  }
0x5: {  	_ = 	snop  }
0x6: {  	_ = 	snop  }
0x7: {  	_ = 	snop  }
__scs_overlays_trampoline_lowered:
0x8: {  	[smem:$0x3F37] =	sst s0  }
0x9: {  	[smem:$0x3F38] =	sst s1  }
0xa: {  	[smem:$0x3F39] =	sst s2  }
0xb: {  	[smem:$0x3F3A] =	sst s3  }
0xc: {  	[smem:$0x3F3B] =	sst s4  }
0xd: {  	[smem:$0x3F3C] =	sst s5  }
0xe: {  	[smem:$0x3F3D] =	sst s6  }
0xf: {  	[smem:$0x3F3E] =	sst s7  }
0x10: {  	[smem:$0x3F3F] =	sst s8  }
0x11: {  	[smem:$0x3F40] =	sst s9;
	s0 =	simm.s32 @!p0 $0x0  }
0x12: {  	s1 =	sld [smem:$0x3F26];
	s0 =	simm.s32 @p0 $0x1  }
0x13: {  	[smem:$0x3F41] =	sst s0;
	s0 =	simm.s32 @!p1 $0x0  }
0x14: {  	s2 =	sld [smem:$0x3F25];
	s0 =	simm.s32 @p1 $0x1  }
0x15: {  	[smem:$0x3F42] =	sst s0;
	s0 =	simm.s32 @!p2 $0x0  }
0x16: {  	s3 =	sld [smem:$0x3FDB];
	s0 =	simm.s32 @p2 $0x1  }
0x17: {  	s4 =	simm.s32 $0x1BF5;
	[smem:$0x3F44] =	sst s0  }
0x18: {  	s0 =	sld [smem:$0x3F27];
	_ =	swait.ge [sflag:s4], $0x0  }
0x19: {  	s7 =	sld [smem:$0x3F28]  }
0x1a: {  	s8 =	sadd.s32 $0xFFFFE003, lr  }
0x1b: {  	s9 =	sadd.s32 $0xFFFFFEF7, lr;
	s5 =	simm.s32 $0xFFFFFFFF;
	p2 =	slt.u32 s8, $0xFFFFF086  }
0x1c: {  	p1 =	slt.u32 s9, $0xF7A;
	s5 =	simm.s32 @!p2 $0x0  }
0x1d: {  	s5 =	simm.s32 @p1 $0x1;
	p0 =	seq.s32 s7, s2  }
0x1e: {  	s7 =	smul.u32 @!p0 $0xF7A, s2;
	p2 =	seq.s32 @!p0 s5, $0x0  }
0x1f: {  	s9 =	smul.u32 $0xF7A, s1;
	s8 =	simm.s32 @!p0 $0x1BF5;
	p2 =	por !p2, p0  }
0x20: {  	[sflag:s8] =	ssyncset.s32 @!p0 $0xFFFFF086;
	s6 =	sadd.s32 @!p0 s3, s7;
	s7 =	simm.s32 @!p0 $0x108  }
0x21: {  	s3 =	sadd.s32 s3, s9;
	s6 =	sadd.s32 @!p0 $0x88, s6;
	s7 =	simm.s32 @p2 $0x1082  }
0x22: {  	[simem:s7], [sflag:s8] =	dma.local @!p0 [hbm:s6], $0xF7A  }
0x23: {  	s9 =	sor.u32 $0xD0000000, s2;
	s6 =	simm.s32 $0x108;
	_ =	swait.ge @!p0 [sflag:s8], $0x0  }
0x24: {  	s3 =	sadd.s32 $0x88, s3;
	s6 =	simm.s32 @!p1 $0x1082;
	[sflag:s4] =	ssyncset.s32 $0xFFFFF086  }
0x25: {  	[simem:s6], [sflag:s4] =	dma.local [hbm:s3], $0xF7A  }
0x26: {  	[smem:$0x3F28] =	sst s1;
	(tag) =	ssettag s2;
	_ =	strace s9  }
0x27: {  	s1 =	sld [smem:$0x3F38]  }
0x28: {  	s2 =	sld [smem:$0x3F39]  }
0x29: {  	s4 =	sld [smem:$0x3F3B]  }
0x2a: {  	p0 =	seq.s32 s5, $0x0;
	s5 =	sld [smem:$0x3F3C]  }
0x2b: {  	s6 =	sld [smem:$0x3F3D]  }
0x2c: {  	s7 =	sld [smem:$0x3F3E]  }
0x2d: {  	s3 =	simm.s32 $0x108;
	s8 =	sld [smem:$0x3F3F]  }
0x2e: {  	s3 =	simm.s32 @!p0 $0x1082;
	s9 =	sld [smem:$0x3F40]  }
0x2f: {  	lr =	sadd.s32 s0, s3;
	s0 =	sld [smem:$0x3F37]  }
0x30: {  	s3 =	sld [smem:$0x3F3A]  }
0x31: {  	[smem:$0x3F43] =	sst s10  }
0x32: {  	s10 =	sld [smem:$0x3F41];
	_ =	sdelay $0x3  }
0x33: {  	p0 =	seq.s32 s10, $0x1;
	s10 =	sld [smem:$0x3F43];
	_ =	sdelay $0x3  }
0x34: {  	[smem:$0x3F43] =	sst s10  }
0x35: {  	s10 =	sld [smem:$0x3F42];
	_ =	sdelay $0x3  }
0x36: {  	p1 =	seq.s32 s10, $0x1;
	s10 =	sld [smem:$0x3F43];
	_ =	sdelay $0x3  }
0x37: {  	[smem:$0x3F43] =	sst s10  }
0x38: {  	s10 =	sld [smem:$0x3F44]  }
0x39: {  	_ = 	snop;
	(pc) =	sbr.ind lr, $3  }
0x3a: {  	_ = 	snop  }
0x3b: {  	_ = 	snop  }
0x3c: {  	p2 =	seq.s32 s10, $0x1;
	s10 =	sld [smem:$0x3F43]  }
0x3d: {  	_ =	shalt  }
0x3e: {  	_ =	shalt  }
0x3f: {  	_ =	shalt  }
0x40: {  	_ =	shalt  }
0x41: {  	_ =	shalt  }
0x42: {  	_ =	shalt  }
0x43: {  	_ =	shalt  }
0x44: {  	_ =	shalt  }
0x45: {  	_ =	shalt  }
0x46: {  	_ =	shalt  }
0x47: {  	_ =	shalt  }
0x48: {  	_ =	shalt  }
0x49: {  	_ =	shalt  }
0x4a: {  	_ =	shalt  }
0x4b: {  	_ =	shalt  }
0x4c: {  	_ =	shalt  }
0x4d: {  	_ =	shalt  }
0x4e: {  	_ =	shalt  }
0x4f: {  	_ =	shalt  }
0x50: {  	_ =	shalt  }
0x51: {  	_ =	shalt  }
0x52: {  	_ =	shalt  }
0x53: {  	_ =	shalt  }
0x54: {  	_ =	shalt  }
0x55: {  	_ =	shalt  }
0x56: {  	_ =	shalt  }
0x57: {  	_ =	shalt  }
0x58: {  	_ =	shalt  }
0x59: {  	_ =	shalt  }
0x5a: {  	_ =	shalt  }
0x5b: {  	_ =	shalt  }
0x5c: {  	_ =	shalt  }
0x5d: {  	_ =	shalt  }
0x5e: {  	_ =	shalt  }
0x5f: {  	_ =	shalt  }
0x60: {  	_ =	shalt  }
0x61: {  	_ =	shalt  }
0x62: {  	_ =	shalt  }
0x63: {  	_ =	shalt  }
0x64: {  	_ =	shalt  }
0x65: {  	_ =	shalt  }
0x66: {  	_ =	shalt  }
0x67: {  	_ =	shalt  }
0x68: {  	_ =	shalt  }
0x69: {  	_ =	shalt  }
0x6a: {  	_ =	shalt  }
0x6b: {  	_ =	shalt  }
0x6c: {  	_ =	shalt  }
0x6d: {  	_ =	shalt  }
0x6e: {  	_ =	shalt  }
0x6f: {  	_ =	shalt  }
0x70: {  	_ =	shalt  }
0x71: {  	_ =	shalt  }
0x72: {  	_ =	shalt  }
0x73: {  	_ =	shalt  }
0x74: {  	_ =	shalt  }
0x75: {  	_ =	shalt  }
0x76: {  	_ =	shalt  }
0x77: {  	_ =	shalt  }
0x78: {  	_ =	shalt  }
0x79: {  	_ =	shalt  }
0x7a: {  	_ =	shalt  }
0x7b: {  	_ =	shalt  }
0x7c: {  	_ =	shalt  }
0x7d: {  	_ =	shalt  }
0x7e: {  	_ =	shalt  }
0x7f: {  	_ =	shalt  }
0x80: {  	_ =	shalt  }
0x81: {  	_ =	shalt  }
0x82: {  	_ =	shalt  }
0x83: {  	_ =	shalt  }
0x84: {  	_ =	shalt  }
0x85: {  	_ =	shalt  }
0x86: {  	_ =	shalt  }
0x87: {  	_ =	shalt  }
.Lfunc_end0:
.L_simem_size_0:
called_computation.11_lowered:
.L_overlay_start_0:
0x88: {  	s2 =	sld [smem:$0x3FD9]  }
0x89: {  	s3 =	sld [smem:$0x3FFE];
	_ =	sdelay $0x1  }
0x8a: {  	s1 =	srdreg.scid  }
0x8b: {  	s0 =	sand.u32 $0x1, s1  }
0x8c: {  	s14 =	sshll.u32 s0, $0xA;
	s2 =	sadd.s32 s3, s2  }
0x8d: {  	s2 =	sadd.s32 s2, s14  }
0x8e: {  	[smem:$0x3F4F] =	sst s2  }
0x8f: {  	_ = 	snop  }
0x90: {  	s2 =	sld [smem:$0x3FD0];
	_ =	sdelay $0x2  }
0x91: {  	s15 =	simm.s32 $0xB;
	s4 =	simm.s32 $0x10  }
0x92: {  	[smem:s4], [sflag:s15] =	dma.local [hbm:s2], $0x1  }
0x93: {  	_ =	swait.eq [sflag:s15], $0x1  }
0x94: {  	[sflag:s15] =	ssyncset.done $0x0  }
0x95: {  	[sflag:s15] =	ssyncadd.s32 $0xFFFFFFFF  }
0x96: {  	s16 =	sld [smem:$0x11];
	(tm) =	ssettm $0x1  }
0x97: {  	s17 =	sld [smem:$0x3FFB];
	_ =	sdelay $0x3  }
0x98: {  	_ =	strace s17  }
0x99: {  	s3 =	sld [smem:$0x3FFC];
	_ =	sdelay $0x3  }
0x9a: {  	_ =	strace s3  }
0x9b: {  	s3 =	sld [smem:$0x3FFD];
	_ =	sdelay $0x3  }
0x9c: {  	_ =	strace s3  }
0x9d: {  	_ =	strace $0x8FFFFFFF  }
0x9e: {  	s18 =	sld [smem:$0x3FDB];
	_ =	sdelay $0x1  }
0x9f: {  	s19 =	simm.s32 $_scs_section_size  }
0xa0: {  	s5 =	simm.s32 $_size__tile_overlayer_lowered;
	s6 =	simm.s32 $_tile_overlayer_lowered  }
0xa1: {  	s22 =	simm.s32 $0x1BFF;
	s21 =	sshll.u32 s6, $0x1;
	s3 =	sadd.s32 s19, s18  }
0xa2: {  	s7 =	simm.s32 $0x0;
	s20 =	sshll.u32 s5, $0x1;
	s5 =	sadd.s32 s21, s3  }
0xa3: {  	[timem:s7], [sflag:s22] =	dma.local [hbm:s5], s20  }
0xa4: {  	_ =	swait.ge [sflag:s22], s20  }
0xa5: {  	s4 =	ssub.s32 $0x0, s20;
	[sflag:s22] =	ssyncset.done $0x0  }
0xa6: {  	[sflag:s22] =	ssyncadd.s32 s4;
	_ =	sdelay $0x1  }
0xa7: {  	s23 =	simm.s32 $0x1B8B  }
0xa8: {  	_ =	swait.ge [sflag:s23], $0x1  }
0xa9: {  	[sflag:s23] =	ssyncset.done $0x0  }
0xaa: {  	s25 =	simm.s32 $0x1B8E;
	s24 =	sld [smem:$0x3FFE];
	[sflag:s23] =	ssyncadd.s32 $0xFFFFFFFF  }
0xab: {  	s26 =	simm.s32 $execute0_lowered;
	[smem:$0x3FD2] =	sst s25  }
0xac: {  	s5 =	sshll.u32 s26, $0x1;
	_ =	strace $0x80000046;
	[dreg:$0x1] =	wrdreg $0xFFFFFFFF  }
0xad: {  	s28 =	simm.s32 $_size_execute0_lowered;
	s3 =	sadd.s32 s3, s5;
	[dreg:$0x0] =	wrdreg $0x0  }
0xae: {  	s5 =	sshll.u32 s28, $0x1;
	[dreg:$0x2] =	wrdreg s3  }
0xaf: {  	[dreg:$0x3] =	wrdreg s5  }
0xb0: {  	[dreg:$0x4] =	wrdreg $0xC0  }
0xb1: {  	_ =	task [dreg:s7], $0x5FFFF  }
0xb2: {  	[dreg:$0x1] =	wrdreg $0xFFFFFFFF  }
0xb3: {  	[dreg:$0x0] =	wrdreg $0x60  }
0xb4: {  	[dreg:$0x2] =	wrdreg s16  }
0xb5: {  	[dreg:$0x3] =	wrdreg s24  }
0xb6: {  	[dreg:$0x4] =	wrdreg $0x9  }
0xb7: {  	_ =	task.clear_ibuf [dreg:s7], $0x5FFFF;
	_ =	strace $0x90000046  }
0xb8: {  	s29 =	simm.s32 $0x9;
	_ =	strace $0x80000048  }
0xb9: {  	_ =	swait.ge [sflag:s29], $0x1  }
0xba: {  	[sflag:s29] =	ssyncadd.s32 $0xFFFFFFFF  }
0xbb: {  	_ =	strace $0x90000048  }
0xbc: {  	_ =	sfence  }
0xbd: {  	s30 =	sld [smem:$0x0];
	_ =	sdelay $0x2  }
0xbe: {  	s31 =	sshll.u32 s1, $0xD;
	s1 =	sshrl.u32 s1, $0x2  }
0xbf: {  	s3 =	sand.u32 $0x4000, s31;
	s1 =	sadd.s32 s1, s30  }
0xc0: {  	s0 =	sor.u32 s3, s0;
	s1 =	sshll.u32 s1, $0x11  }
0xc1: {  	s0 =	sor.u32 s1, s0  }
0xc2: {  	s0 =	sadd.s32 $0x8F2B, s0  }
0xc3: {  	[sflag:s0] =	ssyncadd.remote.s32 $0x1  }
0xc4: {  	_ =	sfence.sel $0xFFFF  }
0xc5: {  	[dreg:$0x0] =	wrdreg $0xFFFFFFFF;
	(pc) =	sbr.abs _section_cstart, $3  }
0xc6: {  	[dreg:$0x1] =	wrdreg $0xFFFFFFFF  }
0xc7: {  	_ =	task.clear_ibuf [dreg:s7], $0x2FFFF;
	_ =	strace $0x9FFFFFFF  }
0xc8: {  	(tm) =	ssettm $0x7FFFFFFF  }
0xc9: {  	_ =	shalt  }
tec
execute0_lowered:
.L_overlay_start_1:
0x0: {  	(tag) =	ssettag $0x1  }
0x1: {  	s2 =	rddreg [dreg:$0x0]  }
0x2: {  	s4 =	rddreg [dreg:$0x1]  }
0x3: {  	s0 =	rddreg [dreg:$0x2]  }
0x4: {  	s5 =	srdreg.scid;
	s1 =	stileid.u32;
	s3 =	simm.s32 $0x0  }
0x5: {  	s11 =	simm.s32 $0xA0;
	s12 =	simm.s32 $0xAA0;
	s6 =	smul.u32 $0x186A0, s1  }
0x6: {  	s13 =	simm.s32 $0x1;
	s5 =	sand.u32 $0x1, s5;
	s8 =	smul.u32 $0x61A80, s1  }
0x7: {  	s14 =	simm.s32 $0x2;
	s15 =	simm.s32 $0x0;
	s7 =	smul.u32 $0xC350, s5  }
0x8: {  	[smem:$0x7FF] =	sst s3;
	s29 =	ssub.s32 $0x2, s5;
	s5 =	smul.u32 $0x30D40, s5  }
0x9: {  	_ =	strace $0x80000047;
	s8 =	sadd.s32 s8, s4;
	s9 =	sshrl.u32 s29, $0x1  }
0xa: {  	s6 =	sadd.s32 s7, s6;
	s30 =	ssub.s32 s29, s9;
	s31 =	sadd.s32 s5, s8  }
0xb: {  	s9 =	simm.s32 $0x3;
	s6 =	sshrl.u32 s6, $0x3;
	s5 =	sadd.s32 $0x804000, s31  }
0xc: {  	s10 =	sadd.s32 s6, s4;
	s4 =	smax.u32 s30, $0x1;
	s6 =	sadd.s32 $0x1E9800, s31  }
0xd: {  	s7 =	sadd.s32 $0x32000, s10;
	s8 =	sadd.s32 $0x1200, s10;
	s10 =	simm.s32 $0x50  }
.LBB2_1:
0xe: {  	s16 =	sadd.s32 $0x0, s8  }
0xf: {  	[tilespmem:s3], [sflag:$0x3] =	stream.linear.gather [hbm4b:s16+s3], $0x50, $0x38;
	[tilespmem:$0x14A0] =	vst v63  }
0x10: {  	_ =	swait.ge [sflag:s9], $0x50  }
0x11: {  	[sflag:s9] =	ssyncset.done $0x0  }
0x12: {  	s31 =	sadd.s32 $0x0, s7;
	[sflag:s9] =	ssyncadd.s32 $0xFFFFFFB0  }
0x13: {  	[tilespmem:s10], [sflag:$0x3] =	stream.linear.gather [hbm4b:s31+s3], $0x50, $0x38;
	[tilespmem:$0x14A0] =	vst v63  }
0x14: {  	_ =	swait.ge [sflag:s9], $0x50  }
0x15: {  	[sflag:s9] =	ssyncset.done $0x0  }
0x16: {  	[sflag:s9] =	ssyncadd.s32 $0xFFFFFFB0  }
0x17: {  	[tilespmem:s11], [sflag:$0x1] =	stream.indirect.gather [hbm4b:s2+s10], $0x20, s3, s10, $0xb8;
	[tilespmem:$0x14A0] =	vst v63  }
0x18: {  	_ = 	snop  }
0x19: {  	[tilespmem:s12], [sflag:$0x2] =	stream.indirect.gather [hbm4b:s2+s10], $0x20, s10, s10, $0xb8;
	[tilespmem:$0x14A0] =	vst v63  }
0x1a: {  	_ =	swait.ge [sflag:s13], $0xA00  }
0x1b: {  	[sflag:s13] =	ssyncset.done $0x0  }
0x1c: {  	[sflag:s13] =	ssyncadd.s32 $0xFFFFF600  }
0x1d: {  	[hbm4b:s6+s3] =	stream.linear.scatter [tilespmem:s11], [sflag:$0x3], $0xA00, $0x38;
	[tilespmem:$0x14A0] =	vst v63  }
0x1e: {  	_ =	swait.ge [sflag:s9], $0xA00  }
0x1f: {  	[sflag:s9] =	ssyncset.done $0x0  }
0x20: {  	[sflag:s9] =	ssyncadd.s32 $0xFFFFF600  }
0x21: {  	_ =	swait.ge [sflag:s14], $0xA00  }
0x22: {  	[sflag:s14] =	ssyncset.done $0x0  }
0x23: {  	[sflag:s14] =	ssyncadd.s32 $0xFFFFF600  }
0x24: {  	[hbm4b:s5+s3] =	stream.linear.scatter [tilespmem:s12], [sflag:$0x3], $0xA00, $0x38;
	[tilespmem:$0x14A0] =	vst v63  }
0x25: {  	s18 =	simm.s32 $0xA;
	s19 =	simm.s32 $0x14;
	_ =	swait.ge [sflag:s9], $0xA00  }
0x26: {  	s17 =	sadd.s32 $0x140, s6;
	s16 =	sadd.s32 $0x140, s5;
	[sflag:s9] =	ssyncset.done $0x0  }
.LBB2_2:
0x27: {  	s20 =	sadd.s32 s18, s8  }
0x28: {  	[sflag:s9] =	ssyncadd.s32 $0xFFFFF600;
	s21 =	smov.u32 s19;
	s22 =	sadd.s32 $0xA, s19  }
0x29: {  	[tilespmem:s3], [sflag:$0x3] =	stream.linear.gather [hbm4b:s20+s3], $0x50, $0x38;
	[tilespmem:$0x14A0] =	vst v63  }
0x2a: {  	p0 =	sne.s32 s19, $0x1860;
	_ =	swait.ge [sflag:s9], $0x50  }
0x2b: {  	[sflag:s9] =	ssyncset.done $0x0  }
0x2c: {  	s19 =	sadd.s32 s18, s7;
	s18 =	smov.u32 s21;
	[sflag:s9] =	ssyncadd.s32 $0xFFFFFFB0  }
0x2d: {  	[tilespmem:s10], [sflag:$0x3] =	stream.linear.gather [hbm4b:s19+s3], $0x50, $0x38;
	[tilespmem:$0x14A0] =	vst v63  }
0x2e: {  	_ =	swait.ge [sflag:s9], $0x50  }
0x2f: {  	[sflag:s9] =	ssyncset.done $0x0  }
0x30: {  	[sflag:s9] =	ssyncadd.s32 $0xFFFFFFB0  }
0x31: {  	[tilespmem:s11], [sflag:$0x1] =	stream.indirect.gather [hbm4b:s2+s10], $0x20, s3, s10, $0xb8;
	[tilespmem:$0x14A0] =	vst v63  }
0x32: {  	_ = 	snop  }
0x33: {  	[tilespmem:s12], [sflag:$0x2] =	stream.indirect.gather [hbm4b:s2+s10], $0x20, s10, s10, $0xb8;
	[tilespmem:$0x14A0] =	vst v63  }
0x34: {  	_ =	swait.ge [sflag:s13], $0xA00  }
0x35: {  	[sflag:s13] =	ssyncset.done $0x0  }
0x36: {  	[sflag:s13] =	ssyncadd.s32 $0xFFFFF600  }
0x37: {  	[hbm4b:s17+s3] =	stream.linear.scatter [tilespmem:s11], [sflag:$0x3], $0xA00, $0x38;
	[tilespmem:$0x14A0] =	vst v63  }
0x38: {  	_ =	swait.ge [sflag:s9], $0xA00  }
0x39: {  	[sflag:s9] =	ssyncset.done $0x0  }
0x3a: {  	[sflag:s9] =	ssyncadd.s32 $0xFFFFF600  }
0x3b: {  	_ =	swait.ge [sflag:s14], $0xA00  }
.Ltmp0:
0x3c: {  	[sflag:s14] =	ssyncset.done $0x0;
	(pc) =	sbr.rel @p0 .LBB2_2-.Ltmp0, $4  }
0x3d: {  	[sflag:s14] =	ssyncadd.s32 $0xFFFFF600  }
0x3e: {  	[hbm4b:s16+s3] =	stream.linear.scatter [tilespmem:s12], [sflag:$0x3], $0xA00, $0x38;
	[tilespmem:$0x14A0] =	vst v63  }
0x3f: {  	s19 =	smov.u32 s22;
	_ =	swait.ge [sflag:s9], $0xA00  }
0x40: {  	s17 =	sadd.s32 $0x140, s17;
	s16 =	sadd.s32 $0x140, s16;
	[sflag:s9] =	ssyncset.done $0x0  }
0x41: {  	s19 =	sadd.s32 s18, s8;
	[sflag:s9] =	ssyncadd.s32 $0xFFFFF600  }
0x42: {  	[tilespmem:s3], [sflag:$0x3] =	stream.linear.gather [hbm4b:s19+s3], $0x50, $0x38;
	[tilespmem:$0x14A0] =	vst v63  }
0x43: {  	_ =	swait.ge [sflag:s9], $0x50  }
0x44: {  	[sflag:s9] =	ssyncset.done $0x0  }
0x45: {  	s31 =	sadd.s32 s18, s7;
	[sflag:s9] =	ssyncadd.s32 $0xFFFFFFB0  }
0x46: {  	[tilespmem:s10], [sflag:$0x3] =	stream.linear.gather [hbm4b:s31+s3], $0x50, $0x38;
	[tilespmem:$0x14A0] =	vst v63  }
0x47: {  	_ =	swait.ge [sflag:s9], $0x50  }
0x48: {  	[sflag:s9] =	ssyncset.done $0x0  }
0x49: {  	[sflag:s9] =	ssyncadd.s32 $0xFFFFFFB0  }
0x4a: {  	[tilespmem:s11], [sflag:$0x1] =	stream.indirect.gather [hbm4b:s2+s10], $0x20, s3, s10, $0xb8;
	[tilespmem:$0x14A0] =	vst v63  }
0x4b: {  	_ = 	snop  }
0x4c: {  	[tilespmem:s12], [sflag:$0x2] =	stream.indirect.gather [hbm4b:s2+s10], $0x20, s10, s10, $0xb8;
	[tilespmem:$0x14A0] =	vst v63  }
0x4d: {  	_ =	swait.ge [sflag:s13], $0xA00  }
0x4e: {  	[sflag:s13] =	ssyncset.done $0x0  }
0x4f: {  	[sflag:s13] =	ssyncadd.s32 $0xFFFFF600  }
0x50: {  	[hbm4b:s17+s3] =	stream.linear.scatter [tilespmem:s11], [sflag:$0x3], $0xA00, $0x38;
	[tilespmem:$0x14A0] =	vst v63  }
0x51: {  	_ =	swait.ge [sflag:s9], $0xA00  }
0x52: {  	[sflag:s9] =	ssyncset.done $0x0  }
0x53: {  	[sflag:s9] =	ssyncadd.s32 $0xFFFFF600  }
0x54: {  	s15 =	sadd.s32 $0x1, s15;
	_ =	swait.ge [sflag:s14], $0xA00  }
0x55: {  	p0 =	sne.s32 s15, s4;
	[sflag:s14] =	ssyncset.done $0x0  }
.Ltmp1:
0x56: {  	[sflag:s14] =	ssyncadd.s32 $0xFFFFF600;
	(pc) =	sbr.rel @p0 .LBB2_1-.Ltmp1, $4  }
0x57: {  	[hbm4b:s16+s3] =	stream.linear.scatter [tilespmem:s12], [sflag:$0x3], $0xA00, $0x38;
	[tilespmem:$0x14A0] =	vst v63  }
0x58: {  	_ =	swait.ge [sflag:s9], $0xA00  }
0x59: {  	[sflag:s9] =	ssyncset.done $0x0  }
0x5a: {  	[sflag:s9] =	ssyncadd.s32 $0xFFFFF600  }
0x5b: {  	_ =	sfence.sel $0x180000  }
0x5c: {  	[bflag:$0x0] =	sbarrier.arrive $0xFFFF  }
0x5d: {  	p0 =	sne.s32 s1, $0x0;
	_ =	strace $0x90000047  }
0x5e: {  	s0 =	sadd.s32 @!p0 $0x100000, s0;
	[bflag:$0x2] =	sbarrier.arrive $0xFFFF  }
0x5f: {  	[sflag:s0] =	ssyncadd.tile.s32 @!p0 $0x1;
	_ =	shalt  }
.Lfunc_end2:
_tile_overlayer_lowered:
.L_overlay_start_2:
0x60: {  	(tag) =	ssettag $0x2  }
0x61: {  	s0 =	rddreg [dreg:$0x0];
	s2 =	stileid.u32  }
0x62: {  	s1 =	rddreg [dreg:$0x1];
	p0 =	sne.s32 s2, $0x0  }
0x63: {  	s3 =	rddreg [dreg:$0x2];
	[bflag:$0x3] =	sbarrier.arrive $0xFFFF;
	s2 =	simm.s32 @!p0 $0x1C03  }
0x64: {  	[timem:s3], [sflag:s2] =	dma.local @!p0 [hbm:s0], s1  }
0x65: {  	s0 =	simm.s32 @!p0 $0x3  }
0x66: {  	_ =	swait.ge @!p0 [sflag:s0], s1  }
0x67: {  	s1 =	ssub.s32 @!p0 $0x0, s1;
	[sflag:s0] =	ssyncset.done @!p0 $0x0  }
0x68: {  	[sflag:s0] =	ssyncadd.s32 @!p0 s1  }
0x69: {  	[bflag:$0x3] =	sbarrier.arrive $0xFFFF  }
0x6a: {  	_ =	shalt  }

// kernel: kernel.17.cloned.1.call-start
scs
__scs_entry_jumppad:
0x0: {  	(pc) =	sbr.rel $0x88, $3  }
0x1: {  	(tag) =	ssettag $0x0;
	lr =	simm.s32 $0x1  }
0x2: {  	[smem:$0x3F28] =	sst lr;
	_ =	strace $0xD0000000  }
0x3: {  	_ = 	snop  }
0x4: {  	_ = 	snop  }
0x5: {  	_ = 	snop  }
0x6: {  	_ = 	snop  }
0x7: {  	_ = 	snop  }
__scs_overlays_trampoline_lowered:
0x8: {  	[smem:$0x3F37] =	sst s0  }
0x9: {  	[smem:$0x3F38] =	sst s1  }
0xa: {  	[smem:$0x3F39] =	sst s2  }
0xb: {  	[smem:$0x3F3A] =	sst s3  }
0xc: {  	[smem:$0x3F3B] =	sst s4  }
0xd: {  	[smem:$0x3F3C] =	sst s5  }
0xe: {  	[smem:$0x3F3D] =	sst s6  }
0xf: {  	[smem:$0x3F3E] =	sst s7  }
0x10: {  	[smem:$0x3F3F] =	sst s8  }
0x11: {  	[smem:$0x3F40] =	sst s9;
	s0 =	simm.s32 @!p0 $0x0  }
0x12: {  	s1 =	sld [smem:$0x3F26];
	s0 =	simm.s32 @p0 $0x1  }
0x13: {  	[smem:$0x3F41] =	sst s0;
	s0 =	simm.s32 @!p1 $0x0  }
0x14: {  	s2 =	sld [smem:$0x3F25];
	s0 =	simm.s32 @p1 $0x1  }
0x15: {  	[smem:$0x3F42] =	sst s0;
	s0 =	simm.s32 @!p2 $0x0  }
0x16: {  	s3 =	sld [smem:$0x3FDB];
	s0 =	simm.s32 @p2 $0x1  }
0x17: {  	s4 =	simm.s32 $0x1BF5;
	[smem:$0x3F44] =	sst s0  }
0x18: {  	s0 =	sld [smem:$0x3F27];
	_ =	swait.ge [sflag:s4], $0x0  }
0x19: {  	s7 =	sld [smem:$0x3F28]  }
0x1a: {  	s8 =	sadd.s32 $0xFFFFE003, lr  }
0x1b: {  	s9 =	sadd.s32 $0xFFFFFEF7, lr;
	s5 =	simm.s32 $0xFFFFFFFF;
	p2 =	slt.u32 s8, $0xFFFFF086  }
0x1c: {  	p1 =	slt.u32 s9, $0xF7A;
	s5 =	simm.s32 @!p2 $0x0  }
0x1d: {  	s5 =	simm.s32 @p1 $0x1;
	p0 =	seq.s32 s7, s2  }
0x1e: {  	s7 =	smul.u32 @!p0 $0xF7A, s2;
	p2 =	seq.s32 @!p0 s5, $0x0  }
0x1f: {  	s9 =	smul.u32 $0xF7A, s1;
	s8 =	simm.s32 @!p0 $0x1BF5;
	p2 =	por !p2, p0  }
0x20: {  	[sflag:s8] =	ssyncset.s32 @!p0 $0xFFFFF086;
	s6 =	sadd.s32 @!p0 s3, s7;
	s7 =	simm.s32 @!p0 $0x108  }
0x21: {  	s3 =	sadd.s32 s3, s9;
	s6 =	sadd.s32 @!p0 $0x88, s6;
	s7 =	simm.s32 @p2 $0x1082  }
0x22: {  	[simem:s7], [sflag:s8] =	dma.local @!p0 [hbm:s6], $0xF7A  }
0x23: {  	s9 =	sor.u32 $0xD0000000, s2;
	s6 =	simm.s32 $0x108;
	_ =	swait.ge @!p0 [sflag:s8], $0x0  }
0x24: {  	s3 =	sadd.s32 $0x88, s3;
	s6 =	simm.s32 @!p1 $0x1082;
	[sflag:s4] =	ssyncset.s32 $0xFFFFF086  }
0x25: {  	[simem:s6], [sflag:s4] =	dma.local [hbm:s3], $0xF7A  }
0x26: {  	[smem:$0x3F28] =	sst s1;
	(tag) =	ssettag s2;
	_ =	strace s9  }
0x27: {  	s1 =	sld [smem:$0x3F38]  }
0x28: {  	s2 =	sld [smem:$0x3F39]  }
0x29: {  	s4 =	sld [smem:$0x3F3B]  }
0x2a: {  	p0 =	seq.s32 s5, $0x0;
	s5 =	sld [smem:$0x3F3C]  }
0x2b: {  	s6 =	sld [smem:$0x3F3D]  }
0x2c: {  	s7 =	sld [smem:$0x3F3E]  }
0x2d: {  	s3 =	simm.s32 $0x108;
	s8 =	sld [smem:$0x3F3F]  }
0x2e: {  	s3 =	simm.s32 @!p0 $0x1082;
	s9 =	sld [smem:$0x3F40]  }
0x2f: {  	lr =	sadd.s32 s0, s3;
	s0 =	sld [smem:$0x3F37]  }
0x30: {  	s3 =	sld [smem:$0x3F3A]  }
0x31: {  	[smem:$0x3F43] =	sst s10  }
0x32: {  	s10 =	sld [smem:$0x3F41];
	_ =	sdelay $0x3  }
0x33: {  	p0 =	seq.s32 s10, $0x1;
	s10 =	sld [smem:$0x3F43];
	_ =	sdelay $0x3  }
0x34: {  	[smem:$0x3F43] =	sst s10  }
0x35: {  	s10 =	sld [smem:$0x3F42];
	_ =	sdelay $0x3  }
0x36: {  	p1 =	seq.s32 s10, $0x1;
	s10 =	sld [smem:$0x3F43];
	_ =	sdelay $0x3  }
0x37: {  	[smem:$0x3F43] =	sst s10  }
0x38: {  	s10 =	sld [smem:$0x3F44]  }
0x39: {  	_ = 	snop;
	(pc) =	sbr.ind lr, $3  }
0x3a: {  	_ = 	snop  }
0x3b: {  	_ = 	snop  }
0x3c: {  	p2 =	seq.s32 s10, $0x1;
	s10 =	sld [smem:$0x3F43]  }
0x3d: {  	_ =	shalt  }
0x3e: {  	_ =	shalt  }
0x3f: {  	_ =	shalt  }
0x40: {  	_ =	shalt  }
0x41: {  	_ =	shalt  }
0x42: {  	_ =	shalt  }
0x43: {  	_ =	shalt  }
0x44: {  	_ =	shalt  }
0x45: {  	_ =	shalt  }
0x46: {  	_ =	shalt  }
0x47: {  	_ =	shalt  }
0x48: {  	_ =	shalt  }
0x49: {  	_ =	shalt  }
0x4a: {  	_ =	shalt  }
0x4b: {  	_ =	shalt  }
0x4c: {  	_ =	shalt  }
0x4d: {  	_ =	shalt  }
0x4e: {  	_ =	shalt  }
0x4f: {  	_ =	shalt  }
0x50: {  	_ =	shalt  }
0x51: {  	_ =	shalt  }
0x52: {  	_ =	shalt  }
0x53: {  	_ =	shalt  }
0x54: {  	_ =	shalt  }
0x55: {  	_ =	shalt  }
0x56: {  	_ =	shalt  }
0x57: {  	_ =	shalt  }
0x58: {  	_ =	shalt  }
0x59: {  	_ =	shalt  }
0x5a: {  	_ =	shalt  }
0x5b: {  	_ =	shalt  }
0x5c: {  	_ =	shalt  }
0x5d: {  	_ =	shalt  }
0x5e: {  	_ =	shalt  }
0x5f: {  	_ =	shalt  }
0x60: {  	_ =	shalt  }
0x61: {  	_ =	shalt  }
0x62: {  	_ =	shalt  }
0x63: {  	_ =	shalt  }
0x64: {  	_ =	shalt  }
0x65: {  	_ =	shalt  }
0x66: {  	_ =	shalt  }
0x67: {  	_ =	shalt  }
0x68: {  	_ =	shalt  }
0x69: {  	_ =	shalt  }
0x6a: {  	_ =	shalt  }
0x6b: {  	_ =	shalt  }
0x6c: {  	_ =	shalt  }
0x6d: {  	_ =	shalt  }
0x6e: {  	_ =	shalt  }
0x6f: {  	_ =	shalt  }
0x70: {  	_ =	shalt  }
0x71: {  	_ =	shalt  }
0x72: {  	_ =	shalt  }
0x73: {  	_ =	shalt  }
0x74: {  	_ =	shalt  }
0x75: {  	_ =	shalt  }
0x76: {  	_ =	shalt  }
0x77: {  	_ =	shalt  }
0x78: {  	_ =	shalt  }
0x79: {  	_ =	shalt  }
0x7a: {  	_ =	shalt  }
0x7b: {  	_ =	shalt  }
0x7c: {  	_ =	shalt  }
0x7d: {  	_ =	shalt  }
0x7e: {  	_ =	shalt  }
0x7f: {  	_ =	shalt  }
0x80: {  	_ =	shalt  }
0x81: {  	_ =	shalt  }
0x82: {  	_ =	shalt  }
0x83: {  	_ =	shalt  }
0x84: {  	_ =	shalt  }
0x85: {  	_ =	shalt  }
0x86: {  	_ =	shalt  }
0x87: {  	_ =	shalt  }
.Lfunc_end0:
.L_simem_size_0:
called_computation.12_lowered:
.L_overlay_start_0:
0x88: {  	s2 =	sld [smem:$0x3FD9]  }
0x89: {  	s3 =	sld [smem:$0x3FFE];
	_ =	sdelay $0x1  }
0x8a: {  	s1 =	srdreg.scid  }
0x8b: {  	s0 =	sand.u32 $0x1, s1  }
0x8c: {  	s15 =	sshll.u32 s0, $0xA;
	s2 =	sadd.s32 s3, s2  }
0x8d: {  	s2 =	sadd.s32 s2, s15  }
0x8e: {  	[smem:$0x3F4F] =	sst s2  }
0x8f: {  	_ = 	snop  }
0x90: {  	s2 =	sld [smem:$0x3FD0];
	_ =	sdelay $0x2  }
0x91: {  	s4 =	simm.s32 $0xB;
	s16 =	simm.s32 $0x10  }
0x92: {  	[smem:s16], [sflag:s4] =	dma.local [hbm:s2], $0x1  }
0x93: {  	_ =	swait.eq [sflag:s4], $0x1  }
0x94: {  	[sflag:s4] =	ssyncset.done $0x0  }
0x95: {  	s17 =	sld [smem:$0x10];
	[sflag:s4] =	ssyncadd.s32 $0xFFFFFFFF  }
0x96: {  	s18 =	sld [smem:$0x12];
	(tm) =	ssettm $0x1  }
0x97: {  	s19 =	sld [smem:$0x3FFB];
	_ =	sdelay $0x3  }
0x98: {  	_ =	strace s19  }
0x99: {  	s2 =	sld [smem:$0x3FFC];
	_ =	sdelay $0x3  }
0x9a: {  	_ =	strace s2  }
0x9b: {  	s2 =	sld [smem:$0x3FFD];
	_ =	sdelay $0x3  }
0x9c: {  	_ =	strace s2  }
0x9d: {  	_ =	strace $0x8FFFFFFF  }
0x9e: {  	s20 =	sld [smem:$0x3FDB];
	_ =	sdelay $0x1  }
0x9f: {  	s5 =	simm.s32 $_scs_section_size  }
0xa0: {  	s6 =	simm.s32 $_size__tile_overlayer_lowered;
	s7 =	simm.s32 $_tile_overlayer_lowered  }
0xa1: {  	s8 =	simm.s32 $0x1BFF;
	s21 =	sshll.u32 s7, $0x1;
	s5 =	sadd.s32 s5, s20  }
0xa2: {  	s22 =	simm.s32 $0x0;
	s6 =	sshll.u32 s6, $0x1;
	s7 =	sadd.s32 s21, s5  }
0xa3: {  	[timem:s22], [sflag:s8] =	dma.local [hbm:s7], s6  }
0xa4: {  	_ =	swait.ge [sflag:s8], s6  }
0xa5: {  	s6 =	ssub.s32 $0x0, s6;
	[sflag:s8] =	ssyncset.done $0x0  }
0xa6: {  	[sflag:s8] =	ssyncadd.s32 s6;
	_ =	sdelay $0x1  }
0xa7: {  	s23 =	simm.s32 $0x1B8B  }
0xa8: {  	_ =	swait.ge [sflag:s23], $0x1  }
0xa9: {  	[sflag:s23] =	ssyncset.done $0x0  }
0xaa: {  	[sflag:s23] =	ssyncadd.s32 $0xFFFFFFFF  }
0xab: {  	s6 =	sld [smem:$0x0]  }
0xac: {  	s7 =	sand.u32 $0xFFFFFFFE, s1  }
0xad: {  	p0 =	sne.s32 s1, s7  }
0xae: {  	s7 =	sshll.u32 @p0 s7, $0xE  }
0xaf: {  	s7 =	sadd.s32 @p0 $0x11B8D, s7;
	s8 =	sshll.u32 @p0 s6, $0x11  }
0xb0: {  	s7 =	sor.u32 @p0 s8, s7  }
0xb1: {  	[sflag:s7] =	ssyncadd.remote.s32 @p0 $0x1;
	_ =	sdelay $0x1  }
0xb2: {  	s7 =	simm.s32 @p0 $0x1B8D  }
0xb3: {  	_ =	swait.eq @p0 [sflag:s7], $0x1  }
0xb4: {  	[sflag:s7] =	ssyncadd.s32 @p0 $0xFFFFFFFF  }
0xb5: {  	s8 =	sshll.u32 @!p0 s1, $0xE  }
0xb6: {  	s8 =	sor.u32 @!p0 $0x4000, s8;
	s7 =	simm.s32 @!p0 $0x1B8D  }
0xb7: {  	s6 =	sshll.u32 @!p0 s6, $0x11;
	s8 =	sadd.s32 @!p0 $0x11B8D, s8;
	_ =	swait.eq @!p0 [sflag:s7], $0x1  }
0xb8: {  	s6 =	sor.u32 @!p0 s6, s8;
	[sflag:s7] =	ssyncadd.s32 @!p0 $0xFFFFFFFF  }
0xb9: {  	s25 =	simm.s32 $0x1B8E;
	s24 =	sld [smem:$0x3FFE];
	[sflag:s6] =	ssyncadd.remote.s32 @!p0 $0x1  }
0xba: {  	s26 =	simm.s32 $execute0_lowered;
	[smem:$0x3FD2] =	sst s25  }
0xbb: {  	s7 =	sshll.u32 s26, $0x1;
	_ =	strace $0x80000058;
	[dreg:$0x1] =	wrdreg $0xFFFFFFFF  }
0xbc: {  	s28 =	simm.s32 $_size_execute0_lowered;
	s5 =	sadd.s32 s5, s7;
	[dreg:$0x0] =	wrdreg $0x0  }
0xbd: {  	s7 =	sshll.u32 s28, $0x1;
	[dreg:$0x2] =	wrdreg s5  }
0xbe: {  	[dreg:$0x3] =	wrdreg s7  }
0xbf: {  	[dreg:$0x4] =	wrdreg $0xC0  }
0xc0: {  	_ =	task [dreg:s22], $0x5FFFF  }
0xc1: {  	[dreg:$0x1] =	wrdreg $0xFFFFFFFF  }
0xc2: {  	[dreg:$0x0] =	wrdreg $0x60  }
0xc3: {  	[dreg:$0x2] =	wrdreg s24  }
0xc4: {  	[dreg:$0x3] =	wrdreg s17  }
0xc5: {  	[dreg:$0x4] =	wrdreg s18  }
0xc6: {  	[dreg:$0x5] =	wrdreg $0x5500  }
0xc7: {  	[dreg:$0x6] =	wrdreg $0xA  }
0xc8: {  	_ =	task.clear_ibuf [dreg:s22], $0x7FFFF;
	_ =	strace $0x90000058  }
0xc9: {  	s29 =	simm.s32 $0xA;
	_ =	strace $0x8000005A  }
0xca: {  	_ =	swait.ge [sflag:s29], $0x1  }
0xcb: {  	[sflag:s29] =	ssyncadd.s32 $0xFFFFFFFF  }
0xcc: {  	_ =	strace $0x9000005A  }
0xcd: {  	_ =	sfence  }
0xce: {  	s30 =	sld [smem:$0x0];
	_ =	sdelay $0x2  }
0xcf: {  	s31 =	sshll.u32 s1, $0xD;
	s1 =	sshrl.u32 s1, $0x2  }
0xd0: {  	s4 =	sand.u32 $0x4000, s31;
	s1 =	sadd.s32 s1, s30  }
0xd1: {  	s0 =	sor.u32 s4, s0;
	s1 =	sshll.u32 s1, $0x11  }
0xd2: {  	s0 =	sor.u32 s1, s0  }
0xd3: {  	s0 =	sadd.s32 $0x8F2B, s0  }
0xd4: {  	[sflag:s0] =	ssyncadd.remote.s32 $0x1  }
0xd5: {  	_ =	sfence.sel $0xFFFF  }
0xd6: {  	[dreg:$0x0] =	wrdreg $0xFFFFFFFF;
	(pc) =	sbr.abs _section_cstart, $3  }
0xd7: {  	[dreg:$0x1] =	wrdreg $0xFFFFFFFF  }
0xd8: {  	_ =	task.clear_ibuf [dreg:s22], $0x2FFFF;
	_ =	strace $0x9FFFFFFF  }
0xd9: {  	(tm) =	ssettm $0x7FFFFFFF  }
tec
execute0_lowered:
.L_overlay_start_1:
0x0: {  	(tag) =	ssettag $0x1  }
0x1: {  	s5 =	rddreg [dreg:$0x0]  }
0x2: {  	s1 =	rddreg [dreg:$0x1];
	s0 =	srdreg.scid  }
0x3: {  	s6 =	rddreg [dreg:$0x2];
	s7 =	sand.u32 $0x1, s0  }
0x4: {  	s0 =	stileid.u32;
	s8 =	smul.u32 $0x186A000, s7  }
0x5: {  	s3 =	rddreg [dreg:$0x3];
	s9 =	smul.u32 $0x186A00, s0  }
0x6: {  	s2 =	rddreg [dreg:$0x4];
	s4 =	simm.s32 $0x0;
	s10 =	smul.u32 $0x30D4, s0  }
0x7: {  	s13 =	simm.s32 $0x0;
	[smem:$0x7FF] =	sst s4;
	s26 =	smul.u32 $0x18700, s0  }
0x8: {  	s11 =	ssub.s32 $0x2, s7;
	s7 =	smul.u32 $0x187000, s7;
	_ =	strace $0x80000059  }
0x9: {  	s30 =	sshll.u32 s0, $0x6;
	s12 =	sshrl.u32 s11, $0x1;
	s8 =	sadd.s32 s9, s8  }
0xa: {  	s10 =	sadd.s32 s10, s5;
	s11 =	ssub.s32 s11, s12;
	s28 =	sadd.s32 s26, s7  }
0xb: {  	s29 =	sadd.s32 s26, s3;
	s12 =	simm.s32 $0x50;
	s8 =	sshrl.u32 s8, $0x3  }
0xc: {  	s31 =	sshrl.u32 s28, $0x3;
	s7 =	smax.u32 s11, $0x1;
	s9 =	sadd.s32 $0x32000, s10  }
0xd: {  	s10 =	sshrl.u32 s29, $0x3;
	s11 =	simm.s32 $0x1;
	s8 =	sadd.s32 s8, s5  }
0xe: {  	s5 =	sor.u32 $0x1C01, s30;
	s6 =	sadd.s32 s6, s31;
	s8 =	sadd.s32 $0x206E000, s8  }
.LBB2_1:
0xf: {  	[spmem:s10], [sflag:s5] =	dma.local [hbm:s1], $0x30E0  }
0x10: {  	_ =	swait.ge [sflag:s11], $0x30E0  }
0x11: {  	[sflag:s11] =	ssyncset.done $0x0  }
0x12: {  	[sflag:s11] =	ssyncadd.s32 $0xFFFFCF20  }
0x13: {  	s14 =	sadd.s32 $0x0, s9;
	[bflag:$0x0] =	sbarrier.arrive $0xFFFF  }
0x14: {  	[tilespmem:s4], [sflag:$0x1] =	stream.linear.gather [hbm4b:s14+s4], $0x50, $0x38;
	[tilespmem:$0x18C50] =	vst v63  }
0x15: {  	_ =	swait.ge [sflag:s11], $0x50  }
0x16: {  	[sflag:s11] =	ssyncset.done $0x0  }
0x17: {  	[sflag:s11] =	ssyncadd.s32 $0xFFFFFFB0  }
0x18: {  	[tilespmem:s12], [sflag:$0x1] =	stream.linear.gather [hbm4b:s8+s4], $0x500, $0x38;
	[tilespmem:$0x18C50] =	vst v63  }
0x19: {  	_ =	swait.ge [sflag:s11], $0x500  }
0x1a: {  	[sflag:s11] =	ssyncset.done $0x0  }
0x1b: {  	[sflag:s11] =	ssyncadd.s32 $0xFFFFFB00  }
0x1c: {  	[spmem:s3] =	stream.indirect.scatter.add.f32 [tilespmem:s12], [sflag:$0x1], $0x10, s4, s12, $0xb8;
	[tilespmem:$0x18C50] =	vst v63  }
0x1d: {  	s15 =	simm.s32 $0xA;
	_ =	swait.ge [sflag:s11], $0x500  }
0x1e: {  	s16 =	simm.s32 $0x14;
	s14 =	sadd.s32 $0xA0, s8;
	[sflag:s11] =	ssyncset.done $0x0  }
.LBB2_2:
0x1f: {  	s17 =	sadd.s32 s15, s9  }
0x20: {  	[sflag:s11] =	ssyncadd.s32 $0xFFFFFB00;
	s15 =	smov.u32 s16;
	s18 =	sadd.s32 $0xA, s16  }
0x21: {  	[tilespmem:s4], [sflag:$0x1] =	stream.linear.gather [hbm4b:s17+s4], $0x50, $0x38;
	[tilespmem:$0x18C50] =	vst v63  }
0x22: {  	p0 =	sne.s32 s16, $0x30CA;
	_ =	swait.ge [sflag:s11], $0x50  }
0x23: {  	[sflag:s11] =	ssyncset.done $0x0  }
0x24: {  	[sflag:s11] =	ssyncadd.s32 $0xFFFFFFB0  }
0x25: {  	[tilespmem:s12], [sflag:$0x1] =	stream.linear.gather [hbm4b:s14+s4], $0x500, $0x38;
	[tilespmem:$0x18C50] =	vst v63  }
0x26: {  	_ =	swait.ge [sflag:s11], $0x500  }
.Ltmp0:
0x27: {  	[sflag:s11] =	ssyncset.done $0x0;
	(pc) =	sbr.rel @p0 .LBB2_2-.Ltmp0, $4  }
0x28: {  	[sflag:s11] =	ssyncadd.s32 $0xFFFFFB00  }
0x29: {  	[spmem:s3] =	stream.indirect.scatter.add.f32 [tilespmem:s12], [sflag:$0x1], $0x10, s4, s12, $0xb8;
	[tilespmem:$0x18C50] =	vst v63  }
0x2a: {  	_ =	swait.ge [sflag:s11], $0x500  }
0x2b: {  	s16 =	smov.u32 s18;
	s14 =	sadd.s32 $0xA0, s14;
	[sflag:s11] =	ssyncset.done $0x0  }
0x2c: {  	s15 =	sadd.s32 s15, s9;
	[sflag:s11] =	ssyncadd.s32 $0xFFFFFB00  }
0x2d: {  	[tilespmem:s4], [sflag:$0x1] =	stream.linear.gather [hbm4b:s15+s4], $0x50, $0x38;
	[tilespmem:$0x18C50] =	vst v63  }
0x2e: {  	_ =	swait.ge [sflag:s11], $0x50  }
0x2f: {  	[sflag:s11] =	ssyncset.done $0x0  }
0x30: {  	[sflag:s11] =	ssyncadd.s32 $0xFFFFFFB0  }
0x31: {  	[tilespmem:s12], [sflag:$0x1] =	stream.linear.gather [hbm4b:s14+s4], $0x500, $0x38;
	[tilespmem:$0x18C50] =	vst v63  }
0x32: {  	_ =	swait.ge [sflag:s11], $0x500  }
0x33: {  	[sflag:s11] =	ssyncset.done $0x0  }
0x34: {  	[sflag:s11] =	ssyncadd.s32 $0xFFFFFB00  }
0x35: {  	[spmem:s3] =	stream.indirect.scatter.add.f32 [tilespmem:s12], [sflag:$0x1], $0x10, s4, s12, $0xb8;
	[tilespmem:$0x18C50] =	vst v63  }
0x36: {  	_ =	swait.ge [sflag:s11], $0x500  }
0x37: {  	s13 =	sadd.s32 $0x1, s13;
	[sflag:s11] =	ssyncset.done $0x0  }
0x38: {  	p0 =	sne.s32 s13, s7;
	[sflag:s11] =	ssyncadd.s32 $0xFFFFFB00  }
.Ltmp1:
0x39: {  	[bflag:$0x0] =	sbarrier.arrive $0xFFFF;
	(pc) =	sbr.rel @p0 .LBB2_1-.Ltmp1, $4  }
0x3a: {  	[hbm:s6], [sflag:s5] =	dma.local [spmem:s10], $0x30E0  }
0x3b: {  	_ =	swait.ge [sflag:s11], $0x30E0  }
0x3c: {  	[sflag:s11] =	ssyncset.done $0x0  }
0x3d: {  	[sflag:s11] =	ssyncadd.s32 $0xFFFFCF20  }
0x3e: {  	_ =	sfence.sel $0x180000  }
0x3f: {  	[bflag:$0x0] =	sbarrier.arrive $0xFFFF  }
0x40: {  	p0 =	sne.s32 s0, $0x0;
	_ =	strace $0x90000059  }
0x41: {  	s0 =	sadd.s32 @!p0 $0x100000, s2;
	[bflag:$0x2] =	sbarrier.arrive $0xFFFF  }
0x42: {  	[sflag:s0] =	ssyncadd.tile.s32 @!p0 $0x1;
	_ =	shalt  }
.Lfunc_end2:
_tile_overlayer_lowered:
.L_overlay_start_2:
0x43: {  	(tag) =	ssettag $0x2  }
0x44: {  	s0 =	rddreg [dreg:$0x0];
	s2 =	stileid.u32  }
0x45: {  	s1 =	rddreg [dreg:$0x1];
	p0 =	sne.s32 s2, $0x0  }
0x46: {  	s3 =	rddreg [dreg:$0x2];
	[bflag:$0x3] =	sbarrier.arrive $0xFFFF;
	s2 =	simm.s32 @!p0 $0x1C01  }
0x47: {  	[timem:s3], [sflag:s2] =	dma.local @!p0 [hbm:s0], s1  }
0x48: {  	s0 =	simm.s32 @!p0 $0x1  }
0x49: {  	_ =	swait.ge @!p0 [sflag:s0], s1  }
0x4a: {  	s1 =	ssub.s32 @!p0 $0x0, s1;
	[sflag:s0] =	ssyncset.done @!p0 $0x0  }
0x4b: {  	[sflag:s0] =	ssyncadd.s32 @!p0 s1  }
0x4c: {  	[bflag:$0x3] =	sbarrier.arrive $0xFFFF  }
0x4d: {  	_ =	shalt  }

// kernel: kernel.20.cloned.1.call-start
scs
__scs_entry_jumppad:
0x0: {  	(pc) =	sbr.rel $0x88, $3  }
0x1: {  	(tag) =	ssettag $0x0;
	lr =	simm.s32 $0x1  }
0x2: {  	[smem:$0x3F28] =	sst lr;
	_ =	strace $0xD0000000  }
0x3: {  	_ = 	snop  }
0x4: {  	_ = 	snop  }
0x5: {  	_ = 	snop  }
0x6: {  	_ = 	snop  }
0x7: {  	_ = 	snop  }
__scs_overlays_trampoline_lowered:
0x8: {  	[smem:$0x3F37] =	sst s0  }
0x9: {  	[smem:$0x3F38] =	sst s1  }
0xa: {  	[smem:$0x3F39] =	sst s2  }
0xb: {  	[smem:$0x3F3A] =	sst s3  }
0xc: {  	[smem:$0x3F3B] =	sst s4  }
0xd: {  	[smem:$0x3F3C] =	sst s5  }
0xe: {  	[smem:$0x3F3D] =	sst s6  }
0xf: {  	[smem:$0x3F3E] =	sst s7  }
0x10: {  	[smem:$0x3F3F] =	sst s8  }
0x11: {  	[smem:$0x3F40] =	sst s9;
	s0 =	simm.s32 @!p0 $0x0  }
0x12: {  	s1 =	sld [smem:$0x3F26];
	s0 =	simm.s32 @p0 $0x1  }
0x13: {  	[smem:$0x3F41] =	sst s0;
	s0 =	simm.s32 @!p1 $0x0  }
0x14: {  	s2 =	sld [smem:$0x3F25];
	s0 =	simm.s32 @p1 $0x1  }
0x15: {  	[smem:$0x3F42] =	sst s0;
	s0 =	simm.s32 @!p2 $0x0  }
0x16: {  	s3 =	sld [smem:$0x3FDB];
	s0 =	simm.s32 @p2 $0x1  }
0x17: {  	s4 =	simm.s32 $0x1BF5;
	[smem:$0x3F44] =	sst s0  }
0x18: {  	s0 =	sld [smem:$0x3F27];
	_ =	swait.ge [sflag:s4], $0x0  }
0x19: {  	s7 =	sld [smem:$0x3F28]  }
0x1a: {  	s8 =	sadd.s32 $0xFFFFE003, lr  }
0x1b: {  	s9 =	sadd.s32 $0xFFFFFEF7, lr;
	s5 =	simm.s32 $0xFFFFFFFF;
	p2 =	slt.u32 s8, $0xFFFFF086  }
0x1c: {  	p1 =	slt.u32 s9, $0xF7A;
	s5 =	simm.s32 @!p2 $0x0  }
0x1d: {  	s5 =	simm.s32 @p1 $0x1;
	p0 =	seq.s32 s7, s2  }
0x1e: {  	s7 =	smul.u32 @!p0 $0xF7A, s2;
	p2 =	seq.s32 @!p0 s5, $0x0  }
0x1f: {  	s9 =	smul.u32 $0xF7A, s1;
	s8 =	simm.s32 @!p0 $0x1BF5;
	p2 =	por !p2, p0  }
0x20: {  	[sflag:s8] =	ssyncset.s32 @!p0 $0xFFFFF086;
	s6 =	sadd.s32 @!p0 s3, s7;
	s7 =	simm.s32 @!p0 $0x108  }
0x21: {  	s3 =	sadd.s32 s3, s9;
	s6 =	sadd.s32 @!p0 $0x88, s6;
	s7 =	simm.s32 @p2 $0x1082  }
0x22: {  	[simem:s7], [sflag:s8] =	dma.local @!p0 [hbm:s6], $0xF7A  }
0x23: {  	s9 =	sor.u32 $0xD0000000, s2;
	s6 =	simm.s32 $0x108;
	_ =	swait.ge @!p0 [sflag:s8], $0x0  }
0x24: {  	s3 =	sadd.s32 $0x88, s3;
	s6 =	simm.s32 @!p1 $0x1082;
	[sflag:s4] =	ssyncset.s32 $0xFFFFF086  }
0x25: {  	[simem:s6], [sflag:s4] =	dma.local [hbm:s3], $0xF7A  }
0x26: {  	[smem:$0x3F28] =	sst s1;
	(tag) =	ssettag s2;
	_ =	strace s9  }
0x27: {  	s1 =	sld [smem:$0x3F38]  }
0x28: {  	s2 =	sld [smem:$0x3F39]  }
0x29: {  	s4 =	sld [smem:$0x3F3B]  }
0x2a: {  	p0 =	seq.s32 s5, $0x0;
	s5 =	sld [smem:$0x3F3C]  }
0x2b: {  	s6 =	sld [smem:$0x3F3D]  }
0x2c: {  	s7 =	sld [smem:$0x3F3E]  }
0x2d: {  	s3 =	simm.s32 $0x108;
	s8 =	sld [smem:$0x3F3F]  }
0x2e: {  	s3 =	simm.s32 @!p0 $0x1082;
	s9 =	sld [smem:$0x3F40]  }
0x2f: {  	lr =	sadd.s32 s0, s3;
	s0 =	sld [smem:$0x3F37]  }
0x30: {  	s3 =	sld [smem:$0x3F3A]  }
0x31: {  	[smem:$0x3F43] =	sst s10  }
0x32: {  	s10 =	sld [smem:$0x3F41];
	_ =	sdelay $0x3  }
0x33: {  	p0 =	seq.s32 s10, $0x1;
	s10 =	sld [smem:$0x3F43];
	_ =	sdelay $0x3  }
0x34: {  	[smem:$0x3F43] =	sst s10  }
0x35: {  	s10 =	sld [smem:$0x3F42];
	_ =	sdelay $0x3  }
0x36: {  	p1 =	seq.s32 s10, $0x1;
	s10 =	sld [smem:$0x3F43];
	_ =	sdelay $0x3  }
0x37: {  	[smem:$0x3F43] =	sst s10  }
0x38: {  	s10 =	sld [smem:$0x3F44]  }
0x39: {  	_ = 	snop;
	(pc) =	sbr.ind lr, $3  }
0x3a: {  	_ = 	snop  }
0x3b: {  	_ = 	snop  }
0x3c: {  	p2 =	seq.s32 s10, $0x1;
	s10 =	sld [smem:$0x3F43]  }
0x3d: {  	_ =	shalt  }
0x3e: {  	_ =	shalt  }
0x3f: {  	_ =	shalt  }
0x40: {  	_ =	shalt  }
0x41: {  	_ =	shalt  }
0x42: {  	_ =	shalt  }
0x43: {  	_ =	shalt  }
0x44: {  	_ =	shalt  }
0x45: {  	_ =	shalt  }
0x46: {  	_ =	shalt  }
0x47: {  	_ =	shalt  }
0x48: {  	_ =	shalt  }
0x49: {  	_ =	shalt  }
0x4a: {  	_ =	shalt  }
0x4b: {  	_ =	shalt  }
0x4c: {  	_ =	shalt  }
0x4d: {  	_ =	shalt  }
0x4e: {  	_ =	shalt  }
0x4f: {  	_ =	shalt  }
0x50: {  	_ =	shalt  }
0x51: {  	_ =	shalt  }
0x52: {  	_ =	shalt  }
0x53: {  	_ =	shalt  }
0x54: {  	_ =	shalt  }
0x55: {  	_ =	shalt  }
0x56: {  	_ =	shalt  }
0x57: {  	_ =	shalt  }
0x58: {  	_ =	shalt  }
0x59: {  	_ =	shalt  }
0x5a: {  	_ =	shalt  }
0x5b: {  	_ =	shalt  }
0x5c: {  	_ =	shalt  }
0x5d: {  	_ =	shalt  }
0x5e: {  	_ =	shalt  }
0x5f: {  	_ =	shalt  }
0x60: {  	_ =	shalt  }
0x61: {  	_ =	shalt  }
0x62: {  	_ =	shalt  }
0x63: {  	_ =	shalt  }
0x64: {  	_ =	shalt  }
0x65: {  	_ =	shalt  }
0x66: {  	_ =	shalt  }
0x67: {  	_ =	shalt  }
0x68: {  	_ =	shalt  }
0x69: {  	_ =	shalt  }
0x6a: {  	_ =	shalt  }
0x6b: {  	_ =	shalt  }
0x6c: {  	_ =	shalt  }
0x6d: {  	_ =	shalt  }
0x6e: {  	_ =	shalt  }
0x6f: {  	_ =	shalt  }
0x70: {  	_ =	shalt  }
0x71: {  	_ =	shalt  }
0x72: {  	_ =	shalt  }
0x73: {  	_ =	shalt  }
0x74: {  	_ =	shalt  }
0x75: {  	_ =	shalt  }
0x76: {  	_ =	shalt  }
0x77: {  	_ =	shalt  }
0x78: {  	_ =	shalt  }
0x79: {  	_ =	shalt  }
0x7a: {  	_ =	shalt  }
0x7b: {  	_ =	shalt  }
0x7c: {  	_ =	shalt  }
0x7d: {  	_ =	shalt  }
0x7e: {  	_ =	shalt  }
0x7f: {  	_ =	shalt  }
0x80: {  	_ =	shalt  }
0x81: {  	_ =	shalt  }
0x82: {  	_ =	shalt  }
0x83: {  	_ =	shalt  }
0x84: {  	_ =	shalt  }
0x85: {  	_ =	shalt  }
0x86: {  	_ =	shalt  }
0x87: {  	_ =	shalt  }
.Lfunc_end0:
.L_simem_size_0:
called_computation.13_lowered:
.L_overlay_start_0:
0x88: {  	s2 =	sld [smem:$0x3FD9]  }
0x89: {  	s3 =	sld [smem:$0x3FFE];
	_ =	sdelay $0x1  }
0x8a: {  	s1 =	srdreg.scid  }
0x8b: {  	s0 =	sand.u32 $0x1, s1  }
0x8c: {  	s14 =	sshll.u32 s0, $0xA;
	s2 =	sadd.s32 s3, s2  }
0x8d: {  	s2 =	sadd.s32 s2, s14  }
0x8e: {  	[smem:$0x3F4F] =	sst s2  }
0x8f: {  	_ = 	snop  }
0x90: {  	s2 =	sld [smem:$0x3FD0];
	_ =	sdelay $0x2  }
0x91: {  	s15 =	simm.s32 $0xB;
	s4 =	simm.s32 $0x10  }
0x92: {  	[smem:s4], [sflag:s15] =	dma.local [hbm:s2], $0x1  }
0x93: {  	_ =	swait.eq [sflag:s15], $0x1  }
0x94: {  	[sflag:s15] =	ssyncset.done $0x0  }
0x95: {  	[sflag:s15] =	ssyncadd.s32 $0xFFFFFFFF  }
0x96: {  	s16 =	sld [smem:$0x11];
	(tm) =	ssettm $0x1  }
0x97: {  	s17 =	sld [smem:$0x3FFB];
	_ =	sdelay $0x3  }
0x98: {  	_ =	strace s17  }
0x99: {  	s3 =	sld [smem:$0x3FFC];
	_ =	sdelay $0x3  }
0x9a: {  	_ =	strace s3  }
0x9b: {  	s3 =	sld [smem:$0x3FFD];
	_ =	sdelay $0x3  }
0x9c: {  	_ =	strace s3  }
0x9d: {  	_ =	strace $0x8FFFFFFF  }
0x9e: {  	s18 =	sld [smem:$0x3FDB];
	_ =	sdelay $0x1  }
0x9f: {  	s19 =	simm.s32 $_scs_section_size  }
0xa0: {  	s5 =	simm.s32 $_size__tile_overlayer_lowered;
	s6 =	simm.s32 $_tile_overlayer_lowered  }
0xa1: {  	s22 =	simm.s32 $0x1BFF;
	s21 =	sshll.u32 s6, $0x1;
	s3 =	sadd.s32 s19, s18  }
0xa2: {  	s7 =	simm.s32 $0x0;
	s20 =	sshll.u32 s5, $0x1;
	s5 =	sadd.s32 s21, s3  }
0xa3: {  	[timem:s7], [sflag:s22] =	dma.local [hbm:s5], s20  }
0xa4: {  	_ =	swait.ge [sflag:s22], s20  }
0xa5: {  	s4 =	ssub.s32 $0x0, s20;
	[sflag:s22] =	ssyncset.done $0x0  }
0xa6: {  	[sflag:s22] =	ssyncadd.s32 s4;
	_ =	sdelay $0x1  }
0xa7: {  	s23 =	simm.s32 $0x1B8B  }
0xa8: {  	_ =	swait.ge [sflag:s23], $0x1  }
0xa9: {  	[sflag:s23] =	ssyncset.done $0x0  }
0xaa: {  	s25 =	simm.s32 $0x1B8E;
	s24 =	sld [smem:$0x3FFE];
	[sflag:s23] =	ssyncadd.s32 $0xFFFFFFFF  }
0xab: {  	s26 =	simm.s32 $execute0_lowered;
	[smem:$0x3FD2] =	sst s25  }
0xac: {  	s5 =	sshll.u32 s26, $0x1;
	_ =	strace $0x8000005B;
	[dreg:$0x1] =	wrdreg $0xFFFFFFFF  }
0xad: {  	s28 =	simm.s32 $_size_execute0_lowered;
	s3 =	sadd.s32 s3, s5;
	[dreg:$0x0] =	wrdreg $0x0  }
0xae: {  	s5 =	sshll.u32 s28, $0x1;
	[dreg:$0x2] =	wrdreg s3  }
0xaf: {  	[dreg:$0x3] =	wrdreg s5  }
0xb0: {  	[dreg:$0x4] =	wrdreg $0xC0  }
0xb1: {  	_ =	task [dreg:s7], $0x5FFFF  }
0xb2: {  	[dreg:$0x1] =	wrdreg $0xFFFFFFFF  }
0xb3: {  	[dreg:$0x0] =	wrdreg $0x60  }
0xb4: {  	[dreg:$0x2] =	wrdreg s16  }
0xb5: {  	[dreg:$0x3] =	wrdreg s24  }
0xb6: {  	[dreg:$0x4] =	wrdreg $0x9  }
0xb7: {  	_ =	task.clear_ibuf [dreg:s7], $0x5FFFF;
	_ =	strace $0x9000005B  }
0xb8: {  	s29 =	simm.s32 $0x9;
	_ =	strace $0x8000005D  }
0xb9: {  	_ =	swait.ge [sflag:s29], $0x1  }
0xba: {  	[sflag:s29] =	ssyncadd.s32 $0xFFFFFFFF  }
0xbb: {  	_ =	strace $0x9000005D  }
0xbc: {  	_ =	sfence  }
0xbd: {  	s30 =	sld [smem:$0x0];
	_ =	sdelay $0x2  }
0xbe: {  	s31 =	sshll.u32 s1, $0xD;
	s1 =	sshrl.u32 s1, $0x2  }
0xbf: {  	s3 =	sand.u32 $0x4000, s31;
	s1 =	sadd.s32 s1, s30  }
0xc0: {  	s0 =	sor.u32 s3, s0;
	s1 =	sshll.u32 s1, $0x11  }
0xc1: {  	s0 =	sor.u32 s1, s0  }
0xc2: {  	s0 =	sadd.s32 $0x8F2B, s0  }
0xc3: {  	[sflag:s0] =	ssyncadd.remote.s32 $0x1  }
0xc4: {  	_ =	sfence.sel $0xFFFF  }
0xc5: {  	[dreg:$0x0] =	wrdreg $0xFFFFFFFF;
	(pc) =	sbr.abs _section_cstart, $3  }
0xc6: {  	[dreg:$0x1] =	wrdreg $0xFFFFFFFF  }
0xc7: {  	_ =	task.clear_ibuf [dreg:s7], $0x2FFFF;
	_ =	strace $0x9FFFFFFF  }
0xc8: {  	(tm) =	ssettm $0x7FFFFFFF  }
0xc9: {  	_ =	shalt  }
tec
execute0_lowered:
.L_overlay_start_1:
0x0: {  	(tag) =	ssettag $0x1  }
0x1: {  	s2 =	rddreg [dreg:$0x0]  }
0x2: {  	s4 =	rddreg [dreg:$0x1]  }
0x3: {  	s0 =	rddreg [dreg:$0x2]  }
0x4: {  	s5 =	srdreg.scid;
	s1 =	stileid.u32;
	s3 =	simm.s32 $0x0  }
0x5: {  	s11 =	simm.s32 $0xA0;
	s12 =	simm.s32 $0xAA0;
	s6 =	smul.u32 $0x186A0, s1  }
0x6: {  	s13 =	simm.s32 $0x1;
	s5 =	sand.u32 $0x1, s5;
	s8 =	smul.u32 $0x61A80, s1  }
0x7: {  	s14 =	simm.s32 $0x2;
	s15 =	simm.s32 $0x0;
	s7 =	smul.u32 $0xC350, s5  }
0x8: {  	[smem:$0x7FF] =	sst s3;
	s29 =	ssub.s32 $0x2, s5;
	s5 =	smul.u32 $0x30D40, s5  }
0x9: {  	_ =	strace $0x8000005C;
	s8 =	sadd.s32 s8, s4;
	s9 =	sshrl.u32 s29, $0x1  }
0xa: {  	s6 =	sadd.s32 s7, s6;
	s30 =	ssub.s32 s29, s9;
	s31 =	sadd.s32 s5, s8  }
0xb: {  	s9 =	simm.s32 $0x3;
	s6 =	sshrl.u32 s6, $0x3;
	s5 =	sadd.s32 $0x206E000, s31  }
0xc: {  	s10 =	sadd.s32 s6, s4;
	s4 =	smax.u32 s30, $0x1;
	s6 =	sadd.s32 $0x2688800, s31  }
0xd: {  	s7 =	sadd.s32 $0x32000, s10;
	s8 =	sadd.s32 $0x1200, s10;
	s10 =	simm.s32 $0x50  }
.LBB2_1:
0xe: {  	s16 =	sadd.s32 $0x0, s8  }
0xf: {  	[tilespmem:s3], [sflag:$0x3] =	stream.linear.gather [hbm4b:s16+s3], $0x50, $0x38;
	[tilespmem:$0x14A0] =	vst v63  }
0x10: {  	_ =	swait.ge [sflag:s9], $0x50  }
0x11: {  	[sflag:s9] =	ssyncset.done $0x0  }
0x12: {  	s31 =	sadd.s32 $0x0, s7;
	[sflag:s9] =	ssyncadd.s32 $0xFFFFFFB0  }
0x13: {  	[tilespmem:s10], [sflag:$0x3] =	stream.linear.gather [hbm4b:s31+s3], $0x50, $0x38;
	[tilespmem:$0x14A0] =	vst v63  }
0x14: {  	_ =	swait.ge [sflag:s9], $0x50  }
0x15: {  	[sflag:s9] =	ssyncset.done $0x0  }
0x16: {  	[sflag:s9] =	ssyncadd.s32 $0xFFFFFFB0  }
0x17: {  	[tilespmem:s11], [sflag:$0x1] =	stream.indirect.gather [hbm4b:s2+s10], $0x20, s3, s10, $0xb8;
	[tilespmem:$0x14A0] =	vst v63  }
0x18: {  	_ = 	snop  }
0x19: {  	[tilespmem:s12], [sflag:$0x2] =	stream.indirect.gather [hbm4b:s2+s10], $0x20, s10, s10, $0xb8;
	[tilespmem:$0x14A0] =	vst v63  }
0x1a: {  	_ =	swait.ge [sflag:s13], $0xA00  }
0x1b: {  	[sflag:s13] =	ssyncset.done $0x0  }
0x1c: {  	[sflag:s13] =	ssyncadd.s32 $0xFFFFF600  }
0x1d: {  	[hbm4b:s6+s3] =	stream.linear.scatter [tilespmem:s11], [sflag:$0x3], $0xA00, $0x38;
	[tilespmem:$0x14A0] =	vst v63  }
0x1e: {  	_ =	swait.ge [sflag:s9], $0xA00  }
0x1f: {  	[sflag:s9] =	ssyncset.done $0x0  }
0x20: {  	[sflag:s9] =	ssyncadd.s32 $0xFFFFF600  }
0x21: {  	_ =	swait.ge [sflag:s14], $0xA00  }
0x22: {  	[sflag:s14] =	ssyncset.done $0x0  }
0x23: {  	[sflag:s14] =	ssyncadd.s32 $0xFFFFF600  }
0x24: {  	[hbm4b:s5+s3] =	stream.linear.scatter [tilespmem:s12], [sflag:$0x3], $0xA00, $0x38;
	[tilespmem:$0x14A0] =	vst v63  }
0x25: {  	s18 =	simm.s32 $0xA;
	s19 =	simm.s32 $0x14;
	_ =	swait.ge [sflag:s9], $0xA00  }
0x26: {  	s17 =	sadd.s32 $0x140, s6;
	s16 =	sadd.s32 $0x140, s5;
	[sflag:s9] =	ssyncset.done $0x0  }
.LBB2_2:
0x27: {  	s20 =	sadd.s32 s18, s8  }
0x28: {  	[sflag:s9] =	ssyncadd.s32 $0xFFFFF600;
	s21 =	smov.u32 s19;
	s22 =	sadd.s32 $0xA, s19  }
0x29: {  	[tilespmem:s3], [sflag:$0x3] =	stream.linear.gather [hbm4b:s20+s3], $0x50, $0x38;
	[tilespmem:$0x14A0] =	vst v63  }
0x2a: {  	p0 =	sne.s32 s19, $0x1860;
	_ =	swait.ge [sflag:s9], $0x50  }
0x2b: {  	[sflag:s9] =	ssyncset.done $0x0  }
0x2c: {  	s19 =	sadd.s32 s18, s7;
	s18 =	smov.u32 s21;
	[sflag:s9] =	ssyncadd.s32 $0xFFFFFFB0  }
0x2d: {  	[tilespmem:s10], [sflag:$0x3] =	stream.linear.gather [hbm4b:s19+s3], $0x50, $0x38;
	[tilespmem:$0x14A0] =	vst v63  }
0x2e: {  	_ =	swait.ge [sflag:s9], $0x50  }
0x2f: {  	[sflag:s9] =	ssyncset.done $0x0  }
0x30: {  	[sflag:s9] =	ssyncadd.s32 $0xFFFFFFB0  }
0x31: {  	[tilespmem:s11], [sflag:$0x1] =	stream.indirect.gather [hbm4b:s2+s10], $0x20, s3, s10, $0xb8;
	[tilespmem:$0x14A0] =	vst v63  }
0x32: {  	_ = 	snop  }
0x33: {  	[tilespmem:s12], [sflag:$0x2] =	stream.indirect.gather [hbm4b:s2+s10], $0x20, s10, s10, $0xb8;
	[tilespmem:$0x14A0] =	vst v63  }
0x34: {  	_ =	swait.ge [sflag:s13], $0xA00  }
0x35: {  	[sflag:s13] =	ssyncset.done $0x0  }
0x36: {  	[sflag:s13] =	ssyncadd.s32 $0xFFFFF600  }
0x37: {  	[hbm4b:s17+s3] =	stream.linear.scatter [tilespmem:s11], [sflag:$0x3], $0xA00, $0x38;
	[tilespmem:$0x14A0] =	vst v63  }
0x38: {  	_ =	swait.ge [sflag:s9], $0xA00  }
0x39: {  	[sflag:s9] =	ssyncset.done $0x0  }
0x3a: {  	[sflag:s9] =	ssyncadd.s32 $0xFFFFF600  }
0x3b: {  	_ =	swait.ge [sflag:s14], $0xA00  }
.Ltmp0:
0x3c: {  	[sflag:s14] =	ssyncset.done $0x0;
	(pc) =	sbr.rel @p0 .LBB2_2-.Ltmp0, $4  }
0x3d: {  	[sflag:s14] =	ssyncadd.s32 $0xFFFFF600  }
0x3e: {  	[hbm4b:s16+s3] =	stream.linear.scatter [tilespmem:s12], [sflag:$0x3], $0xA00, $0x38;
	[tilespmem:$0x14A0] =	vst v63  }
0x3f: {  	s19 =	smov.u32 s22;
	_ =	swait.ge [sflag:s9], $0xA00  }
0x40: {  	s17 =	sadd.s32 $0x140, s17;
	s16 =	sadd.s32 $0x140, s16;
	[sflag:s9] =	ssyncset.done $0x0  }
0x41: {  	s19 =	sadd.s32 s18, s8;
	[sflag:s9] =	ssyncadd.s32 $0xFFFFF600  }
0x42: {  	[tilespmem:s3], [sflag:$0x3] =	stream.linear.gather [hbm4b:s19+s3], $0x50, $0x38;
	[tilespmem:$0x14A0] =	vst v63  }
0x43: {  	_ =	swait.ge [sflag:s9], $0x50  }
0x44: {  	[sflag:s9] =	ssyncset.done $0x0  }
0x45: {  	s31 =	sadd.s32 s18, s7;
	[sflag:s9] =	ssyncadd.s32 $0xFFFFFFB0  }
0x46: {  	[tilespmem:s10], [sflag:$0x3] =	stream.linear.gather [hbm4b:s31+s3], $0x50, $0x38;
	[tilespmem:$0x14A0] =	vst v63  }
0x47: {  	_ =	swait.ge [sflag:s9], $0x50  }
0x48: {  	[sflag:s9] =	ssyncset.done $0x0  }
0x49: {  	[sflag:s9] =	ssyncadd.s32 $0xFFFFFFB0  }
0x4a: {  	[tilespmem:s11], [sflag:$0x1] =	stream.indirect.gather [hbm4b:s2+s10], $0x20, s3, s10, $0xb8;
	[tilespmem:$0x14A0] =	vst v63  }
0x4b: {  	_ = 	snop  }
0x4c: {  	[tilespmem:s12], [sflag:$0x2] =	stream.indirect.gather [hbm4b:s2+s10], $0x20, s10, s10, $0xb8;
	[tilespmem:$0x14A0] =	vst v63  }
0x4d: {  	_ =	swait.ge [sflag:s13], $0xA00  }
0x4e: {  	[sflag:s13] =	ssyncset.done $0x0  }
0x4f: {  	[sflag:s13] =	ssyncadd.s32 $0xFFFFF600  }
0x50: {  	[hbm4b:s17+s3] =	stream.linear.scatter [tilespmem:s11], [sflag:$0x3], $0xA00, $0x38;
	[tilespmem:$0x14A0] =	vst v63  }
0x51: {  	_ =	swait.ge [sflag:s9], $0xA00  }
0x52: {  	[sflag:s9] =	ssyncset.done $0x0  }
0x53: {  	[sflag:s9] =	ssyncadd.s32 $0xFFFFF600  }
0x54: {  	s15 =	sadd.s32 $0x1, s15;
	_ =	swait.ge [sflag:s14], $0xA00  }
0x55: {  	p0 =	sne.s32 s15, s4;
	[sflag:s14] =	ssyncset.done $0x0  }
.Ltmp1:
0x56: {  	[sflag:s14] =	ssyncadd.s32 $0xFFFFF600;
	(pc) =	sbr.rel @p0 .LBB2_1-.Ltmp1, $4  }
0x57: {  	[hbm4b:s16+s3] =	stream.linear.scatter [tilespmem:s12], [sflag:$0x3], $0xA00, $0x38;
	[tilespmem:$0x14A0] =	vst v63  }
0x58: {  	_ =	swait.ge [sflag:s9], $0xA00  }
0x59: {  	[sflag:s9] =	ssyncset.done $0x0  }
0x5a: {  	[sflag:s9] =	ssyncadd.s32 $0xFFFFF600  }
0x5b: {  	_ =	sfence.sel $0x180000  }
0x5c: {  	[bflag:$0x0] =	sbarrier.arrive $0xFFFF  }
0x5d: {  	p0 =	sne.s32 s1, $0x0;
	_ =	strace $0x9000005C  }
0x5e: {  	s0 =	sadd.s32 @!p0 $0x100000, s0;
	[bflag:$0x2] =	sbarrier.arrive $0xFFFF  }
0x5f: {  	[sflag:s0] =	ssyncadd.tile.s32 @!p0 $0x1;
	_ =	shalt  }
.Lfunc_end2:
_tile_overlayer_lowered:
.L_overlay_start_2:
0x60: {  	(tag) =	ssettag $0x2  }
0x61: {  	s0 =	rddreg [dreg:$0x0];
	s2 =	stileid.u32  }
0x62: {  	s1 =	rddreg [dreg:$0x1];
	p0 =	sne.s32 s2, $0x0  }
0x63: {  	s3 =	rddreg [dreg:$0x2];
	[bflag:$0x3] =	sbarrier.arrive $0xFFFF;
	s2 =	simm.s32 @!p0 $0x1C03  }
0x64: {  	[timem:s3], [sflag:s2] =	dma.local @!p0 [hbm:s0], s1  }
0x65: {  	s0 =	simm.s32 @!p0 $0x3  }
0x66: {  	_ =	swait.ge @!p0 [sflag:s0], s1  }
0x67: {  	s1 =	ssub.s32 @!p0 $0x0, s1;
	[sflag:s0] =	ssyncset.done @!p0 $0x0  }
0x68: {  	[sflag:s0] =	ssyncadd.s32 @!p0 s1  }
0x69: {  	[bflag:$0x3] =	sbarrier.arrive $0xFFFF  }
0x6a: {  	_ =	shalt  }

// kernel: kernel.23.cloned.1.call-start
scs
__scs_entry_jumppad:
0x0: {  	(pc) =	sbr.rel $0x88, $3  }
0x1: {  	(tag) =	ssettag $0x0;
	lr =	simm.s32 $0x1  }
0x2: {  	[smem:$0x3F28] =	sst lr;
	_ =	strace $0xD0000000  }
0x3: {  	_ = 	snop  }
0x4: {  	_ = 	snop  }
0x5: {  	_ = 	snop  }
0x6: {  	_ = 	snop  }
0x7: {  	_ = 	snop  }
__scs_overlays_trampoline_lowered:
0x8: {  	[smem:$0x3F37] =	sst s0  }
0x9: {  	[smem:$0x3F38] =	sst s1  }
0xa: {  	[smem:$0x3F39] =	sst s2  }
0xb: {  	[smem:$0x3F3A] =	sst s3  }
0xc: {  	[smem:$0x3F3B] =	sst s4  }
0xd: {  	[smem:$0x3F3C] =	sst s5  }
0xe: {  	[smem:$0x3F3D] =	sst s6  }
0xf: {  	[smem:$0x3F3E] =	sst s7  }
0x10: {  	[smem:$0x3F3F] =	sst s8  }
0x11: {  	[smem:$0x3F40] =	sst s9;
	s0 =	simm.s32 @!p0 $0x0  }
0x12: {  	s1 =	sld [smem:$0x3F26];
	s0 =	simm.s32 @p0 $0x1  }
0x13: {  	[smem:$0x3F41] =	sst s0;
	s0 =	simm.s32 @!p1 $0x0  }
0x14: {  	s2 =	sld [smem:$0x3F25];
	s0 =	simm.s32 @p1 $0x1  }
0x15: {  	[smem:$0x3F42] =	sst s0;
	s0 =	simm.s32 @!p2 $0x0  }
0x16: {  	s3 =	sld [smem:$0x3FDB];
	s0 =	simm.s32 @p2 $0x1  }
0x17: {  	s4 =	simm.s32 $0x1BF5;
	[smem:$0x3F44] =	sst s0  }
0x18: {  	s0 =	sld [smem:$0x3F27];
	_ =	swait.ge [sflag:s4], $0x0  }
0x19: {  	s7 =	sld [smem:$0x3F28]  }
0x1a: {  	s8 =	sadd.s32 $0xFFFFE003, lr  }
0x1b: {  	s9 =	sadd.s32 $0xFFFFFEF7, lr;
	s5 =	simm.s32 $0xFFFFFFFF;
	p2 =	slt.u32 s8, $0xFFFFF086  }
0x1c: {  	p1 =	slt.u32 s9, $0xF7A;
	s5 =	simm.s32 @!p2 $0x0  }
0x1d: {  	s5 =	simm.s32 @p1 $0x1;
	p0 =	seq.s32 s7, s2  }
0x1e: {  	s7 =	smul.u32 @!p0 $0xF7A, s2;
	p2 =	seq.s32 @!p0 s5, $0x0  }
0x1f: {  	s9 =	smul.u32 $0xF7A, s1;
	s8 =	simm.s32 @!p0 $0x1BF5;
	p2 =	por !p2, p0  }
0x20: {  	[sflag:s8] =	ssyncset.s32 @!p0 $0xFFFFF086;
	s6 =	sadd.s32 @!p0 s3, s7;
	s7 =	simm.s32 @!p0 $0x108  }
0x21: {  	s3 =	sadd.s32 s3, s9;
	s6 =	sadd.s32 @!p0 $0x88, s6;
	s7 =	simm.s32 @p2 $0x1082  }
0x22: {  	[simem:s7], [sflag:s8] =	dma.local @!p0 [hbm:s6], $0xF7A  }
0x23: {  	s9 =	sor.u32 $0xD0000000, s2;
	s6 =	simm.s32 $0x108;
	_ =	swait.ge @!p0 [sflag:s8], $0x0  }
0x24: {  	s3 =	sadd.s32 $0x88, s3;
	s6 =	simm.s32 @!p1 $0x1082;
	[sflag:s4] =	ssyncset.s32 $0xFFFFF086  }
0x25: {  	[simem:s6], [sflag:s4] =	dma.local [hbm:s3], $0xF7A  }
0x26: {  	[smem:$0x3F28] =	sst s1;
	(tag) =	ssettag s2;
	_ =	strace s9  }
0x27: {  	s1 =	sld [smem:$0x3F38]  }
0x28: {  	s2 =	sld [smem:$0x3F39]  }
0x29: {  	s4 =	sld [smem:$0x3F3B]  }
0x2a: {  	p0 =	seq.s32 s5, $0x0;
	s5 =	sld [smem:$0x3F3C]  }
0x2b: {  	s6 =	sld [smem:$0x3F3D]  }
0x2c: {  	s7 =	sld [smem:$0x3F3E]  }
0x2d: {  	s3 =	simm.s32 $0x108;
	s8 =	sld [smem:$0x3F3F]  }
0x2e: {  	s3 =	simm.s32 @!p0 $0x1082;
	s9 =	sld [smem:$0x3F40]  }
0x2f: {  	lr =	sadd.s32 s0, s3;
	s0 =	sld [smem:$0x3F37]  }
0x30: {  	s3 =	sld [smem:$0x3F3A]  }
0x31: {  	[smem:$0x3F43] =	sst s10  }
0x32: {  	s10 =	sld [smem:$0x3F41];
	_ =	sdelay $0x3  }
0x33: {  	p0 =	seq.s32 s10, $0x1;
	s10 =	sld [smem:$0x3F43];
	_ =	sdelay $0x3  }
0x34: {  	[smem:$0x3F43] =	sst s10  }
0x35: {  	s10 =	sld [smem:$0x3F42];
	_ =	sdelay $0x3  }
0x36: {  	p1 =	seq.s32 s10, $0x1;
	s10 =	sld [smem:$0x3F43];
	_ =	sdelay $0x3  }
0x37: {  	[smem:$0x3F43] =	sst s10  }
0x38: {  	s10 =	sld [smem:$0x3F44]  }
0x39: {  	_ = 	snop;
	(pc) =	sbr.ind lr, $3  }
0x3a: {  	_ = 	snop  }
0x3b: {  	_ = 	snop  }
0x3c: {  	p2 =	seq.s32 s10, $0x1;
	s10 =	sld [smem:$0x3F43]  }
0x3d: {  	_ =	shalt  }
0x3e: {  	_ =	shalt  }
0x3f: {  	_ =	shalt  }
0x40: {  	_ =	shalt  }
0x41: {  	_ =	shalt  }
0x42: {  	_ =	shalt  }
0x43: {  	_ =	shalt  }
0x44: {  	_ =	shalt  }
0x45: {  	_ =	shalt  }
0x46: {  	_ =	shalt  }
0x47: {  	_ =	shalt  }
0x48: {  	_ =	shalt  }
0x49: {  	_ =	shalt  }
0x4a: {  	_ =	shalt  }
0x4b: {  	_ =	shalt  }
0x4c: {  	_ =	shalt  }
0x4d: {  	_ =	shalt  }
0x4e: {  	_ =	shalt  }
0x4f: {  	_ =	shalt  }
0x50: {  	_ =	shalt  }
0x51: {  	_ =	shalt  }
0x52: {  	_ =	shalt  }
0x53: {  	_ =	shalt  }
0x54: {  	_ =	shalt  }
0x55: {  	_ =	shalt  }
0x56: {  	_ =	shalt  }
0x57: {  	_ =	shalt  }
0x58: {  	_ =	shalt  }
0x59: {  	_ =	shalt  }
0x5a: {  	_ =	shalt  }
0x5b: {  	_ =	shalt  }
0x5c: {  	_ =	shalt  }
0x5d: {  	_ =	shalt  }
0x5e: {  	_ =	shalt  }
0x5f: {  	_ =	shalt  }
0x60: {  	_ =	shalt  }
0x61: {  	_ =	shalt  }
0x62: {  	_ =	shalt  }
0x63: {  	_ =	shalt  }
0x64: {  	_ =	shalt  }
0x65: {  	_ =	shalt  }
0x66: {  	_ =	shalt  }
0x67: {  	_ =	shalt  }
0x68: {  	_ =	shalt  }
0x69: {  	_ =	shalt  }
0x6a: {  	_ =	shalt  }
0x6b: {  	_ =	shalt  }
0x6c: {  	_ =	shalt  }
0x6d: {  	_ =	shalt  }
0x6e: {  	_ =	shalt  }
0x6f: {  	_ =	shalt  }
0x70: {  	_ =	shalt  }
0x71: {  	_ =	shalt  }
0x72: {  	_ =	shalt  }
0x73: {  	_ =	shalt  }
0x74: {  	_ =	shalt  }
0x75: {  	_ =	shalt  }
0x76: {  	_ =	shalt  }
0x77: {  	_ =	shalt  }
0x78: {  	_ =	shalt  }
0x79: {  	_ =	shalt  }
0x7a: {  	_ =	shalt  }
0x7b: {  	_ =	shalt  }
0x7c: {  	_ =	shalt  }
0x7d: {  	_ =	shalt  }
0x7e: {  	_ =	shalt  }
0x7f: {  	_ =	shalt  }
0x80: {  	_ =	shalt  }
0x81: {  	_ =	shalt  }
0x82: {  	_ =	shalt  }
0x83: {  	_ =	shalt  }
0x84: {  	_ =	shalt  }
0x85: {  	_ =	shalt  }
0x86: {  	_ =	shalt  }
0x87: {  	_ =	shalt  }
.Lfunc_end0:
.L_simem_size_0:
called_computation.14_lowered:
.L_overlay_start_0:
0x88: {  	s2 =	sld [smem:$0x3FD9]  }
0x89: {  	s3 =	sld [smem:$0x3FFE];
	_ =	sdelay $0x1  }
0x8a: {  	s1 =	srdreg.scid  }
0x8b: {  	s0 =	sand.u32 $0x1, s1  }
0x8c: {  	s14 =	sshll.u32 s0, $0xA;
	s2 =	sadd.s32 s3, s2  }
0x8d: {  	s2 =	sadd.s32 s2, s14  }
0x8e: {  	[smem:$0x3F4F] =	sst s2  }
0x8f: {  	_ = 	snop  }
0x90: {  	s2 =	sld [smem:$0x3FD0];
	_ =	sdelay $0x2  }
0x91: {  	s15 =	simm.s32 $0xB;
	s4 =	simm.s32 $0x10  }
0x92: {  	[smem:s4], [sflag:s15] =	dma.local [hbm:s2], $0x1  }
0x93: {  	_ =	swait.eq [sflag:s15], $0x1  }
0x94: {  	[sflag:s15] =	ssyncset.done $0x0  }
0x95: {  	s16 =	sld [smem:$0x10];
	[sflag:s15] =	ssyncadd.s32 $0xFFFFFFFF  }
0x96: {  	s17 =	sld [smem:$0x12];
	(tm) =	ssettm $0x1  }
0x97: {  	s18 =	sld [smem:$0x3FFB];
	_ =	sdelay $0x3  }
0x98: {  	_ =	strace s18  }
0x99: {  	s4 =	sld [smem:$0x3FFC];
	_ =	sdelay $0x3  }
0x9a: {  	_ =	strace s4  }
0x9b: {  	s4 =	sld [smem:$0x3FFD];
	_ =	sdelay $0x3  }
0x9c: {  	_ =	strace s4  }
0x9d: {  	_ =	strace $0x8FFFFFFF  }
0x9e: {  	s19 =	sld [smem:$0x3FDB];
	_ =	sdelay $0x1  }
0x9f: {  	s5 =	simm.s32 $_scs_section_size  }
0xa0: {  	s6 =	simm.s32 $_size__tile_overlayer_lowered;
	s7 =	simm.s32 $_tile_overlayer_lowered  }
0xa1: {  	s22 =	simm.s32 $0x1BFF;
	s21 =	sshll.u32 s7, $0x1;
	s4 =	sadd.s32 s5, s19  }
0xa2: {  	s8 =	simm.s32 $0x0;
	s20 =	sshll.u32 s6, $0x1;
	s6 =	sadd.s32 s21, s4  }
0xa3: {  	[timem:s8], [sflag:s22] =	dma.local [hbm:s6], s20  }
0xa4: {  	_ =	swait.ge [sflag:s22], s20  }
0xa5: {  	s5 =	ssub.s32 $0x0, s20;
	[sflag:s22] =	ssyncset.done $0x0  }
0xa6: {  	[sflag:s22] =	ssyncadd.s32 s5;
	_ =	sdelay $0x1  }
0xa7: {  	s23 =	simm.s32 $0x1B8B  }
0xa8: {  	_ =	swait.ge [sflag:s23], $0x1  }
0xa9: {  	[sflag:s23] =	ssyncset.done $0x0  }
0xaa: {  	s25 =	simm.s32 $0x1B8E;
	s24 =	sld [smem:$0x3FFE];
	[sflag:s23] =	ssyncadd.s32 $0xFFFFFFFF  }
0xab: {  	s26 =	simm.s32 $execute0_lowered;
	[smem:$0x3FD2] =	sst s25  }
0xac: {  	s6 =	sshll.u32 s26, $0x1;
	_ =	strace $0x80000067;
	[dreg:$0x1] =	wrdreg $0xFFFFFFFF  }
0xad: {  	s28 =	simm.s32 $_size_execute0_lowered;
	s4 =	sadd.s32 s4, s6;
	[dreg:$0x0] =	wrdreg $0x0  }
0xae: {  	s6 =	sshll.u32 s28, $0x1;
	[dreg:$0x2] =	wrdreg s4  }
0xaf: {  	[dreg:$0x3] =	wrdreg s6  }
0xb0: {  	[dreg:$0x4] =	wrdreg $0xC0  }
0xb1: {  	_ =	task [dreg:s8], $0x5FFFF  }
0xb2: {  	[dreg:$0x1] =	wrdreg $0xFFFFFFFF  }
0xb3: {  	[dreg:$0x0] =	wrdreg $0x60  }
0xb4: {  	[dreg:$0x2] =	wrdreg s24  }
0xb5: {  	[dreg:$0x3] =	wrdreg s16  }
0xb6: {  	[dreg:$0x4] =	wrdreg s17  }
0xb7: {  	[dreg:$0x5] =	wrdreg $0x5500  }
0xb8: {  	[dreg:$0x6] =	wrdreg $0x9  }
0xb9: {  	_ =	task.clear_ibuf [dreg:s8], $0x7FFFF;
	_ =	strace $0x90000067  }
0xba: {  	s29 =	simm.s32 $0x9;
	_ =	strace $0x80000069  }
0xbb: {  	_ =	swait.ge [sflag:s29], $0x1  }
0xbc: {  	[sflag:s29] =	ssyncadd.s32 $0xFFFFFFFF  }
0xbd: {  	_ =	strace $0x90000069  }
0xbe: {  	_ =	sfence  }
0xbf: {  	s30 =	sld [smem:$0x0];
	_ =	sdelay $0x2  }
0xc0: {  	s31 =	sshll.u32 s1, $0xD;
	s1 =	sshrl.u32 s1, $0x2  }
0xc1: {  	s3 =	sand.u32 $0x4000, s31;
	s1 =	sadd.s32 s1, s30  }
0xc2: {  	s0 =	sor.u32 s3, s0;
	s1 =	sshll.u32 s1, $0x11  }
0xc3: {  	s0 =	sor.u32 s1, s0  }
0xc4: {  	s0 =	sadd.s32 $0x8F2B, s0  }
0xc5: {  	[sflag:s0] =	ssyncadd.remote.s32 $0x1  }
0xc6: {  	_ =	sfence.sel $0xFFFF  }
0xc7: {  	[dreg:$0x0] =	wrdreg $0xFFFFFFFF;
	(pc) =	sbr.abs _section_cstart, $3  }
0xc8: {  	[dreg:$0x1] =	wrdreg $0xFFFFFFFF  }
0xc9: {  	_ =	task.clear_ibuf [dreg:s8], $0x2FFFF;
	_ =	strace $0x9FFFFFFF  }
0xca: {  	(tm) =	ssettm $0x7FFFFFFF  }
0xcb: {  	_ =	shalt  }
tec
execute0_lowered:
.L_overlay_start_1:
0x0: {  	(tag) =	ssettag $0x1  }
0x1: {  	s5 =	rddreg [dreg:$0x0]  }
0x2: {  	s1 =	rddreg [dreg:$0x1];
	s0 =	srdreg.scid  }
0x3: {  	s6 =	rddreg [dreg:$0x2];
	s7 =	sand.u32 $0x1, s0  }
0x4: {  	s0 =	stileid.u32;
	s8 =	smul.u32 $0x186A000, s7  }
0x5: {  	s3 =	rddreg [dreg:$0x3];
	s9 =	smul.u32 $0x186A00, s0  }
0x6: {  	s2 =	rddreg [dreg:$0x4];
	s4 =	simm.s32 $0x0;
	s10 =	smul.u32 $0x30D4, s0  }
0x7: {  	s13 =	simm.s32 $0x0;
	[smem:$0x7FF] =	sst s4;
	s26 =	smul.u32 $0x18700, s0  }
0x8: {  	s11 =	ssub.s32 $0x2, s7;
	s7 =	smul.u32 $0x187000, s7;
	_ =	strace $0x80000068  }
0x9: {  	s30 =	sshll.u32 s0, $0x6;
	s12 =	sshrl.u32 s11, $0x1;
	s8 =	sadd.s32 s9, s8  }
0xa: {  	s10 =	sadd.s32 s10, s5;
	s11 =	ssub.s32 s11, s12;
	s28 =	sadd.s32 s26, s7  }
0xb: {  	s29 =	sadd.s32 s26, s3;
	s12 =	simm.s32 $0x50;
	s8 =	sshrl.u32 s8, $0x3  }
0xc: {  	s31 =	sshrl.u32 s28, $0x3;
	s7 =	smax.u32 s11, $0x1;
	s9 =	sadd.s32 $0x32000, s10  }
0xd: {  	s10 =	sshrl.u32 s29, $0x3;
	s11 =	simm.s32 $0x1;
	s8 =	sadd.s32 s8, s5  }
0xe: {  	s5 =	sor.u32 $0x1C01, s30;
	s6 =	sadd.s32 s6, s31;
	s8 =	sadd.s32 $0x373400, s8  }
.LBB2_1:
0xf: {  	[spmem:s10], [sflag:s5] =	dma.local [hbm:s1], $0x30E0  }
0x10: {  	_ =	swait.ge [sflag:s11], $0x30E0  }
0x11: {  	[sflag:s11] =	ssyncset.done $0x0  }
0x12: {  	[sflag:s11] =	ssyncadd.s32 $0xFFFFCF20  }
0x13: {  	s14 =	sadd.s32 $0x0, s9;
	[bflag:$0x0] =	sbarrier.arrive $0xFFFF  }
0x14: {  	[tilespmem:s4], [sflag:$0x1] =	stream.linear.gather [hbm4b:s14+s4], $0x50, $0x38;
	[tilespmem:$0x18C50] =	vst v63  }
0x15: {  	_ =	swait.ge [sflag:s11], $0x50  }
0x16: {  	[sflag:s11] =	ssyncset.done $0x0  }
0x17: {  	[sflag:s11] =	ssyncadd.s32 $0xFFFFFFB0  }
0x18: {  	[tilespmem:s12], [sflag:$0x1] =	stream.linear.gather [hbm4b:s8+s4], $0x500, $0x38;
	[tilespmem:$0x18C50] =	vst v63  }
0x19: {  	_ =	swait.ge [sflag:s11], $0x500  }
0x1a: {  	[sflag:s11] =	ssyncset.done $0x0  }
0x1b: {  	[sflag:s11] =	ssyncadd.s32 $0xFFFFFB00  }
0x1c: {  	[spmem:s3] =	stream.indirect.scatter.add.f32 [tilespmem:s12], [sflag:$0x1], $0x10, s4, s12, $0xb8;
	[tilespmem:$0x18C50] =	vst v63  }
0x1d: {  	s15 =	simm.s32 $0xA;
	_ =	swait.ge [sflag:s11], $0x500  }
0x1e: {  	s16 =	simm.s32 $0x14;
	s14 =	sadd.s32 $0xA0, s8;
	[sflag:s11] =	ssyncset.done $0x0  }
.LBB2_2:
0x1f: {  	s17 =	sadd.s32 s15, s9  }
0x20: {  	[sflag:s11] =	ssyncadd.s32 $0xFFFFFB00;
	s15 =	smov.u32 s16;
	s18 =	sadd.s32 $0xA, s16  }
0x21: {  	[tilespmem:s4], [sflag:$0x1] =	stream.linear.gather [hbm4b:s17+s4], $0x50, $0x38;
	[tilespmem:$0x18C50] =	vst v63  }
0x22: {  	p0 =	sne.s32 s16, $0x30CA;
	_ =	swait.ge [sflag:s11], $0x50  }
0x23: {  	[sflag:s11] =	ssyncset.done $0x0  }
0x24: {  	[sflag:s11] =	ssyncadd.s32 $0xFFFFFFB0  }
0x25: {  	[tilespmem:s12], [sflag:$0x1] =	stream.linear.gather [hbm4b:s14+s4], $0x500, $0x38;
	[tilespmem:$0x18C50] =	vst v63  }
0x26: {  	_ =	swait.ge [sflag:s11], $0x500  }
.Ltmp0:
0x27: {  	[sflag:s11] =	ssyncset.done $0x0;
	(pc) =	sbr.rel @p0 .LBB2_2-.Ltmp0, $4  }
0x28: {  	[sflag:s11] =	ssyncadd.s32 $0xFFFFFB00  }
0x29: {  	[spmem:s3] =	stream.indirect.scatter.add.f32 [tilespmem:s12], [sflag:$0x1], $0x10, s4, s12, $0xb8;
	[tilespmem:$0x18C50] =	vst v63  }
0x2a: {  	_ =	swait.ge [sflag:s11], $0x500  }
0x2b: {  	s16 =	smov.u32 s18;
	s14 =	sadd.s32 $0xA0, s14;
	[sflag:s11] =	ssyncset.done $0x0  }
0x2c: {  	s15 =	sadd.s32 s15, s9;
	[sflag:s11] =	ssyncadd.s32 $0xFFFFFB00  }
0x2d: {  	[tilespmem:s4], [sflag:$0x1] =	stream.linear.gather [hbm4b:s15+s4], $0x50, $0x38;
	[tilespmem:$0x18C50] =	vst v63  }
0x2e: {  	_ =	swait.ge [sflag:s11], $0x50  }
0x2f: {  	[sflag:s11] =	ssyncset.done $0x0  }
0x30: {  	[sflag:s11] =	ssyncadd.s32 $0xFFFFFFB0  }
0x31: {  	[tilespmem:s12], [sflag:$0x1] =	stream.linear.gather [hbm4b:s14+s4], $0x500, $0x38;
	[tilespmem:$0x18C50] =	vst v63  }
0x32: {  	_ =	swait.ge [sflag:s11], $0x500  }
0x33: {  	[sflag:s11] =	ssyncset.done $0x0  }
0x34: {  	[sflag:s11] =	ssyncadd.s32 $0xFFFFFB00  }
0x35: {  	[spmem:s3] =	stream.indirect.scatter.add.f32 [tilespmem:s12], [sflag:$0x1], $0x10, s4, s12, $0xb8;
	[tilespmem:$0x18C50] =	vst v63  }
0x36: {  	_ =	swait.ge [sflag:s11], $0x500  }
0x37: {  	s13 =	sadd.s32 $0x1, s13;
	[sflag:s11] =	ssyncset.done $0x0  }
0x38: {  	p0 =	sne.s32 s13, s7;
	[sflag:s11] =	ssyncadd.s32 $0xFFFFFB00  }
.Ltmp1:
0x39: {  	[bflag:$0x0] =	sbarrier.arrive $0xFFFF;
	(pc) =	sbr.rel @p0 .LBB2_1-.Ltmp1, $4  }
0x3a: {  	[hbm:s6], [sflag:s5] =	dma.local [spmem:s10], $0x30E0  }
0x3b: {  	_ =	swait.ge [sflag:s11], $0x30E0  }
0x3c: {  	[sflag:s11] =	ssyncset.done $0x0  }
0x3d: {  	[sflag:s11] =	ssyncadd.s32 $0xFFFFCF20  }
0x3e: {  	_ =	sfence.sel $0x180000  }
0x3f: {  	[bflag:$0x0] =	sbarrier.arrive $0xFFFF  }
0x40: {  	p0 =	sne.s32 s0, $0x0;
	_ =	strace $0x90000068  }
0x41: {  	s0 =	sadd.s32 @!p0 $0x100000, s2;
	[bflag:$0x2] =	sbarrier.arrive $0xFFFF  }
0x42: {  	[sflag:s0] =	ssyncadd.tile.s32 @!p0 $0x1;
	_ =	shalt  }
.Lfunc_end2:
_tile_overlayer_lowered:
.L_overlay_start_2:
0x43: {  	(tag) =	ssettag $0x2  }
0x44: {  	s0 =	rddreg [dreg:$0x0];
	s2 =	stileid.u32  }
0x45: {  	s1 =	rddreg [dreg:$0x1];
	p0 =	sne.s32 s2, $0x0  }
0x46: {  	s3 =	rddreg [dreg:$0x2];
	[bflag:$0x3] =	sbarrier.arrive $0xFFFF;
	s2 =	simm.s32 @!p0 $0x1C01  }
0x47: {  	[timem:s3], [sflag:s2] =	dma.local @!p0 [hbm:s0], s1  }
0x48: {  	s0 =	simm.s32 @!p0 $0x1  }
0x49: {  	_ =	swait.ge @!p0 [sflag:s0], s1  }
0x4a: {  	s1 =	ssub.s32 @!p0 $0x0, s1;
	[sflag:s0] =	ssyncset.done @!p0 $0x0  }
0x4b: {  	[sflag:s0] =	ssyncadd.s32 @!p0 s1  }
0x4c: {  	[bflag:$0x3] =	sbarrier.arrive $0xFFFF  }
0x4d: {  	_ =	shalt  }

// kernel: kernel.26.cloned.1.call-start
scs
__scs_entry_jumppad:
0x0: {  	(pc) =	sbr.rel $0x88, $3  }
0x1: {  	(tag) =	ssettag $0x0;
	lr =	simm.s32 $0x1  }
0x2: {  	[smem:$0x3F28] =	sst lr;
	_ =	strace $0xD0000000  }
0x3: {  	_ = 	snop  }
0x4: {  	_ = 	snop  }
0x5: {  	_ = 	snop  }
0x6: {  	_ = 	snop  }
0x7: {  	_ = 	snop  }
__scs_overlays_trampoline_lowered:
0x8: {  	[smem:$0x3F37] =	sst s0  }
0x9: {  	[smem:$0x3F38] =	sst s1  }
0xa: {  	[smem:$0x3F39] =	sst s2  }
0xb: {  	[smem:$0x3F3A] =	sst s3  }
0xc: {  	[smem:$0x3F3B] =	sst s4  }
0xd: {  	[smem:$0x3F3C] =	sst s5  }
0xe: {  	[smem:$0x3F3D] =	sst s6  }
0xf: {  	[smem:$0x3F3E] =	sst s7  }
0x10: {  	[smem:$0x3F3F] =	sst s8  }
0x11: {  	[smem:$0x3F40] =	sst s9;
	s0 =	simm.s32 @!p0 $0x0  }
0x12: {  	s1 =	sld [smem:$0x3F26];
	s0 =	simm.s32 @p0 $0x1  }
0x13: {  	[smem:$0x3F41] =	sst s0;
	s0 =	simm.s32 @!p1 $0x0  }
0x14: {  	s2 =	sld [smem:$0x3F25];
	s0 =	simm.s32 @p1 $0x1  }
0x15: {  	[smem:$0x3F42] =	sst s0;
	s0 =	simm.s32 @!p2 $0x0  }
0x16: {  	s3 =	sld [smem:$0x3FDB];
	s0 =	simm.s32 @p2 $0x1  }
0x17: {  	s4 =	simm.s32 $0x1BF5;
	[smem:$0x3F44] =	sst s0  }
0x18: {  	s0 =	sld [smem:$0x3F27];
	_ =	swait.ge [sflag:s4], $0x0  }
0x19: {  	s7 =	sld [smem:$0x3F28]  }
0x1a: {  	s8 =	sadd.s32 $0xFFFFE003, lr  }
0x1b: {  	s9 =	sadd.s32 $0xFFFFFEF7, lr;
	s5 =	simm.s32 $0xFFFFFFFF;
	p2 =	slt.u32 s8, $0xFFFFF086  }
0x1c: {  	p1 =	slt.u32 s9, $0xF7A;
	s5 =	simm.s32 @!p2 $0x0  }
0x1d: {  	s5 =	simm.s32 @p1 $0x1;
	p0 =	seq.s32 s7, s2  }
0x1e: {  	s7 =	smul.u32 @!p0 $0xF7A, s2;
	p2 =	seq.s32 @!p0 s5, $0x0  }
0x1f: {  	s9 =	smul.u32 $0xF7A, s1;
	s8 =	simm.s32 @!p0 $0x1BF5;
	p2 =	por !p2, p0  }
0x20: {  	[sflag:s8] =	ssyncset.s32 @!p0 $0xFFFFF086;
	s6 =	sadd.s32 @!p0 s3, s7;
	s7 =	simm.s32 @!p0 $0x108  }
0x21: {  	s3 =	sadd.s32 s3, s9;
	s6 =	sadd.s32 @!p0 $0x88, s6;
	s7 =	simm.s32 @p2 $0x1082  }
0x22: {  	[simem:s7], [sflag:s8] =	dma.local @!p0 [hbm:s6], $0xF7A  }
0x23: {  	s9 =	sor.u32 $0xD0000000, s2;
	s6 =	simm.s32 $0x108;
	_ =	swait.ge @!p0 [sflag:s8], $0x0  }
0x24: {  	s3 =	sadd.s32 $0x88, s3;
	s6 =	simm.s32 @!p1 $0x1082;
	[sflag:s4] =	ssyncset.s32 $0xFFFFF086  }
0x25: {  	[simem:s6], [sflag:s4] =	dma.local [hbm:s3], $0xF7A  }
0x26: {  	[smem:$0x3F28] =	sst s1;
	(tag) =	ssettag s2;
	_ =	strace s9  }
0x27: {  	s1 =	sld [smem:$0x3F38]  }
0x28: {  	s2 =	sld [smem:$0x3F39]  }
0x29: {  	s4 =	sld [smem:$0x3F3B]  }
0x2a: {  	p0 =	seq.s32 s5, $0x0;
	s5 =	sld [smem:$0x3F3C]  }
0x2b: {  	s6 =	sld [smem:$0x3F3D]  }
0x2c: {  	s7 =	sld [smem:$0x3F3E]  }
0x2d: {  	s3 =	simm.s32 $0x108;
	s8 =	sld [smem:$0x3F3F]  }
0x2e: {  	s3 =	simm.s32 @!p0 $0x1082;
	s9 =	sld [smem:$0x3F40]  }
0x2f: {  	lr =	sadd.s32 s0, s3;
	s0 =	sld [smem:$0x3F37]  }
0x30: {  	s3 =	sld [smem:$0x3F3A]  }
0x31: {  	[smem:$0x3F43] =	sst s10  }
0x32: {  	s10 =	sld [smem:$0x3F41];
	_ =	sdelay $0x3  }
0x33: {  	p0 =	seq.s32 s10, $0x1;
	s10 =	sld [smem:$0x3F43];
	_ =	sdelay $0x3  }
0x34: {  	[smem:$0x3F43] =	sst s10  }
0x35: {  	s10 =	sld [smem:$0x3F42];
	_ =	sdelay $0x3  }
0x36: {  	p1 =	seq.s32 s10, $0x1;
	s10 =	sld [smem:$0x3F43];
	_ =	sdelay $0x3  }
0x37: {  	[smem:$0x3F43] =	sst s10  }
0x38: {  	s10 =	sld [smem:$0x3F44]  }
0x39: {  	_ = 	snop;
	(pc) =	sbr.ind lr, $3  }
0x3a: {  	_ = 	snop  }
0x3b: {  	_ = 	snop  }
0x3c: {  	p2 =	seq.s32 s10, $0x1;
	s10 =	sld [smem:$0x3F43]  }
0x3d: {  	_ =	shalt  }
0x3e: {  	_ =	shalt  }
0x3f: {  	_ =	shalt  }
0x40: {  	_ =	shalt  }
0x41: {  	_ =	shalt  }
0x42: {  	_ =	shalt  }
0x43: {  	_ =	shalt  }
0x44: {  	_ =	shalt  }
0x45: {  	_ =	shalt  }
0x46: {  	_ =	shalt  }
0x47: {  	_ =	shalt  }
0x48: {  	_ =	shalt  }
0x49: {  	_ =	shalt  }
0x4a: {  	_ =	shalt  }
0x4b: {  	_ =	shalt  }
0x4c: {  	_ =	shalt  }
0x4d: {  	_ =	shalt  }
0x4e: {  	_ =	shalt  }
0x4f: {  	_ =	shalt  }
0x50: {  	_ =	shalt  }
0x51: {  	_ =	shalt  }
0x52: {  	_ =	shalt  }
0x53: {  	_ =	shalt  }
0x54: {  	_ =	shalt  }
0x55: {  	_ =	shalt  }
0x56: {  	_ =	shalt  }
0x57: {  	_ =	shalt  }
0x58: {  	_ =	shalt  }
0x59: {  	_ =	shalt  }
0x5a: {  	_ =	shalt  }
0x5b: {  	_ =	shalt  }
0x5c: {  	_ =	shalt  }
0x5d: {  	_ =	shalt  }
0x5e: {  	_ =	shalt  }
0x5f: {  	_ =	shalt  }
0x60: {  	_ =	shalt  }
0x61: {  	_ =	shalt  }
0x62: {  	_ =	shalt  }
0x63: {  	_ =	shalt  }
0x64: {  	_ =	shalt  }
0x65: {  	_ =	shalt  }
0x66: {  	_ =	shalt  }
0x67: {  	_ =	shalt  }
0x68: {  	_ =	shalt  }
0x69: {  	_ =	shalt  }
0x6a: {  	_ =	shalt  }
0x6b: {  	_ =	shalt  }
0x6c: {  	_ =	shalt  }
0x6d: {  	_ =	shalt  }
0x6e: {  	_ =	shalt  }
0x6f: {  	_ =	shalt  }
0x70: {  	_ =	shalt  }
0x71: {  	_ =	shalt  }
0x72: {  	_ =	shalt  }
0x73: {  	_ =	shalt  }
0x74: {  	_ =	shalt  }
0x75: {  	_ =	shalt  }
0x76: {  	_ =	shalt  }
0x77: {  	_ =	shalt  }
0x78: {  	_ =	shalt  }
0x79: {  	_ =	shalt  }
0x7a: {  	_ =	shalt  }
0x7b: {  	_ =	shalt  }
0x7c: {  	_ =	shalt  }
0x7d: {  	_ =	shalt  }
0x7e: {  	_ =	shalt  }
0x7f: {  	_ =	shalt  }
0x80: {  	_ =	shalt  }
0x81: {  	_ =	shalt  }
0x82: {  	_ =	shalt  }
0x83: {  	_ =	shalt  }
0x84: {  	_ =	shalt  }
0x85: {  	_ =	shalt  }
0x86: {  	_ =	shalt  }
0x87: {  	_ =	shalt  }
.Lfunc_end0:
.L_simem_size_0:
called_computation.15_lowered:
.L_overlay_start_0:
0x88: {  	s2 =	sld [smem:$0x3FD9]  }
0x89: {  	s3 =	sld [smem:$0x3FFE];
	_ =	sdelay $0x1  }
0x8a: {  	s1 =	srdreg.scid  }
0x8b: {  	s0 =	sand.u32 $0x1, s1  }
0x8c: {  	s14 =	sshll.u32 s0, $0xA;
	s2 =	sadd.s32 s3, s2  }
0x8d: {  	s2 =	sadd.s32 s2, s14  }
0x8e: {  	[smem:$0x3F4F] =	sst s2  }
0x8f: {  	_ = 	snop  }
0x90: {  	s2 =	sld [smem:$0x3FD0];
	_ =	sdelay $0x2  }
0x91: {  	s15 =	simm.s32 $0xB;
	s4 =	simm.s32 $0x10  }
0x92: {  	[smem:s4], [sflag:s15] =	dma.local [hbm:s2], $0x1  }
0x93: {  	_ =	swait.eq [sflag:s15], $0x1  }
0x94: {  	[sflag:s15] =	ssyncset.done $0x0  }
0x95: {  	[sflag:s15] =	ssyncadd.s32 $0xFFFFFFFF  }
0x96: {  	s16 =	sld [smem:$0x11];
	(tm) =	ssettm $0x1  }
0x97: {  	s17 =	sld [smem:$0x3FFB];
	_ =	sdelay $0x3  }
0x98: {  	_ =	strace s17  }
0x99: {  	s3 =	sld [smem:$0x3FFC];
	_ =	sdelay $0x3  }
0x9a: {  	_ =	strace s3  }
0x9b: {  	s3 =	sld [smem:$0x3FFD];
	_ =	sdelay $0x3  }
0x9c: {  	_ =	strace s3  }
0x9d: {  	_ =	strace $0x8FFFFFFF  }
0x9e: {  	s18 =	sld [smem:$0x3FDB];
	_ =	sdelay $0x1  }
0x9f: {  	s19 =	simm.s32 $_scs_section_size  }
0xa0: {  	s5 =	simm.s32 $_size__tile_overlayer_lowered;
	s6 =	simm.s32 $_tile_overlayer_lowered  }
0xa1: {  	s22 =	simm.s32 $0x1BFF;
	s21 =	sshll.u32 s6, $0x1;
	s3 =	sadd.s32 s19, s18  }
0xa2: {  	s7 =	simm.s32 $0x0;
	s20 =	sshll.u32 s5, $0x1;
	s5 =	sadd.s32 s21, s3  }
0xa3: {  	[timem:s7], [sflag:s22] =	dma.local [hbm:s5], s20  }
0xa4: {  	_ =	swait.ge [sflag:s22], s20  }
0xa5: {  	s4 =	ssub.s32 $0x0, s20;
	[sflag:s22] =	ssyncset.done $0x0  }
0xa6: {  	[sflag:s22] =	ssyncadd.s32 s4;
	_ =	sdelay $0x1  }
0xa7: {  	s23 =	simm.s32 $0x1B8B  }
0xa8: {  	_ =	swait.ge [sflag:s23], $0x1  }
0xa9: {  	[sflag:s23] =	ssyncset.done $0x0  }
0xaa: {  	s25 =	simm.s32 $0x1B8E;
	s24 =	sld [smem:$0x3FFE];
	[sflag:s23] =	ssyncadd.s32 $0xFFFFFFFF  }
0xab: {  	s26 =	simm.s32 $execute0_lowered;
	[smem:$0x3FD2] =	sst s25  }
0xac: {  	s5 =	sshll.u32 s26, $0x1;
	_ =	strace $0x8000006A;
	[dreg:$0x1] =	wrdreg $0xFFFFFFFF  }
0xad: {  	s28 =	simm.s32 $_size_execute0_lowered;
	s3 =	sadd.s32 s3, s5;
	[dreg:$0x0] =	wrdreg $0x0  }
0xae: {  	s5 =	sshll.u32 s28, $0x1;
	[dreg:$0x2] =	wrdreg s3  }
0xaf: {  	[dreg:$0x3] =	wrdreg s5  }
0xb0: {  	[dreg:$0x4] =	wrdreg $0xC0  }
0xb1: {  	_ =	task [dreg:s7], $0x5FFFF  }
0xb2: {  	[dreg:$0x1] =	wrdreg $0xFFFFFFFF  }
0xb3: {  	[dreg:$0x0] =	wrdreg $0x60  }
0xb4: {  	[dreg:$0x2] =	wrdreg s16  }
0xb5: {  	[dreg:$0x3] =	wrdreg s24  }
0xb6: {  	[dreg:$0x4] =	wrdreg $0x9  }
0xb7: {  	_ =	task.clear_ibuf [dreg:s7], $0x5FFFF;
	_ =	strace $0x9000006A  }
0xb8: {  	s29 =	simm.s32 $0x9;
	_ =	strace $0x8000006C  }
0xb9: {  	_ =	swait.ge [sflag:s29], $0x1  }
0xba: {  	[sflag:s29] =	ssyncadd.s32 $0xFFFFFFFF  }
0xbb: {  	_ =	strace $0x9000006C  }
0xbc: {  	_ =	sfence  }
0xbd: {  	s30 =	sld [smem:$0x0];
	_ =	sdelay $0x2  }
0xbe: {  	s31 =	sshll.u32 s1, $0xD;
	s1 =	sshrl.u32 s1, $0x2  }
0xbf: {  	s3 =	sand.u32 $0x4000, s31;
	s1 =	sadd.s32 s1, s30  }
0xc0: {  	s0 =	sor.u32 s3, s0;
	s1 =	sshll.u32 s1, $0x11  }
0xc1: {  	s0 =	sor.u32 s1, s0  }
0xc2: {  	s0 =	sadd.s32 $0x8F2B, s0  }
0xc3: {  	[sflag:s0] =	ssyncadd.remote.s32 $0x1  }
0xc4: {  	_ =	sfence.sel $0xFFFF  }
0xc5: {  	[dreg:$0x0] =	wrdreg $0xFFFFFFFF;
	(pc) =	sbr.abs _section_cstart, $3  }
0xc6: {  	[dreg:$0x1] =	wrdreg $0xFFFFFFFF  }
0xc7: {  	_ =	task.clear_ibuf [dreg:s7], $0x2FFFF;
	_ =	strace $0x9FFFFFFF  }
0xc8: {  	(tm) =	ssettm $0x7FFFFFFF  }
0xc9: {  	_ =	shalt  }
tec
execute0_lowered:
.L_overlay_start_1:
0x0: {  	(tag) =	ssettag $0x1  }
0x1: {  	s2 =	rddreg [dreg:$0x0]  }
0x2: {  	s4 =	rddreg [dreg:$0x1]  }
0x3: {  	s0 =	rddreg [dreg:$0x2]  }
0x4: {  	s5 =	srdreg.scid;
	s1 =	stileid.u32;
	s3 =	simm.s32 $0x0  }
0x5: {  	s11 =	simm.s32 $0xA0;
	s12 =	simm.s32 $0xAA0;
	s6 =	smul.u32 $0x186A0, s1  }
0x6: {  	s13 =	simm.s32 $0x1;
	s5 =	sand.u32 $0x1, s5;
	s8 =	smul.u32 $0x61A80, s1  }
0x7: {  	s14 =	simm.s32 $0x2;
	s15 =	simm.s32 $0x0;
	s7 =	smul.u32 $0xC350, s5  }
0x8: {  	[smem:$0x7FF] =	sst s3;
	s29 =	ssub.s32 $0x2, s5;
	s5 =	smul.u32 $0x30D40, s5  }
0x9: {  	_ =	strace $0x8000006B;
	s8 =	sadd.s32 s8, s4;
	s9 =	sshrl.u32 s29, $0x1  }
0xa: {  	s6 =	sadd.s32 s7, s6;
	s30 =	ssub.s32 s29, s9;
	s31 =	sadd.s32 s5, s8  }
0xb: {  	s9 =	simm.s32 $0x3;
	s6 =	sshrl.u32 s6, $0x3;
	s5 =	sadd.s32 $0x373400, s31  }
0xc: {  	s10 =	sadd.s32 s6, s4;
	s4 =	smax.u32 s30, $0x1;
	s6 =	sadd.s32 $0x21F7C00, s31  }
0xd: {  	s7 =	sadd.s32 $0x32000, s10;
	s8 =	sadd.s32 $0x1200, s10;
	s10 =	simm.s32 $0x50  }
.LBB2_1:
0xe: {  	s16 =	sadd.s32 $0x0, s8  }
0xf: {  	[tilespmem:s3], [sflag:$0x3] =	stream.linear.gather [hbm4b:s16+s3], $0x50, $0x38;
	[tilespmem:$0x14A0] =	vst v63  }
0x10: {  	_ =	swait.ge [sflag:s9], $0x50  }
0x11: {  	[sflag:s9] =	ssyncset.done $0x0  }
0x12: {  	s31 =	sadd.s32 $0x0, s7;
	[sflag:s9] =	ssyncadd.s32 $0xFFFFFFB0  }
0x13: {  	[tilespmem:s10], [sflag:$0x3] =	stream.linear.gather [hbm4b:s31+s3], $0x50, $0x38;
	[tilespmem:$0x14A0] =	vst v63  }
0x14: {  	_ =	swait.ge [sflag:s9], $0x50  }
0x15: {  	[sflag:s9] =	ssyncset.done $0x0  }
0x16: {  	[sflag:s9] =	ssyncadd.s32 $0xFFFFFFB0  }
0x17: {  	[tilespmem:s11], [sflag:$0x1] =	stream.indirect.gather [hbm4b:s2+s10], $0x20, s3, s10, $0xb8;
	[tilespmem:$0x14A0] =	vst v63  }
0x18: {  	_ = 	snop  }
0x19: {  	[tilespmem:s12], [sflag:$0x2] =	stream.indirect.gather [hbm4b:s2+s10], $0x20, s10, s10, $0xb8;
	[tilespmem:$0x14A0] =	vst v63  }
0x1a: {  	_ =	swait.ge [sflag:s13], $0xA00  }
0x1b: {  	[sflag:s13] =	ssyncset.done $0x0  }
0x1c: {  	[sflag:s13] =	ssyncadd.s32 $0xFFFFF600  }
0x1d: {  	[hbm4b:s6+s3] =	stream.linear.scatter [tilespmem:s11], [sflag:$0x3], $0xA00, $0x38;
	[tilespmem:$0x14A0] =	vst v63  }
0x1e: {  	_ =	swait.ge [sflag:s9], $0xA00  }
0x1f: {  	[sflag:s9] =	ssyncset.done $0x0  }
0x20: {  	[sflag:s9] =	ssyncadd.s32 $0xFFFFF600  }
0x21: {  	_ =	swait.ge [sflag:s14], $0xA00  }
0x22: {  	[sflag:s14] =	ssyncset.done $0x0  }
0x23: {  	[sflag:s14] =	ssyncadd.s32 $0xFFFFF600  }
0x24: {  	[hbm4b:s5+s3] =	stream.linear.scatter [tilespmem:s12], [sflag:$0x3], $0xA00, $0x38;
	[tilespmem:$0x14A0] =	vst v63  }
0x25: {  	s18 =	simm.s32 $0xA;
	s19 =	simm.s32 $0x14;
	_ =	swait.ge [sflag:s9], $0xA00  }
0x26: {  	s17 =	sadd.s32 $0x140, s6;
	s16 =	sadd.s32 $0x140, s5;
	[sflag:s9] =	ssyncset.done $0x0  }
.LBB2_2:
0x27: {  	s20 =	sadd.s32 s18, s8  }
0x28: {  	[sflag:s9] =	ssyncadd.s32 $0xFFFFF600;
	s21 =	smov.u32 s19;
	s22 =	sadd.s32 $0xA, s19  }
0x29: {  	[tilespmem:s3], [sflag:$0x3] =	stream.linear.gather [hbm4b:s20+s3], $0x50, $0x38;
	[tilespmem:$0x14A0] =	vst v63  }
0x2a: {  	p0 =	sne.s32 s19, $0x1860;
	_ =	swait.ge [sflag:s9], $0x50  }
0x2b: {  	[sflag:s9] =	ssyncset.done $0x0  }
0x2c: {  	s19 =	sadd.s32 s18, s7;
	s18 =	smov.u32 s21;
	[sflag:s9] =	ssyncadd.s32 $0xFFFFFFB0  }
0x2d: {  	[tilespmem:s10], [sflag:$0x3] =	stream.linear.gather [hbm4b:s19+s3], $0x50, $0x38;
	[tilespmem:$0x14A0] =	vst v63  }
0x2e: {  	_ =	swait.ge [sflag:s9], $0x50  }
0x2f: {  	[sflag:s9] =	ssyncset.done $0x0  }
0x30: {  	[sflag:s9] =	ssyncadd.s32 $0xFFFFFFB0  }
0x31: {  	[tilespmem:s11], [sflag:$0x1] =	stream.indirect.gather [hbm4b:s2+s10], $0x20, s3, s10, $0xb8;
	[tilespmem:$0x14A0] =	vst v63  }
0x32: {  	_ = 	snop  }
0x33: {  	[tilespmem:s12], [sflag:$0x2] =	stream.indirect.gather [hbm4b:s2+s10], $0x20, s10, s10, $0xb8;
	[tilespmem:$0x14A0] =	vst v63  }
0x34: {  	_ =	swait.ge [sflag:s13], $0xA00  }
0x35: {  	[sflag:s13] =	ssyncset.done $0x0  }
0x36: {  	[sflag:s13] =	ssyncadd.s32 $0xFFFFF600  }
0x37: {  	[hbm4b:s17+s3] =	stream.linear.scatter [tilespmem:s11], [sflag:$0x3], $0xA00, $0x38;
	[tilespmem:$0x14A0] =	vst v63  }
0x38: {  	_ =	swait.ge [sflag:s9], $0xA00  }
0x39: {  	[sflag:s9] =	ssyncset.done $0x0  }
0x3a: {  	[sflag:s9] =	ssyncadd.s32 $0xFFFFF600  }
0x3b: {  	_ =	swait.ge [sflag:s14], $0xA00  }
.Ltmp0:
0x3c: {  	[sflag:s14] =	ssyncset.done $0x0;
	(pc) =	sbr.rel @p0 .LBB2_2-.Ltmp0, $4  }
0x3d: {  	[sflag:s14] =	ssyncadd.s32 $0xFFFFF600  }
0x3e: {  	[hbm4b:s16+s3] =	stream.linear.scatter [tilespmem:s12], [sflag:$0x3], $0xA00, $0x38;
	[tilespmem:$0x14A0] =	vst v63  }
0x3f: {  	s19 =	smov.u32 s22;
	_ =	swait.ge [sflag:s9], $0xA00  }
0x40: {  	s17 =	sadd.s32 $0x140, s17;
	s16 =	sadd.s32 $0x140, s16;
	[sflag:s9] =	ssyncset.done $0x0  }
0x41: {  	s19 =	sadd.s32 s18, s8;
	[sflag:s9] =	ssyncadd.s32 $0xFFFFF600  }
0x42: {  	[tilespmem:s3], [sflag:$0x3] =	stream.linear.gather [hbm4b:s19+s3], $0x50, $0x38;
	[tilespmem:$0x14A0] =	vst v63  }
0x43: {  	_ =	swait.ge [sflag:s9], $0x50  }
0x44: {  	[sflag:s9] =	ssyncset.done $0x0  }
0x45: {  	s31 =	sadd.s32 s18, s7;
	[sflag:s9] =	ssyncadd.s32 $0xFFFFFFB0  }
0x46: {  	[tilespmem:s10], [sflag:$0x3] =	stream.linear.gather [hbm4b:s31+s3], $0x50, $0x38;
	[tilespmem:$0x14A0] =	vst v63  }
0x47: {  	_ =	swait.ge [sflag:s9], $0x50  }
0x48: {  	[sflag:s9] =	ssyncset.done $0x0  }
0x49: {  	[sflag:s9] =	ssyncadd.s32 $0xFFFFFFB0  }
0x4a: {  	[tilespmem:s11], [sflag:$0x1] =	stream.indirect.gather [hbm4b:s2+s10], $0x20, s3, s10, $0xb8;
	[tilespmem:$0x14A0] =	vst v63  }
0x4b: {  	_ = 	snop  }
0x4c: {  	[tilespmem:s12], [sflag:$0x2] =	stream.indirect.gather [hbm4b:s2+s10], $0x20, s10, s10, $0xb8;
	[tilespmem:$0x14A0] =	vst v63  }
0x4d: {  	_ =	swait.ge [sflag:s13], $0xA00  }
0x4e: {  	[sflag:s13] =	ssyncset.done $0x0  }
0x4f: {  	[sflag:s13] =	ssyncadd.s32 $0xFFFFF600  }
0x50: {  	[hbm4b:s17+s3] =	stream.linear.scatter [tilespmem:s11], [sflag:$0x3], $0xA00, $0x38;
	[tilespmem:$0x14A0] =	vst v63  }
0x51: {  	_ =	swait.ge [sflag:s9], $0xA00  }
0x52: {  	[sflag:s9] =	ssyncset.done $0x0  }
0x53: {  	[sflag:s9] =	ssyncadd.s32 $0xFFFFF600  }
0x54: {  	s15 =	sadd.s32 $0x1, s15;
	_ =	swait.ge [sflag:s14], $0xA00  }
0x55: {  	p0 =	sne.s32 s15, s4;
	[sflag:s14] =	ssyncset.done $0x0  }
.Ltmp1:
0x56: {  	[sflag:s14] =	ssyncadd.s32 $0xFFFFF600;
	(pc) =	sbr.rel @p0 .LBB2_1-.Ltmp1, $4  }
0x57: {  	[hbm4b:s16+s3] =	stream.linear.scatter [tilespmem:s12], [sflag:$0x3], $0xA00, $0x38;
	[tilespmem:$0x14A0] =	vst v63  }
0x58: {  	_ =	swait.ge [sflag:s9], $0xA00  }
0x59: {  	[sflag:s9] =	ssyncset.done $0x0  }
0x5a: {  	[sflag:s9] =	ssyncadd.s32 $0xFFFFF600  }
0x5b: {  	_ =	sfence.sel $0x180000  }
0x5c: {  	[bflag:$0x0] =	sbarrier.arrive $0xFFFF  }
0x5d: {  	p0 =	sne.s32 s1, $0x0;
	_ =	strace $0x9000006B  }
0x5e: {  	s0 =	sadd.s32 @!p0 $0x100000, s0;
	[bflag:$0x2] =	sbarrier.arrive $0xFFFF  }
0x5f: {  	[sflag:s0] =	ssyncadd.tile.s32 @!p0 $0x1;
	_ =	shalt  }
.Lfunc_end2:
_tile_overlayer_lowered:
.L_overlay_start_2:
0x60: {  	(tag) =	ssettag $0x2  }
0x61: {  	s0 =	rddreg [dreg:$0x0];
	s2 =	stileid.u32  }
0x62: {  	s1 =	rddreg [dreg:$0x1];
	p0 =	sne.s32 s2, $0x0  }
0x63: {  	s3 =	rddreg [dreg:$0x2];
	[bflag:$0x3] =	sbarrier.arrive $0xFFFF;
	s2 =	simm.s32 @!p0 $0x1C03  }
0x64: {  	[timem:s3], [sflag:s2] =	dma.local @!p0 [hbm:s0], s1  }
0x65: {  	s0 =	simm.s32 @!p0 $0x3  }
0x66: {  	_ =	swait.ge @!p0 [sflag:s0], s1  }
0x67: {  	s1 =	ssub.s32 @!p0 $0x0, s1;
	[sflag:s0] =	ssyncset.done @!p0 $0x0  }
0x68: {  	[sflag:s0] =	ssyncadd.s32 @!p0 s1  }
0x69: {  	[bflag:$0x3] =	sbarrier.arrive $0xFFFF  }
0x6a: {  	_ =	shalt  }

// kernel: kernel.29.cloned.1.call-start
scs
__scs_entry_jumppad:
0x0: {  	(pc) =	sbr.rel $0x88, $3  }
0x1: {  	(tag) =	ssettag $0x0;
	lr =	simm.s32 $0x1  }
0x2: {  	[smem:$0x3F28] =	sst lr;
	_ =	strace $0xD0000000  }
0x3: {  	_ = 	snop  }
0x4: {  	_ = 	snop  }
0x5: {  	_ = 	snop  }
0x6: {  	_ = 	snop  }
0x7: {  	_ = 	snop  }
__scs_overlays_trampoline_lowered:
0x8: {  	[smem:$0x3F37] =	sst s0  }
0x9: {  	[smem:$0x3F38] =	sst s1  }
0xa: {  	[smem:$0x3F39] =	sst s2  }
0xb: {  	[smem:$0x3F3A] =	sst s3  }
0xc: {  	[smem:$0x3F3B] =	sst s4  }
0xd: {  	[smem:$0x3F3C] =	sst s5  }
0xe: {  	[smem:$0x3F3D] =	sst s6  }
0xf: {  	[smem:$0x3F3E] =	sst s7  }
0x10: {  	[smem:$0x3F3F] =	sst s8  }
0x11: {  	[smem:$0x3F40] =	sst s9;
	s0 =	simm.s32 @!p0 $0x0  }
0x12: {  	s1 =	sld [smem:$0x3F26];
	s0 =	simm.s32 @p0 $0x1  }
0x13: {  	[smem:$0x3F41] =	sst s0;
	s0 =	simm.s32 @!p1 $0x0  }
0x14: {  	s2 =	sld [smem:$0x3F25];
	s0 =	simm.s32 @p1 $0x1  }
0x15: {  	[smem:$0x3F42] =	sst s0;
	s0 =	simm.s32 @!p2 $0x0  }
0x16: {  	s3 =	sld [smem:$0x3FDB];
	s0 =	simm.s32 @p2 $0x1  }
0x17: {  	s4 =	simm.s32 $0x1BF5;
	[smem:$0x3F44] =	sst s0  }
0x18: {  	s0 =	sld [smem:$0x3F27];
	_ =	swait.ge [sflag:s4], $0x0  }
0x19: {  	s7 =	sld [smem:$0x3F28]  }
0x1a: {  	s8 =	sadd.s32 $0xFFFFE003, lr  }
0x1b: {  	s9 =	sadd.s32 $0xFFFFFEF7, lr;
	s5 =	simm.s32 $0xFFFFFFFF;
	p2 =	slt.u32 s8, $0xFFFFF086  }
0x1c: {  	p1 =	slt.u32 s9, $0xF7A;
	s5 =	simm.s32 @!p2 $0x0  }
0x1d: {  	s5 =	simm.s32 @p1 $0x1;
	p0 =	seq.s32 s7, s2  }
0x1e: {  	s7 =	smul.u32 @!p0 $0xF7A, s2;
	p2 =	seq.s32 @!p0 s5, $0x0  }
0x1f: {  	s9 =	smul.u32 $0xF7A, s1;
	s8 =	simm.s32 @!p0 $0x1BF5;
	p2 =	por !p2, p0  }
0x20: {  	[sflag:s8] =	ssyncset.s32 @!p0 $0xFFFFF086;
	s6 =	sadd.s32 @!p0 s3, s7;
	s7 =	simm.s32 @!p0 $0x108  }
0x21: {  	s3 =	sadd.s32 s3, s9;
	s6 =	sadd.s32 @!p0 $0x88, s6;
	s7 =	simm.s32 @p2 $0x1082  }
0x22: {  	[simem:s7], [sflag:s8] =	dma.local @!p0 [hbm:s6], $0xF7A  }
0x23: {  	s9 =	sor.u32 $0xD0000000, s2;
	s6 =	simm.s32 $0x108;
	_ =	swait.ge @!p0 [sflag:s8], $0x0  }
0x24: {  	s3 =	sadd.s32 $0x88, s3;
	s6 =	simm.s32 @!p1 $0x1082;
	[sflag:s4] =	ssyncset.s32 $0xFFFFF086  }
0x25: {  	[simem:s6], [sflag:s4] =	dma.local [hbm:s3], $0xF7A  }
0x26: {  	[smem:$0x3F28] =	sst s1;
	(tag) =	ssettag s2;
	_ =	strace s9  }
0x27: {  	s1 =	sld [smem:$0x3F38]  }
0x28: {  	s2 =	sld [smem:$0x3F39]  }
0x29: {  	s4 =	sld [smem:$0x3F3B]  }
0x2a: {  	p0 =	seq.s32 s5, $0x0;
	s5 =	sld [smem:$0x3F3C]  }
0x2b: {  	s6 =	sld [smem:$0x3F3D]  }
0x2c: {  	s7 =	sld [smem:$0x3F3E]  }
0x2d: {  	s3 =	simm.s32 $0x108;
	s8 =	sld [smem:$0x3F3F]  }
0x2e: {  	s3 =	simm.s32 @!p0 $0x1082;
	s9 =	sld [smem:$0x3F40]  }
0x2f: {  	lr =	sadd.s32 s0, s3;
	s0 =	sld [smem:$0x3F37]  }
0x30: {  	s3 =	sld [smem:$0x3F3A]  }
0x31: {  	[smem:$0x3F43] =	sst s10  }
0x32: {  	s10 =	sld [smem:$0x3F41];
	_ =	sdelay $0x3  }
0x33: {  	p0 =	seq.s32 s10, $0x1;
	s10 =	sld [smem:$0x3F43];
	_ =	sdelay $0x3  }
0x34: {  	[smem:$0x3F43] =	sst s10  }
0x35: {  	s10 =	sld [smem:$0x3F42];
	_ =	sdelay $0x3  }
0x36: {  	p1 =	seq.s32 s10, $0x1;
	s10 =	sld [smem:$0x3F43];
	_ =	sdelay $0x3  }
0x37: {  	[smem:$0x3F43] =	sst s10  }
0x38: {  	s10 =	sld [smem:$0x3F44]  }
0x39: {  	_ = 	snop;
	(pc) =	sbr.ind lr, $3  }
0x3a: {  	_ = 	snop  }
0x3b: {  	_ = 	snop  }
0x3c: {  	p2 =	seq.s32 s10, $0x1;
	s10 =	sld [smem:$0x3F43]  }
0x3d: {  	_ =	shalt  }
0x3e: {  	_ =	shalt  }
0x3f: {  	_ =	shalt  }
0x40: {  	_ =	shalt  }
0x41: {  	_ =	shalt  }
0x42: {  	_ =	shalt  }
0x43: {  	_ =	shalt  }
0x44: {  	_ =	shalt  }
0x45: {  	_ =	shalt  }
0x46: {  	_ =	shalt  }
0x47: {  	_ =	shalt  }
0x48: {  	_ =	shalt  }
0x49: {  	_ =	shalt  }
0x4a: {  	_ =	shalt  }
0x4b: {  	_ =	shalt  }
0x4c: {  	_ =	shalt  }
0x4d: {  	_ =	shalt  }
0x4e: {  	_ =	shalt  }
0x4f: {  	_ =	shalt  }
0x50: {  	_ =	shalt  }
0x51: {  	_ =	shalt  }
0x52: {  	_ =	shalt  }
0x53: {  	_ =	shalt  }
0x54: {  	_ =	shalt  }
0x55: {  	_ =	shalt  }
0x56: {  	_ =	shalt  }
0x57: {  	_ =	shalt  }
0x58: {  	_ =	shalt  }
0x59: {  	_ =	shalt  }
0x5a: {  	_ =	shalt  }
0x5b: {  	_ =	shalt  }
0x5c: {  	_ =	shalt  }
0x5d: {  	_ =	shalt  }
0x5e: {  	_ =	shalt  }
0x5f: {  	_ =	shalt  }
0x60: {  	_ =	shalt  }
0x61: {  	_ =	shalt  }
0x62: {  	_ =	shalt  }
0x63: {  	_ =	shalt  }
0x64: {  	_ =	shalt  }
0x65: {  	_ =	shalt  }
0x66: {  	_ =	shalt  }
0x67: {  	_ =	shalt  }
0x68: {  	_ =	shalt  }
0x69: {  	_ =	shalt  }
0x6a: {  	_ =	shalt  }
0x6b: {  	_ =	shalt  }
0x6c: {  	_ =	shalt  }
0x6d: {  	_ =	shalt  }
0x6e: {  	_ =	shalt  }
0x6f: {  	_ =	shalt  }
0x70: {  	_ =	shalt  }
0x71: {  	_ =	shalt  }
0x72: {  	_ =	shalt  }
0x73: {  	_ =	shalt  }
0x74: {  	_ =	shalt  }
0x75: {  	_ =	shalt  }
0x76: {  	_ =	shalt  }
0x77: {  	_ =	shalt  }
0x78: {  	_ =	shalt  }
0x79: {  	_ =	shalt  }
0x7a: {  	_ =	shalt  }
0x7b: {  	_ =	shalt  }
0x7c: {  	_ =	shalt  }
0x7d: {  	_ =	shalt  }
0x7e: {  	_ =	shalt  }
0x7f: {  	_ =	shalt  }
0x80: {  	_ =	shalt  }
0x81: {  	_ =	shalt  }
0x82: {  	_ =	shalt  }
0x83: {  	_ =	shalt  }
0x84: {  	_ =	shalt  }
0x85: {  	_ =	shalt  }
0x86: {  	_ =	shalt  }
0x87: {  	_ =	shalt  }
.Lfunc_end0:
.L_simem_size_0:
called_computation.16_lowered:
.L_overlay_start_0:
0x88: {  	s2 =	sld [smem:$0x3FD9]  }
0x89: {  	s3 =	sld [smem:$0x3FFE];
	_ =	sdelay $0x1  }
0x8a: {  	s1 =	srdreg.scid  }
0x8b: {  	s0 =	sand.u32 $0x1, s1  }
0x8c: {  	s14 =	sshll.u32 s0, $0xA;
	s2 =	sadd.s32 s3, s2  }
0x8d: {  	s2 =	sadd.s32 s2, s14  }
0x8e: {  	[smem:$0x3F4F] =	sst s2  }
0x8f: {  	_ = 	snop  }
0x90: {  	s2 =	sld [smem:$0x3FD0];
	_ =	sdelay $0x2  }
0x91: {  	s15 =	simm.s32 $0xB;
	s4 =	simm.s32 $0x10  }
0x92: {  	[smem:s4], [sflag:s15] =	dma.local [hbm:s2], $0x1  }
0x93: {  	_ =	swait.eq [sflag:s15], $0x1  }
0x94: {  	[sflag:s15] =	ssyncset.done $0x0  }
0x95: {  	s16 =	sld [smem:$0x10];
	[sflag:s15] =	ssyncadd.s32 $0xFFFFFFFF  }
0x96: {  	s17 =	sld [smem:$0x12];
	(tm) =	ssettm $0x1  }
0x97: {  	s18 =	sld [smem:$0x3FFB];
	_ =	sdelay $0x3  }
0x98: {  	_ =	strace s18  }
0x99: {  	s4 =	sld [smem:$0x3FFC];
	_ =	sdelay $0x3  }
0x9a: {  	_ =	strace s4  }
0x9b: {  	s4 =	sld [smem:$0x3FFD];
	_ =	sdelay $0x3  }
0x9c: {  	_ =	strace s4  }
0x9d: {  	_ =	strace $0x8FFFFFFF  }
0x9e: {  	s19 =	sld [smem:$0x3FDB];
	_ =	sdelay $0x1  }
0x9f: {  	s5 =	simm.s32 $_scs_section_size  }
0xa0: {  	s6 =	simm.s32 $_size__tile_overlayer_lowered;
	s7 =	simm.s32 $_tile_overlayer_lowered  }
0xa1: {  	s22 =	simm.s32 $0x1BFF;
	s21 =	sshll.u32 s7, $0x1;
	s4 =	sadd.s32 s5, s19  }
0xa2: {  	s8 =	simm.s32 $0x0;
	s20 =	sshll.u32 s6, $0x1;
	s6 =	sadd.s32 s21, s4  }
0xa3: {  	[timem:s8], [sflag:s22] =	dma.local [hbm:s6], s20  }
0xa4: {  	_ =	swait.ge [sflag:s22], s20  }
0xa5: {  	s5 =	ssub.s32 $0x0, s20;
	[sflag:s22] =	ssyncset.done $0x0  }
0xa6: {  	[sflag:s22] =	ssyncadd.s32 s5;
	_ =	sdelay $0x1  }
0xa7: {  	s23 =	simm.s32 $0x1B8B  }
0xa8: {  	_ =	swait.ge [sflag:s23], $0x1  }
0xa9: {  	[sflag:s23] =	ssyncset.done $0x0  }
0xaa: {  	s25 =	simm.s32 $0x1B8E;
	s24 =	sld [smem:$0x3FFE];
	[sflag:s23] =	ssyncadd.s32 $0xFFFFFFFF  }
0xab: {  	s26 =	simm.s32 $execute0_lowered;
	[smem:$0x3FD2] =	sst s25  }
0xac: {  	s6 =	sshll.u32 s26, $0x1;
	_ =	strace $0x80000076;
	[dreg:$0x1] =	wrdreg $0xFFFFFFFF  }
0xad: {  	s28 =	simm.s32 $_size_execute0_lowered;
	s4 =	sadd.s32 s4, s6;
	[dreg:$0x0] =	wrdreg $0x0  }
0xae: {  	s6 =	sshll.u32 s28, $0x1;
	[dreg:$0x2] =	wrdreg s4  }
0xaf: {  	[dreg:$0x3] =	wrdreg s6  }
0xb0: {  	[dreg:$0x4] =	wrdreg $0xC0  }
0xb1: {  	_ =	task [dreg:s8], $0x5FFFF  }
0xb2: {  	[dreg:$0x1] =	wrdreg $0xFFFFFFFF  }
0xb3: {  	[dreg:$0x0] =	wrdreg $0x60  }
0xb4: {  	[dreg:$0x2] =	wrdreg s24  }
0xb5: {  	[dreg:$0x3] =	wrdreg s16  }
0xb6: {  	[dreg:$0x4] =	wrdreg s17  }
0xb7: {  	[dreg:$0x5] =	wrdreg $0x5500  }
0xb8: {  	[dreg:$0x6] =	wrdreg $0x9  }
0xb9: {  	_ =	task.clear_ibuf [dreg:s8], $0x7FFFF;
	_ =	strace $0x90000076  }
0xba: {  	s29 =	simm.s32 $0x9;
	_ =	strace $0x80000078  }
0xbb: {  	_ =	swait.ge [sflag:s29], $0x1  }
0xbc: {  	[sflag:s29] =	ssyncadd.s32 $0xFFFFFFFF  }
0xbd: {  	_ =	strace $0x90000078  }
0xbe: {  	_ =	sfence  }
0xbf: {  	s30 =	sld [smem:$0x0];
	_ =	sdelay $0x2  }
0xc0: {  	s31 =	sshll.u32 s1, $0xD;
	s1 =	sshrl.u32 s1, $0x2  }
0xc1: {  	s3 =	sand.u32 $0x4000, s31;
	s1 =	sadd.s32 s1, s30  }
0xc2: {  	s0 =	sor.u32 s3, s0;
	s1 =	sshll.u32 s1, $0x11  }
0xc3: {  	s0 =	sor.u32 s1, s0  }
0xc4: {  	s0 =	sadd.s32 $0x8F2B, s0  }
0xc5: {  	[sflag:s0] =	ssyncadd.remote.s32 $0x1  }
0xc6: {  	_ =	sfence.sel $0xFFFF  }
0xc7: {  	[dreg:$0x0] =	wrdreg $0xFFFFFFFF;
	(pc) =	sbr.abs _section_cstart, $3  }
0xc8: {  	[dreg:$0x1] =	wrdreg $0xFFFFFFFF  }
0xc9: {  	_ =	task.clear_ibuf [dreg:s8], $0x2FFFF;
	_ =	strace $0x9FFFFFFF  }
0xca: {  	(tm) =	ssettm $0x7FFFFFFF  }
0xcb: {  	_ =	shalt  }
tec
execute0_lowered:
.L_overlay_start_1:
0x0: {  	(tag) =	ssettag $0x1  }
0x1: {  	s5 =	rddreg [dreg:$0x0]  }
0x2: {  	s1 =	rddreg [dreg:$0x1];
	s0 =	srdreg.scid  }
0x3: {  	s6 =	rddreg [dreg:$0x2];
	s7 =	sand.u32 $0x1, s0  }
0x4: {  	s0 =	stileid.u32;
	s8 =	smul.u32 $0x186A000, s7  }
0x5: {  	s3 =	rddreg [dreg:$0x3];
	s9 =	smul.u32 $0x186A00, s0  }
0x6: {  	s2 =	rddreg [dreg:$0x4];
	s4 =	simm.s32 $0x0;
	s10 =	smul.u32 $0x30D4, s0  }
0x7: {  	s13 =	simm.s32 $0x0;
	[smem:$0x7FF] =	sst s4;
	s26 =	smul.u32 $0x18700, s0  }
0x8: {  	s11 =	ssub.s32 $0x2, s7;
	s7 =	smul.u32 $0x187000, s7;
	_ =	strace $0x80000077  }
0x9: {  	s30 =	sshll.u32 s0, $0x6;
	s12 =	sshrl.u32 s11, $0x1;
	s8 =	sadd.s32 s9, s8  }
0xa: {  	s10 =	sadd.s32 s10, s5;
	s11 =	ssub.s32 s11, s12;
	s28 =	sadd.s32 s26, s7  }
0xb: {  	s29 =	sadd.s32 s26, s3;
	s12 =	simm.s32 $0x50;
	s8 =	sshrl.u32 s8, $0x3  }
0xc: {  	s31 =	sshrl.u32 s28, $0x3;
	s7 =	smax.u32 s11, $0x1;
	s9 =	sadd.s32 $0x32000, s10  }
0xd: {  	s10 =	sshrl.u32 s29, $0x3;
	s11 =	simm.s32 $0x1;
	s8 =	sadd.s32 s8, s5  }
0xe: {  	s5 =	sor.u32 $0x1C01, s30;
	s6 =	sadd.s32 s6, s31;
	s8 =	sadd.s32 $0x373400, s8  }
.LBB2_1:
0xf: {  	[spmem:s10], [sflag:s5] =	dma.local [hbm:s1], $0x30E0  }
0x10: {  	_ =	swait.ge [sflag:s11], $0x30E0  }
0x11: {  	[sflag:s11] =	ssyncset.done $0x0  }
0x12: {  	[sflag:s11] =	ssyncadd.s32 $0xFFFFCF20  }
0x13: {  	s14 =	sadd.s32 $0x0, s9;
	[bflag:$0x0] =	sbarrier.arrive $0xFFFF  }
0x14: {  	[tilespmem:s4], [sflag:$0x1] =	stream.linear.gather [hbm4b:s14+s4], $0x50, $0x38;
	[tilespmem:$0x18C50] =	vst v63  }
0x15: {  	_ =	swait.ge [sflag:s11], $0x50  }
0x16: {  	[sflag:s11] =	ssyncset.done $0x0  }
0x17: {  	[sflag:s11] =	ssyncadd.s32 $0xFFFFFFB0  }
0x18: {  	[tilespmem:s12], [sflag:$0x1] =	stream.linear.gather [hbm4b:s8+s4], $0x500, $0x38;
	[tilespmem:$0x18C50] =	vst v63  }
0x19: {  	_ =	swait.ge [sflag:s11], $0x500  }
0x1a: {  	[sflag:s11] =	ssyncset.done $0x0  }
0x1b: {  	[sflag:s11] =	ssyncadd.s32 $0xFFFFFB00  }
0x1c: {  	[spmem:s3] =	stream.indirect.scatter.add.f32 [tilespmem:s12], [sflag:$0x1], $0x10, s4, s12, $0xb8;
	[tilespmem:$0x18C50] =	vst v63  }
0x1d: {  	s15 =	simm.s32 $0xA;
	_ =	swait.ge [sflag:s11], $0x500  }
0x1e: {  	s16 =	simm.s32 $0x14;
	s14 =	sadd.s32 $0xA0, s8;
	[sflag:s11] =	ssyncset.done $0x0  }
.LBB2_2:
0x1f: {  	s17 =	sadd.s32 s15, s9  }
0x20: {  	[sflag:s11] =	ssyncadd.s32 $0xFFFFFB00;
	s15 =	smov.u32 s16;
	s18 =	sadd.s32 $0xA, s16  }
0x21: {  	[tilespmem:s4], [sflag:$0x1] =	stream.linear.gather [hbm4b:s17+s4], $0x50, $0x38;
	[tilespmem:$0x18C50] =	vst v63  }
0x22: {  	p0 =	sne.s32 s16, $0x30CA;
	_ =	swait.ge [sflag:s11], $0x50  }
0x23: {  	[sflag:s11] =	ssyncset.done $0x0  }
0x24: {  	[sflag:s11] =	ssyncadd.s32 $0xFFFFFFB0  }
0x25: {  	[tilespmem:s12], [sflag:$0x1] =	stream.linear.gather [hbm4b:s14+s4], $0x500, $0x38;
	[tilespmem:$0x18C50] =	vst v63  }
0x26: {  	_ =	swait.ge [sflag:s11], $0x500  }
.Ltmp0:
0x27: {  	[sflag:s11] =	ssyncset.done $0x0;
	(pc) =	sbr.rel @p0 .LBB2_2-.Ltmp0, $4  }
0x28: {  	[sflag:s11] =	ssyncadd.s32 $0xFFFFFB00  }
0x29: {  	[spmem:s3] =	stream.indirect.scatter.add.f32 [tilespmem:s12], [sflag:$0x1], $0x10, s4, s12, $0xb8;
	[tilespmem:$0x18C50] =	vst v63  }
0x2a: {  	_ =	swait.ge [sflag:s11], $0x500  }
0x2b: {  	s16 =	smov.u32 s18;
	s14 =	sadd.s32 $0xA0, s14;
	[sflag:s11] =	ssyncset.done $0x0  }
0x2c: {  	s15 =	sadd.s32 s15, s9;
	[sflag:s11] =	ssyncadd.s32 $0xFFFFFB00  }
0x2d: {  	[tilespmem:s4], [sflag:$0x1] =	stream.linear.gather [hbm4b:s15+s4], $0x50, $0x38;
	[tilespmem:$0x18C50] =	vst v63  }
0x2e: {  	_ =	swait.ge [sflag:s11], $0x50  }
0x2f: {  	[sflag:s11] =	ssyncset.done $0x0  }
0x30: {  	[sflag:s11] =	ssyncadd.s32 $0xFFFFFFB0  }
0x31: {  	[tilespmem:s12], [sflag:$0x1] =	stream.linear.gather [hbm4b:s14+s4], $0x500, $0x38;
	[tilespmem:$0x18C50] =	vst v63  }
0x32: {  	_ =	swait.ge [sflag:s11], $0x500  }
0x33: {  	[sflag:s11] =	ssyncset.done $0x0  }
0x34: {  	[sflag:s11] =	ssyncadd.s32 $0xFFFFFB00  }
0x35: {  	[spmem:s3] =	stream.indirect.scatter.add.f32 [tilespmem:s12], [sflag:$0x1], $0x10, s4, s12, $0xb8;
	[tilespmem:$0x18C50] =	vst v63  }
0x36: {  	_ =	swait.ge [sflag:s11], $0x500  }
0x37: {  	s13 =	sadd.s32 $0x1, s13;
	[sflag:s11] =	ssyncset.done $0x0  }
0x38: {  	p0 =	sne.s32 s13, s7;
	[sflag:s11] =	ssyncadd.s32 $0xFFFFFB00  }
.Ltmp1:
0x39: {  	[bflag:$0x0] =	sbarrier.arrive $0xFFFF;
	(pc) =	sbr.rel @p0 .LBB2_1-.Ltmp1, $4  }
0x3a: {  	[hbm:s6], [sflag:s5] =	dma.local [spmem:s10], $0x30E0  }
0x3b: {  	_ =	swait.ge [sflag:s11], $0x30E0  }
0x3c: {  	[sflag:s11] =	ssyncset.done $0x0  }
0x3d: {  	[sflag:s11] =	ssyncadd.s32 $0xFFFFCF20  }
0x3e: {  	_ =	sfence.sel $0x180000  }
0x3f: {  	[bflag:$0x0] =	sbarrier.arrive $0xFFFF  }
0x40: {  	p0 =	sne.s32 s0, $0x0;
	_ =	strace $0x90000077  }
0x41: {  	s0 =	sadd.s32 @!p0 $0x100000, s2;
	[bflag:$0x2] =	sbarrier.arrive $0xFFFF  }
0x42: {  	[sflag:s0] =	ssyncadd.tile.s32 @!p0 $0x1;
	_ =	shalt  }
.Lfunc_end2:
_tile_overlayer_lowered:
.L_overlay_start_2:
0x43: {  	(tag) =	ssettag $0x2  }
0x44: {  	s0 =	rddreg [dreg:$0x0];
	s2 =	stileid.u32  }
0x45: {  	s1 =	rddreg [dreg:$0x1];
	p0 =	sne.s32 s2, $0x0  }
0x46: {  	s3 =	rddreg [dreg:$0x2];
	[bflag:$0x3] =	sbarrier.arrive $0xFFFF;
	s2 =	simm.s32 @!p0 $0x1C01  }
0x47: {  	[timem:s3], [sflag:s2] =	dma.local @!p0 [hbm:s0], s1  }
0x48: {  	s0 =	simm.s32 @!p0 $0x1  }
0x49: {  	_ =	swait.ge @!p0 [sflag:s0], s1  }
0x4a: {  	s1 =	ssub.s32 @!p0 $0x0, s1;
	[sflag:s0] =	ssyncset.done @!p0 $0x0  }
0x4b: {  	[sflag:s0] =	ssyncadd.s32 @!p0 s1  }
0x4c: {  	[bflag:$0x3] =	sbarrier.arrive $0xFFFF  }
0x4d: {  	_ =	shalt  }

// kernel: sparse-core-data-format-call.1.cloned.1.call-start
scs
called_computation.1_lowered:
.L_overlay_start_0:
0x0: {  	s2 =	sld [smem:$0x3FD9]  }
0x1: {  	s3 =	sld [smem:$0x3FFE];
	_ =	sdelay $0x1  }
0x2: {  	s1 =	srdreg.scid  }
0x3: {  	s0 =	sand.u32 $0x1, s1  }
0x4: {  	s18 =	sshll.u32 s0, $0xA;
	s2 =	sadd.s32 s3, s2  }
0x5: {  	s2 =	sadd.s32 s2, s18  }
0x6: {  	[smem:$0x3F4F] =	sst s2  }
0x7: {  	_ = 	snop  }
0x8: {  	(tm) =	ssettm $0x1  }
0x9: {  	s19 =	sld [smem:$0x3FFB];
	_ =	sdelay $0x3  }
0xa: {  	_ =	strace s19  }
0xb: {  	s2 =	sld [smem:$0x3FFC];
	_ =	sdelay $0x3  }
0xc: {  	_ =	strace s2  }
0xd: {  	s2 =	sld [smem:$0x3FFD];
	_ =	sdelay $0x3  }
0xe: {  	_ =	strace s2  }
0xf: {  	_ =	strace $0x8FFFFFFF  }
0x10: {  	s20 =	sld [smem:$0x3FDB];
	_ =	sdelay $0x1  }
0x11: {  	s21 =	simm.s32 $_scs_section_size  }
0x12: {  	s4 =	simm.s32 $_size__tile_overlayer_lowered;
	s5 =	simm.s32 $_tile_overlayer_lowered  }
0x13: {  	s6 =	simm.s32 $0x1BFF;
	s22 =	sshll.u32 s5, $0x1;
	s3 =	sadd.s32 s21, s20  }
0x14: {  	s23 =	simm.s32 $0x0;
	s4 =	sshll.u32 s4, $0x1;
	s5 =	sadd.s32 s22, s3  }
0x15: {  	[timem:s23], [sflag:s6] =	dma.local [hbm:s5], s4  }
0x16: {  	_ =	swait.ge [sflag:s6], s4  }
0x17: {  	s4 =	ssub.s32 $0x0, s4;
	[sflag:s6] =	ssyncset.done $0x0  }
0x18: {  	[sflag:s6] =	ssyncadd.s32 s4;
	_ =	sdelay $0x1  }
0x19: {  	s24 =	simm.s32 $0x1B8B  }
0x1a: {  	_ =	swait.ge [sflag:s24], $0x1  }
0x1b: {  	[sflag:s24] =	ssyncset.done $0x0  }
0x1c: {  	[sflag:s24] =	ssyncadd.s32 $0xFFFFFFFF  }
0x1d: {  	s4 =	sld [smem:$0x0]  }
0x1e: {  	s5 =	sand.u32 $0xFFFFFFFE, s1  }
0x1f: {  	p0 =	sne.s32 s1, s5  }
0x20: {  	s5 =	sshll.u32 @p0 s5, $0xE  }
0x21: {  	s5 =	sadd.s32 @p0 $0x11B8D, s5;
	s6 =	sshll.u32 @p0 s4, $0x11  }
0x22: {  	s5 =	sor.u32 @p0 s6, s5  }
0x23: {  	[sflag:s5] =	ssyncadd.remote.s32 @p0 $0x1;
	_ =	sdelay $0x1  }
0x24: {  	s5 =	simm.s32 @p0 $0x1B8D  }
0x25: {  	_ =	swait.eq @p0 [sflag:s5], $0x1  }
0x26: {  	[sflag:s5] =	ssyncadd.s32 @p0 $0xFFFFFFFF  }
0x27: {  	s6 =	sshll.u32 @!p0 s1, $0xE  }
0x28: {  	s6 =	sor.u32 @!p0 $0x4000, s6;
	s5 =	simm.s32 @!p0 $0x1B8D  }
0x29: {  	s4 =	sshll.u32 @!p0 s4, $0x11;
	s6 =	sadd.s32 @!p0 $0x11B8D, s6;
	_ =	swait.eq @!p0 [sflag:s5], $0x1  }
0x2a: {  	s4 =	sor.u32 @!p0 s4, s6;
	[sflag:s5] =	ssyncadd.s32 @!p0 $0xFFFFFFFF  }
0x2b: {  	s26 =	simm.s32 $0x1B8E;
	s25 =	sld [smem:$0x3FFE];
	[sflag:s4] =	ssyncadd.remote.s32 @!p0 $0x1  }
0x2c: {  	s27 =	simm.s32 $execute0_lowered;
	[smem:$0x3FD2] =	sst s26  }
0x2d: {  	s5 =	sshll.u32 s27, $0x1;
	_ =	strace $0x80000070;
	[dreg:$0x1] =	wrdreg $0xFFFFFFFF  }
0x2e: {  	s28 =	simm.s32 $_size_execute0_lowered;
	s3 =	sadd.s32 s3, s5;
	[dreg:$0x0] =	wrdreg $0x0  }
0x2f: {  	s5 =	sshll.u32 s28, $0x1;
	[dreg:$0x2] =	wrdreg s3  }
0x30: {  	[dreg:$0x3] =	wrdreg s5  }
0x31: {  	[dreg:$0x4] =	wrdreg $0xC0  }
0x32: {  	_ =	task [dreg:s23], $0x5FFFF  }
0x33: {  	[dreg:$0x1] =	wrdreg $0xFFFFFFFF  }
0x34: {  	[dreg:$0x0] =	wrdreg $0x60  }
0x35: {  	[dreg:$0x2] =	wrdreg s25  }
0x36: {  	[dreg:$0x3] =	wrdreg $0x9  }
0x37: {  	_ =	task.clear_ibuf [dreg:s23], $0x4FFFF;
	_ =	strace $0x90000070  }
0x38: {  	s29 =	simm.s32 $0x9;
	_ =	strace $0x80000072  }
0x39: {  	_ =	swait.ge [sflag:s29], $0x1  }
0x3a: {  	[sflag:s29] =	ssyncadd.s32 $0xFFFFFFFF  }
0x3b: {  	_ =	strace $0x90000072  }
0x3c: {  	_ =	sfence  }
0x3d: {  	s30 =	sld [smem:$0x0];
	_ =	sdelay $0x2  }
0x3e: {  	s31 =	sshll.u32 s1, $0xD;
	s1 =	sshrl.u32 s1, $0x2  }
0x3f: {  	s4 =	sand.u32 $0x4000, s31;
	s1 =	sadd.s32 s1, s30  }
0x40: {  	s0 =	sor.u32 s4, s0;
	s1 =	sshll.u32 s1, $0x11  }
0x41: {  	s0 =	sor.u32 s1, s0  }
0x42: {  	s0 =	sadd.s32 $0x8F2B, s0  }
0x43: {  	[sflag:s0] =	ssyncadd.remote.s32 $0x1  }
0x44: {  	_ =	sfence.sel $0xFFFF  }
0x45: {  	[dreg:$0x0] =	wrdreg $0xFFFFFFFF;
	(pc) =	sbr.abs _section_cstart, $3  }
0x46: {  	[dreg:$0x1] =	wrdreg $0xFFFFFFFF  }
0x47: {  	_ =	task.clear_ibuf [dreg:s23], $0x2FFFF;
	_ =	strace $0x9FFFFFFF  }
0x48: {  	(tm) =	ssettm $0x7FFFFFFF  }
0x49: {  	_ =	shalt  }
tec
execute0_lowered:
.L_overlay_start_1:
0x0: {  	(tag) =	ssettag $0x1  }
0x1: {  	s0 =	srdreg.scid  }
0x2: {  	s1 =	sshll.u32 s0, $0x4  }
0x3: {  	s4 =	rddreg [dreg:$0x0];
	s0 =	stileid.u32;
	s1 =	sand.u32 $0x10, s1  }
0x4: {  	s7 =	simm.s32 $0x1;
	s8 =	simm.s32 $0x2;
	s2 =	sor.u32 s0, s1  }
0x5: {  	s11 =	simm.s32 $0x0;
	s3 =	sadd.s32 $0x407C400, s4;
	s2 =	sshll.u32 s2, $0x7  }
0x6: {  	s10 =	simm.s32 $0x0;
	s4 =	sadd.s32 $0x21F7C00, s4;
	s6 =	ssub.s32 $0x186A00, s2  }
.Ltmp0:
0x7: {  	s1 =	rddreg [dreg:$0x1];
	s5 =	sand.u32 $0xF80, s6;
	(pc) =	sbr.rel .LBB1_1-.Ltmp0, $4  }
0x8: {  	_ =	strace $0x80000071;
	s9 =	smov.u32 s2;
	p0 =	sne.s32 s5, $0x0  }
0x9: {  	s6 =	sshrl.u32 s6, $0xC;
	s5 =	simm.s32 $0x1;
	s7 =	simm.s32 @!p0 $0x0  }
0xa: {  	[sflag:s5] =	ssyncpa.u1 $0x0;
	p0 =	por $0x0, $0x0;
	s6 =	sadd.s32 s7, s6  }
0xb: {  	[sflag:s8] =	ssyncpa.u1 $0x0;
	s8 =	simm.s32 $0xC35000;
	s7 =	sadd.s32 $0x1, s6  }
.LBB1_4:
0xc: {  	s14 =	sshll.u32 s11, $0x3  }
0xd: {  	s14 =	sand.u32 $0xFFFFFC00, s14  }
0xe: {  	s15 =	sshrl.u32 s14, $0x9  }
0xf: {  	s15 =	smulhi.u32 $0xA7C5AD, s15;
	_ =	sdelay $0x1  }
0x10: {  	s15 =	sshrl.u32 s15, $0x3  }
0x11: {  	s28 =	sand.u32 $0x7F, s11;
	s16 =	smul.u32 $0x186A00, s15  }
0x12: {  	s11 =	sor.u32 s28, s14  }
0x13: {  	s29 =	sand.u32 $0x1F, s15;
	s11 =	ssub.s32 s11, s16  }
0x14: {  	s14 =	smul.u32 $0x30D40, s29;
	s30 =	sshrl.u32 s11, $0x3;
	s11 =	sand.u32 $0x7, s11  }
0x15: {  	s15 =	sadd.s32 s4, s30;
	s11 =	sshll.u32 s11, $0x12  }
0x16: {  	[tilespmem:s13+$0x0 ss:$0x81] =	vst.msk $0xffff, v0;
	s31 =	sadd.s32 s14, s15;
	s11 =	sor.u32 $0x400, s11  }
0x17: {  	[hbm4b:s31+s11] =	stream.strided.scatter [tilespmem:s12], [sflag:$0x2], $0x1000, s8, s11, $0x20;
	[tilespmem:$0x4040] =	vst v63  }
.LBB1_5:
0x18: {  	s13 =	sadd.s32 $0x1000, s9  }
0x19: {  	p2 =	sgt.s32 s13, $0x1869FF  }
0x1a: {  	s13 =	smov.u32 @p2 s2;
	p2 =	sne.s32 s10, s7  }
.Ltmp1:
0x1b: {  	p1 =	slt.u32 s10, $0x2;
	(pc) =	sbr.rel @!p2 .LBB1_6-.Ltmp1, $4  }
0x1c: {  	s12 =	simm.s32 @!p1 $0x2  }
0x1d: {  	s14 =	sadd.s32 $0x1, s10;
	_ =	swait.ge @!p1 [sflag:s12], $0x1000  }
0x1e: {  	s11 =	smov.u32 s9;
	p0 =	por !p0, !p0;
	[sflag:s12] =	ssyncset.done @!p1 $0x0  }
0x1f: {  	s10 =	smov.u32 s14;
	s9 =	smov.u32 s13;
	[sflag:s12] =	ssyncadd.s32 @!p1 $0xFFFFF000  }
.LBB1_1:
0x20: {  	p1 =	sge.u32 s10, s6  }
0x21: {  	s12 =	sand.u32 @!p1 $0x1FFFFFF, s9  }
0x22: {  	s13 =	smulhi.u32 @!p1 $0x14F8B59, s12;
	_ =	sdelay $0x1  }
0x23: {  	s13 =	sshrl.u32 @!p1 s13, $0xD  }
0x24: {  	s13 =	smul.u32 @!p1 $0x186A00, s13;
	_ =	sdelay $0x1  }
0x25: {  	s31 =	sadd.s32 $0xFFFFFFFF, s10;
	s14 =	sxor.u32 @!p1 $0xFFFFFFFF, s10;
	s12 =	ssub.s32 @!p1 s12, s13  }
0x26: {  	s15 =	simm.s32 @!p1 $0x80;
	s14 =	sshll.u32 @!p1 s14, $0xC;
	s12 =	sshll.u32 @!p1 s12, $0x4  }
0x27: {  	s13 =	sand.u32 @!p1 $0x1000, s14;
	s14 =	simm.s32 @!p1 $0x20;
	s12 =	sadd.s32 @!p1 s3, s12  }
0x28: {  	[tilespmem:s13], [sflag:$0x1] =	stream.strided.gather @!p1 [hbm4b:s12+s14], $0x1000, s15, s14, $0x38;
	[tilespmem:$0x4040] =	vst v63  }
0x29: {  	p1 =	sge.u32 s31, s6  }
.Ltmp2:
0x2a: {  	_ = 	snop;
	(pc) =	sbr.rel @p1 .LBB1_5-.Ltmp2, $1  }
0x2b: {  	_ =	sdelay $0x3  }
0x2c: {  	s12 =	simm.s32 $0x1  }
0x2d: {  	_ =	swait.ge [sflag:s5], $0x1000;
	s12 =	simm.s32 @!p0 $0x0  }
0x2e: {  	[sflag:s5] =	ssyncset.done $0x0;
	s13 =	sshll.u32 s12, $0xC  }
0x2f: {  	[sflag:s5] =	ssyncadd.s32 $0xFFFFF000;
	s16 =	sor.u32 $0x10, s13  }
0x30: {  	s12 =	smul.u32 $0x4080, s12;
	v1 =	vld [tilespmem:s16+$0x0]  }
0x31: {  	s30 =	sand.u32 $0x1, s10;
	v0 =	vld [tilespmem:s16+$0xFFFFFFF0]  }
0x32: {  	s13 =	smul.u32 $0x4080, s30;
	s12 =	sshrl.u32 s12, $0x2  }
0x33: {  	s14 =	sor.u32 $0x2000, s12  }
0x34: {  	s31 =	sshrl.u32 s13, $0x2;
	s13 =	sadd.s32 $0x0, s14  }
0x35: {  	s15 =	simm.s32 $0x4;
	s16 =	sadd.s32 $0x20, s16;
	s12 =	sor.u32 $0x2000, s31;
	[tilespmem:s13+$0x810 ss:$0x81] =	vst.msk $0xffff, v1  }
.LBB1_3:
0x36: {  	v1 =	vld [tilespmem:s16+$0x0];
	p1 =	sne.s32 s15, $0x1FC;
	[tilespmem:s13+$0x0 ss:$0x81] =	vst.msk $0xffff, v0;
	s13 =	smov.u32 s15;
	s15 =	sadd.s32 $0x4, s15  }
.Ltmp3:
0x37: {  	v0 =	vld [tilespmem:s16+$0xFFFFFFF0];
	(pc) =	sbr.rel @p1 .LBB1_3-.Ltmp3, $4  }
0x38: {  	_ = 	snop  }
0x39: {  	s13 =	sshra.s32 s13, $0x2  }
0x3a: {  	s13 =	sadd.s32 s13, s14  }
0x3b: {  	s16 =	sadd.s32 $0x20, s16;
	[tilespmem:s13+$0x810 ss:$0x81] =	vst.msk $0xffff, v1  }
.Ltmp4:
0x3c: {  	_ = 	snop;
	(pc) =	sbr.rel .LBB1_4-.Ltmp4, $1  }
0x3d: {  	_ =	sdelay $0x3  }
.LBB1_6:
0x3e: {  	_ =	sfence.sel $0x180000  }
0x3f: {  	s2 =	simm.s32 $0x1;
	[bflag:$0x0] =	sbarrier.arrive $0xFFFF  }
0x40: {  	s31 =	simm.s32 $0x2;
	[sflag:s2] =	ssyncpa.u1 $0x1  }
0x41: {  	[sflag:s31] =	ssyncpa.u1 $0x1  }
0x42: {  	p0 =	sne.s32 s0, $0x0;
	_ =	strace $0x90000071  }
0x43: {  	s0 =	sadd.s32 @!p0 $0x100000, s1;
	[bflag:$0x2] =	sbarrier.arrive $0xFFFF  }
0x44: {  	[sflag:s0] =	ssyncadd.tile.s32 @!p0 $0x1;
	_ =	shalt  }
.Lfunc_end1:
_tile_overlayer_lowered:
.L_overlay_start_2:
0x45: {  	(tag) =	ssettag $0x2  }
0x46: {  	s0 =	rddreg [dreg:$0x0];
	s2 =	stileid.u32  }
0x47: {  	s1 =	rddreg [dreg:$0x1];
	p0 =	sne.s32 s2, $0x0  }
0x48: {  	s3 =	rddreg [dreg:$0x2];
	[bflag:$0x3] =	sbarrier.arrive $0xFFFF;
	s2 =	simm.s32 @!p0 $0x1C01  }
0x49: {  	[timem:s3], [sflag:s2] =	dma.local @!p0 [hbm:s0], s1  }
0x4a: {  	s0 =	simm.s32 @!p0 $0x1  }
0x4b: {  	_ =	swait.ge @!p0 [sflag:s0], s1  }
0x4c: {  	s1 =	ssub.s32 @!p0 $0x0, s1;
	[sflag:s0] =	ssyncset.done @!p0 $0x0  }
0x4d: {  	[sflag:s0] =	ssyncadd.s32 @!p0 s1  }
0x4e: {  	[bflag:$0x3] =	sbarrier.arrive $0xFFFF  }
0x4f: {  	_ =	shalt  }

// kernel: sparse-core-data-format-call.2.cloned.1.call-start
scs
called_computation.2_lowered:
.L_overlay_start_0:
0x0: {  	s1 =	sld [smem:$0x3FD9]  }
0x1: {  	s2 =	sld [smem:$0x3FFE];
	_ =	sdelay $0x1  }
0x2: {  	s3 =	srdreg.scid  }
0x3: {  	s0 =	sand.u32 $0x1, s3  }
0x4: {  	s17 =	sshll.u32 s0, $0xA;
	s1 =	sadd.s32 s2, s1  }
0x5: {  	s1 =	sadd.s32 s1, s17  }
0x6: {  	[smem:$0x3F4F] =	sst s1  }
0x7: {  	_ = 	snop  }
0x8: {  	(tm) =	ssettm $0x1  }
0x9: {  	s18 =	sld [smem:$0x3FFB];
	_ =	sdelay $0x3  }
0xa: {  	_ =	strace s18  }
0xb: {  	s1 =	sld [smem:$0x3FFC];
	_ =	sdelay $0x3  }
0xc: {  	_ =	strace s1  }
0xd: {  	s1 =	sld [smem:$0x3FFD];
	_ =	sdelay $0x3  }
0xe: {  	_ =	strace s1  }
0xf: {  	_ =	strace $0x8FFFFFFF  }
0x10: {  	s19 =	sld [smem:$0x3FDB];
	_ =	sdelay $0x1  }
0x11: {  	s20 =	simm.s32 $_scs_section_size  }
0x12: {  	s4 =	simm.s32 $_size__tile_overlayer_lowered;
	s5 =	simm.s32 $_tile_overlayer_lowered  }
0x13: {  	s23 =	simm.s32 $0x1BFF;
	s22 =	sshll.u32 s5, $0x1;
	s1 =	sadd.s32 s20, s19  }
0x14: {  	s6 =	simm.s32 $0x0;
	s21 =	sshll.u32 s4, $0x1;
	s4 =	sadd.s32 s22, s1  }
0x15: {  	[timem:s6], [sflag:s23] =	dma.local [hbm:s4], s21  }
0x16: {  	_ =	swait.ge [sflag:s23], s21  }
0x17: {  	s2 =	ssub.s32 $0x0, s21;
	[sflag:s23] =	ssyncset.done $0x0  }
0x18: {  	[sflag:s23] =	ssyncadd.s32 s2;
	_ =	sdelay $0x1  }
0x19: {  	s24 =	simm.s32 $0x1B8B  }
0x1a: {  	_ =	swait.ge [sflag:s24], $0x1  }
0x1b: {  	[sflag:s24] =	ssyncset.done $0x0  }
0x1c: {  	s26 =	simm.s32 $0x1B8E;
	s25 =	sld [smem:$0x3FFE];
	[sflag:s24] =	ssyncadd.s32 $0xFFFFFFFF  }
0x1d: {  	s27 =	simm.s32 $execute0_lowered;
	[smem:$0x3FD2] =	sst s26  }
0x1e: {  	s4 =	sshll.u32 s27, $0x1;
	_ =	strace $0x8000006D;
	[dreg:$0x1] =	wrdreg $0xFFFFFFFF  }
0x1f: {  	s28 =	simm.s32 $_size_execute0_lowered;
	s1 =	sadd.s32 s1, s4;
	[dreg:$0x0] =	wrdreg $0x0  }
0x20: {  	s4 =	sshll.u32 s28, $0x1;
	[dreg:$0x2] =	wrdreg s1  }
0x21: {  	[dreg:$0x3] =	wrdreg s4  }
0x22: {  	[dreg:$0x4] =	wrdreg $0xC0  }
0x23: {  	_ =	task [dreg:s6], $0x5FFFF  }
0x24: {  	[dreg:$0x1] =	wrdreg $0xFFFFFFFF  }
0x25: {  	[dreg:$0x0] =	wrdreg $0x60  }
0x26: {  	[dreg:$0x2] =	wrdreg s25  }
0x27: {  	[dreg:$0x3] =	wrdreg $0xA  }
0x28: {  	_ =	task.clear_ibuf [dreg:s6], $0x4FFFF;
	_ =	strace $0x9000006D  }
0x29: {  	s29 =	simm.s32 $0xA;
	_ =	strace $0x8000006F  }
0x2a: {  	_ =	swait.ge [sflag:s29], $0x1  }
0x2b: {  	[sflag:s29] =	ssyncadd.s32 $0xFFFFFFFF  }
0x2c: {  	_ =	strace $0x9000006F  }
0x2d: {  	_ =	sfence  }
0x2e: {  	s30 =	sld [smem:$0x0];
	_ =	sdelay $0x2  }
0x2f: {  	s31 =	sshll.u32 s3, $0xD;
	s3 =	sshrl.u32 s3, $0x2  }
0x30: {  	s2 =	sand.u32 $0x4000, s31;
	s1 =	sadd.s32 s3, s30  }
0x31: {  	s0 =	sor.u32 s2, s0;
	s1 =	sshll.u32 s1, $0x11  }
0x32: {  	s0 =	sor.u32 s1, s0  }
0x33: {  	s0 =	sadd.s32 $0x8F2B, s0  }
0x34: {  	[sflag:s0] =	ssyncadd.remote.s32 $0x1  }
0x35: {  	_ =	sfence.sel $0xFFFF  }
0x36: {  	[dreg:$0x0] =	wrdreg $0xFFFFFFFF;
	(pc) =	sbr.abs _section_cstart, $3  }
0x37: {  	[dreg:$0x1] =	wrdreg $0xFFFFFFFF  }
0x38: {  	_ =	task.clear_ibuf [dreg:s6], $0x2FFFF;
	_ =	strace $0x9FFFFFFF  }
0x39: {  	(tm) =	ssettm $0x7FFFFFFF  }
tec
execute0_lowered:
.L_overlay_start_1:
0x0: {  	(tag) =	ssettag $0x1  }
0x1: {  	s0 =	srdreg.scid  }
0x2: {  	s1 =	sshll.u32 s0, $0x4  }
0x3: {  	s4 =	rddreg [dreg:$0x0];
	s0 =	stileid.u32;
	s1 =	sand.u32 $0x10, s1  }
0x4: {  	s7 =	simm.s32 $0x1;
	s8 =	simm.s32 $0x2;
	s2 =	sor.u32 s0, s1  }
0x5: {  	s11 =	simm.s32 $0x0;
	s3 =	sadd.s32 $0x98DC00, s4;
	s2 =	sshll.u32 s2, $0x7  }
0x6: {  	s10 =	simm.s32 $0x0;
	s4 =	sadd.s32 $0x373400, s4;
	s6 =	ssub.s32 $0x186A00, s2  }
.Ltmp0:
0x7: {  	s1 =	rddreg [dreg:$0x1];
	s5 =	sand.u32 $0xF80, s6;
	(pc) =	sbr.rel .LBB1_1-.Ltmp0, $4  }
0x8: {  	_ =	strace $0x8000006E;
	s9 =	smov.u32 s2;
	p0 =	sne.s32 s5, $0x0  }
0x9: {  	s6 =	sshrl.u32 s6, $0xC;
	s5 =	simm.s32 $0x1;
	s7 =	simm.s32 @!p0 $0x0  }
0xa: {  	[sflag:s5] =	ssyncpa.u1 $0x0;
	p0 =	por $0x0, $0x0;
	s6 =	sadd.s32 s7, s6  }
0xb: {  	[sflag:s8] =	ssyncpa.u1 $0x0;
	s8 =	simm.s32 $0xC35000;
	s7 =	sadd.s32 $0x1, s6  }
.LBB1_4:
0xc: {  	s14 =	sshll.u32 s11, $0x3  }
0xd: {  	s14 =	sand.u32 $0xFFFFFC00, s14  }
0xe: {  	s15 =	sshrl.u32 s14, $0x9  }
0xf: {  	s15 =	smulhi.u32 $0xA7C5AD, s15;
	_ =	sdelay $0x1  }
0x10: {  	s15 =	sshrl.u32 s15, $0x3  }
0x11: {  	s28 =	sand.u32 $0x7F, s11;
	s16 =	smul.u32 $0x186A00, s15  }
0x12: {  	[tilespmem:s12+$0xFFFFFFFC ss:$0x81] =	vst.msk $0xffff, v0;
	s11 =	sor.u32 s28, s14  }
0x13: {  	[tilespmem:s12+$0xFFFFFFFD ss:$0x81] =	vst.msk $0xffff, v3;
	s29 =	sand.u32 $0xF, s15;
	s11 =	ssub.s32 s11, s16  }
0x14: {  	[tilespmem:s12+$0xFFFFFFFE ss:$0x81] =	vst.msk $0xffff, v1;
	s14 =	smul.u32 $0x30D40, s29;
	s30 =	sshrl.u32 s11, $0x3;
	s11 =	sand.u32 $0x7, s11  }
0x15: {  	[tilespmem:s12+$0xFFFFFFFF ss:$0x81] =	vst.msk $0xffff, v4;
	s15 =	sadd.s32 s4, s30;
	s11 =	sshll.u32 s11, $0x12  }
0x16: {  	[tilespmem:s12+$0xFFFFFFF9 ss:$0x81] =	vst.msk $0xffff, v2;
	s31 =	sadd.s32 s14, s15;
	s11 =	sor.u32 $0x400, s11  }
0x17: {  	[hbm4b:s31+s11] =	stream.strided.scatter [tilespmem:s13], [sflag:$0x2], $0x800, s8, s11, $0x20;
	[tilespmem:$0x2020] =	vst v63  }
.LBB1_5:
0x18: {  	s13 =	sadd.s32 $0x1000, s9  }
0x19: {  	p2 =	sgt.s32 s13, $0x1869FF  }
0x1a: {  	s13 =	smov.u32 @p2 s2;
	p2 =	sne.s32 s10, s7  }
.Ltmp1:
0x1b: {  	p1 =	slt.u32 s10, $0x2;
	(pc) =	sbr.rel @!p2 .LBB1_6-.Ltmp1, $4  }
0x1c: {  	s12 =	simm.s32 @!p1 $0x2  }
0x1d: {  	s14 =	sadd.s32 $0x1, s10;
	_ =	swait.ge @!p1 [sflag:s12], $0x800  }
0x1e: {  	s11 =	smov.u32 s9;
	p0 =	por !p0, !p0;
	[sflag:s12] =	ssyncset.done @!p1 $0x0  }
0x1f: {  	s10 =	smov.u32 s14;
	s9 =	smov.u32 s13;
	[sflag:s12] =	ssyncadd.s32 @!p1 $0xFFFFF800  }
.LBB1_1:
0x20: {  	p1 =	sge.u32 s10, s6  }
0x21: {  	s12 =	sand.u32 @!p1 $0x1FFFFFF, s9  }
0x22: {  	s13 =	smulhi.u32 @!p1 $0x14F8B59, s12;
	_ =	sdelay $0x1  }
0x23: {  	s13 =	sshrl.u32 @!p1 s13, $0xD  }
0x24: {  	s13 =	smul.u32 @!p1 $0x186A00, s13;
	_ =	sdelay $0x1  }
0x25: {  	s31 =	sadd.s32 $0xFFFFFFFF, s10;
	s14 =	sxor.u32 @!p1 $0xFFFFFFFF, s10;
	s12 =	ssub.s32 @!p1 s12, s13  }
0x26: {  	s15 =	simm.s32 @!p1 $0x80;
	s14 =	sshll.u32 @!p1 s14, $0xB;
	s12 =	sshll.u32 @!p1 s12, $0x4  }
0x27: {  	s13 =	sand.u32 @!p1 $0x800, s14;
	s14 =	simm.s32 @!p1 $0x10;
	s12 =	sadd.s32 @!p1 s3, s12  }
0x28: {  	[tilespmem:s13], [sflag:$0x1] =	stream.strided.gather @!p1 [hbm4b:s12+s14], $0x800, s15, s14, $0x38;
	[tilespmem:$0x2020] =	vst v63  }
0x29: {  	p1 =	sge.u32 s31, s6  }
.Ltmp2:
0x2a: {  	_ = 	snop;
	(pc) =	sbr.rel @p1 .LBB1_5-.Ltmp2, $1  }
0x2b: {  	_ =	sdelay $0x3  }
0x2c: {  	s12 =	simm.s32 $0x1  }
0x2d: {  	_ =	swait.ge [sflag:s5], $0x800;
	s12 =	simm.s32 @!p0 $0x0  }
0x2e: {  	[sflag:s5] =	ssyncset.done $0x0;
	s13 =	sshll.u32 s12, $0xB  }
0x2f: {  	[sflag:s5] =	ssyncadd.s32 $0xFFFFF800;
	s15 =	sor.u32 $0x40, s13  }
0x30: {  	v2 =	vld [tilespmem:s15+$0x30]  }
0x31: {  	s12 =	smul.u32 $0x2040, s12;
	v4 =	vld [tilespmem:s15+$0xFFFFFFD0]  }
0x32: {  	v5 =	vld [tilespmem:s15+$0xFFFFFFE0]  }
0x33: {  	s31 =	sand.u32 $0x1, s10;
	s12 =	sshrl.u32 s12, $0x2;
	v0 =	vld [tilespmem:s15+$0xFFFFFFF0]  }
0x34: {  	s13 =	smul.u32 $0x2040, s31;
	v3 =	vld [tilespmem:s15+$0x0];
	s12 =	sor.u32 $0x1007, s12  }
0x35: {  	v1 =	vld [tilespmem:s15+$0x10];
	[tilespmem:s12+$0x0 ss:$0x81] =	vst.msk $0xffff, v2  }
0x36: {  	s13 =	sshrl.u32 s13, $0x2;
	[tilespmem:s12+$0xFFFFFFFA ss:$0x81] =	vst.msk $0xffff, v4;
	v4 =	vld [tilespmem:s15+$0x20]  }
0x37: {  	s14 =	simm.s32 $0x0;
	s13 =	sor.u32 $0x1000, s13;
	v2 =	vld [tilespmem:s15+$0xFFFFFFC0];
	[tilespmem:s12+$0xFFFFFFFB ss:$0x81] =	vst.msk $0xffff, v5;
	s15 =	sadd.s32 $0x80, s15  }
.LBB1_3:
0x38: {  	v5 =	vld [tilespmem:s15+$0x30];
	s14 =	sadd.s32 $0x8, s14;
	[tilespmem:s12+$0xFFFFFFFC ss:$0x81] =	vst.msk $0xffff, v0  }
0x39: {  	v6 =	vld [tilespmem:s15+$0xFFFFFFD0];
	p1 =	slt.u32 s14, $0x78;
	[tilespmem:s12+$0xFFFFFFFD ss:$0x81] =	vst.msk $0xffff, v3  }
0x3a: {  	v7 =	vld [tilespmem:s15+$0xFFFFFFE0];
	[tilespmem:s12+$0xFFFFFFFE ss:$0x81] =	vst.msk $0xffff, v1  }
.Ltmp3:
0x3b: {  	v0 =	vld [tilespmem:s15+$0xFFFFFFF0];
	[tilespmem:s12+$0xFFFFFFFF ss:$0x81] =	vst.msk $0xffff, v4;
	(pc) =	sbr.rel @p1 .LBB1_3-.Ltmp3, $4  }
0x3c: {  	v3 =	vld [tilespmem:s15+$0x0];
	[tilespmem:s12+$0xFFFFFFF9 ss:$0x81] =	vst.msk $0xffff, v2;
	s12 =	sadd.s32 $0x8, s12  }
0x3d: {  	v1 =	vld [tilespmem:s15+$0x10];
	[tilespmem:s12+$0x0 ss:$0x81] =	vst.msk $0xffff, v5  }
0x3e: {  	[tilespmem:s12+$0xFFFFFFFA ss:$0x81] =	vst.msk $0xffff, v6;
	v4 =	vld [tilespmem:s15+$0x20]  }
0x3f: {  	v2 =	vld [tilespmem:s15+$0xFFFFFFC0];
	[tilespmem:s12+$0xFFFFFFFB ss:$0x81] =	vst.msk $0xffff, v7;
	s15 =	sadd.s32 $0x80, s15  }
.Ltmp4:
0x40: {  	_ = 	snop;
	(pc) =	sbr.rel .LBB1_4-.Ltmp4, $1  }
0x41: {  	_ =	sdelay $0x3  }
.LBB1_6:
0x42: {  	_ =	sfence.sel $0x180000  }
0x43: {  	s2 =	simm.s32 $0x1;
	[bflag:$0x0] =	sbarrier.arrive $0xFFFF  }
0x44: {  	s31 =	simm.s32 $0x2;
	[sflag:s2] =	ssyncpa.u1 $0x1  }
0x45: {  	[sflag:s31] =	ssyncpa.u1 $0x1  }
0x46: {  	p0 =	sne.s32 s0, $0x0;
	_ =	strace $0x9000006E  }
0x47: {  	s0 =	sadd.s32 @!p0 $0x100000, s1;
	[bflag:$0x2] =	sbarrier.arrive $0xFFFF  }
0x48: {  	[sflag:s0] =	ssyncadd.tile.s32 @!p0 $0x1;
	_ =	shalt  }
.Lfunc_end1:
_tile_overlayer_lowered:
.L_overlay_start_2:
0x49: {  	(tag) =	ssettag $0x2  }
0x4a: {  	s0 =	rddreg [dreg:$0x0];
	s2 =	stileid.u32  }
0x4b: {  	s1 =	rddreg [dreg:$0x1];
	p0 =	sne.s32 s2, $0x0  }
0x4c: {  	s3 =	rddreg [dreg:$0x2];
	[bflag:$0x3] =	sbarrier.arrive $0xFFFF;
	s2 =	simm.s32 @!p0 $0x1C01  }
0x4d: {  	[timem:s3], [sflag:s2] =	dma.local @!p0 [hbm:s0], s1  }
0x4e: {  	s0 =	simm.s32 @!p0 $0x1  }
0x4f: {  	_ =	swait.ge @!p0 [sflag:s0], s1  }
0x50: {  	s1 =	ssub.s32 @!p0 $0x0, s1;
	[sflag:s0] =	ssyncset.done @!p0 $0x0  }
0x51: {  	[sflag:s0] =	ssyncadd.s32 @!p0 s1  }
0x52: {  	[bflag:$0x3] =	sbarrier.arrive $0xFFFF  }
0x53: {  	_ =	shalt  }

// kernel: sparse-core-data-format-call.3.cloned.1.call-start
scs
called_computation.3_lowered:
.L_overlay_start_0:
0x0: {  	s1 =	sld [smem:$0x3FD9]  }
0x1: {  	s2 =	sld [smem:$0x3FFE];
	_ =	sdelay $0x1  }
0x2: {  	s3 =	srdreg.scid  }
0x3: {  	s0 =	sand.u32 $0x1, s3  }
0x4: {  	s17 =	sshll.u32 s0, $0xA;
	s1 =	sadd.s32 s2, s1  }
0x5: {  	s1 =	sadd.s32 s1, s17  }
0x6: {  	[smem:$0x3F4F] =	sst s1  }
0x7: {  	_ = 	snop  }
0x8: {  	(tm) =	ssettm $0x1  }
0x9: {  	s18 =	sld [smem:$0x3FFB];
	_ =	sdelay $0x3  }
0xa: {  	_ =	strace s18  }
0xb: {  	s1 =	sld [smem:$0x3FFC];
	_ =	sdelay $0x3  }
0xc: {  	_ =	strace s1  }
0xd: {  	s1 =	sld [smem:$0x3FFD];
	_ =	sdelay $0x3  }
0xe: {  	_ =	strace s1  }
0xf: {  	_ =	strace $0x8FFFFFFF  }
0x10: {  	s19 =	sld [smem:$0x3FDB];
	_ =	sdelay $0x1  }
0x11: {  	s20 =	simm.s32 $_scs_section_size  }
0x12: {  	s4 =	simm.s32 $_size__tile_overlayer_lowered;
	s5 =	simm.s32 $_tile_overlayer_lowered  }
0x13: {  	s23 =	simm.s32 $0x1BFF;
	s22 =	sshll.u32 s5, $0x1;
	s1 =	sadd.s32 s20, s19  }
0x14: {  	s6 =	simm.s32 $0x0;
	s21 =	sshll.u32 s4, $0x1;
	s4 =	sadd.s32 s22, s1  }
0x15: {  	[timem:s6], [sflag:s23] =	dma.local [hbm:s4], s21  }
0x16: {  	_ =	swait.ge [sflag:s23], s21  }
0x17: {  	s2 =	ssub.s32 $0x0, s21;
	[sflag:s23] =	ssyncset.done $0x0  }
0x18: {  	[sflag:s23] =	ssyncadd.s32 s2;
	_ =	sdelay $0x1  }
0x19: {  	s24 =	simm.s32 $0x1B8B  }
0x1a: {  	_ =	swait.ge [sflag:s24], $0x1  }
0x1b: {  	[sflag:s24] =	ssyncset.done $0x0  }
0x1c: {  	s26 =	simm.s32 $0x1B8E;
	s25 =	sld [smem:$0x3FFE];
	[sflag:s24] =	ssyncadd.s32 $0xFFFFFFFF  }
0x1d: {  	s27 =	simm.s32 $execute0_lowered;
	[smem:$0x3FD2] =	sst s26  }
0x1e: {  	s4 =	sshll.u32 s27, $0x1;
	_ =	strace $0x80000064;
	[dreg:$0x1] =	wrdreg $0xFFFFFFFF  }
0x1f: {  	s28 =	simm.s32 $_size_execute0_lowered;
	s1 =	sadd.s32 s1, s4;
	[dreg:$0x0] =	wrdreg $0x0  }
0x20: {  	s4 =	sshll.u32 s28, $0x1;
	[dreg:$0x2] =	wrdreg s1  }
0x21: {  	[dreg:$0x3] =	wrdreg s4  }
0x22: {  	[dreg:$0x4] =	wrdreg $0xC0  }
0x23: {  	_ =	task [dreg:s6], $0x5FFFF  }
0x24: {  	[dreg:$0x1] =	wrdreg $0xFFFFFFFF  }
0x25: {  	[dreg:$0x0] =	wrdreg $0x60  }
0x26: {  	[dreg:$0x2] =	wrdreg s25  }
0x27: {  	[dreg:$0x3] =	wrdreg $0x9  }
0x28: {  	_ =	task.clear_ibuf [dreg:s6], $0x4FFFF;
	_ =	strace $0x90000064  }
0x29: {  	s29 =	simm.s32 $0x9;
	_ =	strace $0x80000066  }
0x2a: {  	_ =	swait.ge [sflag:s29], $0x1  }
0x2b: {  	[sflag:s29] =	ssyncadd.s32 $0xFFFFFFFF  }
0x2c: {  	_ =	strace $0x90000066  }
0x2d: {  	_ =	sfence  }
0x2e: {  	s30 =	sld [smem:$0x0];
	_ =	sdelay $0x2  }
0x2f: {  	s31 =	sshll.u32 s3, $0xD;
	s3 =	sshrl.u32 s3, $0x2  }
0x30: {  	s2 =	sand.u32 $0x4000, s31;
	s1 =	sadd.s32 s3, s30  }
0x31: {  	s0 =	sor.u32 s2, s0;
	s1 =	sshll.u32 s1, $0x11  }
0x32: {  	s0 =	sor.u32 s1, s0  }
0x33: {  	s0 =	sadd.s32 $0x8F2B, s0  }
0x34: {  	[sflag:s0] =	ssyncadd.remote.s32 $0x1  }
0x35: {  	_ =	sfence.sel $0xFFFF  }
0x36: {  	[dreg:$0x0] =	wrdreg $0xFFFFFFFF;
	(pc) =	sbr.abs _section_cstart, $3  }
0x37: {  	[dreg:$0x1] =	wrdreg $0xFFFFFFFF  }
0x38: {  	_ =	task.clear_ibuf [dreg:s6], $0x2FFFF;
	_ =	strace $0x9FFFFFFF  }
0x39: {  	(tm) =	ssettm $0x7FFFFFFF  }
tec
execute0_lowered:
.L_overlay_start_1:
0x0: {  	(tag) =	ssettag $0x1  }
0x1: {  	s0 =	srdreg.scid  }
0x2: {  	s7 =	rddreg [dreg:$0x0];
	s1 =	stileid.u32;
	s5 =	simm.s32 $0x1  }
0x3: {  	s9 =	simm.s32 $0x2;
	s16 =	simm.s32 $0x0;
	s0 =	sshll.u32 s0, $0x4  }
0x4: {  	s14 =	simm.s32 $0x0;
	s15 =	simm.s32 $0x0;
	s2 =	sand.u32 $0x10, s0  }
0x5: {  	s11 =	simm.s32 $0x0;
	s3 =	sadd.s32 $0x21F7C00, s7;
	s2 =	sor.u32 s1, s2  }
0x6: {  	s12 =	simm.s32 $0x0;
	s4 =	sadd.s32 $0x2812400, s7;
	s2 =	sshll.u32 s2, $0x9  }
0x7: {  	s13 =	simm.s32 $0x0;
	s7 =	sadd.s32 $0x407C400, s7;
	s6 =	ssub.s32 $0x186A00, s2  }
.Ltmp0:
0x8: {  	s0 =	rddreg [dreg:$0x1];
	s8 =	sand.u32 $0x3E00, s6;
	(pc) =	sbr.rel .LBB1_1-.Ltmp0, $4  }
0x9: {  	_ =	strace $0x80000065;
	p0 =	sne.s32 s8, $0x0;
	s8 =	simm.s32 $0x1  }
0xa: {  	[sflag:s5] =	ssyncpa.u1 $0x0;
	s6 =	sshrl.u32 s6, $0xE;
	s8 =	simm.s32 @!p0 $0x0  }
0xb: {  	[sflag:s9] =	ssyncpa.u1 $0x0;
	s9 =	simm.s32 $0x80;
	s6 =	sadd.s32 s8, s6  }
0xc: {  	s10 =	smov.u32 s2;
	p0 =	por $0x0, $0x0;
	s8 =	sadd.s32 $0x1, s6  }
.LBB1_7:
0xd: {  	s17 =	sadd.s32 $0x4000, s10  }
0xe: {  	s14 =	sadd.s32 $0x10, s11;
	s18 =	smov.u32 s11;
	p2 =	sgt.s32 s17, $0x1869FF  }
0xf: {  	s18 =	smov.u32 @p2 s14  }
0x10: {  	s20 =	smov.u32 s12;
	s14 =	sadd.s32 $0x2, s12;
	p3 =	sgt.s32 s18, $0xF  }
0x11: {  	s20 =	smov.u32 @p3 s14  }
0x12: {  	s17 =	smov.u32 @p2 s2;
	p2 =	sgt.s32 s20, $0x1  }
0x13: {  	p1 =	slt.u32 s13, $0x2;
	s20 =	simm.s32 @p2 $0x0;
	p2 =	sne.s32 s13, s8  }
.Ltmp1:
0x14: {  	s19 =	simm.s32 @!p1 $0x2;
	(pc) =	sbr.rel @!p2 .LBB1_8-.Ltmp1, $4  }
0x15: {  	s16 =	smov.u32 s10;
	s15 =	smov.u32 s12;
	_ =	swait.ge @!p1 [sflag:s19], $0x4000  }
0x16: {  	p0 =	por !p0, !p0;
	[sflag:s19] =	ssyncset.done @!p1 $0x0;
	s10 =	smov.u32 s17  }
0x17: {  	s18 =	simm.s32 @p3 $0x0;
	s14 =	smov.u32 s11;
	[sflag:s19] =	ssyncadd.s32 @!p1 $0xFFFFC000  }
0x18: {  	s11 =	smov.u32 s18;
	s13 =	sadd.s32 $0x1, s13;
	s12 =	smov.u32 s20  }
.LBB1_1:
0x19: {  	p1 =	sge.u32 s13, s6  }
0x1a: {  	s17 =	sshrl.u32 @!p1 s11, $0x3  }
0x1b: {  	s18 =	sshll.u32 @!p1 s10, $0x3;
	s17 =	smul.u32 @!p1 $0xC35000, s17  }
0x1c: {  	s19 =	sshll.u32 @!p1 s11, $0x7;
	s18 =	sand.u32 @!p1 $0xFFFFFC00, s18  }
0x1d: {  	s17 =	sadd.s32 @!p1 s17, s18;
	s18 =	sand.u32 @!p1 $0x380, s19  }
0x1e: {  	s17 =	sor.u32 @!p1 s18, s17  }
0x1f: {  	s18 =	sshrl.u32 @!p1 s17, $0x9  }
0x20: {  	s18 =	smulhi.u32 @!p1 $0xA7C5AD, s18;
	_ =	sdelay $0x1  }
0x21: {  	s31 =	sadd.s32 $0xFFFFFFFF, s13;
	s18 =	sshrl.u32 @!p1 s18, $0x3  }
0x22: {  	s20 =	sand.u32 @!p1 $0x7F, s10;
	s19 =	sxor.u32 @!p1 $0xFFFFFFFF, s13;
	s21 =	smul.u32 @!p1 $0x186A00, s18  }
0x23: {  	s17 =	sor.u32 @!p1 s20, s17;
	s20 =	smul.u32 @!p1 $0x30D400, s12;
	s18 =	sand.u32 @!p1 $0xF, s18  }
0x24: {  	s19 =	sshll.u32 @!p1 s19, $0xE;
	s18 =	smul.u32 @!p1 $0x30D40, s18;
	s17 =	ssub.s32 @!p1 s17, s21  }
0x25: {  	s19 =	sand.u32 @!p1 $0x4000, s19;
	s20 =	sadd.s32 @!p1 s3, s20;
	s21 =	sand.u32 @!p1 $0x7, s17  }
0x26: {  	s17 =	sshrl.u32 @!p1 s17, $0x3;
	s18 =	sadd.s32 @!p1 s18, s20;
	s20 =	sshll.u32 @!p1 s21, $0x12  }
0x27: {  	s17 =	sadd.s32 @!p1 s17, s18;
	s18 =	sor.u32 @!p1 $0x1000, s20;
	s20 =	simm.s32 @!p1 $0xC35000  }
0x28: {  	[tilespmem:s19], [sflag:$0x1] =	stream.strided.gather @!p1 [hbm4b:s17+s18], $0x4000, s20, s18, $0x38;
	[tilespmem:$0x10800] =	vst v63  }
0x29: {  	p1 =	sge.u32 s31, s6  }
.Ltmp2:
0x2a: {  	_ = 	snop;
	(pc) =	sbr.rel @p1 .LBB1_7-.Ltmp2, $1  }
0x2b: {  	_ =	sdelay $0x3  }
0x2c: {  	s17 =	simm.s32 $0x1;
	s19 =	sand.u32 $0x1, s13  }
0x2d: {  	s17 =	simm.s32 @!p0 $0x0;
	s31 =	smul.u32 $0x11000, s19  }
0x2e: {  	_ =	swait.ge [sflag:s5], $0x4000;
	s21 =	simm.s32 $0x0;
	s18 =	smul.u32 $0x11000, s17  }
0x2f: {  	p2 =	por $0x1, $0x1;
	s22 =	simm.s32 $0x0;
	[sflag:s5] =	ssyncset.done $0x0  }
0x30: {  	s19 =	sshll.u32 s19, $0xE;
	s17 =	sshrl.u32 s31, $0x2;
	s20 =	sshrl.u32 s18, $0x2  }
0x31: {  	[sflag:s5] =	ssyncadd.s32 $0xFFFFC000;
	s18 =	sor.u32 $0x8000, s17;
	s20 =	sor.u32 $0x8000, s20  }
.LBB1_3:
0x32: {  	s23 =	sshll.u32 s22, $0xD  }
0x33: {  	s25 =	sand.u32 $0x1000, s21;
	s26 =	sand.u32 $0x380, s21;
	v1 =	vmov s23  }
0x34: {  	s24 =	sadd.s32 s23, s19;
	s23 =	sor.u32 s26, s25  }
0x35: {  	v0 =	vmov s24;
	s24 =	sand.u32 $0x1200, s23  }
0x36: {  	s25 =	sand.u32 $0x180, s21;
	s24 =	sadd.s32 s24, s19  }
0x37: {  	s25 =	sadd.s32 s25, s24  }
0x38: {  	v5 =	vld.idx.msk [tilespmem:v1+s25+$0xC00 ss:$0x1], $0xffff  }
0x39: {  	v6 =	vld.idx.msk [tilespmem:v1+s25+$0x0 ss:$0x1], $0xffff  }
0x3a: {  	v7 =	vld.idx.msk [tilespmem:v1+s25+$0x10 ss:$0x1], $0xffff  }
0x3b: {  	v8 =	vld.idx.msk [tilespmem:v1+s25+$0x20 ss:$0x1], $0xffff  }
0x3c: {  	s31 =	smul.u32 $0x8800, s22;
	v9 =	vld.idx.msk [tilespmem:v1+s25+$0x30 ss:$0x1], $0xffff  }
0x3d: {  	v10 =	vld.idx.msk [tilespmem:v1+s25+$0x40 ss:$0x1], $0xffff  }
0x3e: {  	s22 =	sshra.s32 s31, $0x2;
	v11 =	vld.idx.msk [tilespmem:v1+s25+$0x50 ss:$0x1], $0xffff  }
0x3f: {  	s22 =	sadd.s32 s22, s20;
	v2 =	vld.idx.msk [tilespmem:v0+s23+$0x410 ss:$0x1], $0xffff  }
0x40: {  	s24 =	sadd.s32 $0x0, s22;
	v3 =	vld.idx.msk [tilespmem:v0+s23+$0x420 ss:$0x1], $0xffff  }
0x41: {  	v4 =	vld.idx.msk [tilespmem:v0+s23+$0x430 ss:$0x1], $0xffff;
	[tilespmem:s24+$0x1980 ss:$0x11] =	vst.msk $0xffff, v5  }
0x42: {  	v12 =	vld.idx.msk [tilespmem:v0+s23+$0x810 ss:$0x1], $0xffff;
	[tilespmem:s24+$0x0 ss:$0x11] =	vst.msk $0xffff, v6  }
0x43: {  	v13 =	vld.idx.msk [tilespmem:v0+s23+$0x820 ss:$0x1], $0xffff;
	[tilespmem:s24+$0x110 ss:$0x11] =	vst.msk $0xffff, v7  }
0x44: {  	v14 =	vld.idx.msk [tilespmem:v0+s23+$0x830 ss:$0x1], $0xffff;
	[tilespmem:s24+$0x220 ss:$0x11] =	vst.msk $0xffff, v8  }
0x45: {  	v15 =	vld.idx.msk [tilespmem:v0+s23+$0x840 ss:$0x1], $0xffff;
	[tilespmem:s24+$0x330 ss:$0x11] =	vst.msk $0xffff, v9  }
0x46: {  	v5 =	vld.idx.msk [tilespmem:v1+s25+$0x60 ss:$0x1], $0xffff;
	[tilespmem:s24+$0x440 ss:$0x11] =	vst.msk $0xffff, v10  }
0x47: {  	v6 =	vld.idx.msk [tilespmem:v1+s25+$0x70 ss:$0x1], $0xffff;
	[tilespmem:s24+$0x550 ss:$0x11] =	vst.msk $0xffff, v11  }
0x48: {  	v7 =	vld.idx.msk [tilespmem:v1+s25+$0x400 ss:$0x1], $0xffff;
	[tilespmem:s24+$0x990 ss:$0x11] =	vst.msk $0xffff, v2  }
0x49: {  	v8 =	vld.idx.msk [tilespmem:v1+s25+$0x800 ss:$0x1], $0xffff;
	[tilespmem:s24+$0xAA0 ss:$0x11] =	vst.msk $0xffff, v3  }
0x4a: {  	v10 =	vld.idx.msk [tilespmem:v0+s23+$0x440 ss:$0x1], $0xffff;
	[tilespmem:s24+$0xBB0 ss:$0x11] =	vst.msk $0xffff, v4  }
0x4b: {  	v11 =	vld.idx.msk [tilespmem:v0+s23+$0x450 ss:$0x1], $0xffff;
	[tilespmem:s24+$0x1210 ss:$0x11] =	vst.msk $0xffff, v12  }
0x4c: {  	v9 =	vld.idx.msk [tilespmem:v0+s23+$0x850 ss:$0x1], $0xffff;
	[tilespmem:s24+$0x1320 ss:$0x11] =	vst.msk $0xffff, v13  }
0x4d: {  	v2 =	vld.idx.msk [tilespmem:v0+s23+$0xC20 ss:$0x1], $0xffff;
	[tilespmem:s24+$0x1430 ss:$0x11] =	vst.msk $0xffff, v14  }
0x4e: {  	v3 =	vld.idx.msk [tilespmem:v0+s23+$0xC30 ss:$0x1], $0xffff;
	[tilespmem:s24+$0x1540 ss:$0x11] =	vst.msk $0xffff, v15  }
0x4f: {  	v4 =	vld.idx.msk [tilespmem:v0+s23+$0xC40 ss:$0x1], $0xffff;
	[tilespmem:s24+$0x660 ss:$0x11] =	vst.msk $0xffff, v5  }
0x50: {  	v5 =	vld.idx.msk [tilespmem:v0+s23+$0x460 ss:$0x1], $0xffff;
	[tilespmem:s24+$0x770 ss:$0x11] =	vst.msk $0xffff, v6  }
0x51: {  	v6 =	vld.idx.msk [tilespmem:v0+s23+$0x470 ss:$0x1], $0xffff;
	[tilespmem:s24+$0x880 ss:$0x11] =	vst.msk $0xffff, v7  }
0x52: {  	[tilespmem:s24+$0x1100 ss:$0x11] =	vst.msk $0xffff, v8;
	v8 =	vld.idx.msk [tilespmem:v0+s23+$0x860 ss:$0x1], $0xffff  }
0x53: {  	[tilespmem:s24+$0xCC0 ss:$0x11] =	vst.msk $0xffff, v10;
	v7 =	vld.idx.msk [tilespmem:v0+s23+$0x870 ss:$0x1], $0xffff  }
0x54: {  	s27 =	simm.s32 $0x200;
	[tilespmem:s24+$0xDD0 ss:$0x11] =	vst.msk $0xffff, v11;
	v10 =	vld.idx.msk [tilespmem:v0+s23+$0xC60 ss:$0x1], $0xffff  }
0x55: {  	p1 =	por p2, p2;
	s28 =	simm.s32 $0x8;
	s26 =	simm.s32 $0x80;
	[tilespmem:s24+$0xEE0 ss:$0x11] =	vst.msk $0xffff, v5;
	v5 =	vld.idx.msk [tilespmem:v0+s23+$0xC10 ss:$0x1], $0xffff  }
0x56: {  	s29 =	sand.u32 $0x1000, s27;
	s30 =	sand.u32 $0x380, s26;
	s25 =	simm.s32 $0x4;
	[tilespmem:s24+$0xFF0 ss:$0x11] =	vst.msk $0xffff, v6;
	v6 =	vld.idx.msk [tilespmem:v0+s23+$0xC50 ss:$0x1], $0xffff  }
.LBB1_4:
0x57: {  	p2 =	sne.s32 s28, $0x3C;
	[tilespmem:s24+$0x1650 ss:$0x11] =	vst.msk $0xffff, v9;
	v9 =	vld.idx.msk [tilespmem:v0+s23+$0xC70 ss:$0x1], $0xffff;
	s23 =	sor.u32 s30, s29  }
0x58: {  	s29 =	sand.u32 $0x1200, s23;
	v11 =	vld.idx.msk [tilespmem:v0+s23+$0x410 ss:$0x1], $0xffff;
	[tilespmem:s24+$0x1760 ss:$0x11] =	vst.msk $0xffff, v8  }
0x59: {  	s30 =	sand.u32 $0x180, s26;
	s29 =	sadd.s32 s29, s19;
	v8 =	vld.idx.msk [tilespmem:v0+s23+$0x420 ss:$0x1], $0xffff;
	[tilespmem:s24+$0x1870 ss:$0x11] =	vst.msk $0xffff, v7  }
0x5a: {  	s29 =	sadd.s32 s30, s29;
	v7 =	vld.idx.msk [tilespmem:v0+s23+$0x430 ss:$0x1], $0xffff;
	[tilespmem:s24+$0x1A90 ss:$0x11] =	vst.msk $0xffff, v5  }
0x5b: {  	v5 =	vld.idx.msk [tilespmem:v1+s29+$0xC00 ss:$0x1], $0xffff;
	[tilespmem:s24+$0x1BA0 ss:$0x11] =	vst.msk $0xffff, v2  }
0x5c: {  	v2 =	vld.idx.msk [tilespmem:v1+s29+$0x0 ss:$0x1], $0xffff;
	[tilespmem:s24+$0x1CB0 ss:$0x11] =	vst.msk $0xffff, v3  }
0x5d: {  	v3 =	vld.idx.msk [tilespmem:v1+s29+$0x10 ss:$0x1], $0xffff;
	[tilespmem:s24+$0x1DC0 ss:$0x11] =	vst.msk $0xffff, v4  }
0x5e: {  	v4 =	vld.idx.msk [tilespmem:v1+s29+$0x20 ss:$0x1], $0xffff;
	[tilespmem:s24+$0x1ED0 ss:$0x11] =	vst.msk $0xffff, v6  }
0x5f: {  	s30 =	sshra.s32 s25, $0x2;
	s25 =	smov.u32 s28;
	v6 =	vld.idx.msk [tilespmem:v1+s29+$0x30 ss:$0x1], $0xffff;
	[tilespmem:s24+$0x1FE0 ss:$0x11] =	vst.msk $0xffff, v10  }
0x60: {  	v10 =	vld.idx.msk [tilespmem:v1+s29+$0x40 ss:$0x1], $0xffff;
	[tilespmem:s24+$0x20F0 ss:$0x11] =	vst.msk $0xffff, v9;
	s24 =	sadd.s32 s30, s22  }
0x61: {  	v9 =	vld.idx.msk [tilespmem:v1+s29+$0x50 ss:$0x1], $0xffff;
	[tilespmem:s24+$0x1980 ss:$0x11] =	vst.msk $0xffff, v5  }
0x62: {  	[tilespmem:s24+$0x0 ss:$0x11] =	vst.msk $0xffff, v2;
	v2 =	vld.idx.msk [tilespmem:v1+s29+$0x60 ss:$0x1], $0xffff  }
0x63: {  	[tilespmem:s24+$0x110 ss:$0x11] =	vst.msk $0xffff, v3;
	v3 =	vld.idx.msk [tilespmem:v1+s29+$0x70 ss:$0x1], $0xffff  }
0x64: {  	[tilespmem:s24+$0x220 ss:$0x11] =	vst.msk $0xffff, v4;
	v4 =	vld.idx.msk [tilespmem:v1+s29+$0x400 ss:$0x1], $0xffff  }
0x65: {  	[tilespmem:s24+$0x330 ss:$0x11] =	vst.msk $0xffff, v6;
	v5 =	vld.idx.msk [tilespmem:v1+s29+$0x800 ss:$0x1], $0xffff  }
0x66: {  	[tilespmem:s24+$0x440 ss:$0x11] =	vst.msk $0xffff, v10;
	v6 =	vld.idx.msk [tilespmem:v0+s23+$0x440 ss:$0x1], $0xffff  }
0x67: {  	[tilespmem:s24+$0x550 ss:$0x11] =	vst.msk $0xffff, v9;
	v10 =	vld.idx.msk [tilespmem:v0+s23+$0x450 ss:$0x1], $0xffff  }
0x68: {  	[tilespmem:s24+$0x660 ss:$0x11] =	vst.msk $0xffff, v2;
	v2 =	vld.idx.msk [tilespmem:v0+s23+$0x460 ss:$0x1], $0xffff  }
0x69: {  	[tilespmem:s24+$0x770 ss:$0x11] =	vst.msk $0xffff, v3;
	v3 =	vld.idx.msk [tilespmem:v0+s23+$0x470 ss:$0x1], $0xffff  }
0x6a: {  	[tilespmem:s24+$0x880 ss:$0x11] =	vst.msk $0xffff, v4;
	v4 =	vld.idx.msk [tilespmem:v0+s23+$0x810 ss:$0x1], $0xffff  }
0x6b: {  	[tilespmem:s24+$0x1100 ss:$0x11] =	vst.msk $0xffff, v5;
	v12 =	vld.idx.msk [tilespmem:v0+s23+$0x820 ss:$0x1], $0xffff  }
0x6c: {  	[tilespmem:s24+$0x990 ss:$0x11] =	vst.msk $0xffff, v11;
	v11 =	vld.idx.msk [tilespmem:v0+s23+$0x830 ss:$0x1], $0xffff  }
0x6d: {  	[tilespmem:s24+$0xAA0 ss:$0x11] =	vst.msk $0xffff, v8;
	v13 =	vld.idx.msk [tilespmem:v0+s23+$0x840 ss:$0x1], $0xffff  }
0x6e: {  	[tilespmem:s24+$0xBB0 ss:$0x11] =	vst.msk $0xffff, v7;
	v9 =	vld.idx.msk [tilespmem:v0+s23+$0x850 ss:$0x1], $0xffff  }
0x6f: {  	[tilespmem:s24+$0xCC0 ss:$0x11] =	vst.msk $0xffff, v6;
	v8 =	vld.idx.msk [tilespmem:v0+s23+$0x860 ss:$0x1], $0xffff  }
0x70: {  	[tilespmem:s24+$0xDD0 ss:$0x11] =	vst.msk $0xffff, v10;
	v7 =	vld.idx.msk [tilespmem:v0+s23+$0x870 ss:$0x1], $0xffff  }
0x71: {  	[tilespmem:s24+$0xEE0 ss:$0x11] =	vst.msk $0xffff, v2;
	v5 =	vld.idx.msk [tilespmem:v0+s23+$0xC10 ss:$0x1], $0xffff  }
.Ltmp3:
0x72: {  	[tilespmem:s24+$0xFF0 ss:$0x11] =	vst.msk $0xffff, v3;
	v2 =	vld.idx.msk [tilespmem:v0+s23+$0xC20 ss:$0x1], $0xffff;
	(pc) =	sbr.rel @p2 .LBB1_4-.Ltmp3, $4  }
0x73: {  	[tilespmem:s24+$0x1210 ss:$0x11] =	vst.msk $0xffff, v4;
	v3 =	vld.idx.msk [tilespmem:v0+s23+$0xC30 ss:$0x1], $0xffff  }
0x74: {  	[tilespmem:s24+$0x1320 ss:$0x11] =	vst.msk $0xffff, v12;
	v4 =	vld.idx.msk [tilespmem:v0+s23+$0xC40 ss:$0x1], $0xffff  }
0x75: {  	s26 =	sadd.s32 $0x80, s26;
	s27 =	sadd.s32 $0x200, s27;
	[tilespmem:s24+$0x1430 ss:$0x11] =	vst.msk $0xffff, v11;
	v6 =	vld.idx.msk [tilespmem:v0+s23+$0xC50 ss:$0x1], $0xffff  }
0x76: {  	s28 =	sadd.s32 $0x4, s28;
	s30 =	sand.u32 $0x380, s26;
	s29 =	sand.u32 $0x1000, s27;
	[tilespmem:s24+$0x1540 ss:$0x11] =	vst.msk $0xffff, v13;
	v10 =	vld.idx.msk [tilespmem:v0+s23+$0xC60 ss:$0x1], $0xffff  }
0x77: {  	[tilespmem:s24+$0x1650 ss:$0x11] =	vst.msk $0xffff, v9  }
0x78: {  	[tilespmem:s24+$0x1760 ss:$0x11] =	vst.msk $0xffff, v8  }
0x79: {  	[tilespmem:s24+$0x1870 ss:$0x11] =	vst.msk $0xffff, v7  }
0x7a: {  	[tilespmem:s24+$0x1A90 ss:$0x11] =	vst.msk $0xffff, v5  }
0x7b: {  	s27 =	sor.u32 s30, s29;
	v31 =	vld.idx.msk [tilespmem:v0+s23+$0xC70 ss:$0x1], $0xffff;
	[tilespmem:s24+$0x1BA0 ss:$0x11] =	vst.msk $0xffff, v2  }
0x7c: {  	[tilespmem:s24+$0x1CB0 ss:$0x11] =	vst.msk $0xffff, v3;
	v43 =	vld.idx.msk [tilespmem:v0+s27+$0x410 ss:$0x1], $0xffff  }
0x7d: {  	v44 =	vld.idx.msk [tilespmem:v0+s27+$0x420 ss:$0x1], $0xffff;
	[tilespmem:s24+$0x1DC0 ss:$0x11] =	vst.msk $0xffff, v4  }
0x7e: {  	v45 =	vld.idx.msk [tilespmem:v0+s27+$0x430 ss:$0x1], $0xffff;
	[tilespmem:s24+$0x1ED0 ss:$0x11] =	vst.msk $0xffff, v6  }
0x7f: {  	s25 =	sshra.s32 s25, $0x2;
	v46 =	vld.idx.msk [tilespmem:v0+s27+$0x440 ss:$0x1], $0xffff;
	[tilespmem:s24+$0x1FE0 ss:$0x11] =	vst.msk $0xffff, v10  }
0x80: {  	s22 =	sadd.s32 s25, s22;
	v47 =	vld.idx.msk [tilespmem:v0+s27+$0x450 ss:$0x1], $0xffff;
	[tilespmem:s24+$0x20F0 ss:$0x11] =	vst.msk $0xffff, v31  }
0x81: {  	v48 =	vld.idx.msk [tilespmem:v0+s27+$0x460 ss:$0x1], $0xffff;
	[tilespmem:s22+$0x990 ss:$0x11] =	vst.msk $0xffff, v43  }
0x82: {  	v49 =	vld.idx.msk [tilespmem:v0+s27+$0x470 ss:$0x1], $0xffff;
	[tilespmem:s22+$0xAA0 ss:$0x11] =	vst.msk $0xffff, v44  }
0x83: {  	v50 =	vld.idx.msk [tilespmem:v0+s27+$0x810 ss:$0x1], $0xffff;
	[tilespmem:s22+$0xBB0 ss:$0x11] =	vst.msk $0xffff, v45  }
0x84: {  	v51 =	vld.idx.msk [tilespmem:v0+s27+$0x820 ss:$0x1], $0xffff;
	[tilespmem:s22+$0xCC0 ss:$0x11] =	vst.msk $0xffff, v46  }
0x85: {  	v52 =	vld.idx.msk [tilespmem:v0+s27+$0x830 ss:$0x1], $0xffff;
	[tilespmem:s22+$0xDD0 ss:$0x11] =	vst.msk $0xffff, v47  }
0x86: {  	v53 =	vld.idx.msk [tilespmem:v0+s27+$0x840 ss:$0x1], $0xffff;
	[tilespmem:s22+$0xEE0 ss:$0x11] =	vst.msk $0xffff, v48  }
0x87: {  	v54 =	vld.idx.msk [tilespmem:v0+s27+$0x850 ss:$0x1], $0xffff;
	[tilespmem:s22+$0xFF0 ss:$0x11] =	vst.msk $0xffff, v49  }
0x88: {  	v55 =	vld.idx.msk [tilespmem:v0+s27+$0x860 ss:$0x1], $0xffff;
	[tilespmem:s22+$0x1210 ss:$0x11] =	vst.msk $0xffff, v50  }
0x89: {  	v56 =	vld.idx.msk [tilespmem:v0+s27+$0x870 ss:$0x1], $0xffff;
	[tilespmem:s22+$0x1320 ss:$0x11] =	vst.msk $0xffff, v51  }
0x8a: {  	v57 =	vld.idx.msk [tilespmem:v0+s27+$0xC10 ss:$0x1], $0xffff;
	[tilespmem:s22+$0x1430 ss:$0x11] =	vst.msk $0xffff, v52  }
0x8b: {  	v58 =	vld.idx.msk [tilespmem:v0+s27+$0xC20 ss:$0x1], $0xffff;
	[tilespmem:s22+$0x1540 ss:$0x11] =	vst.msk $0xffff, v53  }
0x8c: {  	v59 =	vld.idx.msk [tilespmem:v0+s27+$0xC30 ss:$0x1], $0xffff;
	[tilespmem:s22+$0x1650 ss:$0x11] =	vst.msk $0xffff, v54  }
0x8d: {  	v60 =	vld.idx.msk [tilespmem:v0+s27+$0xC40 ss:$0x1], $0xffff;
	[tilespmem:s22+$0x1760 ss:$0x11] =	vst.msk $0xffff, v55  }
0x8e: {  	s28 =	sand.u32 $0x1200, s27;
	v61 =	vld.idx.msk [tilespmem:v0+s27+$0xC50 ss:$0x1], $0xffff;
	[tilespmem:s22+$0x1870 ss:$0x11] =	vst.msk $0xffff, v56  }
0x8f: {  	s26 =	sand.u32 $0x180, s26;
	v62 =	vld.idx.msk [tilespmem:v0+s27+$0xC60 ss:$0x1], $0xffff;
	s28 =	sadd.s32 s28, s19;
	[tilespmem:s22+$0x1A90 ss:$0x11] =	vst.msk $0xffff, v57  }
0x90: {  	v63 =	vld.idx.msk [tilespmem:v0+s27+$0xC70 ss:$0x1], $0xffff;
	s31 =	sadd.s32 s26, s28;
	[tilespmem:s22+$0x1BA0 ss:$0x11] =	vst.msk $0xffff, v58  }
0x91: {  	v32 =	vld.idx.msk [tilespmem:v1+s31+$0xC00 ss:$0x1], $0xffff;
	[tilespmem:s22+$0x1CB0 ss:$0x11] =	vst.msk $0xffff, v59  }
0x92: {  	v33 =	vld.idx.msk [tilespmem:v1+s31+$0x0 ss:$0x1], $0xffff;
	[tilespmem:s22+$0x1DC0 ss:$0x11] =	vst.msk $0xffff, v60  }
0x93: {  	v34 =	vld.idx.msk [tilespmem:v1+s31+$0x10 ss:$0x1], $0xffff;
	[tilespmem:s22+$0x1ED0 ss:$0x11] =	vst.msk $0xffff, v61  }
0x94: {  	v35 =	vld.idx.msk [tilespmem:v1+s31+$0x20 ss:$0x1], $0xffff;
	[tilespmem:s22+$0x1FE0 ss:$0x11] =	vst.msk $0xffff, v62  }
0x95: {  	v36 =	vld.idx.msk [tilespmem:v1+s31+$0x30 ss:$0x1], $0xffff;
	[tilespmem:s22+$0x20F0 ss:$0x11] =	vst.msk $0xffff, v63  }
0x96: {  	v37 =	vld.idx.msk [tilespmem:v1+s31+$0x40 ss:$0x1], $0xffff;
	[tilespmem:s22+$0x1980 ss:$0x11] =	vst.msk $0xffff, v32  }
0x97: {  	v38 =	vld.idx.msk [tilespmem:v1+s31+$0x50 ss:$0x1], $0xffff;
	[tilespmem:s22+$0x0 ss:$0x11] =	vst.msk $0xffff, v33  }
0x98: {  	v39 =	vld.idx.msk [tilespmem:v1+s31+$0x60 ss:$0x1], $0xffff;
	[tilespmem:s22+$0x110 ss:$0x11] =	vst.msk $0xffff, v34  }
0x99: {  	v40 =	vld.idx.msk [tilespmem:v1+s31+$0x70 ss:$0x1], $0xffff;
	[tilespmem:s22+$0x220 ss:$0x11] =	vst.msk $0xffff, v35  }
0x9a: {  	v41 =	vld.idx.msk [tilespmem:v1+s31+$0x400 ss:$0x1], $0xffff;
	[tilespmem:s22+$0x330 ss:$0x11] =	vst.msk $0xffff, v36  }
0x9b: {  	v42 =	vld.idx.msk [tilespmem:v1+s31+$0x800 ss:$0x1], $0xffff;
	[tilespmem:s22+$0x440 ss:$0x11] =	vst.msk $0xffff, v37  }
.Ltmp4:
0x9c: {  	[tilespmem:s22+$0x550 ss:$0x11] =	vst.msk $0xffff, v38;
	(pc) =	sbr.rel @p1 .LBB1_3-.Ltmp4, $4  }
0x9d: {  	[tilespmem:s22+$0x660 ss:$0x11] =	vst.msk $0xffff, v39  }
0x9e: {  	[tilespmem:s22+$0x770 ss:$0x11] =	vst.msk $0xffff, v40  }
0x9f: {  	[tilespmem:s22+$0x880 ss:$0x11] =	vst.msk $0xffff, v41  }
0xa0: {  	p2 =	por $0x0, $0x0;
	[tilespmem:s22+$0x1100 ss:$0x11] =	vst.msk $0xffff, v42;
	s22 =	simm.s32 $0x1  }
0xa1: {  	s16 =	sshll.u32 s16, $0x7;
	s19 =	sshll.u32 s14, $0x3  }
0xa2: {  	s20 =	sand.u32 $0xFFFFFC00, s16;
	s19 =	sand.u32 $0xFFFFFC00, s19  }
0xa3: {  	s16 =	sand.u32 $0x380, s16;
	s19 =	sadd.s32 s19, s20  }
0xa4: {  	s16 =	sor.u32 s16, s19  }
0xa5: {  	s16 =	sshrl.u32 s16, $0x7  }
0xa6: {  	s28 =	smulhi.u32 $0x14F8B59, s16;
	_ =	sdelay $0x1  }
0xa7: {  	s19 =	sshrl.u32 s28, $0xD  }
0xa8: {  	s19 =	smul.u32 $0x186A00, s19;
	_ =	sdelay $0x1  }
0xa9: {  	s15 =	smul.u32 $0x186A000, s15;
	s16 =	ssub.s32 s16, s19  }
0xaa: {  	s29 =	sshrl.u32 s14, $0x3;
	s31 =	sand.u32 $0x7, s14;
	s16 =	sshll.u32 s16, $0x4  }
0xab: {  	s14 =	sshll.u32 s31, $0x12;
	s19 =	sand.u32 $0xF, s29;
	s30 =	sadd.s32 s15, s16  }
.Ltmp5:
0xac: {  	s15 =	sadd.s32 s15, s7;
	s20 =	sadd.s32 s4, s30;
	(pc) =	sbr.rel .LBB1_7-.Ltmp5, $4  }
0xad: {  	s14 =	sor.u32 $0x10, s14;
	s15 =	sadd.s32 s19, s15;
	s20 =	sadd.s32 s19, s20  }
0xae: {  	[hbm4b:s20+s14] =	stream.strided.scatter [tilespmem:s18], [sflag:$0x2], $0x2000, s9, s14, $0x8;
	[tilespmem:$0x10800] =	vst v63  }
0xaf: {  	s17 =	sadd.s32 $0xA200, s17;
	s15 =	sadd.s32 s16, s15  }
0xb0: {  	[hbm4b:s15+s14] =	stream.strided.scatter [tilespmem:s17], [sflag:$0x2], $0x2000, s9, s14, $0x8;
	[tilespmem:$0x10800] =	vst v63  }
.LBB1_8:
0xb1: {  	_ =	sfence.sel $0x180000  }
0xb2: {  	s2 =	simm.s32 $0x1;
	[bflag:$0x0] =	sbarrier.arrive $0xFFFF  }
0xb3: {  	s31 =	simm.s32 $0x2;
	[sflag:s2] =	ssyncpa.u1 $0x1  }
0xb4: {  	[sflag:s31] =	ssyncpa.u1 $0x1  }
0xb5: {  	p0 =	sne.s32 s1, $0x0;
	_ =	strace $0x90000065  }
0xb6: {  	s0 =	sadd.s32 @!p0 $0x100000, s0;
	[bflag:$0x2] =	sbarrier.arrive $0xFFFF  }
0xb7: {  	[sflag:s0] =	ssyncadd.tile.s32 @!p0 $0x1;
	_ =	shalt  }
.Lfunc_end1:
_tile_overlayer_lowered:
.L_overlay_start_2:
0xb8: {  	(tag) =	ssettag $0x2  }
0xb9: {  	s0 =	rddreg [dreg:$0x0];
	s2 =	stileid.u32  }
0xba: {  	s1 =	rddreg [dreg:$0x1];
	p0 =	sne.s32 s2, $0x0  }
0xbb: {  	s3 =	rddreg [dreg:$0x2];
	[bflag:$0x3] =	sbarrier.arrive $0xFFFF;
	s2 =	simm.s32 @!p0 $0x1C01  }
0xbc: {  	[timem:s3], [sflag:s2] =	dma.local @!p0 [hbm:s0], s1  }
0xbd: {  	s0 =	simm.s32 @!p0 $0x1  }
0xbe: {  	_ =	swait.ge @!p0 [sflag:s0], s1  }
0xbf: {  	s1 =	ssub.s32 @!p0 $0x0, s1;
	[sflag:s0] =	ssyncset.done @!p0 $0x0  }
0xc0: {  	[sflag:s0] =	ssyncadd.s32 @!p0 s1  }
0xc1: {  	[bflag:$0x3] =	sbarrier.arrive $0xFFFF  }
0xc2: {  	_ =	shalt  }

// kernel: sparse-core-data-format-call.4.cloned.1.call-start
scs
called_computation.4_lowered:
.L_overlay_start_0:
0x0: {  	s2 =	sld [smem:$0x3FD9]  }
0x1: {  	s3 =	sld [smem:$0x3FFE];
	_ =	sdelay $0x1  }
0x2: {  	s1 =	srdreg.scid  }
0x3: {  	s0 =	sand.u32 $0x1, s1  }
0x4: {  	s18 =	sshll.u32 s0, $0xA;
	s2 =	sadd.s32 s3, s2  }
0x5: {  	s2 =	sadd.s32 s2, s18  }
0x6: {  	[smem:$0x3F4F] =	sst s2  }
0x7: {  	_ = 	snop  }
0x8: {  	(tm) =	ssettm $0x1  }
0x9: {  	s19 =	sld [smem:$0x3FFB];
	_ =	sdelay $0x3  }
0xa: {  	_ =	strace s19  }
0xb: {  	s2 =	sld [smem:$0x3FFC];
	_ =	sdelay $0x3  }
0xc: {  	_ =	strace s2  }
0xd: {  	s2 =	sld [smem:$0x3FFD];
	_ =	sdelay $0x3  }
0xe: {  	_ =	strace s2  }
0xf: {  	_ =	strace $0x8FFFFFFF  }
0x10: {  	s20 =	sld [smem:$0x3FDB];
	_ =	sdelay $0x1  }
0x11: {  	s21 =	simm.s32 $_scs_section_size  }
0x12: {  	s4 =	simm.s32 $_size__tile_overlayer_lowered;
	s5 =	simm.s32 $_tile_overlayer_lowered  }
0x13: {  	s6 =	simm.s32 $0x1BFF;
	s22 =	sshll.u32 s5, $0x1;
	s3 =	sadd.s32 s21, s20  }
0x14: {  	s23 =	simm.s32 $0x0;
	s4 =	sshll.u32 s4, $0x1;
	s5 =	sadd.s32 s22, s3  }
0x15: {  	[timem:s23], [sflag:s6] =	dma.local [hbm:s5], s4  }
0x16: {  	_ =	swait.ge [sflag:s6], s4  }
0x17: {  	s4 =	ssub.s32 $0x0, s4;
	[sflag:s6] =	ssyncset.done $0x0  }
0x18: {  	[sflag:s6] =	ssyncadd.s32 s4;
	_ =	sdelay $0x1  }
0x19: {  	s24 =	simm.s32 $0x1B8B  }
0x1a: {  	_ =	swait.ge [sflag:s24], $0x1  }
0x1b: {  	[sflag:s24] =	ssyncset.done $0x0  }
0x1c: {  	[sflag:s24] =	ssyncadd.s32 $0xFFFFFFFF  }
0x1d: {  	s4 =	sld [smem:$0x0]  }
0x1e: {  	s5 =	sand.u32 $0xFFFFFFFE, s1  }
0x1f: {  	p0 =	sne.s32 s1, s5  }
0x20: {  	s5 =	sshll.u32 @p0 s5, $0xE  }
0x21: {  	s5 =	sadd.s32 @p0 $0x11B8D, s5;
	s6 =	sshll.u32 @p0 s4, $0x11  }
0x22: {  	s5 =	sor.u32 @p0 s6, s5  }
0x23: {  	[sflag:s5] =	ssyncadd.remote.s32 @p0 $0x1;
	_ =	sdelay $0x1  }
0x24: {  	s5 =	simm.s32 @p0 $0x1B8D  }
0x25: {  	_ =	swait.eq @p0 [sflag:s5], $0x1  }
0x26: {  	[sflag:s5] =	ssyncadd.s32 @p0 $0xFFFFFFFF  }
0x27: {  	s6 =	sshll.u32 @!p0 s1, $0xE  }
0x28: {  	s6 =	sor.u32 @!p0 $0x4000, s6;
	s5 =	simm.s32 @!p0 $0x1B8D  }
0x29: {  	s4 =	sshll.u32 @!p0 s4, $0x11;
	s6 =	sadd.s32 @!p0 $0x11B8D, s6;
	_ =	swait.eq @!p0 [sflag:s5], $0x1  }
0x2a: {  	s4 =	sor.u32 @!p0 s4, s6;
	[sflag:s5] =	ssyncadd.s32 @!p0 $0xFFFFFFFF  }
0x2b: {  	s26 =	simm.s32 $0x1B8E;
	s25 =	sld [smem:$0x3FFE];
	[sflag:s4] =	ssyncadd.remote.s32 @!p0 $0x1  }
0x2c: {  	s27 =	simm.s32 $execute0_lowered;
	[smem:$0x3FD2] =	sst s26  }
0x2d: {  	s5 =	sshll.u32 s27, $0x1;
	_ =	strace $0x80000061;
	[dreg:$0x1] =	wrdreg $0xFFFFFFFF  }
0x2e: {  	s28 =	simm.s32 $_size_execute0_lowered;
	s3 =	sadd.s32 s3, s5;
	[dreg:$0x0] =	wrdreg $0x0  }
0x2f: {  	s5 =	sshll.u32 s28, $0x1;
	[dreg:$0x2] =	wrdreg s3  }
0x30: {  	[dreg:$0x3] =	wrdreg s5  }
0x31: {  	[dreg:$0x4] =	wrdreg $0xC0  }
0x32: {  	_ =	task [dreg:s23], $0x5FFFF  }
0x33: {  	[dreg:$0x1] =	wrdreg $0xFFFFFFFF  }
0x34: {  	[dreg:$0x0] =	wrdreg $0x60  }
0x35: {  	[dreg:$0x2] =	wrdreg s25  }
0x36: {  	[dreg:$0x3] =	wrdreg $0x9  }
0x37: {  	_ =	task.clear_ibuf [dreg:s23], $0x4FFFF;
	_ =	strace $0x90000061  }
0x38: {  	s29 =	simm.s32 $0x9;
	_ =	strace $0x80000063  }
0x39: {  	_ =	swait.ge [sflag:s29], $0x1  }
0x3a: {  	[sflag:s29] =	ssyncadd.s32 $0xFFFFFFFF  }
0x3b: {  	_ =	strace $0x90000063  }
0x3c: {  	_ =	sfence  }
0x3d: {  	s30 =	sld [smem:$0x0];
	_ =	sdelay $0x2  }
0x3e: {  	s31 =	sshll.u32 s1, $0xD;
	s1 =	sshrl.u32 s1, $0x2  }
0x3f: {  	s4 =	sand.u32 $0x4000, s31;
	s1 =	sadd.s32 s1, s30  }
0x40: {  	s0 =	sor.u32 s4, s0;
	s1 =	sshll.u32 s1, $0x11  }
0x41: {  	s0 =	sor.u32 s1, s0  }
0x42: {  	s0 =	sadd.s32 $0x8F2B, s0  }
0x43: {  	[sflag:s0] =	ssyncadd.remote.s32 $0x1  }
0x44: {  	_ =	sfence.sel $0xFFFF  }
0x45: {  	[dreg:$0x0] =	wrdreg $0xFFFFFFFF;
	(pc) =	sbr.abs _section_cstart, $3  }
0x46: {  	[dreg:$0x1] =	wrdreg $0xFFFFFFFF  }
0x47: {  	_ =	task.clear_ibuf [dreg:s23], $0x2FFFF;
	_ =	strace $0x9FFFFFFF  }
0x48: {  	(tm) =	ssettm $0x7FFFFFFF  }
0x49: {  	_ =	shalt  }
tec
execute0_lowered:
.L_overlay_start_1:
0x0: {  	(tag) =	ssettag $0x1  }
0x1: {  	s0 =	srdreg.scid  }
0x2: {  	s1 =	sshll.u32 s0, $0x4  }
0x3: {  	s4 =	rddreg [dreg:$0x0];
	s0 =	stileid.u32;
	s1 =	sand.u32 $0x10, s1  }
0x4: {  	s7 =	simm.s32 $0x1;
	s8 =	simm.s32 $0x2;
	s1 =	sor.u32 s0, s1  }
0x5: {  	s11 =	simm.s32 $0x0;
	s3 =	sadd.s32 $0x450D000, s4;
	s2 =	sshll.u32 s1, $0x7  }
0x6: {  	s10 =	simm.s32 $0x0;
	s4 =	sadd.s32 $0x21F7C00, s4;
	s6 =	ssub.s32 $0x186A00, s2  }
.Ltmp0:
0x7: {  	s1 =	rddreg [dreg:$0x1];
	s5 =	sand.u32 $0xF80, s6;
	(pc) =	sbr.rel .LBB1_1-.Ltmp0, $4  }
0x8: {  	_ =	strace $0x80000062;
	s9 =	smov.u32 s2;
	p0 =	sne.s32 s5, $0x0  }
0x9: {  	s6 =	sshrl.u32 s6, $0xC;
	s5 =	simm.s32 $0x1;
	s7 =	simm.s32 @!p0 $0x0  }
0xa: {  	[sflag:s5] =	ssyncpa.u1 $0x0;
	p0 =	por $0x0, $0x0;
	s6 =	sadd.s32 s7, s6  }
0xb: {  	[sflag:s8] =	ssyncpa.u1 $0x0;
	s8 =	simm.s32 $0xC35000;
	s7 =	sadd.s32 $0x1, s6  }
.LBB1_4:
0xc: {  	s14 =	sshll.u32 s11, $0x3  }
0xd: {  	s14 =	sand.u32 $0xFFFFFC00, s14  }
0xe: {  	s15 =	sshrl.u32 s14, $0x9  }
0xf: {  	s15 =	smulhi.u32 $0xA7C5AD, s15;
	_ =	sdelay $0x1  }
0x10: {  	s15 =	sshrl.u32 s15, $0x3  }
0x11: {  	s28 =	sand.u32 $0x7F, s11;
	s16 =	smul.u32 $0x186A00, s15  }
0x12: {  	s11 =	sor.u32 s28, s14  }
0x13: {  	s29 =	sand.u32 $0x1F, s15;
	s11 =	ssub.s32 s11, s16  }
0x14: {  	s14 =	smul.u32 $0x30D40, s29;
	s30 =	sshrl.u32 s11, $0x3;
	s11 =	sand.u32 $0x7, s11  }
0x15: {  	s15 =	sadd.s32 s4, s30;
	s11 =	sshll.u32 s11, $0x12  }
0x16: {  	[tilespmem:s13+$0x0 ss:$0x81] =	vst.msk $0xffff, v0;
	s31 =	sadd.s32 s14, s15;
	s11 =	sor.u32 $0x400, s11  }
0x17: {  	[hbm4b:s31+s11] =	stream.strided.scatter [tilespmem:s12], [sflag:$0x2], $0x1000, s8, s11, $0x20;
	[tilespmem:$0x4040] =	vst v63  }
.LBB1_5:
0x18: {  	s13 =	sadd.s32 $0x1000, s9  }
0x19: {  	p2 =	sgt.s32 s13, $0x1869FF  }
0x1a: {  	s13 =	smov.u32 @p2 s2;
	p2 =	sne.s32 s10, s7  }
.Ltmp1:
0x1b: {  	p1 =	slt.u32 s10, $0x2;
	(pc) =	sbr.rel @!p2 .LBB1_6-.Ltmp1, $4  }
0x1c: {  	s12 =	simm.s32 @!p1 $0x2  }
0x1d: {  	s14 =	sadd.s32 $0x1, s10;
	_ =	swait.ge @!p1 [sflag:s12], $0x1000  }
0x1e: {  	s11 =	smov.u32 s9;
	p0 =	por !p0, !p0;
	[sflag:s12] =	ssyncset.done @!p1 $0x0  }
0x1f: {  	s10 =	smov.u32 s14;
	s9 =	smov.u32 s13;
	[sflag:s12] =	ssyncadd.s32 @!p1 $0xFFFFF000  }
.LBB1_1:
0x20: {  	p1 =	sge.u32 s10, s6  }
0x21: {  	s12 =	sand.u32 @!p1 $0x1FFFFFF, s9  }
0x22: {  	s13 =	smulhi.u32 @!p1 $0x14F8B59, s12;
	_ =	sdelay $0x1  }
0x23: {  	s13 =	sshrl.u32 @!p1 s13, $0xD  }
0x24: {  	s13 =	smul.u32 @!p1 $0x186A00, s13;
	_ =	sdelay $0x1  }
0x25: {  	s31 =	sadd.s32 $0xFFFFFFFF, s10;
	s14 =	sxor.u32 @!p1 $0xFFFFFFFF, s10;
	s12 =	ssub.s32 @!p1 s12, s13  }
0x26: {  	s15 =	simm.s32 @!p1 $0x80;
	s14 =	sshll.u32 @!p1 s14, $0xC;
	s12 =	sshll.u32 @!p1 s12, $0x4  }
0x27: {  	s13 =	sand.u32 @!p1 $0x1000, s14;
	s14 =	simm.s32 @!p1 $0x20;
	s12 =	sadd.s32 @!p1 s3, s12  }
0x28: {  	[tilespmem:s13], [sflag:$0x1] =	stream.strided.gather @!p1 [hbm4b:s12+s14], $0x1000, s15, s14, $0x38;
	[tilespmem:$0x4040] =	vst v63  }
0x29: {  	p1 =	sge.u32 s31, s6  }
.Ltmp2:
0x2a: {  	_ = 	snop;
	(pc) =	sbr.rel @p1 .LBB1_5-.Ltmp2, $1  }
0x2b: {  	_ =	sdelay $0x3  }
0x2c: {  	s12 =	simm.s32 $0x1  }
0x2d: {  	_ =	swait.ge [sflag:s5], $0x1000;
	s12 =	simm.s32 @!p0 $0x0  }
0x2e: {  	[sflag:s5] =	ssyncset.done $0x0;
	s13 =	sshll.u32 s12, $0xC  }
0x2f: {  	[sflag:s5] =	ssyncadd.s32 $0xFFFFF000;
	s16 =	sor.u32 $0x10, s13  }
0x30: {  	s12 =	smul.u32 $0x4080, s12;
	v1 =	vld [tilespmem:s16+$0x0]  }
0x31: {  	s30 =	sand.u32 $0x1, s10;
	v0 =	vld [tilespmem:s16+$0xFFFFFFF0]  }
0x32: {  	s13 =	smul.u32 $0x4080, s30;
	s12 =	sshrl.u32 s12, $0x2  }
0x33: {  	s14 =	sor.u32 $0x2000, s12  }
0x34: {  	s31 =	sshrl.u32 s13, $0x2;
	s13 =	sadd.s32 $0x0, s14  }
0x35: {  	s15 =	simm.s32 $0x4;
	s16 =	sadd.s32 $0x20, s16;
	s12 =	sor.u32 $0x2000, s31;
	[tilespmem:s13+$0x810 ss:$0x81] =	vst.msk $0xffff, v1  }
.LBB1_3:
0x36: {  	v1 =	vld [tilespmem:s16+$0x0];
	p1 =	sne.s32 s15, $0x1FC;
	[tilespmem:s13+$0x0 ss:$0x81] =	vst.msk $0xffff, v0;
	s13 =	smov.u32 s15;
	s15 =	sadd.s32 $0x4, s15  }
.Ltmp3:
0x37: {  	v0 =	vld [tilespmem:s16+$0xFFFFFFF0];
	(pc) =	sbr.rel @p1 .LBB1_3-.Ltmp3, $4  }
0x38: {  	_ = 	snop  }
0x39: {  	s13 =	sshra.s32 s13, $0x2  }
0x3a: {  	s13 =	sadd.s32 s13, s14  }
0x3b: {  	s16 =	sadd.s32 $0x20, s16;
	[tilespmem:s13+$0x810 ss:$0x81] =	vst.msk $0xffff, v1  }
.Ltmp4:
0x3c: {  	_ = 	snop;
	(pc) =	sbr.rel .LBB1_4-.Ltmp4, $1  }
0x3d: {  	_ =	sdelay $0x3  }
.LBB1_6:
0x3e: {  	_ =	sfence.sel $0x180000  }
0x3f: {  	s2 =	simm.s32 $0x1;
	[bflag:$0x0] =	sbarrier.arrive $0xFFFF  }
0x40: {  	s31 =	simm.s32 $0x2;
	[sflag:s2] =	ssyncpa.u1 $0x1  }
0x41: {  	[sflag:s31] =	ssyncpa.u1 $0x1  }
0x42: {  	p0 =	sne.s32 s0, $0x0;
	_ =	strace $0x90000062  }
0x43: {  	s0 =	sadd.s32 @!p0 $0x100000, s1;
	[bflag:$0x2] =	sbarrier.arrive $0xFFFF  }
0x44: {  	[sflag:s0] =	ssyncadd.tile.s32 @!p0 $0x1;
	_ =	shalt  }
.Lfunc_end1:
_tile_overlayer_lowered:
.L_overlay_start_2:
0x45: {  	(tag) =	ssettag $0x2  }
0x46: {  	s0 =	rddreg [dreg:$0x0];
	s2 =	stileid.u32  }
0x47: {  	s1 =	rddreg [dreg:$0x1];
	p0 =	sne.s32 s2, $0x0  }
0x48: {  	s3 =	rddreg [dreg:$0x2];
	[bflag:$0x3] =	sbarrier.arrive $0xFFFF;
	s2 =	simm.s32 @!p0 $0x1C01  }
0x49: {  	[timem:s3], [sflag:s2] =	dma.local @!p0 [hbm:s0], s1  }
0x4a: {  	s0 =	simm.s32 @!p0 $0x1  }
0x4b: {  	_ =	swait.ge @!p0 [sflag:s0], s1  }
0x4c: {  	s1 =	ssub.s32 @!p0 $0x0, s1;
	[sflag:s0] =	ssyncset.done @!p0 $0x0  }
0x4d: {  	[sflag:s0] =	ssyncadd.s32 @!p0 s1  }
0x4e: {  	[bflag:$0x3] =	sbarrier.arrive $0xFFFF  }
0x4f: {  	_ =	shalt  }

// kernel: sparse-core-data-format-call.5.cloned.1.call-start
scs
called_computation.5_lowered:
.L_overlay_start_0:
0x0: {  	s1 =	sld [smem:$0x3FD9]  }
0x1: {  	s2 =	sld [smem:$0x3FFE];
	_ =	sdelay $0x1  }
0x2: {  	s3 =	srdreg.scid  }
0x3: {  	s0 =	sand.u32 $0x1, s3  }
0x4: {  	s17 =	sshll.u32 s0, $0xA;
	s1 =	sadd.s32 s2, s1  }
0x5: {  	s1 =	sadd.s32 s1, s17  }
0x6: {  	[smem:$0x3F4F] =	sst s1  }
0x7: {  	_ = 	snop  }
0x8: {  	(tm) =	ssettm $0x1  }
0x9: {  	s18 =	sld [smem:$0x3FFB];
	_ =	sdelay $0x3  }
0xa: {  	_ =	strace s18  }
0xb: {  	s1 =	sld [smem:$0x3FFC];
	_ =	sdelay $0x3  }
0xc: {  	_ =	strace s1  }
0xd: {  	s1 =	sld [smem:$0x3FFD];
	_ =	sdelay $0x3  }
0xe: {  	_ =	strace s1  }
0xf: {  	_ =	strace $0x8FFFFFFF  }
0x10: {  	s19 =	sld [smem:$0x3FDB];
	_ =	sdelay $0x1  }
0x11: {  	s20 =	simm.s32 $_scs_section_size  }
0x12: {  	s4 =	simm.s32 $_size__tile_overlayer_lowered;
	s5 =	simm.s32 $_tile_overlayer_lowered  }
0x13: {  	s23 =	simm.s32 $0x1BFF;
	s22 =	sshll.u32 s5, $0x1;
	s1 =	sadd.s32 s20, s19  }
0x14: {  	s6 =	simm.s32 $0x0;
	s21 =	sshll.u32 s4, $0x1;
	s4 =	sadd.s32 s22, s1  }
0x15: {  	[timem:s6], [sflag:s23] =	dma.local [hbm:s4], s21  }
0x16: {  	_ =	swait.ge [sflag:s23], s21  }
0x17: {  	s2 =	ssub.s32 $0x0, s21;
	[sflag:s23] =	ssyncset.done $0x0  }
0x18: {  	[sflag:s23] =	ssyncadd.s32 s2;
	_ =	sdelay $0x1  }
0x19: {  	s24 =	simm.s32 $0x1B8B  }
0x1a: {  	_ =	swait.ge [sflag:s24], $0x1  }
0x1b: {  	[sflag:s24] =	ssyncset.done $0x0  }
0x1c: {  	s26 =	simm.s32 $0x1B8E;
	s25 =	sld [smem:$0x3FFE];
	[sflag:s24] =	ssyncadd.s32 $0xFFFFFFFF  }
0x1d: {  	s27 =	simm.s32 $execute0_lowered;
	[smem:$0x3FD2] =	sst s26  }
0x1e: {  	s4 =	sshll.u32 s27, $0x1;
	_ =	strace $0x8000005E;
	[dreg:$0x1] =	wrdreg $0xFFFFFFFF  }
0x1f: {  	s28 =	simm.s32 $_size_execute0_lowered;
	s1 =	sadd.s32 s1, s4;
	[dreg:$0x0] =	wrdreg $0x0  }
0x20: {  	s4 =	sshll.u32 s28, $0x1;
	[dreg:$0x2] =	wrdreg s1  }
0x21: {  	[dreg:$0x3] =	wrdreg s4  }
0x22: {  	[dreg:$0x4] =	wrdreg $0xC0  }
0x23: {  	_ =	task [dreg:s6], $0x5FFFF  }
0x24: {  	[dreg:$0x1] =	wrdreg $0xFFFFFFFF  }
0x25: {  	[dreg:$0x0] =	wrdreg $0x60  }
0x26: {  	[dreg:$0x2] =	wrdreg s25  }
0x27: {  	[dreg:$0x3] =	wrdreg $0xA  }
0x28: {  	_ =	task.clear_ibuf [dreg:s6], $0x4FFFF;
	_ =	strace $0x9000005E  }
0x29: {  	s29 =	simm.s32 $0xA;
	_ =	strace $0x80000060  }
0x2a: {  	_ =	swait.ge [sflag:s29], $0x1  }
0x2b: {  	[sflag:s29] =	ssyncadd.s32 $0xFFFFFFFF  }
0x2c: {  	_ =	strace $0x90000060  }
0x2d: {  	_ =	sfence  }
0x2e: {  	s30 =	sld [smem:$0x0];
	_ =	sdelay $0x2  }
0x2f: {  	s31 =	sshll.u32 s3, $0xD;
	s3 =	sshrl.u32 s3, $0x2  }
0x30: {  	s2 =	sand.u32 $0x4000, s31;
	s1 =	sadd.s32 s3, s30  }
0x31: {  	s0 =	sor.u32 s2, s0;
	s1 =	sshll.u32 s1, $0x11  }
0x32: {  	s0 =	sor.u32 s1, s0  }
0x33: {  	s0 =	sadd.s32 $0x8F2B, s0  }
0x34: {  	[sflag:s0] =	ssyncadd.remote.s32 $0x1  }
0x35: {  	_ =	sfence.sel $0xFFFF  }
0x36: {  	[dreg:$0x0] =	wrdreg $0xFFFFFFFF;
	(pc) =	sbr.abs _section_cstart, $3  }
0x37: {  	[dreg:$0x1] =	wrdreg $0xFFFFFFFF  }
0x38: {  	_ =	task.clear_ibuf [dreg:s6], $0x2FFFF;
	_ =	strace $0x9FFFFFFF  }
0x39: {  	(tm) =	ssettm $0x7FFFFFFF  }
tec
execute0_lowered:
.L_overlay_start_1:
0x0: {  	(tag) =	ssettag $0x1  }
0x1: {  	s0 =	srdreg.scid  }
0x2: {  	s1 =	sshll.u32 s0, $0x4  }
0x3: {  	s4 =	rddreg [dreg:$0x0];
	s0 =	stileid.u32;
	s1 =	sand.u32 $0x10, s1  }
0x4: {  	s7 =	simm.s32 $0x1;
	s8 =	simm.s32 $0x2;
	s2 =	sor.u32 s0, s1  }
0x5: {  	s11 =	simm.s32 $0x0;
	s3 =	sadd.s32 $0x98DC00, s4;
	s2 =	sshll.u32 s2, $0x7  }
0x6: {  	s10 =	simm.s32 $0x0;
	s4 =	sadd.s32 $0x373400, s4;
	s6 =	ssub.s32 $0x186A00, s2  }
.Ltmp0:
0x7: {  	s1 =	rddreg [dreg:$0x1];
	s5 =	sand.u32 $0xF80, s6;
	(pc) =	sbr.rel .LBB1_1-.Ltmp0, $4  }
0x8: {  	_ =	strace $0x8000005F;
	s9 =	smov.u32 s2;
	p0 =	sne.s32 s5, $0x0  }
0x9: {  	s6 =	sshrl.u32 s6, $0xC;
	s5 =	simm.s32 $0x1;
	s7 =	simm.s32 @!p0 $0x0  }
0xa: {  	[sflag:s5] =	ssyncpa.u1 $0x0;
	p0 =	por $0x0, $0x0;
	s6 =	sadd.s32 s7, s6  }
0xb: {  	[sflag:s8] =	ssyncpa.u1 $0x0;
	s8 =	simm.s32 $0xC35000;
	s7 =	sadd.s32 $0x1, s6  }
.LBB1_4:
0xc: {  	s14 =	sshll.u32 s11, $0x3  }
0xd: {  	s14 =	sand.u32 $0xFFFFFC00, s14  }
0xe: {  	s15 =	sshrl.u32 s14, $0x9  }
0xf: {  	s15 =	smulhi.u32 $0xA7C5AD, s15;
	_ =	sdelay $0x1  }
0x10: {  	s15 =	sshrl.u32 s15, $0x3  }
0x11: {  	s28 =	sand.u32 $0x7F, s11;
	s16 =	smul.u32 $0x186A00, s15  }
0x12: {  	[tilespmem:s12+$0xFFFFFFFC ss:$0x81] =	vst.msk $0xffff, v0;
	s11 =	sor.u32 s28, s14  }
0x13: {  	[tilespmem:s12+$0xFFFFFFFD ss:$0x81] =	vst.msk $0xffff, v3;
	s29 =	sand.u32 $0xF, s15;
	s11 =	ssub.s32 s11, s16  }
0x14: {  	[tilespmem:s12+$0xFFFFFFFE ss:$0x81] =	vst.msk $0xffff, v1;
	s14 =	smul.u32 $0x30D40, s29;
	s30 =	sshrl.u32 s11, $0x3;
	s11 =	sand.u32 $0x7, s11  }
0x15: {  	[tilespmem:s12+$0xFFFFFFFF ss:$0x81] =	vst.msk $0xffff, v4;
	s15 =	sadd.s32 s4, s30;
	s11 =	sshll.u32 s11, $0x12  }
0x16: {  	[tilespmem:s12+$0xFFFFFFF9 ss:$0x81] =	vst.msk $0xffff, v2;
	s31 =	sadd.s32 s14, s15;
	s11 =	sor.u32 $0x400, s11  }
0x17: {  	[hbm4b:s31+s11] =	stream.strided.scatter [tilespmem:s13], [sflag:$0x2], $0x800, s8, s11, $0x20;
	[tilespmem:$0x2020] =	vst v63  }
.LBB1_5:
0x18: {  	s13 =	sadd.s32 $0x1000, s9  }
0x19: {  	p2 =	sgt.s32 s13, $0x1869FF  }
0x1a: {  	s13 =	smov.u32 @p2 s2;
	p2 =	sne.s32 s10, s7  }
.Ltmp1:
0x1b: {  	p1 =	slt.u32 s10, $0x2;
	(pc) =	sbr.rel @!p2 .LBB1_6-.Ltmp1, $4  }
0x1c: {  	s12 =	simm.s32 @!p1 $0x2  }
0x1d: {  	s14 =	sadd.s32 $0x1, s10;
	_ =	swait.ge @!p1 [sflag:s12], $0x800  }
0x1e: {  	s11 =	smov.u32 s9;
	p0 =	por !p0, !p0;
	[sflag:s12] =	ssyncset.done @!p1 $0x0  }
0x1f: {  	s10 =	smov.u32 s14;
	s9 =	smov.u32 s13;
	[sflag:s12] =	ssyncadd.s32 @!p1 $0xFFFFF800  }
.LBB1_1:
0x20: {  	p1 =	sge.u32 s10, s6  }
0x21: {  	s12 =	sand.u32 @!p1 $0x1FFFFFF, s9  }
0x22: {  	s13 =	smulhi.u32 @!p1 $0x14F8B59, s12;
	_ =	sdelay $0x1  }
0x23: {  	s13 =	sshrl.u32 @!p1 s13, $0xD  }
0x24: {  	s13 =	smul.u32 @!p1 $0x186A00, s13;
	_ =	sdelay $0x1  }
0x25: {  	s31 =	sadd.s32 $0xFFFFFFFF, s10;
	s14 =	sxor.u32 @!p1 $0xFFFFFFFF, s10;
	s12 =	ssub.s32 @!p1 s12, s13  }
0x26: {  	s15 =	simm.s32 @!p1 $0x80;
	s14 =	sshll.u32 @!p1 s14, $0xB;
	s12 =	sshll.u32 @!p1 s12, $0x4  }
0x27: {  	s13 =	sand.u32 @!p1 $0x800, s14;
	s14 =	simm.s32 @!p1 $0x10;
	s12 =	sadd.s32 @!p1 s3, s12  }
0x28: {  	[tilespmem:s13], [sflag:$0x1] =	stream.strided.gather @!p1 [hbm4b:s12+s14], $0x800, s15, s14, $0x38;
	[tilespmem:$0x2020] =	vst v63  }
0x29: {  	p1 =	sge.u32 s31, s6  }
.Ltmp2:
0x2a: {  	_ = 	snop;
	(pc) =	sbr.rel @p1 .LBB1_5-.Ltmp2, $1  }
0x2b: {  	_ =	sdelay $0x3  }
0x2c: {  	s12 =	simm.s32 $0x1  }
0x2d: {  	_ =	swait.ge [sflag:s5], $0x800;
	s12 =	simm.s32 @!p0 $0x0  }
0x2e: {  	[sflag:s5] =	ssyncset.done $0x0;
	s13 =	sshll.u32 s12, $0xB  }
0x2f: {  	[sflag:s5] =	ssyncadd.s32 $0xFFFFF800;
	s15 =	sor.u32 $0x40, s13  }
0x30: {  	v2 =	vld [tilespmem:s15+$0x30]  }
0x31: {  	s12 =	smul.u32 $0x2040, s12;
	v4 =	vld [tilespmem:s15+$0xFFFFFFD0]  }
0x32: {  	v5 =	vld [tilespmem:s15+$0xFFFFFFE0]  }
0x33: {  	s31 =	sand.u32 $0x1, s10;
	s12 =	sshrl.u32 s12, $0x2;
	v0 =	vld [tilespmem:s15+$0xFFFFFFF0]  }
0x34: {  	s13 =	smul.u32 $0x2040, s31;
	v3 =	vld [tilespmem:s15+$0x0];
	s12 =	sor.u32 $0x1007, s12  }
0x35: {  	v1 =	vld [tilespmem:s15+$0x10];
	[tilespmem:s12+$0x0 ss:$0x81] =	vst.msk $0xffff, v2  }
0x36: {  	s13 =	sshrl.u32 s13, $0x2;
	[tilespmem:s12+$0xFFFFFFFA ss:$0x81] =	vst.msk $0xffff, v4;
	v4 =	vld [tilespmem:s15+$0x20]  }
0x37: {  	s14 =	simm.s32 $0x0;
	s13 =	sor.u32 $0x1000, s13;
	v2 =	vld [tilespmem:s15+$0xFFFFFFC0];
	[tilespmem:s12+$0xFFFFFFFB ss:$0x81] =	vst.msk $0xffff, v5;
	s15 =	sadd.s32 $0x80, s15  }
.LBB1_3:
0x38: {  	v5 =	vld [tilespmem:s15+$0x30];
	s14 =	sadd.s32 $0x8, s14;
	[tilespmem:s12+$0xFFFFFFFC ss:$0x81] =	vst.msk $0xffff, v0  }
0x39: {  	v6 =	vld [tilespmem:s15+$0xFFFFFFD0];
	p1 =	slt.u32 s14, $0x78;
	[tilespmem:s12+$0xFFFFFFFD ss:$0x81] =	vst.msk $0xffff, v3  }
0x3a: {  	v7 =	vld [tilespmem:s15+$0xFFFFFFE0];
	[tilespmem:s12+$0xFFFFFFFE ss:$0x81] =	vst.msk $0xffff, v1  }
.Ltmp3:
0x3b: {  	v0 =	vld [tilespmem:s15+$0xFFFFFFF0];
	[tilespmem:s12+$0xFFFFFFFF ss:$0x81] =	vst.msk $0xffff, v4;
	(pc) =	sbr.rel @p1 .LBB1_3-.Ltmp3, $4  }
0x3c: {  	v3 =	vld [tilespmem:s15+$0x0];
	[tilespmem:s12+$0xFFFFFFF9 ss:$0x81] =	vst.msk $0xffff, v2;
	s12 =	sadd.s32 $0x8, s12  }
0x3d: {  	v1 =	vld [tilespmem:s15+$0x10];
	[tilespmem:s12+$0x0 ss:$0x81] =	vst.msk $0xffff, v5  }
0x3e: {  	[tilespmem:s12+$0xFFFFFFFA ss:$0x81] =	vst.msk $0xffff, v6;
	v4 =	vld [tilespmem:s15+$0x20]  }
0x3f: {  	v2 =	vld [tilespmem:s15+$0xFFFFFFC0];
	[tilespmem:s12+$0xFFFFFFFB ss:$0x81] =	vst.msk $0xffff, v7;
	s15 =	sadd.s32 $0x80, s15  }
.Ltmp4:
0x40: {  	_ = 	snop;
	(pc) =	sbr.rel .LBB1_4-.Ltmp4, $1  }
0x41: {  	_ =	sdelay $0x3  }
.LBB1_6:
0x42: {  	_ =	sfence.sel $0x180000  }
0x43: {  	s2 =	simm.s32 $0x1;
	[bflag:$0x0] =	sbarrier.arrive $0xFFFF  }
0x44: {  	s31 =	simm.s32 $0x2;
	[sflag:s2] =	ssyncpa.u1 $0x1  }
0x45: {  	[sflag:s31] =	ssyncpa.u1 $0x1  }
0x46: {  	p0 =	sne.s32 s0, $0x0;
	_ =	strace $0x9000005F  }
0x47: {  	s0 =	sadd.s32 @!p0 $0x100000, s1;
	[bflag:$0x2] =	sbarrier.arrive $0xFFFF  }
0x48: {  	[sflag:s0] =	ssyncadd.tile.s32 @!p0 $0x1;
	_ =	shalt  }
.Lfunc_end1:
_tile_overlayer_lowered:
.L_overlay_start_2:
0x49: {  	(tag) =	ssettag $0x2  }
0x4a: {  	s0 =	rddreg [dreg:$0x0];
	s2 =	stileid.u32  }
0x4b: {  	s1 =	rddreg [dreg:$0x1];
	p0 =	sne.s32 s2, $0x0  }
0x4c: {  	s3 =	rddreg [dreg:$0x2];
	[bflag:$0x3] =	sbarrier.arrive $0xFFFF;
	s2 =	simm.s32 @!p0 $0x1C01  }
0x4d: {  	[timem:s3], [sflag:s2] =	dma.local @!p0 [hbm:s0], s1  }
0x4e: {  	s0 =	simm.s32 @!p0 $0x1  }
0x4f: {  	_ =	swait.ge @!p0 [sflag:s0], s1  }
0x50: {  	s1 =	ssub.s32 @!p0 $0x0, s1;
	[sflag:s0] =	ssyncset.done @!p0 $0x0  }
0x51: {  	[sflag:s0] =	ssyncadd.s32 @!p0 s1  }
0x52: {  	[bflag:$0x3] =	sbarrier.arrive $0xFFFF  }
0x53: {  	_ =	shalt  }

// kernel: sparse-core-data-format-call.6.cloned.1.call-start
scs
called_computation.6_lowered:
.L_overlay_start_0:
0x0: {  	s1 =	sld [smem:$0x3FD9]  }
0x1: {  	s2 =	sld [smem:$0x3FFE];
	_ =	sdelay $0x1  }
0x2: {  	s3 =	srdreg.scid  }
0x3: {  	s0 =	sand.u32 $0x1, s3  }
0x4: {  	s17 =	sshll.u32 s0, $0xA;
	s1 =	sadd.s32 s2, s1  }
0x5: {  	s1 =	sadd.s32 s1, s17  }
0x6: {  	[smem:$0x3F4F] =	sst s1  }
0x7: {  	_ = 	snop  }
0x8: {  	(tm) =	ssettm $0x1  }
0x9: {  	s18 =	sld [smem:$0x3FFB];
	_ =	sdelay $0x3  }
0xa: {  	_ =	strace s18  }
0xb: {  	s1 =	sld [smem:$0x3FFC];
	_ =	sdelay $0x3  }
0xc: {  	_ =	strace s1  }
0xd: {  	s1 =	sld [smem:$0x3FFD];
	_ =	sdelay $0x3  }
0xe: {  	_ =	strace s1  }
0xf: {  	_ =	strace $0x8FFFFFFF  }
0x10: {  	s19 =	sld [smem:$0x3FDB];
	_ =	sdelay $0x1  }
0x11: {  	s20 =	simm.s32 $_scs_section_size  }
0x12: {  	s4 =	simm.s32 $_size__tile_overlayer_lowered;
	s5 =	simm.s32 $_tile_overlayer_lowered  }
0x13: {  	s23 =	simm.s32 $0x1BFF;
	s22 =	sshll.u32 s5, $0x1;
	s1 =	sadd.s32 s20, s19  }
0x14: {  	s6 =	simm.s32 $0x0;
	s21 =	sshll.u32 s4, $0x1;
	s4 =	sadd.s32 s22, s1  }
0x15: {  	[timem:s6], [sflag:s23] =	dma.local [hbm:s4], s21  }
0x16: {  	_ =	swait.ge [sflag:s23], s21  }
0x17: {  	s2 =	ssub.s32 $0x0, s21;
	[sflag:s23] =	ssyncset.done $0x0  }
0x18: {  	[sflag:s23] =	ssyncadd.s32 s2;
	_ =	sdelay $0x1  }
0x19: {  	s24 =	simm.s32 $0x1B8B  }
0x1a: {  	_ =	swait.ge [sflag:s24], $0x1  }
0x1b: {  	[sflag:s24] =	ssyncset.done $0x0  }
0x1c: {  	s26 =	simm.s32 $0x1B8E;
	s25 =	sld [smem:$0x3FFE];
	[sflag:s24] =	ssyncadd.s32 $0xFFFFFFFF  }
0x1d: {  	s27 =	simm.s32 $execute0_lowered;
	[smem:$0x3FD2] =	sst s26  }
0x1e: {  	s4 =	sshll.u32 s27, $0x1;
	_ =	strace $0x80000052;
	[dreg:$0x1] =	wrdreg $0xFFFFFFFF  }
0x1f: {  	s28 =	simm.s32 $_size_execute0_lowered;
	s1 =	sadd.s32 s1, s4;
	[dreg:$0x0] =	wrdreg $0x0  }
0x20: {  	s4 =	sshll.u32 s28, $0x1;
	[dreg:$0x2] =	wrdreg s1  }
0x21: {  	[dreg:$0x3] =	wrdreg s4  }
0x22: {  	[dreg:$0x4] =	wrdreg $0xC0  }
0x23: {  	_ =	task [dreg:s6], $0x5FFFF  }
0x24: {  	[dreg:$0x1] =	wrdreg $0xFFFFFFFF  }
0x25: {  	[dreg:$0x0] =	wrdreg $0x60  }
0x26: {  	[dreg:$0x2] =	wrdreg s25  }
0x27: {  	[dreg:$0x3] =	wrdreg $0xA  }
0x28: {  	_ =	task.clear_ibuf [dreg:s6], $0x4FFFF;
	_ =	strace $0x90000052  }
0x29: {  	s29 =	simm.s32 $0xA;
	_ =	strace $0x80000054  }
0x2a: {  	_ =	swait.ge [sflag:s29], $0x1  }
0x2b: {  	[sflag:s29] =	ssyncadd.s32 $0xFFFFFFFF  }
0x2c: {  	_ =	strace $0x90000054  }
0x2d: {  	_ =	sfence  }
0x2e: {  	s30 =	sld [smem:$0x0];
	_ =	sdelay $0x2  }
0x2f: {  	s31 =	sshll.u32 s3, $0xD;
	s3 =	sshrl.u32 s3, $0x2  }
0x30: {  	s2 =	sand.u32 $0x4000, s31;
	s1 =	sadd.s32 s3, s30  }
0x31: {  	s0 =	sor.u32 s2, s0;
	s1 =	sshll.u32 s1, $0x11  }
0x32: {  	s0 =	sor.u32 s1, s0  }
0x33: {  	s0 =	sadd.s32 $0x8F2B, s0  }
0x34: {  	[sflag:s0] =	ssyncadd.remote.s32 $0x1  }
0x35: {  	_ =	sfence.sel $0xFFFF  }
0x36: {  	[dreg:$0x0] =	wrdreg $0xFFFFFFFF;
	(pc) =	sbr.abs _section_cstart, $3  }
0x37: {  	[dreg:$0x1] =	wrdreg $0xFFFFFFFF  }
0x38: {  	_ =	task.clear_ibuf [dreg:s6], $0x2FFFF;
	_ =	strace $0x9FFFFFFF  }
0x39: {  	(tm) =	ssettm $0x7FFFFFFF  }
tec
execute0_lowered:
.L_overlay_start_1:
0x0: {  	(tag) =	ssettag $0x1  }
0x1: {  	s0 =	srdreg.scid  }
0x2: {  	s7 =	rddreg [dreg:$0x0];
	s1 =	stileid.u32;
	s5 =	simm.s32 $0x1  }
0x3: {  	s9 =	simm.s32 $0x2;
	s16 =	simm.s32 $0x0;
	s0 =	sshll.u32 s0, $0x4  }
0x4: {  	s14 =	simm.s32 $0x0;
	s15 =	simm.s32 $0x0;
	s2 =	sand.u32 $0x10, s0  }
0x5: {  	s11 =	simm.s32 $0x0;
	s12 =	simm.s32 $0x0;
	s2 =	sor.u32 s1, s2  }
0x6: {  	s3 =	sadd.s32 $0x206E000, s7;
	s4 =	sadd.s32 $0x2688800, s7;
	s2 =	sshll.u32 s2, $0x9  }
0x7: {  	s13 =	simm.s32 $0x0;
	s7 =	sadd.s32 $0x3EF2800, s7;
	s6 =	ssub.s32 $0x186A00, s2  }
.Ltmp0:
0x8: {  	s0 =	rddreg [dreg:$0x1];
	s8 =	sand.u32 $0x3E00, s6;
	(pc) =	sbr.rel .LBB1_1-.Ltmp0, $4  }
0x9: {  	_ =	strace $0x80000053;
	p0 =	sne.s32 s8, $0x0;
	s8 =	simm.s32 $0x1  }
0xa: {  	[sflag:s5] =	ssyncpa.u1 $0x0;
	s6 =	sshrl.u32 s6, $0xE;
	s8 =	simm.s32 @!p0 $0x0  }
0xb: {  	[sflag:s9] =	ssyncpa.u1 $0x0;
	s9 =	simm.s32 $0x80;
	s6 =	sadd.s32 s8, s6  }
0xc: {  	s10 =	smov.u32 s2;
	p0 =	por $0x0, $0x0;
	s8 =	sadd.s32 $0x1, s6  }
.LBB1_7:
0xd: {  	s17 =	sadd.s32 $0x4000, s10  }
0xe: {  	s14 =	sadd.s32 $0x10, s11;
	s18 =	smov.u32 s11;
	p2 =	sgt.s32 s17, $0x1869FF  }
0xf: {  	s18 =	smov.u32 @p2 s14  }
0x10: {  	s20 =	smov.u32 s12;
	s14 =	sadd.s32 $0x2, s12;
	p3 =	sgt.s32 s18, $0xF  }
0x11: {  	s20 =	smov.u32 @p3 s14  }
0x12: {  	s17 =	smov.u32 @p2 s2;
	p2 =	sgt.s32 s20, $0x1  }
0x13: {  	p1 =	slt.u32 s13, $0x2;
	s20 =	simm.s32 @p2 $0x0;
	p2 =	sne.s32 s13, s8  }
.Ltmp1:
0x14: {  	s19 =	simm.s32 @!p1 $0x2;
	(pc) =	sbr.rel @!p2 .LBB1_8-.Ltmp1, $4  }
0x15: {  	s16 =	smov.u32 s10;
	s15 =	smov.u32 s12;
	_ =	swait.ge @!p1 [sflag:s19], $0x4000  }
0x16: {  	p0 =	por !p0, !p0;
	[sflag:s19] =	ssyncset.done @!p1 $0x0;
	s10 =	smov.u32 s17  }
0x17: {  	s18 =	simm.s32 @p3 $0x0;
	s14 =	smov.u32 s11;
	[sflag:s19] =	ssyncadd.s32 @!p1 $0xFFFFC000  }
0x18: {  	s11 =	smov.u32 s18;
	s13 =	sadd.s32 $0x1, s13;
	s12 =	smov.u32 s20  }
.LBB1_1:
0x19: {  	p1 =	sge.u32 s13, s6  }
0x1a: {  	s17 =	sshrl.u32 @!p1 s11, $0x3  }
0x1b: {  	s18 =	sshll.u32 @!p1 s10, $0x3;
	s17 =	smul.u32 @!p1 $0xC35000, s17  }
0x1c: {  	s19 =	sshll.u32 @!p1 s11, $0x7;
	s18 =	sand.u32 @!p1 $0xFFFFFC00, s18  }
0x1d: {  	s17 =	sadd.s32 @!p1 s17, s18;
	s18 =	sand.u32 @!p1 $0x380, s19  }
0x1e: {  	s17 =	sor.u32 @!p1 s18, s17  }
0x1f: {  	s18 =	sshrl.u32 @!p1 s17, $0x9  }
0x20: {  	s18 =	smulhi.u32 @!p1 $0xA7C5AD, s18;
	_ =	sdelay $0x1  }
0x21: {  	s31 =	sadd.s32 $0xFFFFFFFF, s13;
	s18 =	sshrl.u32 @!p1 s18, $0x3  }
0x22: {  	s20 =	sand.u32 @!p1 $0x7F, s10;
	s19 =	sxor.u32 @!p1 $0xFFFFFFFF, s13;
	s21 =	smul.u32 @!p1 $0x186A00, s18  }
0x23: {  	s17 =	sor.u32 @!p1 s20, s17;
	s20 =	smul.u32 @!p1 $0x30D400, s12;
	s18 =	sand.u32 @!p1 $0xF, s18  }
0x24: {  	s19 =	sshll.u32 @!p1 s19, $0xE;
	s18 =	smul.u32 @!p1 $0x30D40, s18;
	s17 =	ssub.s32 @!p1 s17, s21  }
0x25: {  	s19 =	sand.u32 @!p1 $0x4000, s19;
	s20 =	sadd.s32 @!p1 s3, s20;
	s21 =	sand.u32 @!p1 $0x7, s17  }
0x26: {  	s17 =	sshrl.u32 @!p1 s17, $0x3;
	s18 =	sadd.s32 @!p1 s18, s20;
	s20 =	sshll.u32 @!p1 s21, $0x12  }
0x27: {  	s17 =	sadd.s32 @!p1 s17, s18;
	s18 =	sor.u32 @!p1 $0x1000, s20;
	s20 =	simm.s32 @!p1 $0xC35000  }
0x28: {  	[tilespmem:s19], [sflag:$0x1] =	stream.strided.gather @!p1 [hbm4b:s17+s18], $0x4000, s20, s18, $0x38;
	[tilespmem:$0x10800] =	vst v63  }
0x29: {  	p1 =	sge.u32 s31, s6  }
.Ltmp2:
0x2a: {  	_ = 	snop;
	(pc) =	sbr.rel @p1 .LBB1_7-.Ltmp2, $1  }
0x2b: {  	_ =	sdelay $0x3  }
0x2c: {  	s17 =	simm.s32 $0x1;
	s19 =	sand.u32 $0x1, s13  }
0x2d: {  	s17 =	simm.s32 @!p0 $0x0;
	s31 =	smul.u32 $0x11000, s19  }
0x2e: {  	_ =	swait.ge [sflag:s5], $0x4000;
	s21 =	simm.s32 $0x0;
	s18 =	smul.u32 $0x11000, s17  }
0x2f: {  	p2 =	por $0x1, $0x1;
	s22 =	simm.s32 $0x0;
	[sflag:s5] =	ssyncset.done $0x0  }
0x30: {  	s19 =	sshll.u32 s19, $0xE;
	s17 =	sshrl.u32 s31, $0x2;
	s20 =	sshrl.u32 s18, $0x2  }
0x31: {  	[sflag:s5] =	ssyncadd.s32 $0xFFFFC000;
	s18 =	sor.u32 $0x8000, s17;
	s20 =	sor.u32 $0x8000, s20  }
.LBB1_3:
0x32: {  	s23 =	sshll.u32 s22, $0xD  }
0x33: {  	s25 =	sand.u32 $0x1000, s21;
	s26 =	sand.u32 $0x380, s21;
	v1 =	vmov s23  }
0x34: {  	s24 =	sadd.s32 s23, s19;
	s23 =	sor.u32 s26, s25  }
0x35: {  	v0 =	vmov s24;
	s24 =	sand.u32 $0x1200, s23  }
0x36: {  	s25 =	sand.u32 $0x180, s21;
	s24 =	sadd.s32 s24, s19  }
0x37: {  	s25 =	sadd.s32 s25, s24  }
0x38: {  	v5 =	vld.idx.msk [tilespmem:v1+s25+$0xC00 ss:$0x1], $0xffff  }
0x39: {  	v6 =	vld.idx.msk [tilespmem:v1+s25+$0x0 ss:$0x1], $0xffff  }
0x3a: {  	v7 =	vld.idx.msk [tilespmem:v1+s25+$0x10 ss:$0x1], $0xffff  }
0x3b: {  	v8 =	vld.idx.msk [tilespmem:v1+s25+$0x20 ss:$0x1], $0xffff  }
0x3c: {  	s31 =	smul.u32 $0x8800, s22;
	v9 =	vld.idx.msk [tilespmem:v1+s25+$0x30 ss:$0x1], $0xffff  }
0x3d: {  	v10 =	vld.idx.msk [tilespmem:v1+s25+$0x40 ss:$0x1], $0xffff  }
0x3e: {  	s22 =	sshra.s32 s31, $0x2;
	v11 =	vld.idx.msk [tilespmem:v1+s25+$0x50 ss:$0x1], $0xffff  }
0x3f: {  	s22 =	sadd.s32 s22, s20;
	v2 =	vld.idx.msk [tilespmem:v0+s23+$0x410 ss:$0x1], $0xffff  }
0x40: {  	s24 =	sadd.s32 $0x0, s22;
	v3 =	vld.idx.msk [tilespmem:v0+s23+$0x420 ss:$0x1], $0xffff  }
0x41: {  	v4 =	vld.idx.msk [tilespmem:v0+s23+$0x430 ss:$0x1], $0xffff;
	[tilespmem:s24+$0x1980 ss:$0x11] =	vst.msk $0xffff, v5  }
0x42: {  	v12 =	vld.idx.msk [tilespmem:v0+s23+$0x810 ss:$0x1], $0xffff;
	[tilespmem:s24+$0x0 ss:$0x11] =	vst.msk $0xffff, v6  }
0x43: {  	v13 =	vld.idx.msk [tilespmem:v0+s23+$0x820 ss:$0x1], $0xffff;
	[tilespmem:s24+$0x110 ss:$0x11] =	vst.msk $0xffff, v7  }
0x44: {  	v14 =	vld.idx.msk [tilespmem:v0+s23+$0x830 ss:$0x1], $0xffff;
	[tilespmem:s24+$0x220 ss:$0x11] =	vst.msk $0xffff, v8  }
0x45: {  	v15 =	vld.idx.msk [tilespmem:v0+s23+$0x840 ss:$0x1], $0xffff;
	[tilespmem:s24+$0x330 ss:$0x11] =	vst.msk $0xffff, v9  }
0x46: {  	v5 =	vld.idx.msk [tilespmem:v1+s25+$0x60 ss:$0x1], $0xffff;
	[tilespmem:s24+$0x440 ss:$0x11] =	vst.msk $0xffff, v10  }
0x47: {  	v6 =	vld.idx.msk [tilespmem:v1+s25+$0x70 ss:$0x1], $0xffff;
	[tilespmem:s24+$0x550 ss:$0x11] =	vst.msk $0xffff, v11  }
0x48: {  	v7 =	vld.idx.msk [tilespmem:v1+s25+$0x400 ss:$0x1], $0xffff;
	[tilespmem:s24+$0x990 ss:$0x11] =	vst.msk $0xffff, v2  }
0x49: {  	v8 =	vld.idx.msk [tilespmem:v1+s25+$0x800 ss:$0x1], $0xffff;
	[tilespmem:s24+$0xAA0 ss:$0x11] =	vst.msk $0xffff, v3  }
0x4a: {  	v10 =	vld.idx.msk [tilespmem:v0+s23+$0x440 ss:$0x1], $0xffff;
	[tilespmem:s24+$0xBB0 ss:$0x11] =	vst.msk $0xffff, v4  }
0x4b: {  	v11 =	vld.idx.msk [tilespmem:v0+s23+$0x450 ss:$0x1], $0xffff;
	[tilespmem:s24+$0x1210 ss:$0x11] =	vst.msk $0xffff, v12  }
0x4c: {  	v9 =	vld.idx.msk [tilespmem:v0+s23+$0x850 ss:$0x1], $0xffff;
	[tilespmem:s24+$0x1320 ss:$0x11] =	vst.msk $0xffff, v13  }
0x4d: {  	v2 =	vld.idx.msk [tilespmem:v0+s23+$0xC20 ss:$0x1], $0xffff;
	[tilespmem:s24+$0x1430 ss:$0x11] =	vst.msk $0xffff, v14  }
0x4e: {  	v3 =	vld.idx.msk [tilespmem:v0+s23+$0xC30 ss:$0x1], $0xffff;
	[tilespmem:s24+$0x1540 ss:$0x11] =	vst.msk $0xffff, v15  }
0x4f: {  	v4 =	vld.idx.msk [tilespmem:v0+s23+$0xC40 ss:$0x1], $0xffff;
	[tilespmem:s24+$0x660 ss:$0x11] =	vst.msk $0xffff, v5  }
0x50: {  	v5 =	vld.idx.msk [tilespmem:v0+s23+$0x460 ss:$0x1], $0xffff;
	[tilespmem:s24+$0x770 ss:$0x11] =	vst.msk $0xffff, v6  }
0x51: {  	v6 =	vld.idx.msk [tilespmem:v0+s23+$0x470 ss:$0x1], $0xffff;
	[tilespmem:s24+$0x880 ss:$0x11] =	vst.msk $0xffff, v7  }
0x52: {  	[tilespmem:s24+$0x1100 ss:$0x11] =	vst.msk $0xffff, v8;
	v8 =	vld.idx.msk [tilespmem:v0+s23+$0x860 ss:$0x1], $0xffff  }
0x53: {  	[tilespmem:s24+$0xCC0 ss:$0x11] =	vst.msk $0xffff, v10;
	v7 =	vld.idx.msk [tilespmem:v0+s23+$0x870 ss:$0x1], $0xffff  }
0x54: {  	s27 =	simm.s32 $0x200;
	[tilespmem:s24+$0xDD0 ss:$0x11] =	vst.msk $0xffff, v11;
	v10 =	vld.idx.msk [tilespmem:v0+s23+$0xC60 ss:$0x1], $0xffff  }
0x55: {  	p1 =	por p2, p2;
	s28 =	simm.s32 $0x8;
	s26 =	simm.s32 $0x80;
	[tilespmem:s24+$0xEE0 ss:$0x11] =	vst.msk $0xffff, v5;
	v5 =	vld.idx.msk [tilespmem:v0+s23+$0xC10 ss:$0x1], $0xffff  }
0x56: {  	s29 =	sand.u32 $0x1000, s27;
	s30 =	sand.u32 $0x380, s26;
	s25 =	simm.s32 $0x4;
	[tilespmem:s24+$0xFF0 ss:$0x11] =	vst.msk $0xffff, v6;
	v6 =	vld.idx.msk [tilespmem:v0+s23+$0xC50 ss:$0x1], $0xffff  }
.LBB1_4:
0x57: {  	p2 =	sne.s32 s28, $0x3C;
	[tilespmem:s24+$0x1650 ss:$0x11] =	vst.msk $0xffff, v9;
	v9 =	vld.idx.msk [tilespmem:v0+s23+$0xC70 ss:$0x1], $0xffff;
	s23 =	sor.u32 s30, s29  }
0x58: {  	s29 =	sand.u32 $0x1200, s23;
	v11 =	vld.idx.msk [tilespmem:v0+s23+$0x410 ss:$0x1], $0xffff;
	[tilespmem:s24+$0x1760 ss:$0x11] =	vst.msk $0xffff, v8  }
0x59: {  	s30 =	sand.u32 $0x180, s26;
	s29 =	sadd.s32 s29, s19;
	v8 =	vld.idx.msk [tilespmem:v0+s23+$0x420 ss:$0x1], $0xffff;
	[tilespmem:s24+$0x1870 ss:$0x11] =	vst.msk $0xffff, v7  }
0x5a: {  	s29 =	sadd.s32 s30, s29;
	v7 =	vld.idx.msk [tilespmem:v0+s23+$0x430 ss:$0x1], $0xffff;
	[tilespmem:s24+$0x1A90 ss:$0x11] =	vst.msk $0xffff, v5  }
0x5b: {  	v5 =	vld.idx.msk [tilespmem:v1+s29+$0xC00 ss:$0x1], $0xffff;
	[tilespmem:s24+$0x1BA0 ss:$0x11] =	vst.msk $0xffff, v2  }
0x5c: {  	v2 =	vld.idx.msk [tilespmem:v1+s29+$0x0 ss:$0x1], $0xffff;
	[tilespmem:s24+$0x1CB0 ss:$0x11] =	vst.msk $0xffff, v3  }
0x5d: {  	v3 =	vld.idx.msk [tilespmem:v1+s29+$0x10 ss:$0x1], $0xffff;
	[tilespmem:s24+$0x1DC0 ss:$0x11] =	vst.msk $0xffff, v4  }
0x5e: {  	v4 =	vld.idx.msk [tilespmem:v1+s29+$0x20 ss:$0x1], $0xffff;
	[tilespmem:s24+$0x1ED0 ss:$0x11] =	vst.msk $0xffff, v6  }
0x5f: {  	s30 =	sshra.s32 s25, $0x2;
	s25 =	smov.u32 s28;
	v6 =	vld.idx.msk [tilespmem:v1+s29+$0x30 ss:$0x1], $0xffff;
	[tilespmem:s24+$0x1FE0 ss:$0x11] =	vst.msk $0xffff, v10  }
0x60: {  	v10 =	vld.idx.msk [tilespmem:v1+s29+$0x40 ss:$0x1], $0xffff;
	[tilespmem:s24+$0x20F0 ss:$0x11] =	vst.msk $0xffff, v9;
	s24 =	sadd.s32 s30, s22  }
0x61: {  	v9 =	vld.idx.msk [tilespmem:v1+s29+$0x50 ss:$0x1], $0xffff;
	[tilespmem:s24+$0x1980 ss:$0x11] =	vst.msk $0xffff, v5  }
0x62: {  	[tilespmem:s24+$0x0 ss:$0x11] =	vst.msk $0xffff, v2;
	v2 =	vld.idx.msk [tilespmem:v1+s29+$0x60 ss:$0x1], $0xffff  }
0x63: {  	[tilespmem:s24+$0x110 ss:$0x11] =	vst.msk $0xffff, v3;
	v3 =	vld.idx.msk [tilespmem:v1+s29+$0x70 ss:$0x1], $0xffff  }
0x64: {  	[tilespmem:s24+$0x220 ss:$0x11] =	vst.msk $0xffff, v4;
	v4 =	vld.idx.msk [tilespmem:v1+s29+$0x400 ss:$0x1], $0xffff  }
0x65: {  	[tilespmem:s24+$0x330 ss:$0x11] =	vst.msk $0xffff, v6;
	v5 =	vld.idx.msk [tilespmem:v1+s29+$0x800 ss:$0x1], $0xffff  }
0x66: {  	[tilespmem:s24+$0x440 ss:$0x11] =	vst.msk $0xffff, v10;
	v6 =	vld.idx.msk [tilespmem:v0+s23+$0x440 ss:$0x1], $0xffff  }
0x67: {  	[tilespmem:s24+$0x550 ss:$0x11] =	vst.msk $0xffff, v9;
	v10 =	vld.idx.msk [tilespmem:v0+s23+$0x450 ss:$0x1], $0xffff  }
0x68: {  	[tilespmem:s24+$0x660 ss:$0x11] =	vst.msk $0xffff, v2;
	v2 =	vld.idx.msk [tilespmem:v0+s23+$0x460 ss:$0x1], $0xffff  }
0x69: {  	[tilespmem:s24+$0x770 ss:$0x11] =	vst.msk $0xffff, v3;
	v3 =	vld.idx.msk [tilespmem:v0+s23+$0x470 ss:$0x1], $0xffff  }
0x6a: {  	[tilespmem:s24+$0x880 ss:$0x11] =	vst.msk $0xffff, v4;
	v4 =	vld.idx.msk [tilespmem:v0+s23+$0x810 ss:$0x1], $0xffff  }
0x6b: {  	[tilespmem:s24+$0x1100 ss:$0x11] =	vst.msk $0xffff, v5;
	v12 =	vld.idx.msk [tilespmem:v0+s23+$0x820 ss:$0x1], $0xffff  }
0x6c: {  	[tilespmem:s24+$0x990 ss:$0x11] =	vst.msk $0xffff, v11;
	v11 =	vld.idx.msk [tilespmem:v0+s23+$0x830 ss:$0x1], $0xffff  }
0x6d: {  	[tilespmem:s24+$0xAA0 ss:$0x11] =	vst.msk $0xffff, v8;
	v13 =	vld.idx.msk [tilespmem:v0+s23+$0x840 ss:$0x1], $0xffff  }
0x6e: {  	[tilespmem:s24+$0xBB0 ss:$0x11] =	vst.msk $0xffff, v7;
	v9 =	vld.idx.msk [tilespmem:v0+s23+$0x850 ss:$0x1], $0xffff  }
0x6f: {  	[tilespmem:s24+$0xCC0 ss:$0x11] =	vst.msk $0xffff, v6;
	v8 =	vld.idx.msk [tilespmem:v0+s23+$0x860 ss:$0x1], $0xffff  }
0x70: {  	[tilespmem:s24+$0xDD0 ss:$0x11] =	vst.msk $0xffff, v10;
	v7 =	vld.idx.msk [tilespmem:v0+s23+$0x870 ss:$0x1], $0xffff  }
0x71: {  	[tilespmem:s24+$0xEE0 ss:$0x11] =	vst.msk $0xffff, v2;
	v5 =	vld.idx.msk [tilespmem:v0+s23+$0xC10 ss:$0x1], $0xffff  }
.Ltmp3:
0x72: {  	[tilespmem:s24+$0xFF0 ss:$0x11] =	vst.msk $0xffff, v3;
	v2 =	vld.idx.msk [tilespmem:v0+s23+$0xC20 ss:$0x1], $0xffff;
	(pc) =	sbr.rel @p2 .LBB1_4-.Ltmp3, $4  }
0x73: {  	[tilespmem:s24+$0x1210 ss:$0x11] =	vst.msk $0xffff, v4;
	v3 =	vld.idx.msk [tilespmem:v0+s23+$0xC30 ss:$0x1], $0xffff  }
0x74: {  	[tilespmem:s24+$0x1320 ss:$0x11] =	vst.msk $0xffff, v12;
	v4 =	vld.idx.msk [tilespmem:v0+s23+$0xC40 ss:$0x1], $0xffff  }
0x75: {  	s26 =	sadd.s32 $0x80, s26;
	s27 =	sadd.s32 $0x200, s27;
	[tilespmem:s24+$0x1430 ss:$0x11] =	vst.msk $0xffff, v11;
	v6 =	vld.idx.msk [tilespmem:v0+s23+$0xC50 ss:$0x1], $0xffff  }
0x76: {  	s28 =	sadd.s32 $0x4, s28;
	s30 =	sand.u32 $0x380, s26;
	s29 =	sand.u32 $0x1000, s27;
	[tilespmem:s24+$0x1540 ss:$0x11] =	vst.msk $0xffff, v13;
	v10 =	vld.idx.msk [tilespmem:v0+s23+$0xC60 ss:$0x1], $0xffff  }
0x77: {  	[tilespmem:s24+$0x1650 ss:$0x11] =	vst.msk $0xffff, v9  }
0x78: {  	[tilespmem:s24+$0x1760 ss:$0x11] =	vst.msk $0xffff, v8  }
0x79: {  	[tilespmem:s24+$0x1870 ss:$0x11] =	vst.msk $0xffff, v7  }
0x7a: {  	[tilespmem:s24+$0x1A90 ss:$0x11] =	vst.msk $0xffff, v5  }
0x7b: {  	s27 =	sor.u32 s30, s29;
	v31 =	vld.idx.msk [tilespmem:v0+s23+$0xC70 ss:$0x1], $0xffff;
	[tilespmem:s24+$0x1BA0 ss:$0x11] =	vst.msk $0xffff, v2  }
0x7c: {  	[tilespmem:s24+$0x1CB0 ss:$0x11] =	vst.msk $0xffff, v3;
	v43 =	vld.idx.msk [tilespmem:v0+s27+$0x410 ss:$0x1], $0xffff  }
0x7d: {  	v44 =	vld.idx.msk [tilespmem:v0+s27+$0x420 ss:$0x1], $0xffff;
	[tilespmem:s24+$0x1DC0 ss:$0x11] =	vst.msk $0xffff, v4  }
0x7e: {  	v45 =	vld.idx.msk [tilespmem:v0+s27+$0x430 ss:$0x1], $0xffff;
	[tilespmem:s24+$0x1ED0 ss:$0x11] =	vst.msk $0xffff, v6  }
0x7f: {  	s25 =	sshra.s32 s25, $0x2;
	v46 =	vld.idx.msk [tilespmem:v0+s27+$0x440 ss:$0x1], $0xffff;
	[tilespmem:s24+$0x1FE0 ss:$0x11] =	vst.msk $0xffff, v10  }
0x80: {  	s22 =	sadd.s32 s25, s22;
	v47 =	vld.idx.msk [tilespmem:v0+s27+$0x450 ss:$0x1], $0xffff;
	[tilespmem:s24+$0x20F0 ss:$0x11] =	vst.msk $0xffff, v31  }
0x81: {  	v48 =	vld.idx.msk [tilespmem:v0+s27+$0x460 ss:$0x1], $0xffff;
	[tilespmem:s22+$0x990 ss:$0x11] =	vst.msk $0xffff, v43  }
0x82: {  	v49 =	vld.idx.msk [tilespmem:v0+s27+$0x470 ss:$0x1], $0xffff;
	[tilespmem:s22+$0xAA0 ss:$0x11] =	vst.msk $0xffff, v44  }
0x83: {  	v50 =	vld.idx.msk [tilespmem:v0+s27+$0x810 ss:$0x1], $0xffff;
	[tilespmem:s22+$0xBB0 ss:$0x11] =	vst.msk $0xffff, v45  }
0x84: {  	v51 =	vld.idx.msk [tilespmem:v0+s27+$0x820 ss:$0x1], $0xffff;
	[tilespmem:s22+$0xCC0 ss:$0x11] =	vst.msk $0xffff, v46  }
0x85: {  	v52 =	vld.idx.msk [tilespmem:v0+s27+$0x830 ss:$0x1], $0xffff;
	[tilespmem:s22+$0xDD0 ss:$0x11] =	vst.msk $0xffff, v47  }
0x86: {  	v53 =	vld.idx.msk [tilespmem:v0+s27+$0x840 ss:$0x1], $0xffff;
	[tilespmem:s22+$0xEE0 ss:$0x11] =	vst.msk $0xffff, v48  }
0x87: {  	v54 =	vld.idx.msk [tilespmem:v0+s27+$0x850 ss:$0x1], $0xffff;
	[tilespmem:s22+$0xFF0 ss:$0x11] =	vst.msk $0xffff, v49  }
0x88: {  	v55 =	vld.idx.msk [tilespmem:v0+s27+$0x860 ss:$0x1], $0xffff;
	[tilespmem:s22+$0x1210 ss:$0x11] =	vst.msk $0xffff, v50  }
0x89: {  	v56 =	vld.idx.msk [tilespmem:v0+s27+$0x870 ss:$0x1], $0xffff;
	[tilespmem:s22+$0x1320 ss:$0x11] =	vst.msk $0xffff, v51  }
0x8a: {  	v57 =	vld.idx.msk [tilespmem:v0+s27+$0xC10 ss:$0x1], $0xffff;
	[tilespmem:s22+$0x1430 ss:$0x11] =	vst.msk $0xffff, v52  }
0x8b: {  	v58 =	vld.idx.msk [tilespmem:v0+s27+$0xC20 ss:$0x1], $0xffff;
	[tilespmem:s22+$0x1540 ss:$0x11] =	vst.msk $0xffff, v53  }
0x8c: {  	v59 =	vld.idx.msk [tilespmem:v0+s27+$0xC30 ss:$0x1], $0xffff;
	[tilespmem:s22+$0x1650 ss:$0x11] =	vst.msk $0xffff, v54  }
0x8d: {  	v60 =	vld.idx.msk [tilespmem:v0+s27+$0xC40 ss:$0x1], $0xffff;
	[tilespmem:s22+$0x1760 ss:$0x11] =	vst.msk $0xffff, v55  }
0x8e: {  	s28 =	sand.u32 $0x1200, s27;
	v61 =	vld.idx.msk [tilespmem:v0+s27+$0xC50 ss:$0x1], $0xffff;
	[tilespmem:s22+$0x1870 ss:$0x11] =	vst.msk $0xffff, v56  }
0x8f: {  	s26 =	sand.u32 $0x180, s26;
	v62 =	vld.idx.msk [tilespmem:v0+s27+$0xC60 ss:$0x1], $0xffff;
	s28 =	sadd.s32 s28, s19;
	[tilespmem:s22+$0x1A90 ss:$0x11] =	vst.msk $0xffff, v57  }
0x90: {  	v63 =	vld.idx.msk [tilespmem:v0+s27+$0xC70 ss:$0x1], $0xffff;
	s31 =	sadd.s32 s26, s28;
	[tilespmem:s22+$0x1BA0 ss:$0x11] =	vst.msk $0xffff, v58  }
0x91: {  	v32 =	vld.idx.msk [tilespmem:v1+s31+$0xC00 ss:$0x1], $0xffff;
	[tilespmem:s22+$0x1CB0 ss:$0x11] =	vst.msk $0xffff, v59  }
0x92: {  	v33 =	vld.idx.msk [tilespmem:v1+s31+$0x0 ss:$0x1], $0xffff;
	[tilespmem:s22+$0x1DC0 ss:$0x11] =	vst.msk $0xffff, v60  }
0x93: {  	v34 =	vld.idx.msk [tilespmem:v1+s31+$0x10 ss:$0x1], $0xffff;
	[tilespmem:s22+$0x1ED0 ss:$0x11] =	vst.msk $0xffff, v61  }
0x94: {  	v35 =	vld.idx.msk [tilespmem:v1+s31+$0x20 ss:$0x1], $0xffff;
	[tilespmem:s22+$0x1FE0 ss:$0x11] =	vst.msk $0xffff, v62  }
0x95: {  	v36 =	vld.idx.msk [tilespmem:v1+s31+$0x30 ss:$0x1], $0xffff;
	[tilespmem:s22+$0x20F0 ss:$0x11] =	vst.msk $0xffff, v63  }
0x96: {  	v37 =	vld.idx.msk [tilespmem:v1+s31+$0x40 ss:$0x1], $0xffff;
	[tilespmem:s22+$0x1980 ss:$0x11] =	vst.msk $0xffff, v32  }
0x97: {  	v38 =	vld.idx.msk [tilespmem:v1+s31+$0x50 ss:$0x1], $0xffff;
	[tilespmem:s22+$0x0 ss:$0x11] =	vst.msk $0xffff, v33  }
0x98: {  	v39 =	vld.idx.msk [tilespmem:v1+s31+$0x60 ss:$0x1], $0xffff;
	[tilespmem:s22+$0x110 ss:$0x11] =	vst.msk $0xffff, v34  }
0x99: {  	v40 =	vld.idx.msk [tilespmem:v1+s31+$0x70 ss:$0x1], $0xffff;
	[tilespmem:s22+$0x220 ss:$0x11] =	vst.msk $0xffff, v35  }
0x9a: {  	v41 =	vld.idx.msk [tilespmem:v1+s31+$0x400 ss:$0x1], $0xffff;
	[tilespmem:s22+$0x330 ss:$0x11] =	vst.msk $0xffff, v36  }
0x9b: {  	v42 =	vld.idx.msk [tilespmem:v1+s31+$0x800 ss:$0x1], $0xffff;
	[tilespmem:s22+$0x440 ss:$0x11] =	vst.msk $0xffff, v37  }
.Ltmp4:
0x9c: {  	[tilespmem:s22+$0x550 ss:$0x11] =	vst.msk $0xffff, v38;
	(pc) =	sbr.rel @p1 .LBB1_3-.Ltmp4, $4  }
0x9d: {  	[tilespmem:s22+$0x660 ss:$0x11] =	vst.msk $0xffff, v39  }
0x9e: {  	[tilespmem:s22+$0x770 ss:$0x11] =	vst.msk $0xffff, v40  }
0x9f: {  	[tilespmem:s22+$0x880 ss:$0x11] =	vst.msk $0xffff, v41  }
0xa0: {  	p2 =	por $0x0, $0x0;
	[tilespmem:s22+$0x1100 ss:$0x11] =	vst.msk $0xffff, v42;
	s22 =	simm.s32 $0x1  }
0xa1: {  	s16 =	sshll.u32 s16, $0x7;
	s19 =	sshll.u32 s14, $0x3  }
0xa2: {  	s20 =	sand.u32 $0xFFFFFC00, s16;
	s19 =	sand.u32 $0xFFFFFC00, s19  }
0xa3: {  	s16 =	sand.u32 $0x380, s16;
	s19 =	sadd.s32 s19, s20  }
0xa4: {  	s16 =	sor.u32 s16, s19  }
0xa5: {  	s16 =	sshrl.u32 s16, $0x7  }
0xa6: {  	s28 =	smulhi.u32 $0x14F8B59, s16;
	_ =	sdelay $0x1  }
0xa7: {  	s19 =	sshrl.u32 s28, $0xD  }
0xa8: {  	s19 =	smul.u32 $0x186A00, s19;
	_ =	sdelay $0x1  }
0xa9: {  	s15 =	smul.u32 $0x186A000, s15;
	s16 =	ssub.s32 s16, s19  }
0xaa: {  	s29 =	sshrl.u32 s14, $0x3;
	s31 =	sand.u32 $0x7, s14;
	s16 =	sshll.u32 s16, $0x4  }
0xab: {  	s14 =	sshll.u32 s31, $0x12;
	s19 =	sand.u32 $0xF, s29;
	s30 =	sadd.s32 s15, s16  }
.Ltmp5:
0xac: {  	s15 =	sadd.s32 s15, s7;
	s20 =	sadd.s32 s4, s30;
	(pc) =	sbr.rel .LBB1_7-.Ltmp5, $4  }
0xad: {  	s14 =	sor.u32 $0x10, s14;
	s15 =	sadd.s32 s19, s15;
	s20 =	sadd.s32 s19, s20  }
0xae: {  	[hbm4b:s20+s14] =	stream.strided.scatter [tilespmem:s18], [sflag:$0x2], $0x2000, s9, s14, $0x8;
	[tilespmem:$0x10800] =	vst v63  }
0xaf: {  	s17 =	sadd.s32 $0xA200, s17;
	s15 =	sadd.s32 s16, s15  }
0xb0: {  	[hbm4b:s15+s14] =	stream.strided.scatter [tilespmem:s17], [sflag:$0x2], $0x2000, s9, s14, $0x8;
	[tilespmem:$0x10800] =	vst v63  }
.LBB1_8:
0xb1: {  	_ =	sfence.sel $0x180000  }
0xb2: {  	s2 =	simm.s32 $0x1;
	[bflag:$0x0] =	sbarrier.arrive $0xFFFF  }
0xb3: {  	s31 =	simm.s32 $0x2;
	[sflag:s2] =	ssyncpa.u1 $0x1  }
0xb4: {  	[sflag:s31] =	ssyncpa.u1 $0x1  }
0xb5: {  	p0 =	sne.s32 s1, $0x0;
	_ =	strace $0x90000053  }
0xb6: {  	s0 =	sadd.s32 @!p0 $0x100000, s0;
	[bflag:$0x2] =	sbarrier.arrive $0xFFFF  }
0xb7: {  	[sflag:s0] =	ssyncadd.tile.s32 @!p0 $0x1;
	_ =	shalt  }
.Lfunc_end1:
_tile_overlayer_lowered:
.L_overlay_start_2:
0xb8: {  	(tag) =	ssettag $0x2  }
0xb9: {  	s0 =	rddreg [dreg:$0x0];
	s2 =	stileid.u32  }
0xba: {  	s1 =	rddreg [dreg:$0x1];
	p0 =	sne.s32 s2, $0x0  }
0xbb: {  	s3 =	rddreg [dreg:$0x2];
	[bflag:$0x3] =	sbarrier.arrive $0xFFFF;
	s2 =	simm.s32 @!p0 $0x1C01  }
0xbc: {  	[timem:s3], [sflag:s2] =	dma.local @!p0 [hbm:s0], s1  }
0xbd: {  	s0 =	simm.s32 @!p0 $0x1  }
0xbe: {  	_ =	swait.ge @!p0 [sflag:s0], s1  }
0xbf: {  	s1 =	ssub.s32 @!p0 $0x0, s1;
	[sflag:s0] =	ssyncset.done @!p0 $0x0  }
0xc0: {  	[sflag:s0] =	ssyncadd.s32 @!p0 s1  }
0xc1: {  	[bflag:$0x3] =	sbarrier.arrive $0xFFFF  }
0xc2: {  	_ =	shalt  }

// kernel: sparse-core-data-format-call.7.cloned.1.call-start
scs
called_computation.7_lowered:
.L_overlay_start_0:
0x0: {  	s1 =	sld [smem:$0x3FD9]  }
0x1: {  	s2 =	sld [smem:$0x3FFE];
	_ =	sdelay $0x1  }
0x2: {  	s3 =	srdreg.scid  }
0x3: {  	s0 =	sand.u32 $0x1, s3  }
0x4: {  	s17 =	sshll.u32 s0, $0xA;
	s1 =	sadd.s32 s2, s1  }
0x5: {  	s1 =	sadd.s32 s1, s17  }
0x6: {  	[smem:$0x3F4F] =	sst s1  }
0x7: {  	_ = 	snop  }
0x8: {  	(tm) =	ssettm $0x1  }
0x9: {  	s18 =	sld [smem:$0x3FFB];
	_ =	sdelay $0x3  }
0xa: {  	_ =	strace s18  }
0xb: {  	s1 =	sld [smem:$0x3FFC];
	_ =	sdelay $0x3  }
0xc: {  	_ =	strace s1  }
0xd: {  	s1 =	sld [smem:$0x3FFD];
	_ =	sdelay $0x3  }
0xe: {  	_ =	strace s1  }
0xf: {  	_ =	strace $0x8FFFFFFF  }
0x10: {  	s19 =	sld [smem:$0x3FDB];
	_ =	sdelay $0x1  }
0x11: {  	s20 =	simm.s32 $_scs_section_size  }
0x12: {  	s4 =	simm.s32 $_size__tile_overlayer_lowered;
	s5 =	simm.s32 $_tile_overlayer_lowered  }
0x13: {  	s23 =	simm.s32 $0x1BFF;
	s22 =	sshll.u32 s5, $0x1;
	s1 =	sadd.s32 s20, s19  }
0x14: {  	s6 =	simm.s32 $0x0;
	s21 =	sshll.u32 s4, $0x1;
	s4 =	sadd.s32 s22, s1  }
0x15: {  	[timem:s6], [sflag:s23] =	dma.local [hbm:s4], s21  }
0x16: {  	_ =	swait.ge [sflag:s23], s21  }
0x17: {  	s2 =	ssub.s32 $0x0, s21;
	[sflag:s23] =	ssyncset.done $0x0  }
0x18: {  	[sflag:s23] =	ssyncadd.s32 s2;
	_ =	sdelay $0x1  }
0x19: {  	s24 =	simm.s32 $0x1B8B  }
0x1a: {  	_ =	swait.ge [sflag:s24], $0x1  }
0x1b: {  	[sflag:s24] =	ssyncset.done $0x0  }
0x1c: {  	s26 =	simm.s32 $0x1B8E;
	s25 =	sld [smem:$0x3FFE];
	[sflag:s24] =	ssyncadd.s32 $0xFFFFFFFF  }
0x1d: {  	s27 =	simm.s32 $execute0_lowered;
	[smem:$0x3FD2] =	sst s26  }
0x1e: {  	s4 =	sshll.u32 s27, $0x1;
	_ =	strace $0x8000004F;
	[dreg:$0x1] =	wrdreg $0xFFFFFFFF  }
0x1f: {  	s28 =	simm.s32 $_size_execute0_lowered;
	s1 =	sadd.s32 s1, s4;
	[dreg:$0x0] =	wrdreg $0x0  }
0x20: {  	s4 =	sshll.u32 s28, $0x1;
	[dreg:$0x2] =	wrdreg s1  }
0x21: {  	[dreg:$0x3] =	wrdreg s4  }
0x22: {  	[dreg:$0x4] =	wrdreg $0xC0  }
0x23: {  	_ =	task [dreg:s6], $0x5FFFF  }
0x24: {  	[dreg:$0x1] =	wrdreg $0xFFFFFFFF  }
0x25: {  	[dreg:$0x0] =	wrdreg $0x60  }
0x26: {  	[dreg:$0x2] =	wrdreg s25  }
0x27: {  	[dreg:$0x3] =	wrdreg $0x9  }
0x28: {  	_ =	task.clear_ibuf [dreg:s6], $0x4FFFF;
	_ =	strace $0x9000004F  }
0x29: {  	s29 =	simm.s32 $0x9;
	_ =	strace $0x80000051  }
0x2a: {  	_ =	swait.ge [sflag:s29], $0x1  }
0x2b: {  	[sflag:s29] =	ssyncadd.s32 $0xFFFFFFFF  }
0x2c: {  	_ =	strace $0x90000051  }
0x2d: {  	_ =	sfence  }
0x2e: {  	s30 =	sld [smem:$0x0];
	_ =	sdelay $0x2  }
0x2f: {  	s31 =	sshll.u32 s3, $0xD;
	s3 =	sshrl.u32 s3, $0x2  }
0x30: {  	s2 =	sand.u32 $0x4000, s31;
	s1 =	sadd.s32 s3, s30  }
0x31: {  	s0 =	sor.u32 s2, s0;
	s1 =	sshll.u32 s1, $0x11  }
0x32: {  	s0 =	sor.u32 s1, s0  }
0x33: {  	s0 =	sadd.s32 $0x8F2B, s0  }
0x34: {  	[sflag:s0] =	ssyncadd.remote.s32 $0x1  }
0x35: {  	_ =	sfence.sel $0xFFFF  }
0x36: {  	[dreg:$0x0] =	wrdreg $0xFFFFFFFF;
	(pc) =	sbr.abs _section_cstart, $3  }
0x37: {  	[dreg:$0x1] =	wrdreg $0xFFFFFFFF  }
0x38: {  	_ =	task.clear_ibuf [dreg:s6], $0x2FFFF;
	_ =	strace $0x9FFFFFFF  }
0x39: {  	(tm) =	ssettm $0x7FFFFFFF  }
tec
execute0_lowered:
.L_overlay_start_1:
0x0: {  	(tag) =	ssettag $0x1  }
0x1: {  	s0 =	srdreg.scid  }
0x2: {  	s1 =	sshll.u32 s0, $0x4  }
0x3: {  	s4 =	rddreg [dreg:$0x0];
	s0 =	stileid.u32;
	s1 =	sand.u32 $0x10, s1  }
0x4: {  	s7 =	simm.s32 $0x1;
	s8 =	simm.s32 $0x2;
	s1 =	sor.u32 s0, s1  }
0x5: {  	s11 =	simm.s32 $0x0;
	s3 =	sadd.s32 $0x804000, s4;
	s2 =	sshll.u32 s1, $0x7  }
0x6: {  	s10 =	simm.s32 $0x0;
	s4 =	sadd.s32 $0x4F6C00, s4;
	s6 =	ssub.s32 $0x186A00, s2  }
.Ltmp0:
0x7: {  	s1 =	rddreg [dreg:$0x1];
	s5 =	sand.u32 $0xF80, s6;
	(pc) =	sbr.rel .LBB1_1-.Ltmp0, $4  }
0x8: {  	_ =	strace $0x80000050;
	s9 =	smov.u32 s2;
	p0 =	sne.s32 s5, $0x0  }
0x9: {  	s6 =	sshrl.u32 s6, $0xC;
	s5 =	simm.s32 $0x1;
	s7 =	simm.s32 @!p0 $0x0  }
0xa: {  	[sflag:s5] =	ssyncpa.u1 $0x0;
	p0 =	por $0x0, $0x0;
	s6 =	sadd.s32 s7, s6  }
0xb: {  	[sflag:s8] =	ssyncpa.u1 $0x0;
	s8 =	simm.s32 $0xC35000;
	s7 =	sadd.s32 $0x1, s6  }
.LBB1_4:
0xc: {  	s14 =	sshll.u32 s11, $0x3  }
0xd: {  	s14 =	sand.u32 $0xFFFFFC00, s14  }
0xe: {  	s15 =	sshrl.u32 s14, $0x9  }
0xf: {  	s15 =	smulhi.u32 $0xA7C5AD, s15;
	_ =	sdelay $0x1  }
0x10: {  	s15 =	sshrl.u32 s15, $0x3  }
0x11: {  	s28 =	sand.u32 $0x7F, s11;
	s16 =	smul.u32 $0x186A00, s15  }
0x12: {  	[tilespmem:s12+$0xFFFFFFFC ss:$0x81] =	vst.msk $0xffff, v0;
	s11 =	sor.u32 s28, s14  }
0x13: {  	[tilespmem:s12+$0xFFFFFFFD ss:$0x81] =	vst.msk $0xffff, v3;
	s29 =	sand.u32 $0xF, s15;
	s11 =	ssub.s32 s11, s16  }
0x14: {  	[tilespmem:s12+$0xFFFFFFFE ss:$0x81] =	vst.msk $0xffff, v1;
	s14 =	smul.u32 $0x30D40, s29;
	s30 =	sshrl.u32 s11, $0x3;
	s11 =	sand.u32 $0x7, s11  }
0x15: {  	[tilespmem:s12+$0xFFFFFFFF ss:$0x81] =	vst.msk $0xffff, v4;
	s15 =	sadd.s32 s4, s30;
	s11 =	sshll.u32 s11, $0x12  }
0x16: {  	[tilespmem:s12+$0xFFFFFFF9 ss:$0x81] =	vst.msk $0xffff, v2;
	s31 =	sadd.s32 s14, s15;
	s11 =	sor.u32 $0x400, s11  }
0x17: {  	[hbm4b:s31+s11] =	stream.strided.scatter [tilespmem:s13], [sflag:$0x2], $0x800, s8, s11, $0x20;
	[tilespmem:$0x2020] =	vst v63  }
.LBB1_5:
0x18: {  	s13 =	sadd.s32 $0x1000, s9  }
0x19: {  	p2 =	sgt.s32 s13, $0x1869FF  }
0x1a: {  	s13 =	smov.u32 @p2 s2;
	p2 =	sne.s32 s10, s7  }
.Ltmp1:
0x1b: {  	p1 =	slt.u32 s10, $0x2;
	(pc) =	sbr.rel @!p2 .LBB1_6-.Ltmp1, $4  }
0x1c: {  	s12 =	simm.s32 @!p1 $0x2  }
0x1d: {  	s14 =	sadd.s32 $0x1, s10;
	_ =	swait.ge @!p1 [sflag:s12], $0x800  }
0x1e: {  	s11 =	smov.u32 s9;
	p0 =	por !p0, !p0;
	[sflag:s12] =	ssyncset.done @!p1 $0x0  }
0x1f: {  	s10 =	smov.u32 s14;
	s9 =	smov.u32 s13;
	[sflag:s12] =	ssyncadd.s32 @!p1 $0xFFFFF800  }
.LBB1_1:
0x20: {  	p1 =	sge.u32 s10, s6  }
0x21: {  	s12 =	sand.u32 @!p1 $0x1FFFFFF, s9  }
0x22: {  	s13 =	smulhi.u32 @!p1 $0x14F8B59, s12;
	_ =	sdelay $0x1  }
0x23: {  	s13 =	sshrl.u32 @!p1 s13, $0xD  }
0x24: {  	s13 =	smul.u32 @!p1 $0x186A00, s13;
	_ =	sdelay $0x1  }
0x25: {  	s31 =	sadd.s32 $0xFFFFFFFF, s10;
	s14 =	sxor.u32 @!p1 $0xFFFFFFFF, s10;
	s12 =	ssub.s32 @!p1 s12, s13  }
0x26: {  	s15 =	simm.s32 @!p1 $0x80;
	s14 =	sshll.u32 @!p1 s14, $0xB;
	s12 =	sshll.u32 @!p1 s12, $0x4  }
0x27: {  	s13 =	sand.u32 @!p1 $0x800, s14;
	s14 =	simm.s32 @!p1 $0x10;
	s12 =	sadd.s32 @!p1 s3, s12  }
0x28: {  	[tilespmem:s13], [sflag:$0x1] =	stream.strided.gather @!p1 [hbm4b:s12+s14], $0x800, s15, s14, $0x38;
	[tilespmem:$0x2020] =	vst v63  }
0x29: {  	p1 =	sge.u32 s31, s6  }
.Ltmp2:
0x2a: {  	_ = 	snop;
	(pc) =	sbr.rel @p1 .LBB1_5-.Ltmp2, $1  }
0x2b: {  	_ =	sdelay $0x3  }
0x2c: {  	s12 =	simm.s32 $0x1  }
0x2d: {  	_ =	swait.ge [sflag:s5], $0x800;
	s12 =	simm.s32 @!p0 $0x0  }
0x2e: {  	[sflag:s5] =	ssyncset.done $0x0;
	s13 =	sshll.u32 s12, $0xB  }
0x2f: {  	[sflag:s5] =	ssyncadd.s32 $0xFFFFF800;
	s15 =	sor.u32 $0x40, s13  }
0x30: {  	v2 =	vld [tilespmem:s15+$0x30]  }
0x31: {  	s12 =	smul.u32 $0x2040, s12;
	v4 =	vld [tilespmem:s15+$0xFFFFFFD0]  }
0x32: {  	v5 =	vld [tilespmem:s15+$0xFFFFFFE0]  }
0x33: {  	s31 =	sand.u32 $0x1, s10;
	s12 =	sshrl.u32 s12, $0x2;
	v0 =	vld [tilespmem:s15+$0xFFFFFFF0]  }
0x34: {  	s13 =	smul.u32 $0x2040, s31;
	v3 =	vld [tilespmem:s15+$0x0];
	s12 =	sor.u32 $0x1007, s12  }
0x35: {  	v1 =	vld [tilespmem:s15+$0x10];
	[tilespmem:s12+$0x0 ss:$0x81] =	vst.msk $0xffff, v2  }
0x36: {  	s13 =	sshrl.u32 s13, $0x2;
	[tilespmem:s12+$0xFFFFFFFA ss:$0x81] =	vst.msk $0xffff, v4;
	v4 =	vld [tilespmem:s15+$0x20]  }
0x37: {  	s14 =	simm.s32 $0x0;
	s13 =	sor.u32 $0x1000, s13;
	v2 =	vld [tilespmem:s15+$0xFFFFFFC0];
	[tilespmem:s12+$0xFFFFFFFB ss:$0x81] =	vst.msk $0xffff, v5;
	s15 =	sadd.s32 $0x80, s15  }
.LBB1_3:
0x38: {  	v5 =	vld [tilespmem:s15+$0x30];
	s14 =	sadd.s32 $0x8, s14;
	[tilespmem:s12+$0xFFFFFFFC ss:$0x81] =	vst.msk $0xffff, v0  }
0x39: {  	v6 =	vld [tilespmem:s15+$0xFFFFFFD0];
	p1 =	slt.u32 s14, $0x78;
	[tilespmem:s12+$0xFFFFFFFD ss:$0x81] =	vst.msk $0xffff, v3  }
0x3a: {  	v7 =	vld [tilespmem:s15+$0xFFFFFFE0];
	[tilespmem:s12+$0xFFFFFFFE ss:$0x81] =	vst.msk $0xffff, v1  }
.Ltmp3:
0x3b: {  	v0 =	vld [tilespmem:s15+$0xFFFFFFF0];
	[tilespmem:s12+$0xFFFFFFFF ss:$0x81] =	vst.msk $0xffff, v4;
	(pc) =	sbr.rel @p1 .LBB1_3-.Ltmp3, $4  }
0x3c: {  	v3 =	vld [tilespmem:s15+$0x0];
	[tilespmem:s12+$0xFFFFFFF9 ss:$0x81] =	vst.msk $0xffff, v2;
	s12 =	sadd.s32 $0x8, s12  }
0x3d: {  	v1 =	vld [tilespmem:s15+$0x10];
	[tilespmem:s12+$0x0 ss:$0x81] =	vst.msk $0xffff, v5  }
0x3e: {  	[tilespmem:s12+$0xFFFFFFFA ss:$0x81] =	vst.msk $0xffff, v6;
	v4 =	vld [tilespmem:s15+$0x20]  }
0x3f: {  	v2 =	vld [tilespmem:s15+$0xFFFFFFC0];
	[tilespmem:s12+$0xFFFFFFFB ss:$0x81] =	vst.msk $0xffff, v7;
	s15 =	sadd.s32 $0x80, s15  }
.Ltmp4:
0x40: {  	_ = 	snop;
	(pc) =	sbr.rel .LBB1_4-.Ltmp4, $1  }
0x41: {  	_ =	sdelay $0x3  }
.LBB1_6:
0x42: {  	_ =	sfence.sel $0x180000  }
0x43: {  	s2 =	simm.s32 $0x1;
	[bflag:$0x0] =	sbarrier.arrive $0xFFFF  }
0x44: {  	s31 =	simm.s32 $0x2;
	[sflag:s2] =	ssyncpa.u1 $0x1  }
0x45: {  	[sflag:s31] =	ssyncpa.u1 $0x1  }
0x46: {  	p0 =	sne.s32 s0, $0x0;
	_ =	strace $0x90000050  }
0x47: {  	s0 =	sadd.s32 @!p0 $0x100000, s1;
	[bflag:$0x2] =	sbarrier.arrive $0xFFFF  }
0x48: {  	[sflag:s0] =	ssyncadd.tile.s32 @!p0 $0x1;
	_ =	shalt  }
.Lfunc_end1:
_tile_overlayer_lowered:
.L_overlay_start_2:
0x49: {  	(tag) =	ssettag $0x2  }
0x4a: {  	s0 =	rddreg [dreg:$0x0];
	s2 =	stileid.u32  }
0x4b: {  	s1 =	rddreg [dreg:$0x1];
	p0 =	sne.s32 s2, $0x0  }
0x4c: {  	s3 =	rddreg [dreg:$0x2];
	[bflag:$0x3] =	sbarrier.arrive $0xFFFF;
	s2 =	simm.s32 @!p0 $0x1C01  }
0x4d: {  	[timem:s3], [sflag:s2] =	dma.local @!p0 [hbm:s0], s1  }
0x4e: {  	s0 =	simm.s32 @!p0 $0x1  }
0x4f: {  	_ =	swait.ge @!p0 [sflag:s0], s1  }
0x50: {  	s1 =	ssub.s32 @!p0 $0x0, s1;
	[sflag:s0] =	ssyncset.done @!p0 $0x0  }
0x51: {  	[sflag:s0] =	ssyncadd.s32 @!p0 s1  }
0x52: {  	[bflag:$0x3] =	sbarrier.arrive $0xFFFF  }
0x53: {  	_ =	shalt  }

// kernel: sparse-core-data-format-call.8.cloned.1.call-start
scs
called_computation.8_lowered:
.L_overlay_start_0:
0x0: {  	s1 =	sld [smem:$0x3FD9]  }
0x1: {  	s2 =	sld [smem:$0x3FFE];
	_ =	sdelay $0x1  }
0x2: {  	s3 =	srdreg.scid  }
0x3: {  	s0 =	sand.u32 $0x1, s3  }
0x4: {  	s17 =	sshll.u32 s0, $0xA;
	s1 =	sadd.s32 s2, s1  }
0x5: {  	s1 =	sadd.s32 s1, s17  }
0x6: {  	[smem:$0x3F4F] =	sst s1  }
0x7: {  	_ = 	snop  }
0x8: {  	(tm) =	ssettm $0x1  }
0x9: {  	s18 =	sld [smem:$0x3FFB];
	_ =	sdelay $0x3  }
0xa: {  	_ =	strace s18  }
0xb: {  	s1 =	sld [smem:$0x3FFC];
	_ =	sdelay $0x3  }
0xc: {  	_ =	strace s1  }
0xd: {  	s1 =	sld [smem:$0x3FFD];
	_ =	sdelay $0x3  }
0xe: {  	_ =	strace s1  }
0xf: {  	_ =	strace $0x8FFFFFFF  }
0x10: {  	s19 =	sld [smem:$0x3FDB];
	_ =	sdelay $0x1  }
0x11: {  	s20 =	simm.s32 $_scs_section_size  }
0x12: {  	s4 =	simm.s32 $_size__tile_overlayer_lowered;
	s5 =	simm.s32 $_tile_overlayer_lowered  }
0x13: {  	s23 =	simm.s32 $0x1BFF;
	s22 =	sshll.u32 s5, $0x1;
	s1 =	sadd.s32 s20, s19  }
0x14: {  	s6 =	simm.s32 $0x0;
	s21 =	sshll.u32 s4, $0x1;
	s4 =	sadd.s32 s22, s1  }
0x15: {  	[timem:s6], [sflag:s23] =	dma.local [hbm:s4], s21  }
0x16: {  	_ =	swait.ge [sflag:s23], s21  }
0x17: {  	s2 =	ssub.s32 $0x0, s21;
	[sflag:s23] =	ssyncset.done $0x0  }
0x18: {  	[sflag:s23] =	ssyncadd.s32 s2;
	_ =	sdelay $0x1  }
0x19: {  	s24 =	simm.s32 $0x1B8B  }
0x1a: {  	_ =	swait.ge [sflag:s24], $0x1  }
0x1b: {  	[sflag:s24] =	ssyncset.done $0x0  }
0x1c: {  	s26 =	simm.s32 $0x1B8E;
	s25 =	sld [smem:$0x3FFE];
	[sflag:s24] =	ssyncadd.s32 $0xFFFFFFFF  }
0x1d: {  	s27 =	simm.s32 $execute0_lowered;
	[smem:$0x3FD2] =	sst s26  }
0x1e: {  	s4 =	sshll.u32 s27, $0x1;
	_ =	strace $0x80000049;
	[dreg:$0x1] =	wrdreg $0xFFFFFFFF  }
0x1f: {  	s28 =	simm.s32 $_size_execute0_lowered;
	s1 =	sadd.s32 s1, s4;
	[dreg:$0x0] =	wrdreg $0x0  }
0x20: {  	s4 =	sshll.u32 s28, $0x1;
	[dreg:$0x2] =	wrdreg s1  }
0x21: {  	[dreg:$0x3] =	wrdreg s4  }
0x22: {  	[dreg:$0x4] =	wrdreg $0xC0  }
0x23: {  	_ =	task [dreg:s6], $0x5FFFF  }
0x24: {  	[dreg:$0x1] =	wrdreg $0xFFFFFFFF  }
0x25: {  	[dreg:$0x0] =	wrdreg $0x60  }
0x26: {  	[dreg:$0x2] =	wrdreg s25  }
0x27: {  	[dreg:$0x3] =	wrdreg $0x9  }
0x28: {  	_ =	task.clear_ibuf [dreg:s6], $0x4FFFF;
	_ =	strace $0x90000049  }
0x29: {  	s29 =	simm.s32 $0x9;
	_ =	strace $0x8000004B  }
0x2a: {  	_ =	swait.ge [sflag:s29], $0x1  }
0x2b: {  	[sflag:s29] =	ssyncadd.s32 $0xFFFFFFFF  }
0x2c: {  	_ =	strace $0x9000004B  }
0x2d: {  	_ =	sfence  }
0x2e: {  	s30 =	sld [smem:$0x0];
	_ =	sdelay $0x2  }
0x2f: {  	s31 =	sshll.u32 s3, $0xD;
	s3 =	sshrl.u32 s3, $0x2  }
0x30: {  	s2 =	sand.u32 $0x4000, s31;
	s1 =	sadd.s32 s3, s30  }
0x31: {  	s0 =	sor.u32 s2, s0;
	s1 =	sshll.u32 s1, $0x11  }
0x32: {  	s0 =	sor.u32 s1, s0  }
0x33: {  	s0 =	sadd.s32 $0x8F2B, s0  }
0x34: {  	[sflag:s0] =	ssyncadd.remote.s32 $0x1  }
0x35: {  	_ =	sfence.sel $0xFFFF  }
0x36: {  	[dreg:$0x0] =	wrdreg $0xFFFFFFFF;
	(pc) =	sbr.abs _section_cstart, $3  }
0x37: {  	[dreg:$0x1] =	wrdreg $0xFFFFFFFF  }
0x38: {  	_ =	task.clear_ibuf [dreg:s6], $0x2FFFF;
	_ =	strace $0x9FFFFFFF  }
0x39: {  	(tm) =	ssettm $0x7FFFFFFF  }
tec
execute0_lowered:
.L_overlay_start_1:
0x0: {  	(tag) =	ssettag $0x1  }
0x1: {  	s0 =	srdreg.scid  }
0x2: {  	s1 =	sshll.u32 s0, $0x4  }
0x3: {  	s4 =	rddreg [dreg:$0x0];
	s0 =	stileid.u32;
	s1 =	sand.u32 $0x10, s1  }
0x4: {  	s7 =	simm.s32 $0x1;
	s8 =	simm.s32 $0x2;
	s2 =	sor.u32 s0, s1  }
0x5: {  	s11 =	simm.s32 $0x0;
	s3 =	sadd.s32 $0xE1E800, s4;
	s2 =	sshll.u32 s2, $0x7  }
0x6: {  	s10 =	simm.s32 $0x0;
	s4 =	sadd.s32 $0x1E9800, s4;
	s6 =	ssub.s32 $0x186A00, s2  }
.Ltmp0:
0x7: {  	s1 =	rddreg [dreg:$0x1];
	s5 =	sand.u32 $0xF80, s6;
	(pc) =	sbr.rel .LBB1_1-.Ltmp0, $4  }
0x8: {  	_ =	strace $0x8000004A;
	s9 =	smov.u32 s2;
	p0 =	sne.s32 s5, $0x0  }
0x9: {  	s6 =	sshrl.u32 s6, $0xC;
	s5 =	simm.s32 $0x1;
	s7 =	simm.s32 @!p0 $0x0  }
0xa: {  	[sflag:s5] =	ssyncpa.u1 $0x0;
	p0 =	por $0x0, $0x0;
	s6 =	sadd.s32 s7, s6  }
0xb: {  	[sflag:s8] =	ssyncpa.u1 $0x0;
	s8 =	simm.s32 $0xC35000;
	s7 =	sadd.s32 $0x1, s6  }
.LBB1_4:
0xc: {  	s14 =	sshll.u32 s11, $0x3  }
0xd: {  	s14 =	sand.u32 $0xFFFFFC00, s14  }
0xe: {  	s15 =	sshrl.u32 s14, $0x9  }
0xf: {  	s15 =	smulhi.u32 $0xA7C5AD, s15;
	_ =	sdelay $0x1  }
0x10: {  	s15 =	sshrl.u32 s15, $0x3  }
0x11: {  	s28 =	sand.u32 $0x7F, s11;
	s16 =	smul.u32 $0x186A00, s15  }
0x12: {  	[tilespmem:s12+$0xFFFFFFFC ss:$0x81] =	vst.msk $0xffff, v0;
	s11 =	sor.u32 s28, s14  }
0x13: {  	[tilespmem:s12+$0xFFFFFFFD ss:$0x81] =	vst.msk $0xffff, v3;
	s29 =	sand.u32 $0xF, s15;
	s11 =	ssub.s32 s11, s16  }
0x14: {  	[tilespmem:s12+$0xFFFFFFFE ss:$0x81] =	vst.msk $0xffff, v1;
	s14 =	smul.u32 $0x30D40, s29;
	s30 =	sshrl.u32 s11, $0x3;
	s11 =	sand.u32 $0x7, s11  }
0x15: {  	[tilespmem:s12+$0xFFFFFFFF ss:$0x81] =	vst.msk $0xffff, v4;
	s15 =	sadd.s32 s4, s30;
	s11 =	sshll.u32 s11, $0x12  }
0x16: {  	[tilespmem:s12+$0xFFFFFFF9 ss:$0x81] =	vst.msk $0xffff, v2;
	s31 =	sadd.s32 s14, s15;
	s11 =	sor.u32 $0x400, s11  }
0x17: {  	[hbm4b:s31+s11] =	stream.strided.scatter [tilespmem:s13], [sflag:$0x2], $0x800, s8, s11, $0x20;
	[tilespmem:$0x2020] =	vst v63  }
.LBB1_5:
0x18: {  	s13 =	sadd.s32 $0x1000, s9  }
0x19: {  	p2 =	sgt.s32 s13, $0x1869FF  }
0x1a: {  	s13 =	smov.u32 @p2 s2;
	p2 =	sne.s32 s10, s7  }
.Ltmp1:
0x1b: {  	p1 =	slt.u32 s10, $0x2;
	(pc) =	sbr.rel @!p2 .LBB1_6-.Ltmp1, $4  }
0x1c: {  	s12 =	simm.s32 @!p1 $0x2  }
0x1d: {  	s14 =	sadd.s32 $0x1, s10;
	_ =	swait.ge @!p1 [sflag:s12], $0x800  }
0x1e: {  	s11 =	smov.u32 s9;
	p0 =	por !p0, !p0;
	[sflag:s12] =	ssyncset.done @!p1 $0x0  }
0x1f: {  	s10 =	smov.u32 s14;
	s9 =	smov.u32 s13;
	[sflag:s12] =	ssyncadd.s32 @!p1 $0xFFFFF800  }
.LBB1_1:
0x20: {  	p1 =	sge.u32 s10, s6  }
0x21: {  	s12 =	sand.u32 @!p1 $0x1FFFFFF, s9  }
0x22: {  	s13 =	smulhi.u32 @!p1 $0x14F8B59, s12;
	_ =	sdelay $0x1  }
0x23: {  	s13 =	sshrl.u32 @!p1 s13, $0xD  }
0x24: {  	s13 =	smul.u32 @!p1 $0x186A00, s13;
	_ =	sdelay $0x1  }
0x25: {  	s31 =	sadd.s32 $0xFFFFFFFF, s10;
	s14 =	sxor.u32 @!p1 $0xFFFFFFFF, s10;
	s12 =	ssub.s32 @!p1 s12, s13  }
0x26: {  	s15 =	simm.s32 @!p1 $0x80;
	s14 =	sshll.u32 @!p1 s14, $0xB;
	s12 =	sshll.u32 @!p1 s12, $0x4  }
0x27: {  	s13 =	sand.u32 @!p1 $0x800, s14;
	s14 =	simm.s32 @!p1 $0x10;
	s12 =	sadd.s32 @!p1 s3, s12  }
0x28: {  	[tilespmem:s13], [sflag:$0x1] =	stream.strided.gather @!p1 [hbm4b:s12+s14], $0x800, s15, s14, $0x38;
	[tilespmem:$0x2020] =	vst v63  }
0x29: {  	p1 =	sge.u32 s31, s6  }
.Ltmp2:
0x2a: {  	_ = 	snop;
	(pc) =	sbr.rel @p1 .LBB1_5-.Ltmp2, $1  }
0x2b: {  	_ =	sdelay $0x3  }
0x2c: {  	s12 =	simm.s32 $0x1  }
0x2d: {  	_ =	swait.ge [sflag:s5], $0x800;
	s12 =	simm.s32 @!p0 $0x0  }
0x2e: {  	[sflag:s5] =	ssyncset.done $0x0;
	s13 =	sshll.u32 s12, $0xB  }
0x2f: {  	[sflag:s5] =	ssyncadd.s32 $0xFFFFF800;
	s15 =	sor.u32 $0x40, s13  }
0x30: {  	v2 =	vld [tilespmem:s15+$0x30]  }
0x31: {  	s12 =	smul.u32 $0x2040, s12;
	v4 =	vld [tilespmem:s15+$0xFFFFFFD0]  }
0x32: {  	v5 =	vld [tilespmem:s15+$0xFFFFFFE0]  }
0x33: {  	s31 =	sand.u32 $0x1, s10;
	s12 =	sshrl.u32 s12, $0x2;
	v0 =	vld [tilespmem:s15+$0xFFFFFFF0]  }
0x34: {  	s13 =	smul.u32 $0x2040, s31;
	v3 =	vld [tilespmem:s15+$0x0];
	s12 =	sor.u32 $0x1007, s12  }
0x35: {  	v1 =	vld [tilespmem:s15+$0x10];
	[tilespmem:s12+$0x0 ss:$0x81] =	vst.msk $0xffff, v2  }
0x36: {  	s13 =	sshrl.u32 s13, $0x2;
	[tilespmem:s12+$0xFFFFFFFA ss:$0x81] =	vst.msk $0xffff, v4;
	v4 =	vld [tilespmem:s15+$0x20]  }
0x37: {  	s14 =	simm.s32 $0x0;
	s13 =	sor.u32 $0x1000, s13;
	v2 =	vld [tilespmem:s15+$0xFFFFFFC0];
	[tilespmem:s12+$0xFFFFFFFB ss:$0x81] =	vst.msk $0xffff, v5;
	s15 =	sadd.s32 $0x80, s15  }
.LBB1_3:
0x38: {  	v5 =	vld [tilespmem:s15+$0x30];
	s14 =	sadd.s32 $0x8, s14;
	[tilespmem:s12+$0xFFFFFFFC ss:$0x81] =	vst.msk $0xffff, v0  }
0x39: {  	v6 =	vld [tilespmem:s15+$0xFFFFFFD0];
	p1 =	slt.u32 s14, $0x78;
	[tilespmem:s12+$0xFFFFFFFD ss:$0x81] =	vst.msk $0xffff, v3  }
0x3a: {  	v7 =	vld [tilespmem:s15+$0xFFFFFFE0];
	[tilespmem:s12+$0xFFFFFFFE ss:$0x81] =	vst.msk $0xffff, v1  }
.Ltmp3:
0x3b: {  	v0 =	vld [tilespmem:s15+$0xFFFFFFF0];
	[tilespmem:s12+$0xFFFFFFFF ss:$0x81] =	vst.msk $0xffff, v4;
	(pc) =	sbr.rel @p1 .LBB1_3-.Ltmp3, $4  }
0x3c: {  	v3 =	vld [tilespmem:s15+$0x0];
	[tilespmem:s12+$0xFFFFFFF9 ss:$0x81] =	vst.msk $0xffff, v2;
	s12 =	sadd.s32 $0x8, s12  }
0x3d: {  	v1 =	vld [tilespmem:s15+$0x10];
	[tilespmem:s12+$0x0 ss:$0x81] =	vst.msk $0xffff, v5  }
0x3e: {  	[tilespmem:s12+$0xFFFFFFFA ss:$0x81] =	vst.msk $0xffff, v6;
	v4 =	vld [tilespmem:s15+$0x20]  }
0x3f: {  	v2 =	vld [tilespmem:s15+$0xFFFFFFC0];
	[tilespmem:s12+$0xFFFFFFFB ss:$0x81] =	vst.msk $0xffff, v7;
	s15 =	sadd.s32 $0x80, s15  }
.Ltmp4:
0x40: {  	_ = 	snop;
	(pc) =	sbr.rel .LBB1_4-.Ltmp4, $1  }
0x41: {  	_ =	sdelay $0x3  }
.LBB1_6:
0x42: {  	_ =	sfence.sel $0x180000  }
0x43: {  	s2 =	simm.s32 $0x1;
	[bflag:$0x0] =	sbarrier.arrive $0xFFFF  }
0x44: {  	s31 =	simm.s32 $0x2;
	[sflag:s2] =	ssyncpa.u1 $0x1  }
0x45: {  	[sflag:s31] =	ssyncpa.u1 $0x1  }
0x46: {  	p0 =	sne.s32 s0, $0x0;
	_ =	strace $0x9000004A  }
0x47: {  	s0 =	sadd.s32 @!p0 $0x100000, s1;
	[bflag:$0x2] =	sbarrier.arrive $0xFFFF  }
0x48: {  	[sflag:s0] =	ssyncadd.tile.s32 @!p0 $0x1;
	_ =	shalt  }
.Lfunc_end1:
_tile_overlayer_lowered:
.L_overlay_start_2:
0x49: {  	(tag) =	ssettag $0x2  }
0x4a: {  	s0 =	rddreg [dreg:$0x0];
	s2 =	stileid.u32  }
0x4b: {  	s1 =	rddreg [dreg:$0x1];
	p0 =	sne.s32 s2, $0x0  }
0x4c: {  	s3 =	rddreg [dreg:$0x2];
	[bflag:$0x3] =	sbarrier.arrive $0xFFFF;
	s2 =	simm.s32 @!p0 $0x1C01  }
0x4d: {  	[timem:s3], [sflag:s2] =	dma.local @!p0 [hbm:s0], s1  }
0x4e: {  	s0 =	simm.s32 @!p0 $0x1  }
0x4f: {  	_ =	swait.ge @!p0 [sflag:s0], s1  }
0x50: {  	s1 =	ssub.s32 @!p0 $0x0, s1;
	[sflag:s0] =	ssyncset.done @!p0 $0x0  }
0x51: {  	[sflag:s0] =	ssyncadd.s32 @!p0 s1  }
0x52: {  	[bflag:$0x3] =	sbarrier.arrive $0xFFFF  }
0x53: {  	_ =	shalt  }

// kernel: sparse-core-data-format-call.9.cloned.1.call-start
scs
called_computation.9_lowered:
.L_overlay_start_0:
0x0: {  	s2 =	sld [smem:$0x3FD9]  }
0x1: {  	s3 =	sld [smem:$0x3FFE];
	_ =	sdelay $0x1  }
0x2: {  	s1 =	srdreg.scid  }
0x3: {  	s0 =	sand.u32 $0x1, s1  }
0x4: {  	s18 =	sshll.u32 s0, $0xA;
	s2 =	sadd.s32 s3, s2  }
0x5: {  	s2 =	sadd.s32 s2, s18  }
0x6: {  	[smem:$0x3F4F] =	sst s2  }
0x7: {  	_ = 	snop  }
0x8: {  	(tm) =	ssettm $0x1  }
0x9: {  	s19 =	sld [smem:$0x3FFB];
	_ =	sdelay $0x3  }
0xa: {  	_ =	strace s19  }
0xb: {  	s2 =	sld [smem:$0x3FFC];
	_ =	sdelay $0x3  }
0xc: {  	_ =	strace s2  }
0xd: {  	s2 =	sld [smem:$0x3FFD];
	_ =	sdelay $0x3  }
0xe: {  	_ =	strace s2  }
0xf: {  	_ =	strace $0x8FFFFFFF  }
0x10: {  	s20 =	sld [smem:$0x3FDB];
	_ =	sdelay $0x1  }
0x11: {  	s21 =	simm.s32 $_scs_section_size  }
0x12: {  	s4 =	simm.s32 $_size__tile_overlayer_lowered;
	s5 =	simm.s32 $_tile_overlayer_lowered  }
0x13: {  	s6 =	simm.s32 $0x1BFF;
	s22 =	sshll.u32 s5, $0x1;
	s3 =	sadd.s32 s21, s20  }
0x14: {  	s23 =	simm.s32 $0x0;
	s4 =	sshll.u32 s4, $0x1;
	s5 =	sadd.s32 s22, s3  }
0x15: {  	[timem:s23], [sflag:s6] =	dma.local [hbm:s5], s4  }
0x16: {  	_ =	swait.ge [sflag:s6], s4  }
0x17: {  	s4 =	ssub.s32 $0x0, s4;
	[sflag:s6] =	ssyncset.done $0x0  }
0x18: {  	[sflag:s6] =	ssyncadd.s32 s4;
	_ =	sdelay $0x1  }
0x19: {  	s24 =	simm.s32 $0x1B8B  }
0x1a: {  	_ =	swait.ge [sflag:s24], $0x1  }
0x1b: {  	[sflag:s24] =	ssyncset.done $0x0  }
0x1c: {  	[sflag:s24] =	ssyncadd.s32 $0xFFFFFFFF  }
0x1d: {  	s4 =	sld [smem:$0x0]  }
0x1e: {  	s5 =	sand.u32 $0xFFFFFFFE, s1  }
0x1f: {  	p0 =	sne.s32 s1, s5  }
0x20: {  	s5 =	sshll.u32 @p0 s5, $0xE  }
0x21: {  	s5 =	sadd.s32 @p0 $0x11B8D, s5;
	s6 =	sshll.u32 @p0 s4, $0x11  }
0x22: {  	s5 =	sor.u32 @p0 s6, s5  }
0x23: {  	[sflag:s5] =	ssyncadd.remote.s32 @p0 $0x1;
	_ =	sdelay $0x1  }
0x24: {  	s5 =	simm.s32 @p0 $0x1B8D  }
0x25: {  	_ =	swait.eq @p0 [sflag:s5], $0x1  }
0x26: {  	[sflag:s5] =	ssyncadd.s32 @p0 $0xFFFFFFFF  }
0x27: {  	s6 =	sshll.u32 @!p0 s1, $0xE  }
0x28: {  	s6 =	sor.u32 @!p0 $0x4000, s6;
	s5 =	simm.s32 @!p0 $0x1B8D  }
0x29: {  	s4 =	sshll.u32 @!p0 s4, $0x11;
	s6 =	sadd.s32 @!p0 $0x11B8D, s6;
	_ =	swait.eq @!p0 [sflag:s5], $0x1  }
0x2a: {  	s4 =	sor.u32 @!p0 s4, s6;
	[sflag:s5] =	ssyncadd.s32 @!p0 $0xFFFFFFFF  }
0x2b: {  	s26 =	simm.s32 $0x1B8E;
	s25 =	sld [smem:$0x3FFE];
	[sflag:s4] =	ssyncadd.remote.s32 @!p0 $0x1  }
0x2c: {  	s27 =	simm.s32 $execute0_lowered;
	[smem:$0x3FD2] =	sst s26  }
0x2d: {  	s5 =	sshll.u32 s27, $0x1;
	_ =	strace $0x8000004C;
	[dreg:$0x1] =	wrdreg $0xFFFFFFFF  }
0x2e: {  	s28 =	simm.s32 $_size_execute0_lowered;
	s3 =	sadd.s32 s3, s5;
	[dreg:$0x0] =	wrdreg $0x0  }
0x2f: {  	s5 =	sshll.u32 s28, $0x1;
	[dreg:$0x2] =	wrdreg s3  }
0x30: {  	[dreg:$0x3] =	wrdreg s5  }
0x31: {  	[dreg:$0x4] =	wrdreg $0xC0  }
0x32: {  	_ =	task [dreg:s23], $0x5FFFF  }
0x33: {  	[dreg:$0x1] =	wrdreg $0xFFFFFFFF  }
0x34: {  	[dreg:$0x0] =	wrdreg $0x60  }
0x35: {  	[dreg:$0x2] =	wrdreg s25  }
0x36: {  	[dreg:$0x3] =	wrdreg $0xA  }
0x37: {  	_ =	task.clear_ibuf [dreg:s23], $0x4FFFF;
	_ =	strace $0x9000004C  }
0x38: {  	s29 =	simm.s32 $0xA;
	_ =	strace $0x8000004E  }
0x39: {  	_ =	swait.ge [sflag:s29], $0x1  }
0x3a: {  	[sflag:s29] =	ssyncadd.s32 $0xFFFFFFFF  }
0x3b: {  	_ =	strace $0x9000004E  }
0x3c: {  	_ =	sfence  }
0x3d: {  	s30 =	sld [smem:$0x0];
	_ =	sdelay $0x2  }
0x3e: {  	s31 =	sshll.u32 s1, $0xD;
	s1 =	sshrl.u32 s1, $0x2  }
0x3f: {  	s4 =	sand.u32 $0x4000, s31;
	s1 =	sadd.s32 s1, s30  }
0x40: {  	s0 =	sor.u32 s4, s0;
	s1 =	sshll.u32 s1, $0x11  }
0x41: {  	s0 =	sor.u32 s1, s0  }
0x42: {  	s0 =	sadd.s32 $0x8F2B, s0  }
0x43: {  	[sflag:s0] =	ssyncadd.remote.s32 $0x1  }
0x44: {  	_ =	sfence.sel $0xFFFF  }
0x45: {  	[dreg:$0x0] =	wrdreg $0xFFFFFFFF;
	(pc) =	sbr.abs _section_cstart, $3  }
0x46: {  	[dreg:$0x1] =	wrdreg $0xFFFFFFFF  }
0x47: {  	_ =	task.clear_ibuf [dreg:s23], $0x2FFFF;
	_ =	strace $0x9FFFFFFF  }
0x48: {  	(tm) =	ssettm $0x7FFFFFFF  }
0x49: {  	_ =	shalt  }
tec
execute0_lowered:
.L_overlay_start_1:
0x0: {  	(tag) =	ssettag $0x1  }
0x1: {  	s0 =	srdreg.scid  }
0x2: {  	s1 =	sshll.u32 s0, $0x4  }
0x3: {  	s4 =	rddreg [dreg:$0x0];
	s0 =	stileid.u32;
	s1 =	sand.u32 $0x10, s1  }
0x4: {  	s7 =	simm.s32 $0x1;
	s8 =	simm.s32 $0x2;
	s2 =	sor.u32 s0, s1  }
0x5: {  	s11 =	simm.s32 $0x0;
	s3 =	sadd.s32 $0x2688800, s4;
	s2 =	sshll.u32 s2, $0x7  }
0x6: {  	s10 =	simm.s32 $0x0;
	s4 =	sadd.s32 $0x4F6C00, s4;
	s6 =	ssub.s32 $0x186A00, s2  }
.Ltmp0:
0x7: {  	s1 =	rddreg [dreg:$0x1];
	s5 =	sand.u32 $0xF80, s6;
	(pc) =	sbr.rel .LBB1_1-.Ltmp0, $4  }
0x8: {  	_ =	strace $0x8000004D;
	s9 =	smov.u32 s2;
	p0 =	sne.s32 s5, $0x0  }
0x9: {  	s6 =	sshrl.u32 s6, $0xC;
	s5 =	simm.s32 $0x1;
	s7 =	simm.s32 @!p0 $0x0  }
0xa: {  	[sflag:s5] =	ssyncpa.u1 $0x0;
	p0 =	por $0x0, $0x0;
	s6 =	sadd.s32 s7, s6  }
0xb: {  	[sflag:s8] =	ssyncpa.u1 $0x0;
	s8 =	simm.s32 $0xC35000;
	s7 =	sadd.s32 $0x1, s6  }
.LBB1_4:
0xc: {  	s14 =	sshll.u32 s11, $0x3  }
0xd: {  	s14 =	sand.u32 $0xFFFFFC00, s14  }
0xe: {  	s15 =	sshrl.u32 s14, $0x9  }
0xf: {  	s15 =	smulhi.u32 $0xA7C5AD, s15;
	_ =	sdelay $0x1  }
0x10: {  	s15 =	sshrl.u32 s15, $0x3  }
0x11: {  	s28 =	sand.u32 $0x7F, s11;
	s16 =	smul.u32 $0x186A00, s15  }
0x12: {  	[tilespmem:s12+$0xFFFFFFFC ss:$0x81] =	vst.msk $0xffff, v0;
	s11 =	sor.u32 s28, s14  }
0x13: {  	[tilespmem:s12+$0xFFFFFFFD ss:$0x81] =	vst.msk $0xffff, v3;
	s29 =	sand.u32 $0xF, s15;
	s11 =	ssub.s32 s11, s16  }
0x14: {  	[tilespmem:s12+$0xFFFFFFFE ss:$0x81] =	vst.msk $0xffff, v1;
	s14 =	smul.u32 $0x30D40, s29;
	s30 =	sshrl.u32 s11, $0x3;
	s11 =	sand.u32 $0x7, s11  }
0x15: {  	[tilespmem:s12+$0xFFFFFFFF ss:$0x81] =	vst.msk $0xffff, v4;
	s15 =	sadd.s32 s4, s30;
	s11 =	sshll.u32 s11, $0x12  }
0x16: {  	[tilespmem:s12+$0xFFFFFFF9 ss:$0x81] =	vst.msk $0xffff, v2;
	s31 =	sadd.s32 s14, s15;
	s11 =	sor.u32 $0x400, s11  }
0x17: {  	[hbm4b:s31+s11] =	stream.strided.scatter [tilespmem:s13], [sflag:$0x2], $0x800, s8, s11, $0x20;
	[tilespmem:$0x2020] =	vst v63  }
.LBB1_5:
0x18: {  	s13 =	sadd.s32 $0x1000, s9  }
0x19: {  	p2 =	sgt.s32 s13, $0x1869FF  }
0x1a: {  	s13 =	smov.u32 @p2 s2;
	p2 =	sne.s32 s10, s7  }
.Ltmp1:
0x1b: {  	p1 =	slt.u32 s10, $0x2;
	(pc) =	sbr.rel @!p2 .LBB1_6-.Ltmp1, $4  }
0x1c: {  	s12 =	simm.s32 @!p1 $0x2  }
0x1d: {  	s14 =	sadd.s32 $0x1, s10;
	_ =	swait.ge @!p1 [sflag:s12], $0x800  }
0x1e: {  	s11 =	smov.u32 s9;
	p0 =	por !p0, !p0;
	[sflag:s12] =	ssyncset.done @!p1 $0x0  }
0x1f: {  	s10 =	smov.u32 s14;
	s9 =	smov.u32 s13;
	[sflag:s12] =	ssyncadd.s32 @!p1 $0xFFFFF800  }
.LBB1_1:
0x20: {  	p1 =	sge.u32 s10, s6  }
0x21: {  	s12 =	sand.u32 @!p1 $0x1FFFFFF, s9  }
0x22: {  	s13 =	smulhi.u32 @!p1 $0x14F8B59, s12;
	_ =	sdelay $0x1  }
0x23: {  	s13 =	sshrl.u32 @!p1 s13, $0xD  }
0x24: {  	s13 =	smul.u32 @!p1 $0x186A00, s13;
	_ =	sdelay $0x1  }
0x25: {  	s31 =	sadd.s32 $0xFFFFFFFF, s10;
	s14 =	sxor.u32 @!p1 $0xFFFFFFFF, s10;
	s12 =	ssub.s32 @!p1 s12, s13  }
0x26: {  	s15 =	simm.s32 @!p1 $0x80;
	s14 =	sshll.u32 @!p1 s14, $0xB;
	s12 =	sshll.u32 @!p1 s12, $0x4  }
0x27: {  	s13 =	sand.u32 @!p1 $0x800, s14;
	s14 =	simm.s32 @!p1 $0x10;
	s12 =	sadd.s32 @!p1 s3, s12  }
0x28: {  	[tilespmem:s13], [sflag:$0x1] =	stream.strided.gather @!p1 [hbm4b:s12+s14], $0x800, s15, s14, $0x38;
	[tilespmem:$0x2020] =	vst v63  }
0x29: {  	p1 =	sge.u32 s31, s6  }
.Ltmp2:
0x2a: {  	_ = 	snop;
	(pc) =	sbr.rel @p1 .LBB1_5-.Ltmp2, $1  }
0x2b: {  	_ =	sdelay $0x3  }
0x2c: {  	s12 =	simm.s32 $0x1  }
0x2d: {  	_ =	swait.ge [sflag:s5], $0x800;
	s12 =	simm.s32 @!p0 $0x0  }
0x2e: {  	[sflag:s5] =	ssyncset.done $0x0;
	s13 =	sshll.u32 s12, $0xB  }
0x2f: {  	[sflag:s5] =	ssyncadd.s32 $0xFFFFF800;
	s15 =	sor.u32 $0x40, s13  }
0x30: {  	v2 =	vld [tilespmem:s15+$0x30]  }
0x31: {  	s12 =	smul.u32 $0x2040, s12;
	v4 =	vld [tilespmem:s15+$0xFFFFFFD0]  }
0x32: {  	v5 =	vld [tilespmem:s15+$0xFFFFFFE0]  }
0x33: {  	s31 =	sand.u32 $0x1, s10;
	s12 =	sshrl.u32 s12, $0x2;
	v0 =	vld [tilespmem:s15+$0xFFFFFFF0]  }
0x34: {  	s13 =	smul.u32 $0x2040, s31;
	v3 =	vld [tilespmem:s15+$0x0];
	s12 =	sor.u32 $0x1007, s12  }
0x35: {  	v1 =	vld [tilespmem:s15+$0x10];
	[tilespmem:s12+$0x0 ss:$0x81] =	vst.msk $0xffff, v2  }
0x36: {  	s13 =	sshrl.u32 s13, $0x2;
	[tilespmem:s12+$0xFFFFFFFA ss:$0x81] =	vst.msk $0xffff, v4;
	v4 =	vld [tilespmem:s15+$0x20]  }
0x37: {  	s14 =	simm.s32 $0x0;
	s13 =	sor.u32 $0x1000, s13;
	v2 =	vld [tilespmem:s15+$0xFFFFFFC0];
	[tilespmem:s12+$0xFFFFFFFB ss:$0x81] =	vst.msk $0xffff, v5;
	s15 =	sadd.s32 $0x80, s15  }
.LBB1_3:
0x38: {  	v5 =	vld [tilespmem:s15+$0x30];
	s14 =	sadd.s32 $0x8, s14;
	[tilespmem:s12+$0xFFFFFFFC ss:$0x81] =	vst.msk $0xffff, v0  }
0x39: {  	v6 =	vld [tilespmem:s15+$0xFFFFFFD0];
	p1 =	slt.u32 s14, $0x78;
	[tilespmem:s12+$0xFFFFFFFD ss:$0x81] =	vst.msk $0xffff, v3  }
0x3a: {  	v7 =	vld [tilespmem:s15+$0xFFFFFFE0];
	[tilespmem:s12+$0xFFFFFFFE ss:$0x81] =	vst.msk $0xffff, v1  }
.Ltmp3:
0x3b: {  	v0 =	vld [tilespmem:s15+$0xFFFFFFF0];
	[tilespmem:s12+$0xFFFFFFFF ss:$0x81] =	vst.msk $0xffff, v4;
	(pc) =	sbr.rel @p1 .LBB1_3-.Ltmp3, $4  }
0x3c: {  	v3 =	vld [tilespmem:s15+$0x0];
	[tilespmem:s12+$0xFFFFFFF9 ss:$0x81] =	vst.msk $0xffff, v2;
	s12 =	sadd.s32 $0x8, s12  }
0x3d: {  	v1 =	vld [tilespmem:s15+$0x10];
	[tilespmem:s12+$0x0 ss:$0x81] =	vst.msk $0xffff, v5  }
0x3e: {  	[tilespmem:s12+$0xFFFFFFFA ss:$0x81] =	vst.msk $0xffff, v6;
	v4 =	vld [tilespmem:s15+$0x20]  }
0x3f: {  	v2 =	vld [tilespmem:s15+$0xFFFFFFC0];
	[tilespmem:s12+$0xFFFFFFFB ss:$0x81] =	vst.msk $0xffff, v7;
	s15 =	sadd.s32 $0x80, s15  }
.Ltmp4:
0x40: {  	_ = 	snop;
	(pc) =	sbr.rel .LBB1_4-.Ltmp4, $1  }
0x41: {  	_ =	sdelay $0x3  }
.LBB1_6:
0x42: {  	_ =	sfence.sel $0x180000  }
0x43: {  	s2 =	simm.s32 $0x1;
	[bflag:$0x0] =	sbarrier.arrive $0xFFFF  }
0x44: {  	s31 =	simm.s32 $0x2;
	[sflag:s2] =	ssyncpa.u1 $0x1  }
0x45: {  	[sflag:s31] =	ssyncpa.u1 $0x1  }
0x46: {  	p0 =	sne.s32 s0, $0x0;
	_ =	strace $0x9000004D  }
0x47: {  	s0 =	sadd.s32 @!p0 $0x100000, s1;
	[bflag:$0x2] =	sbarrier.arrive $0xFFFF  }
0x48: {  	[sflag:s0] =	ssyncadd.tile.s32 @!p0 $0x1;
	_ =	shalt  }
.Lfunc_end1:
_tile_overlayer_lowered:
.L_overlay_start_2:
0x49: {  	(tag) =	ssettag $0x2  }
0x4a: {  	s0 =	rddreg [dreg:$0x0];
	s2 =	stileid.u32  }
0x4b: {  	s1 =	rddreg [dreg:$0x1];
	p0 =	sne.s32 s2, $0x0  }
0x4c: {  	s3 =	rddreg [dreg:$0x2];
	[bflag:$0x3] =	sbarrier.arrive $0xFFFF;
	s2 =	simm.s32 @!p0 $0x1C01  }
0x4d: {  	[timem:s3], [sflag:s2] =	dma.local @!p0 [hbm:s0], s1  }
0x4e: {  	s0 =	simm.s32 @!p0 $0x1  }
0x4f: {  	_ =	swait.ge @!p0 [sflag:s0], s1  }
0x50: {  	s1 =	ssub.s32 @!p0 $0x0, s1;
	[sflag:s0] =	ssyncset.done @!p0 $0x0  }
0x51: {  	[sflag:s0] =	ssyncadd.s32 @!p0 s1  }
0x52: {  	[bflag:$0x3] =	sbarrier.arrive $0xFFFF  }
0x53: {  	_ =	shalt  }

// kernel: sparse-core-data-format-call.cloned.1.call-start
scs
called_computation_lowered:
.L_overlay_start_0:
0x0: {  	s1 =	sld [smem:$0x3FD9]  }
0x1: {  	s2 =	sld [smem:$0x3FFE];
	_ =	sdelay $0x1  }
0x2: {  	s3 =	srdreg.scid  }
0x3: {  	s0 =	sand.u32 $0x1, s3  }
0x4: {  	s17 =	sshll.u32 s0, $0xA;
	s1 =	sadd.s32 s2, s1  }
0x5: {  	s1 =	sadd.s32 s1, s17  }
0x6: {  	[smem:$0x3F4F] =	sst s1  }
0x7: {  	_ = 	snop  }
0x8: {  	(tm) =	ssettm $0x1  }
0x9: {  	s18 =	sld [smem:$0x3FFB];
	_ =	sdelay $0x3  }
0xa: {  	_ =	strace s18  }
0xb: {  	s1 =	sld [smem:$0x3FFC];
	_ =	sdelay $0x3  }
0xc: {  	_ =	strace s1  }
0xd: {  	s1 =	sld [smem:$0x3FFD];
	_ =	sdelay $0x3  }
0xe: {  	_ =	strace s1  }
0xf: {  	_ =	strace $0x8FFFFFFF  }
0x10: {  	s19 =	sld [smem:$0x3FDB];
	_ =	sdelay $0x1  }
0x11: {  	s20 =	simm.s32 $_scs_section_size  }
0x12: {  	s4 =	simm.s32 $_size__tile_overlayer_lowered;
	s5 =	simm.s32 $_tile_overlayer_lowered  }
0x13: {  	s23 =	simm.s32 $0x1BFF;
	s22 =	sshll.u32 s5, $0x1;
	s1 =	sadd.s32 s20, s19  }
0x14: {  	s6 =	simm.s32 $0x0;
	s21 =	sshll.u32 s4, $0x1;
	s4 =	sadd.s32 s22, s1  }
0x15: {  	[timem:s6], [sflag:s23] =	dma.local [hbm:s4], s21  }
0x16: {  	_ =	swait.ge [sflag:s23], s21  }
0x17: {  	s2 =	ssub.s32 $0x0, s21;
	[sflag:s23] =	ssyncset.done $0x0  }
0x18: {  	[sflag:s23] =	ssyncadd.s32 s2;
	_ =	sdelay $0x1  }
0x19: {  	s24 =	simm.s32 $0x1B8B  }
0x1a: {  	_ =	swait.ge [sflag:s24], $0x1  }
0x1b: {  	[sflag:s24] =	ssyncset.done $0x0  }
0x1c: {  	s26 =	simm.s32 $0x1B8E;
	s25 =	sld [smem:$0x3FFE];
	[sflag:s24] =	ssyncadd.s32 $0xFFFFFFFF  }
0x1d: {  	s27 =	simm.s32 $execute0_lowered;
	[smem:$0x3FD2] =	sst s26  }
0x1e: {  	s4 =	sshll.u32 s27, $0x1;
	_ =	strace $0x80000073;
	[dreg:$0x1] =	wrdreg $0xFFFFFFFF  }
0x1f: {  	s28 =	simm.s32 $_size_execute0_lowered;
	s1 =	sadd.s32 s1, s4;
	[dreg:$0x0] =	wrdreg $0x0  }
0x20: {  	s4 =	sshll.u32 s28, $0x1;
	[dreg:$0x2] =	wrdreg s1  }
0x21: {  	[dreg:$0x3] =	wrdreg s4  }
0x22: {  	[dreg:$0x4] =	wrdreg $0xC0  }
0x23: {  	_ =	task [dreg:s6], $0x5FFFF  }
0x24: {  	[dreg:$0x1] =	wrdreg $0xFFFFFFFF  }
0x25: {  	[dreg:$0x0] =	wrdreg $0x60  }
0x26: {  	[dreg:$0x2] =	wrdreg s25  }
0x27: {  	[dreg:$0x3] =	wrdreg $0x9  }
0x28: {  	_ =	task.clear_ibuf [dreg:s6], $0x4FFFF;
	_ =	strace $0x90000073  }
0x29: {  	s29 =	simm.s32 $0x9;
	_ =	strace $0x80000075  }
0x2a: {  	_ =	swait.ge [sflag:s29], $0x1  }
0x2b: {  	[sflag:s29] =	ssyncadd.s32 $0xFFFFFFFF  }
0x2c: {  	_ =	strace $0x90000075  }
0x2d: {  	_ =	sfence  }
0x2e: {  	s30 =	sld [smem:$0x0];
	_ =	sdelay $0x2  }
0x2f: {  	s31 =	sshll.u32 s3, $0xD;
	s3 =	sshrl.u32 s3, $0x2  }
0x30: {  	s2 =	sand.u32 $0x4000, s31;
	s1 =	sadd.s32 s3, s30  }
0x31: {  	s0 =	sor.u32 s2, s0;
	s1 =	sshll.u32 s1, $0x11  }
0x32: {  	s0 =	sor.u32 s1, s0  }
0x33: {  	s0 =	sadd.s32 $0x8F2B, s0  }
0x34: {  	[sflag:s0] =	ssyncadd.remote.s32 $0x1  }
0x35: {  	_ =	sfence.sel $0xFFFF  }
0x36: {  	[dreg:$0x0] =	wrdreg $0xFFFFFFFF;
	(pc) =	sbr.abs _section_cstart, $3  }
0x37: {  	[dreg:$0x1] =	wrdreg $0xFFFFFFFF  }
0x38: {  	_ =	task.clear_ibuf [dreg:s6], $0x2FFFF;
	_ =	strace $0x9FFFFFFF  }
0x39: {  	(tm) =	ssettm $0x7FFFFFFF  }
tec
execute0_lowered:
.L_overlay_start_1:
0x0: {  	(tag) =	ssettag $0x1  }
0x1: {  	s0 =	srdreg.scid  }
0x2: {  	s7 =	rddreg [dreg:$0x0];
	s1 =	stileid.u32;
	s5 =	simm.s32 $0x1  }
0x3: {  	s9 =	simm.s32 $0x2;
	s16 =	simm.s32 $0x0;
	s0 =	sshll.u32 s0, $0x4  }
0x4: {  	s14 =	simm.s32 $0x0;
	s15 =	simm.s32 $0x0;
	s2 =	sand.u32 $0x10, s0  }
0x5: {  	s11 =	simm.s32 $0x0;
	s3 =	sadd.s32 $0x21F7C00, s7;
	s2 =	sor.u32 s1, s2  }
0x6: {  	s12 =	simm.s32 $0x0;
	s4 =	sadd.s32 $0x2812400, s7;
	s2 =	sshll.u32 s2, $0x9  }
0x7: {  	s13 =	simm.s32 $0x0;
	s7 =	sadd.s32 $0x407C400, s7;
	s6 =	ssub.s32 $0x186A00, s2  }
.Ltmp0:
0x8: {  	s0 =	rddreg [dreg:$0x1];
	s8 =	sand.u32 $0x3E00, s6;
	(pc) =	sbr.rel .LBB1_1-.Ltmp0, $4  }
0x9: {  	_ =	strace $0x80000074;
	p0 =	sne.s32 s8, $0x0;
	s8 =	simm.s32 $0x1  }
0xa: {  	[sflag:s5] =	ssyncpa.u1 $0x0;
	s6 =	sshrl.u32 s6, $0xE;
	s8 =	simm.s32 @!p0 $0x0  }
0xb: {  	[sflag:s9] =	ssyncpa.u1 $0x0;
	s9 =	simm.s32 $0x80;
	s6 =	sadd.s32 s8, s6  }
0xc: {  	s10 =	smov.u32 s2;
	p0 =	por $0x0, $0x0;
	s8 =	sadd.s32 $0x1, s6  }
.LBB1_7:
0xd: {  	s17 =	sadd.s32 $0x4000, s10  }
0xe: {  	s14 =	sadd.s32 $0x10, s11;
	s18 =	smov.u32 s11;
	p2 =	sgt.s32 s17, $0x1869FF  }
0xf: {  	s18 =	smov.u32 @p2 s14  }
0x10: {  	s20 =	smov.u32 s12;
	s14 =	sadd.s32 $0x2, s12;
	p3 =	sgt.s32 s18, $0xF  }
0x11: {  	s20 =	smov.u32 @p3 s14  }
0x12: {  	s17 =	smov.u32 @p2 s2;
	p2 =	sgt.s32 s20, $0x1  }
0x13: {  	p1 =	slt.u32 s13, $0x2;
	s20 =	simm.s32 @p2 $0x0;
	p2 =	sne.s32 s13, s8  }
.Ltmp1:
0x14: {  	s19 =	simm.s32 @!p1 $0x2;
	(pc) =	sbr.rel @!p2 .LBB1_8-.Ltmp1, $4  }
0x15: {  	s16 =	smov.u32 s10;
	s15 =	smov.u32 s12;
	_ =	swait.ge @!p1 [sflag:s19], $0x4000  }
0x16: {  	p0 =	por !p0, !p0;
	[sflag:s19] =	ssyncset.done @!p1 $0x0;
	s10 =	smov.u32 s17  }
0x17: {  	s18 =	simm.s32 @p3 $0x0;
	s14 =	smov.u32 s11;
	[sflag:s19] =	ssyncadd.s32 @!p1 $0xFFFFC000  }
0x18: {  	s11 =	smov.u32 s18;
	s13 =	sadd.s32 $0x1, s13;
	s12 =	smov.u32 s20  }
.LBB1_1:
0x19: {  	p1 =	sge.u32 s13, s6  }
0x1a: {  	s17 =	sshrl.u32 @!p1 s11, $0x3  }
0x1b: {  	s18 =	sshll.u32 @!p1 s10, $0x3;
	s17 =	smul.u32 @!p1 $0xC35000, s17  }
0x1c: {  	s19 =	sshll.u32 @!p1 s11, $0x7;
	s18 =	sand.u32 @!p1 $0xFFFFFC00, s18  }
0x1d: {  	s17 =	sadd.s32 @!p1 s17, s18;
	s18 =	sand.u32 @!p1 $0x380, s19  }
0x1e: {  	s17 =	sor.u32 @!p1 s18, s17  }
0x1f: {  	s18 =	sshrl.u32 @!p1 s17, $0x9  }
0x20: {  	s18 =	smulhi.u32 @!p1 $0xA7C5AD, s18;
	_ =	sdelay $0x1  }
0x21: {  	s31 =	sadd.s32 $0xFFFFFFFF, s13;
	s18 =	sshrl.u32 @!p1 s18, $0x3  }
0x22: {  	s20 =	sand.u32 @!p1 $0x7F, s10;
	s19 =	sxor.u32 @!p1 $0xFFFFFFFF, s13;
	s21 =	smul.u32 @!p1 $0x186A00, s18  }
0x23: {  	s17 =	sor.u32 @!p1 s20, s17;
	s20 =	smul.u32 @!p1 $0x30D400, s12;
	s18 =	sand.u32 @!p1 $0xF, s18  }
0x24: {  	s19 =	sshll.u32 @!p1 s19, $0xE;
	s18 =	smul.u32 @!p1 $0x30D40, s18;
	s17 =	ssub.s32 @!p1 s17, s21  }
0x25: {  	s19 =	sand.u32 @!p1 $0x4000, s19;
	s20 =	sadd.s32 @!p1 s3, s20;
	s21 =	sand.u32 @!p1 $0x7, s17  }
0x26: {  	s17 =	sshrl.u32 @!p1 s17, $0x3;
	s18 =	sadd.s32 @!p1 s18, s20;
	s20 =	sshll.u32 @!p1 s21, $0x12  }
0x27: {  	s17 =	sadd.s32 @!p1 s17, s18;
	s18 =	sor.u32 @!p1 $0x1000, s20;
	s20 =	simm.s32 @!p1 $0xC35000  }
0x28: {  	[tilespmem:s19], [sflag:$0x1] =	stream.strided.gather @!p1 [hbm4b:s17+s18], $0x4000, s20, s18, $0x38;
	[tilespmem:$0x10800] =	vst v63  }
0x29: {  	p1 =	sge.u32 s31, s6  }
.Ltmp2:
0x2a: {  	_ = 	snop;
	(pc) =	sbr.rel @p1 .LBB1_7-.Ltmp2, $1  }
0x2b: {  	_ =	sdelay $0x3  }
0x2c: {  	s17 =	simm.s32 $0x1;
	s19 =	sand.u32 $0x1, s13  }
0x2d: {  	s17 =	simm.s32 @!p0 $0x0;
	s31 =	smul.u32 $0x11000, s19  }
0x2e: {  	_ =	swait.ge [sflag:s5], $0x4000;
	s21 =	simm.s32 $0x0;
	s18 =	smul.u32 $0x11000, s17  }
0x2f: {  	p2 =	por $0x1, $0x1;
	s22 =	simm.s32 $0x0;
	[sflag:s5] =	ssyncset.done $0x0  }
0x30: {  	s19 =	sshll.u32 s19, $0xE;
	s17 =	sshrl.u32 s31, $0x2;
	s20 =	sshrl.u32 s18, $0x2  }
0x31: {  	[sflag:s5] =	ssyncadd.s32 $0xFFFFC000;
	s18 =	sor.u32 $0x8000, s17;
	s20 =	sor.u32 $0x8000, s20  }
.LBB1_3:
0x32: {  	s23 =	sshll.u32 s22, $0xD  }
0x33: {  	s25 =	sand.u32 $0x1000, s21;
	s26 =	sand.u32 $0x380, s21;
	v1 =	vmov s23  }
0x34: {  	s24 =	sadd.s32 s23, s19;
	s23 =	sor.u32 s26, s25  }
0x35: {  	v0 =	vmov s24;
	s24 =	sand.u32 $0x1200, s23  }
0x36: {  	s25 =	sand.u32 $0x180, s21;
	s24 =	sadd.s32 s24, s19  }
0x37: {  	s25 =	sadd.s32 s25, s24  }
0x38: {  	v5 =	vld.idx.msk [tilespmem:v1+s25+$0xC00 ss:$0x1], $0xffff  }
0x39: {  	v6 =	vld.idx.msk [tilespmem:v1+s25+$0x0 ss:$0x1], $0xffff  }
0x3a: {  	v7 =	vld.idx.msk [tilespmem:v1+s25+$0x10 ss:$0x1], $0xffff  }
0x3b: {  	v8 =	vld.idx.msk [tilespmem:v1+s25+$0x20 ss:$0x1], $0xffff  }
0x3c: {  	s31 =	smul.u32 $0x8800, s22;
	v9 =	vld.idx.msk [tilespmem:v1+s25+$0x30 ss:$0x1], $0xffff  }
0x3d: {  	v10 =	vld.idx.msk [tilespmem:v1+s25+$0x40 ss:$0x1], $0xffff  }
0x3e: {  	s22 =	sshra.s32 s31, $0x2;
	v11 =	vld.idx.msk [tilespmem:v1+s25+$0x50 ss:$0x1], $0xffff  }
0x3f: {  	s22 =	sadd.s32 s22, s20;
	v2 =	vld.idx.msk [tilespmem:v0+s23+$0x410 ss:$0x1], $0xffff  }
0x40: {  	s24 =	sadd.s32 $0x0, s22;
	v3 =	vld.idx.msk [tilespmem:v0+s23+$0x420 ss:$0x1], $0xffff  }
0x41: {  	v4 =	vld.idx.msk [tilespmem:v0+s23+$0x430 ss:$0x1], $0xffff;
	[tilespmem:s24+$0x1980 ss:$0x11] =	vst.msk $0xffff, v5  }
0x42: {  	v12 =	vld.idx.msk [tilespmem:v0+s23+$0x810 ss:$0x1], $0xffff;
	[tilespmem:s24+$0x0 ss:$0x11] =	vst.msk $0xffff, v6  }
0x43: {  	v13 =	vld.idx.msk [tilespmem:v0+s23+$0x820 ss:$0x1], $0xffff;
	[tilespmem:s24+$0x110 ss:$0x11] =	vst.msk $0xffff, v7  }
0x44: {  	v14 =	vld.idx.msk [tilespmem:v0+s23+$0x830 ss:$0x1], $0xffff;
	[tilespmem:s24+$0x220 ss:$0x11] =	vst.msk $0xffff, v8  }
0x45: {  	v15 =	vld.idx.msk [tilespmem:v0+s23+$0x840 ss:$0x1], $0xffff;
	[tilespmem:s24+$0x330 ss:$0x11] =	vst.msk $0xffff, v9  }
0x46: {  	v5 =	vld.idx.msk [tilespmem:v1+s25+$0x60 ss:$0x1], $0xffff;
	[tilespmem:s24+$0x440 ss:$0x11] =	vst.msk $0xffff, v10  }
0x47: {  	v6 =	vld.idx.msk [tilespmem:v1+s25+$0x70 ss:$0x1], $0xffff;
	[tilespmem:s24+$0x550 ss:$0x11] =	vst.msk $0xffff, v11  }
0x48: {  	v7 =	vld.idx.msk [tilespmem:v1+s25+$0x400 ss:$0x1], $0xffff;
	[tilespmem:s24+$0x990 ss:$0x11] =	vst.msk $0xffff, v2  }
0x49: {  	v8 =	vld.idx.msk [tilespmem:v1+s25+$0x800 ss:$0x1], $0xffff;
	[tilespmem:s24+$0xAA0 ss:$0x11] =	vst.msk $0xffff, v3  }
0x4a: {  	v10 =	vld.idx.msk [tilespmem:v0+s23+$0x440 ss:$0x1], $0xffff;
	[tilespmem:s24+$0xBB0 ss:$0x11] =	vst.msk $0xffff, v4  }
0x4b: {  	v11 =	vld.idx.msk [tilespmem:v0+s23+$0x450 ss:$0x1], $0xffff;
	[tilespmem:s24+$0x1210 ss:$0x11] =	vst.msk $0xffff, v12  }
0x4c: {  	v9 =	vld.idx.msk [tilespmem:v0+s23+$0x850 ss:$0x1], $0xffff;
	[tilespmem:s24+$0x1320 ss:$0x11] =	vst.msk $0xffff, v13  }
0x4d: {  	v2 =	vld.idx.msk [tilespmem:v0+s23+$0xC20 ss:$0x1], $0xffff;
	[tilespmem:s24+$0x1430 ss:$0x11] =	vst.msk $0xffff, v14  }
0x4e: {  	v3 =	vld.idx.msk [tilespmem:v0+s23+$0xC30 ss:$0x1], $0xffff;
	[tilespmem:s24+$0x1540 ss:$0x11] =	vst.msk $0xffff, v15  }
0x4f: {  	v4 =	vld.idx.msk [tilespmem:v0+s23+$0xC40 ss:$0x1], $0xffff;
	[tilespmem:s24+$0x660 ss:$0x11] =	vst.msk $0xffff, v5  }
0x50: {  	v5 =	vld.idx.msk [tilespmem:v0+s23+$0x460 ss:$0x1], $0xffff;
	[tilespmem:s24+$0x770 ss:$0x11] =	vst.msk $0xffff, v6  }
0x51: {  	v6 =	vld.idx.msk [tilespmem:v0+s23+$0x470 ss:$0x1], $0xffff;
	[tilespmem:s24+$0x880 ss:$0x11] =	vst.msk $0xffff, v7  }
0x52: {  	[tilespmem:s24+$0x1100 ss:$0x11] =	vst.msk $0xffff, v8;
	v8 =	vld.idx.msk [tilespmem:v0+s23+$0x860 ss:$0x1], $0xffff  }
0x53: {  	[tilespmem:s24+$0xCC0 ss:$0x11] =	vst.msk $0xffff, v10;
	v7 =	vld.idx.msk [tilespmem:v0+s23+$0x870 ss:$0x1], $0xffff  }
0x54: {  	s27 =	simm.s32 $0x200;
	[tilespmem:s24+$0xDD0 ss:$0x11] =	vst.msk $0xffff, v11;
	v10 =	vld.idx.msk [tilespmem:v0+s23+$0xC60 ss:$0x1], $0xffff  }
0x55: {  	p1 =	por p2, p2;
	s28 =	simm.s32 $0x8;
	s26 =	simm.s32 $0x80;
	[tilespmem:s24+$0xEE0 ss:$0x11] =	vst.msk $0xffff, v5;
	v5 =	vld.idx.msk [tilespmem:v0+s23+$0xC10 ss:$0x1], $0xffff  }
0x56: {  	s29 =	sand.u32 $0x1000, s27;
	s30 =	sand.u32 $0x380, s26;
	s25 =	simm.s32 $0x4;
	[tilespmem:s24+$0xFF0 ss:$0x11] =	vst.msk $0xffff, v6;
	v6 =	vld.idx.msk [tilespmem:v0+s23+$0xC50 ss:$0x1], $0xffff  }
.LBB1_4:
0x57: {  	p2 =	sne.s32 s28, $0x3C;
	[tilespmem:s24+$0x1650 ss:$0x11] =	vst.msk $0xffff, v9;
	v9 =	vld.idx.msk [tilespmem:v0+s23+$0xC70 ss:$0x1], $0xffff;
	s23 =	sor.u32 s30, s29  }
0x58: {  	s29 =	sand.u32 $0x1200, s23;
	v11 =	vld.idx.msk [tilespmem:v0+s23+$0x410 ss:$0x1], $0xffff;
	[tilespmem:s24+$0x1760 ss:$0x11] =	vst.msk $0xffff, v8  }
0x59: {  	s30 =	sand.u32 $0x180, s26;
	s29 =	sadd.s32 s29, s19;
	v8 =	vld.idx.msk [tilespmem:v0+s23+$0x420 ss:$0x1], $0xffff;
	[tilespmem:s24+$0x1870 ss:$0x11] =	vst.msk $0xffff, v7  }
0x5a: {  	s29 =	sadd.s32 s30, s29;
	v7 =	vld.idx.msk [tilespmem:v0+s23+$0x430 ss:$0x1], $0xffff;
	[tilespmem:s24+$0x1A90 ss:$0x11] =	vst.msk $0xffff, v5  }
0x5b: {  	v5 =	vld.idx.msk [tilespmem:v1+s29+$0xC00 ss:$0x1], $0xffff;
	[tilespmem:s24+$0x1BA0 ss:$0x11] =	vst.msk $0xffff, v2  }
0x5c: {  	v2 =	vld.idx.msk [tilespmem:v1+s29+$0x0 ss:$0x1], $0xffff;
	[tilespmem:s24+$0x1CB0 ss:$0x11] =	vst.msk $0xffff, v3  }
0x5d: {  	v3 =	vld.idx.msk [tilespmem:v1+s29+$0x10 ss:$0x1], $0xffff;
	[tilespmem:s24+$0x1DC0 ss:$0x11] =	vst.msk $0xffff, v4  }
0x5e: {  	v4 =	vld.idx.msk [tilespmem:v1+s29+$0x20 ss:$0x1], $0xffff;
	[tilespmem:s24+$0x1ED0 ss:$0x11] =	vst.msk $0xffff, v6  }
0x5f: {  	s30 =	sshra.s32 s25, $0x2;
	s25 =	smov.u32 s28;
	v6 =	vld.idx.msk [tilespmem:v1+s29+$0x30 ss:$0x1], $0xffff;
	[tilespmem:s24+$0x1FE0 ss:$0x11] =	vst.msk $0xffff, v10  }
0x60: {  	v10 =	vld.idx.msk [tilespmem:v1+s29+$0x40 ss:$0x1], $0xffff;
	[tilespmem:s24+$0x20F0 ss:$0x11] =	vst.msk $0xffff, v9;
	s24 =	sadd.s32 s30, s22  }
0x61: {  	v9 =	vld.idx.msk [tilespmem:v1+s29+$0x50 ss:$0x1], $0xffff;
	[tilespmem:s24+$0x1980 ss:$0x11] =	vst.msk $0xffff, v5  }
0x62: {  	[tilespmem:s24+$0x0 ss:$0x11] =	vst.msk $0xffff, v2;
	v2 =	vld.idx.msk [tilespmem:v1+s29+$0x60 ss:$0x1], $0xffff  }
0x63: {  	[tilespmem:s24+$0x110 ss:$0x11] =	vst.msk $0xffff, v3;
	v3 =	vld.idx.msk [tilespmem:v1+s29+$0x70 ss:$0x1], $0xffff  }
0x64: {  	[tilespmem:s24+$0x220 ss:$0x11] =	vst.msk $0xffff, v4;
	v4 =	vld.idx.msk [tilespmem:v1+s29+$0x400 ss:$0x1], $0xffff  }
0x65: {  	[tilespmem:s24+$0x330 ss:$0x11] =	vst.msk $0xffff, v6;
	v5 =	vld.idx.msk [tilespmem:v1+s29+$0x800 ss:$0x1], $0xffff  }
0x66: {  	[tilespmem:s24+$0x440 ss:$0x11] =	vst.msk $0xffff, v10;
	v6 =	vld.idx.msk [tilespmem:v0+s23+$0x440 ss:$0x1], $0xffff  }
0x67: {  	[tilespmem:s24+$0x550 ss:$0x11] =	vst.msk $0xffff, v9;
	v10 =	vld.idx.msk [tilespmem:v0+s23+$0x450 ss:$0x1], $0xffff  }
0x68: {  	[tilespmem:s24+$0x660 ss:$0x11] =	vst.msk $0xffff, v2;
	v2 =	vld.idx.msk [tilespmem:v0+s23+$0x460 ss:$0x1], $0xffff  }
0x69: {  	[tilespmem:s24+$0x770 ss:$0x11] =	vst.msk $0xffff, v3;
	v3 =	vld.idx.msk [tilespmem:v0+s23+$0x470 ss:$0x1], $0xffff  }
0x6a: {  	[tilespmem:s24+$0x880 ss:$0x11] =	vst.msk $0xffff, v4;
	v4 =	vld.idx.msk [tilespmem:v0+s23+$0x810 ss:$0x1], $0xffff  }
0x6b: {  	[tilespmem:s24+$0x1100 ss:$0x11] =	vst.msk $0xffff, v5;
	v12 =	vld.idx.msk [tilespmem:v0+s23+$0x820 ss:$0x1], $0xffff  }
0x6c: {  	[tilespmem:s24+$0x990 ss:$0x11] =	vst.msk $0xffff, v11;
	v11 =	vld.idx.msk [tilespmem:v0+s23+$0x830 ss:$0x1], $0xffff  }
0x6d: {  	[tilespmem:s24+$0xAA0 ss:$0x11] =	vst.msk $0xffff, v8;
	v13 =	vld.idx.msk [tilespmem:v0+s23+$0x840 ss:$0x1], $0xffff  }
0x6e: {  	[tilespmem:s24+$0xBB0 ss:$0x11] =	vst.msk $0xffff, v7;
	v9 =	vld.idx.msk [tilespmem:v0+s23+$0x850 ss:$0x1], $0xffff  }
0x6f: {  	[tilespmem:s24+$0xCC0 ss:$0x11] =	vst.msk $0xffff, v6;
	v8 =	vld.idx.msk [tilespmem:v0+s23+$0x860 ss:$0x1], $0xffff  }
0x70: {  	[tilespmem:s24+$0xDD0 ss:$0x11] =	vst.msk $0xffff, v10;
	v7 =	vld.idx.msk [tilespmem:v0+s23+$0x870 ss:$0x1], $0xffff  }
0x71: {  	[tilespmem:s24+$0xEE0 ss:$0x11] =	vst.msk $0xffff, v2;
	v5 =	vld.idx.msk [tilespmem:v0+s23+$0xC10 ss:$0x1], $0xffff  }
.Ltmp3:
0x72: {  	[tilespmem:s24+$0xFF0 ss:$0x11] =	vst.msk $0xffff, v3;
	v2 =	vld.idx.msk [tilespmem:v0+s23+$0xC20 ss:$0x1], $0xffff;
	(pc) =	sbr.rel @p2 .LBB1_4-.Ltmp3, $4  }
0x73: {  	[tilespmem:s24+$0x1210 ss:$0x11] =	vst.msk $0xffff, v4;
	v3 =	vld.idx.msk [tilespmem:v0+s23+$0xC30 ss:$0x1], $0xffff  }
0x74: {  	[tilespmem:s24+$0x1320 ss:$0x11] =	vst.msk $0xffff, v12;
	v4 =	vld.idx.msk [tilespmem:v0+s23+$0xC40 ss:$0x1], $0xffff  }
0x75: {  	s26 =	sadd.s32 $0x80, s26;
	s27 =	sadd.s32 $0x200, s27;
	[tilespmem:s24+$0x1430 ss:$0x11] =	vst.msk $0xffff, v11;
	v6 =	vld.idx.msk [tilespmem:v0+s23+$0xC50 ss:$0x1], $0xffff  }
0x76: {  	s28 =	sadd.s32 $0x4, s28;
	s30 =	sand.u32 $0x380, s26;
	s29 =	sand.u32 $0x1000, s27;
	[tilespmem:s24+$0x1540 ss:$0x11] =	vst.msk $0xffff, v13;
	v10 =	vld.idx.msk [tilespmem:v0+s23+$0xC60 ss:$0x1], $0xffff  }
0x77: {  	[tilespmem:s24+$0x1650 ss:$0x11] =	vst.msk $0xffff, v9  }
0x78: {  	[tilespmem:s24+$0x1760 ss:$0x11] =	vst.msk $0xffff, v8  }
0x79: {  	[tilespmem:s24+$0x1870 ss:$0x11] =	vst.msk $0xffff, v7  }
0x7a: {  	[tilespmem:s24+$0x1A90 ss:$0x11] =	vst.msk $0xffff, v5  }
0x7b: {  	s27 =	sor.u32 s30, s29;
	v31 =	vld.idx.msk [tilespmem:v0+s23+$0xC70 ss:$0x1], $0xffff;
	[tilespmem:s24+$0x1BA0 ss:$0x11] =	vst.msk $0xffff, v2  }
0x7c: {  	[tilespmem:s24+$0x1CB0 ss:$0x11] =	vst.msk $0xffff, v3;
	v43 =	vld.idx.msk [tilespmem:v0+s27+$0x410 ss:$0x1], $0xffff  }
0x7d: {  	v44 =	vld.idx.msk [tilespmem:v0+s27+$0x420 ss:$0x1], $0xffff;
	[tilespmem:s24+$0x1DC0 ss:$0x11] =	vst.msk $0xffff, v4  }
0x7e: {  	v45 =	vld.idx.msk [tilespmem:v0+s27+$0x430 ss:$0x1], $0xffff;
	[tilespmem:s24+$0x1ED0 ss:$0x11] =	vst.msk $0xffff, v6  }
0x7f: {  	s25 =	sshra.s32 s25, $0x2;
	v46 =	vld.idx.msk [tilespmem:v0+s27+$0x440 ss:$0x1], $0xffff;
	[tilespmem:s24+$0x1FE0 ss:$0x11] =	vst.msk $0xffff, v10  }
0x80: {  	s22 =	sadd.s32 s25, s22;
	v47 =	vld.idx.msk [tilespmem:v0+s27+$0x450 ss:$0x1], $0xffff;
	[tilespmem:s24+$0x20F0 ss:$0x11] =	vst.msk $0xffff, v31  }
0x81: {  	v48 =	vld.idx.msk [tilespmem:v0+s27+$0x460 ss:$0x1], $0xffff;
	[tilespmem:s22+$0x990 ss:$0x11] =	vst.msk $0xffff, v43  }
0x82: {  	v49 =	vld.idx.msk [tilespmem:v0+s27+$0x470 ss:$0x1], $0xffff;
	[tilespmem:s22+$0xAA0 ss:$0x11] =	vst.msk $0xffff, v44  }
0x83: {  	v50 =	vld.idx.msk [tilespmem:v0+s27+$0x810 ss:$0x1], $0xffff;
	[tilespmem:s22+$0xBB0 ss:$0x11] =	vst.msk $0xffff, v45  }
0x84: {  	v51 =	vld.idx.msk [tilespmem:v0+s27+$0x820 ss:$0x1], $0xffff;
	[tilespmem:s22+$0xCC0 ss:$0x11] =	vst.msk $0xffff, v46  }
0x85: {  	v52 =	vld.idx.msk [tilespmem:v0+s27+$0x830 ss:$0x1], $0xffff;
	[tilespmem:s22+$0xDD0 ss:$0x11] =	vst.msk $0xffff, v47  }
0x86: {  	v53 =	vld.idx.msk [tilespmem:v0+s27+$0x840 ss:$0x1], $0xffff;
	[tilespmem:s22+$0xEE0 ss:$0x11] =	vst.msk $0xffff, v48  }
0x87: {  	v54 =	vld.idx.msk [tilespmem:v0+s27+$0x850 ss:$0x1], $0xffff;
	[tilespmem:s22+$0xFF0 ss:$0x11] =	vst.msk $0xffff, v49  }
0x88: {  	v55 =	vld.idx.msk [tilespmem:v0+s27+$0x860 ss:$0x1], $0xffff;
	[tilespmem:s22+$0x1210 ss:$0x11] =	vst.msk $0xffff, v50  }
0x89: {  	v56 =	vld.idx.msk [tilespmem:v0+s27+$0x870 ss:$0x1], $0xffff;
	[tilespmem:s22+$0x1320 ss:$0x11] =	vst.msk $0xffff, v51  }
0x8a: {  	v57 =	vld.idx.msk [tilespmem:v0+s27+$0xC10 ss:$0x1], $0xffff;
	[tilespmem:s22+$0x1430 ss:$0x11] =	vst.msk $0xffff, v52  }
0x8b: {  	v58 =	vld.idx.msk [tilespmem:v0+s27+$0xC20 ss:$0x1], $0xffff;
	[tilespmem:s22+$0x1540 ss:$0x11] =	vst.msk $0xffff, v53  }
0x8c: {  	v59 =	vld.idx.msk [tilespmem:v0+s27+$0xC30 ss:$0x1], $0xffff;
	[tilespmem:s22+$0x1650 ss:$0x11] =	vst.msk $0xffff, v54  }
0x8d: {  	v60 =	vld.idx.msk [tilespmem:v0+s27+$0xC40 ss:$0x1], $0xffff;
	[tilespmem:s22+$0x1760 ss:$0x11] =	vst.msk $0xffff, v55  }
0x8e: {  	s28 =	sand.u32 $0x1200, s27;
	v61 =	vld.idx.msk [tilespmem:v0+s27+$0xC50 ss:$0x1], $0xffff;
	[tilespmem:s22+$0x1870 ss:$0x11] =	vst.msk $0xffff, v56  }
0x8f: {  	s26 =	sand.u32 $0x180, s26;
	v62 =	vld.idx.msk [tilespmem:v0+s27+$0xC60 ss:$0x1], $0xffff;
	s28 =	sadd.s32 s28, s19;
	[tilespmem:s22+$0x1A90 ss:$0x11] =	vst.msk $0xffff, v57  }
0x90: {  	v63 =	vld.idx.msk [tilespmem:v0+s27+$0xC70 ss:$0x1], $0xffff;
	s31 =	sadd.s32 s26, s28;
	[tilespmem:s22+$0x1BA0 ss:$0x11] =	vst.msk $0xffff, v58  }
0x91: {  	v32 =	vld.idx.msk [tilespmem:v1+s31+$0xC00 ss:$0x1], $0xffff;
	[tilespmem:s22+$0x1CB0 ss:$0x11] =	vst.msk $0xffff, v59  }
0x92: {  	v33 =	vld.idx.msk [tilespmem:v1+s31+$0x0 ss:$0x1], $0xffff;
	[tilespmem:s22+$0x1DC0 ss:$0x11] =	vst.msk $0xffff, v60  }
0x93: {  	v34 =	vld.idx.msk [tilespmem:v1+s31+$0x10 ss:$0x1], $0xffff;
	[tilespmem:s22+$0x1ED0 ss:$0x11] =	vst.msk $0xffff, v61  }
0x94: {  	v35 =	vld.idx.msk [tilespmem:v1+s31+$0x20 ss:$0x1], $0xffff;
	[tilespmem:s22+$0x1FE0 ss:$0x11] =	vst.msk $0xffff, v62  }
0x95: {  	v36 =	vld.idx.msk [tilespmem:v1+s31+$0x30 ss:$0x1], $0xffff;
	[tilespmem:s22+$0x20F0 ss:$0x11] =	vst.msk $0xffff, v63  }
0x96: {  	v37 =	vld.idx.msk [tilespmem:v1+s31+$0x40 ss:$0x1], $0xffff;
	[tilespmem:s22+$0x1980 ss:$0x11] =	vst.msk $0xffff, v32  }
0x97: {  	v38 =	vld.idx.msk [tilespmem:v1+s31+$0x50 ss:$0x1], $0xffff;
	[tilespmem:s22+$0x0 ss:$0x11] =	vst.msk $0xffff, v33  }
0x98: {  	v39 =	vld.idx.msk [tilespmem:v1+s31+$0x60 ss:$0x1], $0xffff;
	[tilespmem:s22+$0x110 ss:$0x11] =	vst.msk $0xffff, v34  }
0x99: {  	v40 =	vld.idx.msk [tilespmem:v1+s31+$0x70 ss:$0x1], $0xffff;
	[tilespmem:s22+$0x220 ss:$0x11] =	vst.msk $0xffff, v35  }
0x9a: {  	v41 =	vld.idx.msk [tilespmem:v1+s31+$0x400 ss:$0x1], $0xffff;
	[tilespmem:s22+$0x330 ss:$0x11] =	vst.msk $0xffff, v36  }
0x9b: {  	v42 =	vld.idx.msk [tilespmem:v1+s31+$0x800 ss:$0x1], $0xffff;
	[tilespmem:s22+$0x440 ss:$0x11] =	vst.msk $0xffff, v37  }
.Ltmp4:
0x9c: {  	[tilespmem:s22+$0x550 ss:$0x11] =	vst.msk $0xffff, v38;
	(pc) =	sbr.rel @p1 .LBB1_3-.Ltmp4, $4  }
0x9d: {  	[tilespmem:s22+$0x660 ss:$0x11] =	vst.msk $0xffff, v39  }
0x9e: {  	[tilespmem:s22+$0x770 ss:$0x11] =	vst.msk $0xffff, v40  }
0x9f: {  	[tilespmem:s22+$0x880 ss:$0x11] =	vst.msk $0xffff, v41  }
0xa0: {  	p2 =	por $0x0, $0x0;
	[tilespmem:s22+$0x1100 ss:$0x11] =	vst.msk $0xffff, v42;
	s22 =	simm.s32 $0x1  }
0xa1: {  	s16 =	sshll.u32 s16, $0x7;
	s19 =	sshll.u32 s14, $0x3  }
0xa2: {  	s20 =	sand.u32 $0xFFFFFC00, s16;
	s19 =	sand.u32 $0xFFFFFC00, s19  }
0xa3: {  	s16 =	sand.u32 $0x380, s16;
	s19 =	sadd.s32 s19, s20  }
0xa4: {  	s16 =	sor.u32 s16, s19  }
0xa5: {  	s16 =	sshrl.u32 s16, $0x7  }
0xa6: {  	s28 =	smulhi.u32 $0x14F8B59, s16;
	_ =	sdelay $0x1  }
0xa7: {  	s19 =	sshrl.u32 s28, $0xD  }
0xa8: {  	s19 =	smul.u32 $0x186A00, s19;
	_ =	sdelay $0x1  }
0xa9: {  	s15 =	smul.u32 $0x186A000, s15;
	s16 =	ssub.s32 s16, s19  }
0xaa: {  	s29 =	sshrl.u32 s14, $0x3;
	s31 =	sand.u32 $0x7, s14;
	s16 =	sshll.u32 s16, $0x4  }
0xab: {  	s14 =	sshll.u32 s31, $0x12;
	s19 =	sand.u32 $0xF, s29;
	s30 =	sadd.s32 s15, s16  }
.Ltmp5:
0xac: {  	s15 =	sadd.s32 s15, s7;
	s20 =	sadd.s32 s4, s30;
	(pc) =	sbr.rel .LBB1_7-.Ltmp5, $4  }
0xad: {  	s14 =	sor.u32 $0x10, s14;
	s15 =	sadd.s32 s19, s15;
	s20 =	sadd.s32 s19, s20  }
0xae: {  	[hbm4b:s20+s14] =	stream.strided.scatter [tilespmem:s18], [sflag:$0x2], $0x2000, s9, s14, $0x8;
	[tilespmem:$0x10800] =	vst v63  }
0xaf: {  	s17 =	sadd.s32 $0xA200, s17;
	s15 =	sadd.s32 s16, s15  }
0xb0: {  	[hbm4b:s15+s14] =	stream.strided.scatter [tilespmem:s17], [sflag:$0x2], $0x2000, s9, s14, $0x8;
	[tilespmem:$0x10800] =	vst v63  }
.LBB1_8:
0xb1: {  	_ =	sfence.sel $0x180000  }
0xb2: {  	s2 =	simm.s32 $0x1;
	[bflag:$0x0] =	sbarrier.arrive $0xFFFF  }
0xb3: {  	s31 =	simm.s32 $0x2;
	[sflag:s2] =	ssyncpa.u1 $0x1  }
0xb4: {  	[sflag:s31] =	ssyncpa.u1 $0x1  }
0xb5: {  	p0 =	sne.s32 s1, $0x0;
	_ =	strace $0x90000074  }
0xb6: {  	s0 =	sadd.s32 @!p0 $0x100000, s0;
	[bflag:$0x2] =	sbarrier.arrive $0xFFFF  }
0xb7: {  	[sflag:s0] =	ssyncadd.tile.s32 @!p0 $0x1;
	_ =	shalt  }
.Lfunc_end1:
_tile_overlayer_lowered:
.L_overlay_start_2:
0xb8: {  	(tag) =	ssettag $0x2  }
0xb9: {  	s0 =	rddreg [dreg:$0x0];
	s2 =	stileid.u32  }
0xba: {  	s1 =	rddreg [dreg:$0x1];
	p0 =	sne.s32 s2, $0x0  }
0xbb: {  	s3 =	rddreg [dreg:$0x2];
	[bflag:$0x3] =	sbarrier.arrive $0xFFFF;
	s2 =	simm.s32 @!p0 $0x1C01  }
0xbc: {  	[timem:s3], [sflag:s2] =	dma.local @!p0 [hbm:s0], s1  }
0xbd: {  	s0 =	simm.s32 @!p0 $0x1  }
0xbe: {  	_ =	swait.ge @!p0 [sflag:s0], s1  }
0xbf: {  	s1 =	ssub.s32 @!p0 $0x0, s1;
	[sflag:s0] =	ssyncset.done @!p0 $0x0  }
0xc0: {  	[sflag:s0] =	ssyncadd.s32 @!p0 s1  }
0xc1: {  	[bflag:$0x3] =	sbarrier.arrive $0xFFFF  }
0xc2: {  	_ =	shalt  }

</sc_bundles>
